<compile_context>
chip_gen: v7x
topology: tpu7x:2x2x1
jax: 0.10.2.dev20260603
libtpu: 0.0.44.dev20260713+nightly
codegen_flags: <defaults>
</compile_context>

<pallas_src>
import functools

import jax
import jax.numpy as jnp
from jax import lax
from jax.experimental import pallas as pl
from jax.experimental.pallas import tpu as pltpu
from jax.experimental.pallas import tpu_sc as plsc

N = 10000
E = 320000
D = 128
H = 64
B = 64
NCLS = 10

BN = 2000
NB = N // BN


def _front_body(x1_ref, x2_ref, W_ref, aS_ref, aD_ref, h_ref, asrc_ref, adst_ref):
    for b, x_ref in ((0, x1_ref), (1, x2_ref)):
        x = x_ref[...]
        W = W_ref[b]
        h = jnp.dot(x, W, preferred_element_type=jnp.float32)
        h_ref[b] = h
        asrc_ref[b, 0, 0] = jnp.dot(h, aS_ref[b, 0], preferred_element_type=jnp.float32)
        adst_ref[b, 0, 0] = jnp.dot(h, aD_ref[b, 0], preferred_element_type=jnp.float32)


def _front(x1, x2, Ws, aSs, aDs):
    return pl.pallas_call(
        _front_body,
        grid=(NB,),
        in_specs=[
            pl.BlockSpec((BN, D), lambda i: (i, 0)),
            pl.BlockSpec((BN, D), lambda i: (i, 0)),
            pl.BlockSpec((2, D, H), lambda i: (0, 0, 0)),
            pl.BlockSpec((2, 1, H), lambda i: (0, 0, 0)),
            pl.BlockSpec((2, 1, H), lambda i: (0, 0, 0)),
        ],
        out_specs=[
            pl.BlockSpec((2, BN, H), lambda i: (0, i, 0)),
            pl.BlockSpec((2, 1, 1, BN), lambda i: (0, i, 0, 0)),
            pl.BlockSpec((2, 1, 1, BN), lambda i: (0, i, 0, 0)),
        ],
        out_shape=[
            jax.ShapeDtypeStruct((2, N, H), jnp.float32),
            jax.ShapeDtypeStruct((2, NB, 1, BN), jnp.float32),
            jax.ShapeDtypeStruct((2, NB, 1, BN), jnp.float32),
        ],
    )(x1, x2, Ws, aSs, aDs)


def _node_body(u_ref, dp_ref, b_ref, Wh_ref, bh_ref,
               fc1W_ref, fc1b_ref, fc2W_ref, fc2b_ref,
               out_ref, pooled_acc, cnt_acc):
    b = pl.program_id(0)
    nb = pl.program_id(1)
    u = u_ref[0]
    den = jnp.sum(dp_ref[0, 0], axis=0)
    v = u / (den + 1e-16)[:, None]
    v = jnp.where(v > 0, v, jnp.exp(jnp.minimum(v, 0.0)) - 1.0)
    bt = b_ref[0, 0, 0]
    iota = jax.lax.broadcasted_iota(jnp.int32, (BN, B), 1)
    mask = (bt[:, None] == iota).astype(jnp.float32)
    pooled = jax.lax.dot_general(mask, v, (((0,), (0,)), ((), ())),
                                 preferred_element_type=jnp.float32)
    cnt = jnp.sum(mask, axis=0)

    @pl.when(nb == 0)
    def _():
        pooled_acc[b] = pooled
        cnt_acc[b, 0] = cnt

    @pl.when(nb != 0)
    def _():
        pooled_acc[b] += pooled
        cnt_acc[b, 0] += cnt

    @pl.when((b == 1) & (nb == NB - 1))
    def _():
        logits = []
        for bb in (0, 1):
            pb = pooled_acc[bb] / jnp.maximum(cnt_acc[bb, 0], 1.0)[:, None]
            lg = jnp.dot(pb, Wh_ref[bb], preferred_element_type=jnp.float32)
            logits.append(lg + bh_ref[bb][None, :])
        fc1W = fc1W_ref[...]
        hidden = (jnp.dot(logits[0], fc1W[:NCLS], preferred_element_type=jnp.float32)
                  + jnp.dot(logits[1], fc1W[NCLS:], preferred_element_type=jnp.float32)
                  + fc1b_ref[...][None, :])
        hidden = jnp.maximum(hidden, 0.0)
        out_ref[...] = (jnp.dot(hidden, fc2W_ref[...], preferred_element_type=jnp.float32)
                        + fc2b_ref[...][None, :])


def _node(u, dparts, batch4d, Whs, bhs, fc1_W, fc1_b, fc2_W, fc2_b):
    return pl.pallas_call(
        _node_body,
        grid=(2, NB),
        in_specs=[
            pl.BlockSpec((1, BN, H), lambda b, i: (b, i, 0)),
            pl.BlockSpec((1, 1, 16, BN), lambda b, i: (b, i, 0, 0)),
            pl.BlockSpec((1, 1, 1, BN), lambda b, i: (b, i, 0, 0)),
            pl.BlockSpec((2, H, NCLS), lambda b, i: (0, 0, 0)),
            pl.BlockSpec((2, NCLS), lambda b, i: (0, 0)),
            pl.BlockSpec((2 * NCLS, 15), lambda b, i: (0, 0)),
            pl.BlockSpec((15,), lambda b, i: (0,)),
            pl.BlockSpec((15, NCLS), lambda b, i: (0, 0)),
            pl.BlockSpec((NCLS,), lambda b, i: (0,)),
        ],
        out_specs=pl.BlockSpec((B, NCLS), lambda b, i: (0, 0)),
        out_shape=jax.ShapeDtypeStruct((B, NCLS), jnp.float32),
        scratch_shapes=[
            pltpu.VMEM((2, B, H), jnp.float32),
            pltpu.VMEM((2, 1, B), jnp.float32),
        ],
    )(u, dparts, batch4d, Whs, bhs, fc1_W, fc1_b, fc2_W, fc2_b)


NT = 16
EC = E // NT
K = 80
NCH = EC // K
SCN = 5
SCH = NCH // SCN
RPT = N // NT
ZR = 25

_sc_mesh = plsc.VectorSubcoreMesh(core_axis_name="c", subcore_axis_name="s")


@functools.partial(
    pl.kernel,
    out_type=[
        jax.ShapeDtypeStruct((2, N, H), jnp.float32),
        jax.ShapeDtypeStruct((2, NT, 1, N), jnp.float32),
    ],
    mesh=_sc_mesh,
    compiler_params=pltpu.CompilerParams(use_tc_tiling_on_sc=False, needs_layout_passes=False),
    scratch_types=[
        pltpu.VMEM_SHARED((N, H), jnp.float32),
        pltpu.VMEM_SHARED((N, H), jnp.float32),
        pltpu.VMEM((N,), jnp.float32),
        pltpu.VMEM((N,), jnp.float32),
        pltpu.VMEM((N,), jnp.float32),
        pltpu.VMEM((SCH, K), jnp.int32),
        pltpu.VMEM((SCH, K), jnp.int32),
        pltpu.VMEM((K, H), jnp.float32),
        pltpu.VMEM((K, H), jnp.float32),
        pltpu.VMEM((K,), jnp.float32),
        pltpu.VMEM((ZR, H), jnp.float32),
        pltpu.SemaphoreType.DMA,
        pltpu.SemaphoreType.DMA,
        pltpu.SemaphoreType.DMA,
        pltpu.SemaphoreType.DMA,
    ],
)
def _edge_sc(h_hbm, asrc_hbm, adst_hbm, ei1_hbm, ei2_hbm,
             u_hbm, dp_hbm,
             h_sh, u_sh, asrc_t, adst_t, denom_loc, src_slab, dst_slab,
             rows0, rows1, eb, zbuf, gsem0, gsem1, ssem0, ssem1):
    c = lax.axis_index("c")
    s = lax.axis_index("s")

    zv = jnp.zeros((16,), jnp.float32)

    def _zb(r, carry):
        for q in range(H // 16):
            zbuf[r, pl.ds(q * 16, 16)] = zv
        return carry
    lax.fori_loop(0, ZR, _zb, 0)

    def _zd(i, carry):
        denom_loc[pl.ds(i * 16, 16)] = zv
        return carry
    lax.fori_loop(0, N // 16, _zd, 0)

    pltpu.sync_copy(asrc_hbm.at[c], asrc_t)
    pltpu.sync_copy(adst_hbm.at[c], adst_t)

    for kk in range(RPT // ZR):
        pltpu.sync_copy(zbuf, u_sh.at[pl.ds(s * RPT + kk * ZR, ZR)])
    pltpu.sync_copy(h_hbm.at[c, pl.ds(s * RPT, RPT)], h_sh.at[pl.ds(s * RPT, RPT)])
    plsc.subcore_barrier()

    def _e_chunk(g):
        for j in range(K // 16):
            sv = src_slab[g, pl.ds(j * 16, 16)]
            dv = dst_slab[g, pl.ds(j * 16, 16)]
            av = plsc.load_gather(asrc_t, [sv])
            bv = plsc.load_gather(adst_t, [dv])
            lg = av + bv
            lg = jnp.where(lg >= 0, lg, lg * 0.2)
            ev = jnp.exp(lg)
            eb[pl.ds(j * 16, 16)] = ev
            plsc.addupdate_scatter(denom_loc, [dv], ev)

    def _scale(rbuf):
        @plsc.parallel_loop(0, K // 16, unroll=2)
        def _body(rg):
            ev16 = eb[pl.ds(rg * 16, 16)]
            for jj in range(16):
                e_s = ev16[jj]
                r = rg * 16 + jj
                for q in range(H // 16):
                    rbuf[r, pl.ds(q * 16, 16)] = rbuf[r, pl.ds(q * 16, 16)] * e_s

    def _start_gather(g, rbuf, sem):
        pltpu.async_copy(h_sh.at[src_slab.at[g]], rbuf, sem)

    def _wait_gather(g, rbuf, sem):
        pltpu.make_async_copy(h_sh.at[src_slab.at[g]], rbuf, sem).wait()

    def _start_scatter(g, rbuf, sem):
        pltpu.async_copy(rbuf, u_sh.at[dst_slab.at[g]], sem, add=True)

    def _wait_scatter(g, rbuf, sem):
        pltpu.make_async_copy(rbuf, u_sh.at[dst_slab.at[g]], sem).wait()

    def _super(si, carry):
        @pl.when(c == 0)
        def _():
            pltpu.sync_copy(ei1_hbm.at[0, s, pl.ds(si * SCH, SCH)], src_slab)
            pltpu.sync_copy(ei1_hbm.at[1, s, pl.ds(si * SCH, SCH)], dst_slab)

        @pl.when(c == 1)
        def _():
            pltpu.sync_copy(ei2_hbm.at[0, s, pl.ds(si * SCH, SCH)], src_slab)
            pltpu.sync_copy(ei2_hbm.at[1, s, pl.ds(si * SCH, SCH)], dst_slab)
        _start_gather(0, rows0, gsem0)

        def _pair(m, cc):
            g0 = 2 * m
            g1 = g0 + 1
            _e_chunk(g0)
            _wait_gather(g0, rows0, gsem0)

            @pl.when(m > 0)
            def _():
                _wait_scatter(g1, rows1, ssem1)
            _start_gather(g1, rows1, gsem1)
            _scale(rows0)
            _start_scatter(g0, rows0, ssem0)
            _e_chunk(g1)
            _wait_gather(g1, rows1, gsem1)
            _wait_scatter(g0, rows0, ssem0)

            @pl.when(m < SCH // 2 - 1)
            def _():
                _start_gather(g0 + 2, rows0, gsem0)
            _scale(rows1)
            _start_scatter(g1, rows1, ssem1)
            return cc
        lax.fori_loop(0, SCH // 2, _pair, 0)
        _wait_scatter(SCH - 1, rows1, ssem1)
        return carry
    lax.fori_loop(0, SCN, _super, 0)

    plsc.subcore_barrier()

    pltpu.sync_copy(u_sh.at[pl.ds(s * RPT, RPT)], u_hbm.at[c, pl.ds(s * RPT, RPT)])
    pltpu.sync_copy(denom_loc, dp_hbm.at[c, s, 0])


def kernel(x1, edge_index1, batch1, x2, edge_index2, batch2,
           W1, as1, ad1, Wh1, bh1,
           W2, as2, ad2, Wh2, bh2,
           fc1_W, fc1_b, fc2_W, fc2_b):
    Ws = jnp.stack([W1, W2])
    aSs = jnp.stack([as1, as2])[:, None, :]
    aDs = jnp.stack([ad1, ad2])[:, None, :]
    ei1 = edge_index1.reshape(2, NT, NCH, K)
    ei2 = edge_index2.reshape(2, NT, NCH, K)
    batch4d = jnp.stack([batch1, batch2]).reshape(2, NB, 1, BN)

    h, asrc4, adst4 = _front(x1, x2, Ws, aSs, aDs)
    asrc = asrc4.reshape(2, N)
    adst = adst4.reshape(2, N)

    u, dparts = _edge_sc(h, asrc, adst, ei1, ei2)
    dparts = jnp.moveaxis(dparts.reshape(2, NT, NB, BN), 1, 2)

    Whs = jnp.stack([Wh1, Wh2])
    bhs = jnp.stack([bh1, bh2])
    return _node(u, dparts, batch4d, Whs, bhs, fc1_W, fc1_b, fc2_W, fc2_b)

# --- scband reference (transcript-rebuilt; emitter-appended) ---
"""Pipeline reference for scband-ensemble-model-54211077210119 (READ-ONLY COPY).

The authoritative reference and input builder live on the scoring server;
editing this copy changes nothing except your own understanding.
"""

import jax, jax.numpy as jnp
import numpy as np

N = 10000
E = 320000
D = 128
H = 64
B = 64
NCLS = 10


def setup_inputs(seed: int = 0) -> dict:
    key = jax.random.key(seed)
    ks = jax.random.split(key, 24)
    x1 = jax.random.normal(ks[0], (N, D), dtype=jnp.float32)
    x2 = jax.random.normal(ks[1], (N, D), dtype=jnp.float32)
    edge_index1 = jax.random.randint(ks[2], (2, E), 0, N, dtype=jnp.int32)
    edge_index2 = jax.random.randint(ks[3], (2, E), 0, N, dtype=jnp.int32)
    batch1 = jnp.sort(jax.random.randint(ks[4], (N,), 0, B, dtype=jnp.int32))
    batch2 = jnp.sort(jax.random.randint(ks[5], (N,), 0, B, dtype=jnp.int32))
    s = 0.05
    params = {
        'W1': jax.random.normal(ks[6], (D, H), jnp.float32) * s,
        'as1': jax.random.normal(ks[7], (H,), jnp.float32) * s,
        'ad1': jax.random.normal(ks[8], (H,), jnp.float32) * s,
        'Wh1': jax.random.normal(ks[9], (H, NCLS), jnp.float32) * s,
        'bh1': jnp.zeros((NCLS,), jnp.float32),
        'W2': jax.random.normal(ks[10], (D, H), jnp.float32) * s,
        'as2': jax.random.normal(ks[11], (H,), jnp.float32) * s,
        'ad2': jax.random.normal(ks[12], (H,), jnp.float32) * s,
        'Wh2': jax.random.normal(ks[13], (H, NCLS), jnp.float32) * s,
        'bh2': jnp.zeros((NCLS,), jnp.float32),
        'fc1_W': jax.random.normal(ks[14], (2 * NCLS, 15), jnp.float32) * s,
        'fc1_b': jnp.zeros((15,), jnp.float32),
        'fc2_W': jax.random.normal(ks[15], (15, NCLS), jnp.float32) * s,
        'fc2_b': jnp.zeros((NCLS,), jnp.float32),
    }
    inp = {'x1': x1, 'edge_index1': edge_index1, 'batch1': batch1,
           'x2': x2, 'edge_index2': edge_index2, 'batch2': batch2}
    inp.update(params)
    return inp


def _gat_branch(x, edge_index, batch, W, a_s, a_d, Wh, bh):
    src = edge_index[0]
    dst = edge_index[1]
    h = x @ W
    alpha_src = h @ a_s
    alpha_dst = h @ a_d
    logits = jax.nn.leaky_relu(alpha_src[src] + alpha_dst[dst], 0.2)
    m = jax.ops.segment_max(logits, dst, num_segments=N)
    m = jnp.where(jnp.isfinite(m), m, 0.0)
    e = jnp.exp(logits - m[dst])
    denom = jax.ops.segment_sum(e, dst, num_segments=N)
    attn = e / (denom[dst] + 1e-16)
    out = jax.ops.segment_sum(attn[:, None] * h[src], dst, num_segments=N)
    out = jax.nn.elu(out)
    pooled = jax.ops.segment_sum(out, batch, num_segments=B)
    cnt = jax.ops.segment_sum(jnp.ones((N,), out.dtype), batch, num_segments=B)
    pooled = pooled / jnp.maximum(cnt, 1.0)[:, None]
    return pooled @ Wh + bh


def reference(x1, edge_index1, batch1, x2, edge_index2, batch2,
              W1, as1, ad1, Wh1, bh1,
              W2, as2, ad2, Wh2, bh2,
              fc1_W, fc1_b, fc2_W, fc2_b):
    out1 = _gat_branch(x1, edge_index1, batch1, W1, as1, ad1, Wh1, bh1)
    out2 = _gat_branch(x2, edge_index2, batch2, W2, as2, ad2, Wh2, bh2)
    out = jnp.concatenate([out1, out2], axis=1)
    out = jax.nn.relu(out @ fc1_W + fc1_b)
    out = out @ fc2_W + fc2_b
    return out

if __name__ == "__main__":
    import jax
    _d = setup_inputs()
    print(jax.jit(kernel)(*tuple(_d.values())))

</pallas_src>

<mosaic_0001>
#map = affine_map<(d0, d1) -> (0, 0, 0)>
#map1 = affine_map<(d0, d1) -> (0, 0)>
#map2 = affine_map<(d0, d1) -> (0, 0, 0, 0)>
module attributes {stable_mosaic.version = 14 : i64} {
  func.func @_edge_sc(%arg0: i32, %arg1: i32, %arg2: memref<2x10000x64xf32, #tpu.memory_space<hbm>>, %arg3: memref<2x10000xf32, #tpu.memory_space<hbm>>, %arg4: memref<2x10000xf32, #tpu.memory_space<hbm>>, %arg5: memref<2x16x250x80xi32, #tpu.memory_space<hbm>>, %arg6: memref<2x16x250x80xi32, #tpu.memory_space<hbm>>, %arg7: memref<2x10000x64xf32, #tpu.memory_space<hbm>>, %arg8: memref<2x16x1x10000xf32, #tpu.memory_space<hbm>>, %arg9: memref<10000x64xf32, #tpu.memory_space<vmem_shared>>, %arg10: memref<10000x64xf32, #tpu.memory_space<vmem_shared>>, %arg11: memref<10000xf32, #tpu.memory_space<vmem>>, %arg12: memref<10000xf32, #tpu.memory_space<vmem>>, %arg13: memref<10000xf32, #tpu.memory_space<vmem>>, %arg14: memref<50x80xi32, #tpu.memory_space<vmem>>, %arg15: memref<50x80xi32, #tpu.memory_space<vmem>>, %arg16: memref<80x64xf32, #tpu.memory_space<vmem>>, %arg17: memref<80x64xf32, #tpu.memory_space<vmem>>, %arg18: memref<80xf32, #tpu.memory_space<vmem>>, %arg19: memref<25x64xf32, #tpu.memory_space<vmem>>, %arg20: memref<!tpu.dma_semaphore, #tpu.memory_space<semaphore_mem>>, %arg21: memref<!tpu.dma_semaphore, #tpu.memory_space<semaphore_mem>>, %arg22: memref<!tpu.dma_semaphore, #tpu.memory_space<semaphore_mem>>, %arg23: memref<!tpu.dma_semaphore, #tpu.memory_space<semaphore_mem>>) attributes {dimension_semantics = [#tpu.dimension_semantics<core_parallel>, #tpu.dimension_semantics<subcore_parallel>], iteration_bounds = array<i64: 2, 16>, scalar_prefetch = 0 : i64, scratch_operands = 15 : i64, tpu.core_type = #tpu.core_type<sc_vector_subcore>, window_params = [{transform_indices = #map}, {transform_indices = #map1}, {transform_indices = #map1}, {transform_indices = #map2}, {transform_indices = #map2}, {transform_indices = #map}, {transform_indices = #map2}]} {
    %broadcast_in_dim3A = arith.constant 0.000000e+00 : f32
    %broadcast_in_dim3A_0 = vector.broadcast %broadcast_in_dim3A : f32 to vector<16xf32>
    %scan3A = arith.constant 0 : i32
    %scan3A_1 = arith.constant 0 : i32
    %scan3A_2 = arith.constant 25 : i32
    %scan3A_3 = arith.addi %scan3A_1, %scan3A_2 : i32
    %scan3A_4 = arith.constant 1 : i32
    scf.for %scan3A_125 = %scan3A_1 to %scan3A_3 step %scan3A_4  : i32 {
      %swap3A = arith.index_cast %scan3A_125 : i32 to index
      %swap3A_126 = arith.constant 0 : index
      %swap3A_127 = tpu.vector_load %arg19[%swap3A, %swap3A_126] {strides = array<i32>} : memref<25x64xf32, #tpu.memory_space<vmem>>, vector<16xf32>,
      tpu.vector_store %arg19[%swap3A, %swap3A_126], %broadcast_in_dim3A_0 {strides = array<i32>} : memref<25x64xf32, #tpu.memory_space<vmem>>, vector<16xf32>,
      %swap3A_128 = arith.index_cast %scan3A_125 : i32 to index
      %swap3A_129 = arith.constant 16 : index
      %swap3A_130 = tpu.vector_load %arg19[%swap3A_128, %swap3A_129] {strides = array<i32>} : memref<25x64xf32, #tpu.memory_space<vmem>>, vector<16xf32>,
      tpu.vector_store %arg19[%swap3A_128, %swap3A_129], %broadcast_in_dim3A_0 {strides = array<i32>} : memref<25x64xf32, #tpu.memory_space<vmem>>, vector<16xf32>,
      %swap3A_131 = arith.index_cast %scan3A_125 : i32 to index
      %swap3A_132 = arith.constant 32 : index
      %swap3A_133 = tpu.vector_load %arg19[%swap3A_131, %swap3A_132] {strides = array<i32>} : memref<25x64xf32, #tpu.memory_space<vmem>>, vector<16xf32>,
      tpu.vector_store %arg19[%swap3A_131, %swap3A_132], %broadcast_in_dim3A_0 {strides = array<i32>} : memref<25x64xf32, #tpu.memory_space<vmem>>, vector<16xf32>,
      %swap3A_134 = arith.index_cast %scan3A_125 : i32 to index
      %swap3A_135 = arith.constant 48 : index
      %swap3A_136 = tpu.vector_load %arg19[%swap3A_134, %swap3A_135] {strides = array<i32>} : memref<25x64xf32, #tpu.memory_space<vmem>>, vector<16xf32>,
      tpu.vector_store %arg19[%swap3A_134, %swap3A_135], %broadcast_in_dim3A_0 {strides = array<i32>} : memref<25x64xf32, #tpu.memory_space<vmem>>, vector<16xf32>,
    }
    %scan3A_5 = arith.constant 25 : i32
    %scan3A_6 = arith.constant 0 : i32
    %scan3A_7 = arith.constant 0 : i32
    %scan3A_8 = arith.constant 625 : i32
    %scan3A_9 = arith.addi %scan3A_7, %scan3A_8 : i32
    %scan3A_10 = arith.constant 1 : i32
    scf.for %scan3A_125 = %scan3A_7 to %scan3A_9 step %scan3A_10  : i32 {
      %mul3A_126 = arith.constant 16 : i32
      %mul3A_127 = arith.muli %scan3A_125, %mul3A_126 : i32
      %swap3A = arith.index_cast %mul3A_127 : i32 to index
      %swap3A_128 = tpu.vector_load %arg13[%swap3A] {strides = array<i32>} : memref<10000xf32, #tpu.memory_space<vmem>>, vector<16xf32>,
      tpu.vector_store %arg13[%swap3A], %broadcast_in_dim3A_0 {strides = array<i32>} : memref<10000xf32, #tpu.memory_space<vmem>>, vector<16xf32>,
    }
    %scan3A_11 = arith.constant 625 : i32
    "tpu.region"() ({
      %run_scoped3A_125 = tpu.sem_alloc : memref<!tpu.dma_semaphore, #tpu.memory_space<semaphore_mem>>
      %dma_start3A = arith.constant 0 : i32
      %dma_start3A_126 = tpu.memref_slice %arg3[%arg0, %dma_start3A] : memref<2x10000xf32, #tpu.memory_space<hbm>> -> memref<1x10000xf32, #tpu.memory_space<hbm>>
      %dma_start3A_127 = tpu.memref_squeeze %dma_start3A_126 : memref<1x10000xf32, #tpu.memory_space<hbm>> -> memref<10000xf32, #tpu.memory_space<hbm>>
      %dma_start3A_128 = arith.constant 0 : i32
      %dma_start3A_129 = tpu.memref_slice %arg3[%arg0, %dma_start3A_128] : memref<2x10000xf32, #tpu.memory_space<hbm>> -> memref<1x10000xf32, #tpu.memory_space<hbm>>
      %dma_start3A_130 = tpu.memref_squeeze %dma_start3A_129 : memref<1x10000xf32, #tpu.memory_space<hbm>> -> memref<10000xf32, #tpu.memory_space<hbm>>
      tpu.enqueue_dma source(%dma_start3A_130 : memref<10000xf32, #tpu.memory_space<hbm>>) target(%arg11 : memref<10000xf32, #tpu.memory_space<vmem>>) target_semaphore(%run_scoped3A_125 : memref<!tpu.dma_semaphore, #tpu.memory_space<semaphore_mem>>)
      %dma_wait3A = arith.constant 0 : i32
      %dma_wait3A_131 = tpu.memref_slice %arg3[%arg0, %dma_wait3A] : memref<2x10000xf32, #tpu.memory_space<hbm>> -> memref<1x10000xf32, #tpu.memory_space<hbm>>
      %dma_wait3A_132 = tpu.memref_squeeze %dma_wait3A_131 : memref<1x10000xf32, #tpu.memory_space<hbm>> -> memref<10000xf32, #tpu.memory_space<hbm>>
      %dma_wait3A_133 = arith.constant 0 : i32
      %dma_wait3A_134 = tpu.memref_slice %arg3[%arg0, %dma_wait3A_133] : memref<2x10000xf32, #tpu.memory_space<hbm>> -> memref<1x10000xf32, #tpu.memory_space<hbm>>
      %dma_wait3A_135 = tpu.memref_squeeze %dma_wait3A_134 : memref<1x10000xf32, #tpu.memory_space<hbm>> -> memref<10000xf32, #tpu.memory_space<hbm>>
      tpu.wait_dma2 semaphore(%run_scoped3A_125 : memref<!tpu.dma_semaphore, #tpu.memory_space<semaphore_mem>>) src(%dma_wait3A_135 : memref<10000xf32, #tpu.memory_space<hbm>>) dst(%arg11 : memref<10000xf32, #tpu.memory_space<vmem>>)
      tpu.yield
    }) : () -> ()
    "tpu.region"() ({
      %run_scoped3A_125 = tpu.sem_alloc : memref<!tpu.dma_semaphore, #tpu.memory_space<semaphore_mem>>
      %dma_start3A = arith.constant 0 : i32
      %dma_start3A_126 = tpu.memref_slice %arg4[%arg0, %dma_start3A] : memref<2x10000xf32, #tpu.memory_space<hbm>> -> memref<1x10000xf32, #tpu.memory_space<hbm>>
      %dma_start3A_127 = tpu.memref_squeeze %dma_start3A_126 : memref<1x10000xf32, #tpu.memory_space<hbm>> -> memref<10000xf32, #tpu.memory_space<hbm>>
      %dma_start3A_128 = arith.constant 0 : i32
      %dma_start3A_129 = tpu.memref_slice %arg4[%arg0, %dma_start3A_128] : memref<2x10000xf32, #tpu.memory_space<hbm>> -> memref<1x10000xf32, #tpu.memory_space<hbm>>
      %dma_start3A_130 = tpu.memref_squeeze %dma_start3A_129 : memref<1x10000xf32, #tpu.memory_space<hbm>> -> memref<10000xf32, #tpu.memory_space<hbm>>
      tpu.enqueue_dma source(%dma_start3A_130 : memref<10000xf32, #tpu.memory_space<hbm>>) target(%arg12 : memref<10000xf32, #tpu.memory_space<vmem>>) target_semaphore(%run_scoped3A_125 : memref<!tpu.dma_semaphore, #tpu.memory_space<semaphore_mem>>)
      %dma_wait3A = arith.constant 0 : i32
      %dma_wait3A_131 = tpu.memref_slice %arg4[%arg0, %dma_wait3A] : memref<2x10000xf32, #tpu.memory_space<hbm>> -> memref<1x10000xf32, #tpu.memory_space<hbm>>
      %dma_wait3A_132 = tpu.memref_squeeze %dma_wait3A_131 : memref<1x10000xf32, #tpu.memory_space<hbm>> -> memref<10000xf32, #tpu.memory_space<hbm>>
      %dma_wait3A_133 = arith.constant 0 : i32
      %dma_wait3A_134 = tpu.memref_slice %arg4[%arg0, %dma_wait3A_133] : memref<2x10000xf32, #tpu.memory_space<hbm>> -> memref<1x10000xf32, #tpu.memory_space<hbm>>
      %dma_wait3A_135 = tpu.memref_squeeze %dma_wait3A_134 : memref<1x10000xf32, #tpu.memory_space<hbm>> -> memref<10000xf32, #tpu.memory_space<hbm>>
      tpu.wait_dma2 semaphore(%run_scoped3A_125 : memref<!tpu.dma_semaphore, #tpu.memory_space<semaphore_mem>>) src(%dma_wait3A_135 : memref<10000xf32, #tpu.memory_space<hbm>>) dst(%arg12 : memref<10000xf32, #tpu.memory_space<vmem>>)
      tpu.yield
    }) : () -> ()
    %mul3A = arith.constant 625 : i32
    %mul3A_12 = arith.muli %arg1, %mul3A : i32
    %add3A = arith.constant 0 : i32
    %add3A_13 = arith.addi %mul3A_12, %add3A : i32
    "tpu.region"() ({
      %run_scoped3A_125 = tpu.sem_alloc : memref<!tpu.dma_semaphore, #tpu.memory_space<semaphore_mem>>
      %dma_start3A = arith.constant 0 : i32
      %dma_start3A_126 = tpu.memref_slice %arg10[%add3A_13, %dma_start3A] : memref<10000x64xf32, #tpu.memory_space<vmem_shared>> -> memref<25x64xf32, #tpu.memory_space<vmem_shared>>
      %dma_start3A_127 = arith.constant 0 : i32
      %dma_start3A_128 = tpu.memref_slice %arg10[%add3A_13, %dma_start3A_127] : memref<10000x64xf32, #tpu.memory_space<vmem_shared>> -> memref<25x64xf32, #tpu.memory_space<vmem_shared>>
      tpu.enqueue_dma source(%arg19 : memref<25x64xf32, #tpu.memory_space<vmem>>) target(%dma_start3A_128 : memref<25x64xf32, #tpu.memory_space<vmem_shared>>) target_semaphore(%run_scoped3A_125 : memref<!tpu.dma_semaphore, #tpu.memory_space<semaphore_mem>>)
      %dma_wait3A = arith.constant 0 : i32
      %dma_wait3A_129 = tpu.memref_slice %arg10[%add3A_13, %dma_wait3A] : memref<10000x64xf32, #tpu.memory_space<vmem_shared>> -> memref<25x64xf32, #tpu.memory_space<vmem_shared>>
      %dma_wait3A_130 = arith.constant 0 : i32
      %dma_wait3A_131 = tpu.memref_slice %arg10[%add3A_13, %dma_wait3A_130] : memref<10000x64xf32, #tpu.memory_space<vmem_shared>> -> memref<25x64xf32, #tpu.memory_space<vmem_shared>>
      tpu.wait_dma2 semaphore(%run_scoped3A_125 : memref<!tpu.dma_semaphore, #tpu.memory_space<semaphore_mem>>) src(%arg19 : memref<25x64xf32, #tpu.memory_space<vmem>>) dst(%dma_wait3A_131 : memref<25x64xf32, #tpu.memory_space<vmem_shared>>)
      tpu.yield
    }) : () -> ()
    %mul3A_14 = arith.constant 625 : i32
    %mul3A_15 = arith.muli %arg1, %mul3A_14 : i32
    %add3A_16 = arith.constant 25 : i32
    %add3A_17 = arith.addi %mul3A_15, %add3A_16 : i32
    "tpu.region"() ({
      %run_scoped3A_125 = tpu.sem_alloc : memref<!tpu.dma_semaphore, #tpu.memory_space<semaphore_mem>>
      %dma_start3A = arith.constant 0 : i32
      %dma_start3A_126 = tpu.memref_slice %arg10[%add3A_17, %dma_start3A] : memref<10000x64xf32, #tpu.memory_space<vmem_shared>> -> memref<25x64xf32, #tpu.memory_space<vmem_shared>>
      %dma_start3A_127 = arith.constant 0 : i32
      %dma_start3A_128 = tpu.memref_slice %arg10[%add3A_17, %dma_start3A_127] : memref<10000x64xf32, #tpu.memory_space<vmem_shared>> -> memref<25x64xf32, #tpu.memory_space<vmem_shared>>
      tpu.enqueue_dma source(%arg19 : memref<25x64xf32, #tpu.memory_space<vmem>>) target(%dma_start3A_128 : memref<25x64xf32, #tpu.memory_space<vmem_shared>>) target_semaphore(%run_scoped3A_125 : memref<!tpu.dma_semaphore, #tpu.memory_space<semaphore_mem>>)
      %dma_wait3A = arith.constant 0 : i32
      %dma_wait3A_129 = tpu.memref_slice %arg10[%add3A_17, %dma_wait3A] : memref<10000x64xf32, #tpu.memory_space<vmem_shared>> -> memref<25x64xf32, #tpu.memory_space<vmem_shared>>
      %dma_wait3A_130 = arith.constant 0 : i32
      %dma_wait3A_131 = tpu.memref_slice %arg10[%add3A_17, %dma_wait3A_130] : memref<10000x64xf32, #tpu.memory_space<vmem_shared>> -> memref<25x64xf32, #tpu.memory_space<vmem_shared>>
      tpu.wait_dma2 semaphore(%run_scoped3A_125 : memref<!tpu.dma_semaphore, #tpu.memory_space<semaphore_mem>>) src(%arg19 : memref<25x64xf32, #tpu.memory_space<vmem>>) dst(%dma_wait3A_131 : memref<25x64xf32, #tpu.memory_space<vmem_shared>>)
      tpu.yield
    }) : () -> ()
    %mul3A_18 = arith.constant 625 : i32
    %mul3A_19 = arith.muli %arg1, %mul3A_18 : i32
    %add3A_20 = arith.constant 50 : i32
    %add3A_21 = arith.addi %mul3A_19, %add3A_20 : i32
    "tpu.region"() ({
      %run_scoped3A_125 = tpu.sem_alloc : memref<!tpu.dma_semaphore, #tpu.memory_space<semaphore_mem>>
      %dma_start3A = arith.constant 0 : i32
      %dma_start3A_126 = tpu.memref_slice %arg10[%add3A_21, %dma_start3A] : memref<10000x64xf32, #tpu.memory_space<vmem_shared>> -> memref<25x64xf32, #tpu.memory_space<vmem_shared>>
      %dma_start3A_127 = arith.constant 0 : i32
      %dma_start3A_128 = tpu.memref_slice %arg10[%add3A_21, %dma_start3A_127] : memref<10000x64xf32, #tpu.memory_space<vmem_shared>> -> memref<25x64xf32, #tpu.memory_space<vmem_shared>>
      tpu.enqueue_dma source(%arg19 : memref<25x64xf32, #tpu.memory_space<vmem>>) target(%dma_start3A_128 : memref<25x64xf32, #tpu.memory_space<vmem_shared>>) target_semaphore(%run_scoped3A_125 : memref<!tpu.dma_semaphore, #tpu.memory_space<semaphore_mem>>)
      %dma_wait3A = arith.constant 0 : i32
      %dma_wait3A_129 = tpu.memref_slice %arg10[%add3A_21, %dma_wait3A] : memref<10000x64xf32, #tpu.memory_space<vmem_shared>> -> memref<25x64xf32, #tpu.memory_space<vmem_shared>>
      %dma_wait3A_130 = arith.constant 0 : i32
      %dma_wait3A_131 = tpu.memref_slice %arg10[%add3A_21, %dma_wait3A_130] : memref<10000x64xf32, #tpu.memory_space<vmem_shared>> -> memref<25x64xf32, #tpu.memory_space<vmem_shared>>
      tpu.wait_dma2 semaphore(%run_scoped3A_125 : memref<!tpu.dma_semaphore, #tpu.memory_space<semaphore_mem>>) src(%arg19 : memref<25x64xf32, #tpu.memory_space<vmem>>) dst(%dma_wait3A_131 : memref<25x64xf32, #tpu.memory_space<vmem_shared>>)
      tpu.yield
    }) : () -> ()
    %mul3A_22 = arith.constant 625 : i32
    %mul3A_23 = arith.muli %arg1, %mul3A_22 : i32
    %add3A_24 = arith.constant 75 : i32
    %add3A_25 = arith.addi %mul3A_23, %add3A_24 : i32
    "tpu.region"() ({
      %run_scoped3A_125 = tpu.sem_alloc : memref<!tpu.dma_semaphore, #tpu.memory_space<semaphore_mem>>
      %dma_start3A = arith.constant 0 : i32
      %dma_start3A_126 = tpu.memref_slice %arg10[%add3A_25, %dma_start3A] : memref<10000x64xf32, #tpu.memory_space<vmem_shared>> -> memref<25x64xf32, #tpu.memory_space<vmem_shared>>
      %dma_start3A_127 = arith.constant 0 : i32
      %dma_start3A_128 = tpu.memref_slice %arg10[%add3A_25, %dma_start3A_127] : memref<10000x64xf32, #tpu.memory_space<vmem_shared>> -> memref<25x64xf32, #tpu.memory_space<vmem_shared>>
      tpu.enqueue_dma source(%arg19 : memref<25x64xf32, #tpu.memory_space<vmem>>) target(%dma_start3A_128 : memref<25x64xf32, #tpu.memory_space<vmem_shared>>) target_semaphore(%run_scoped3A_125 : memref<!tpu.dma_semaphore, #tpu.memory_space<semaphore_mem>>)
      %dma_wait3A = arith.constant 0 : i32
      %dma_wait3A_129 = tpu.memref_slice %arg10[%add3A_25, %dma_wait3A] : memref<10000x64xf32, #tpu.memory_space<vmem_shared>> -> memref<25x64xf32, #tpu.memory_space<vmem_shared>>
      %dma_wait3A_130 = arith.constant 0 : i32
      %dma_wait3A_131 = tpu.memref_slice %arg10[%add3A_25, %dma_wait3A_130] : memref<10000x64xf32, #tpu.memory_space<vmem_shared>> -> memref<25x64xf32, #tpu.memory_space<vmem_shared>>
      tpu.wait_dma2 semaphore(%run_scoped3A_125 : memref<!tpu.dma_semaphore, #tpu.memory_space<semaphore_mem>>) src(%arg19 : memref<25x64xf32, #tpu.memory_space<vmem>>) dst(%dma_wait3A_131 : memref<25x64xf32, #tpu.memory_space<vmem_shared>>)
      tpu.yield
    }) : () -> ()
    %mul3A_26 = arith.constant 625 : i32
    %mul3A_27 = arith.muli %arg1, %mul3A_26 : i32
    %add3A_28 = arith.constant 100 : i32
    %add3A_29 = arith.addi %mul3A_27, %add3A_28 : i32
    "tpu.region"() ({
      %run_scoped3A_125 = tpu.sem_alloc : memref<!tpu.dma_semaphore, #tpu.memory_space<semaphore_mem>>
      %dma_start3A = arith.constant 0 : i32
      %dma_start3A_126 = tpu.memref_slice %arg10[%add3A_29, %dma_start3A] : memref<10000x64xf32, #tpu.memory_space<vmem_shared>> -> memref<25x64xf32, #tpu.memory_space<vmem_shared>>
      %dma_start3A_127 = arith.constant 0 : i32
      %dma_start3A_128 = tpu.memref_slice %arg10[%add3A_29, %dma_start3A_127] : memref<10000x64xf32, #tpu.memory_space<vmem_shared>> -> memref<25x64xf32, #tpu.memory_space<vmem_shared>>
      tpu.enqueue_dma source(%arg19 : memref<25x64xf32, #tpu.memory_space<vmem>>) target(%dma_start3A_128 : memref<25x64xf32, #tpu.memory_space<vmem_shared>>) target_semaphore(%run_scoped3A_125 : memref<!tpu.dma_semaphore, #tpu.memory_space<semaphore_mem>>)
      %dma_wait3A = arith.constant 0 : i32
      %dma_wait3A_129 = tpu.memref_slice %arg10[%add3A_29, %dma_wait3A] : memref<10000x64xf32, #tpu.memory_space<vmem_shared>> -> memref<25x64xf32, #tpu.memory_space<vmem_shared>>
      %dma_wait3A_130 = arith.constant 0 : i32
      %dma_wait3A_131 = tpu.memref_slice %arg10[%add3A_29, %dma_wait3A_130] : memref<10000x64xf32, #tpu.memory_space<vmem_shared>> -> memref<25x64xf32, #tpu.memory_space<vmem_shared>>
      tpu.wait_dma2 semaphore(%run_scoped3A_125 : memref<!tpu.dma_semaphore, #tpu.memory_space<semaphore_mem>>) src(%arg19 : memref<25x64xf32, #tpu.memory_space<vmem>>) dst(%dma_wait3A_131 : memref<25x64xf32, #tpu.memory_space<vmem_shared>>)
      tpu.yield
    }) : () -> ()
    %mul3A_30 = arith.constant 625 : i32
    %mul3A_31 = arith.muli %arg1, %mul3A_30 : i32
    %add3A_32 = arith.constant 125 : i32
    %add3A_33 = arith.addi %mul3A_31, %add3A_32 : i32
    "tpu.region"() ({
      %run_scoped3A_125 = tpu.sem_alloc : memref<!tpu.dma_semaphore, #tpu.memory_space<semaphore_mem>>
      %dma_start3A = arith.constant 0 : i32
      %dma_start3A_126 = tpu.memref_slice %arg10[%add3A_33, %dma_start3A] : memref<10000x64xf32, #tpu.memory_space<vmem_shared>> -> memref<25x64xf32, #tpu.memory_space<vmem_shared>>
      %dma_start3A_127 = arith.constant 0 : i32
      %dma_start3A_128 = tpu.memref_slice %arg10[%add3A_33, %dma_start3A_127] : memref<10000x64xf32, #tpu.memory_space<vmem_shared>> -> memref<25x64xf32, #tpu.memory_space<vmem_shared>>
      tpu.enqueue_dma source(%arg19 : memref<25x64xf32, #tpu.memory_space<vmem>>) target(%dma_start3A_128 : memref<25x64xf32, #tpu.memory_space<vmem_shared>>) target_semaphore(%run_scoped3A_125 : memref<!tpu.dma_semaphore, #tpu.memory_space<semaphore_mem>>)
      %dma_wait3A = arith.constant 0 : i32
      %dma_wait3A_129 = tpu.memref_slice %arg10[%add3A_33, %dma_wait3A] : memref<10000x64xf32, #tpu.memory_space<vmem_shared>> -> memref<25x64xf32, #tpu.memory_space<vmem_shared>>
      %dma_wait3A_130 = arith.constant 0 : i32
      %dma_wait3A_131 = tpu.memref_slice %arg10[%add3A_33, %dma_wait3A_130] : memref<10000x64xf32, #tpu.memory_space<vmem_shared>> -> memref<25x64xf32, #tpu.memory_space<vmem_shared>>
      tpu.wait_dma2 semaphore(%run_scoped3A_125 : memref<!tpu.dma_semaphore, #tpu.memory_space<semaphore_mem>>) src(%arg19 : memref<25x64xf32, #tpu.memory_space<vmem>>) dst(%dma_wait3A_131 : memref<25x64xf32, #tpu.memory_space<vmem_shared>>)
      tpu.yield
    }) : () -> ()
    %mul3A_34 = arith.constant 625 : i32
    %mul3A_35 = arith.muli %arg1, %mul3A_34 : i32
    %add3A_36 = arith.constant 150 : i32
    %add3A_37 = arith.addi %mul3A_35, %add3A_36 : i32
    "tpu.region"() ({
      %run_scoped3A_125 = tpu.sem_alloc : memref<!tpu.dma_semaphore, #tpu.memory_space<semaphore_mem>>
      %dma_start3A = arith.constant 0 : i32
      %dma_start3A_126 = tpu.memref_slice %arg10[%add3A_37, %dma_start3A] : memref<10000x64xf32, #tpu.memory_space<vmem_shared>> -> memref<25x64xf32, #tpu.memory_space<vmem_shared>>
      %dma_start3A_127 = arith.constant 0 : i32
      %dma_start3A_128 = tpu.memref_slice %arg10[%add3A_37, %dma_start3A_127] : memref<10000x64xf32, #tpu.memory_space<vmem_shared>> -> memref<25x64xf32, #tpu.memory_space<vmem_shared>>
      tpu.enqueue_dma source(%arg19 : memref<25x64xf32, #tpu.memory_space<vmem>>) target(%dma_start3A_128 : memref<25x64xf32, #tpu.memory_space<vmem_shared>>) target_semaphore(%run_scoped3A_125 : memref<!tpu.dma_semaphore, #tpu.memory_space<semaphore_mem>>)
      %dma_wait3A = arith.constant 0 : i32
      %dma_wait3A_129 = tpu.memref_slice %arg10[%add3A_37, %dma_wait3A] : memref<10000x64xf32, #tpu.memory_space<vmem_shared>> -> memref<25x64xf32, #tpu.memory_space<vmem_shared>>
      %dma_wait3A_130 = arith.constant 0 : i32
      %dma_wait3A_131 = tpu.memref_slice %arg10[%add3A_37, %dma_wait3A_130] : memref<10000x64xf32, #tpu.memory_space<vmem_shared>> -> memref<25x64xf32, #tpu.memory_space<vmem_shared>>
      tpu.wait_dma2 semaphore(%run_scoped3A_125 : memref<!tpu.dma_semaphore, #tpu.memory_space<semaphore_mem>>) src(%arg19 : memref<25x64xf32, #tpu.memory_space<vmem>>) dst(%dma_wait3A_131 : memref<25x64xf32, #tpu.memory_space<vmem_shared>>)
      tpu.yield
    }) : () -> ()
    %mul3A_38 = arith.constant 625 : i32
    %mul3A_39 = arith.muli %arg1, %mul3A_38 : i32
    %add3A_40 = arith.constant 175 : i32
    %add3A_41 = arith.addi %mul3A_39, %add3A_40 : i32
    "tpu.region"() ({
      %run_scoped3A_125 = tpu.sem_alloc : memref<!tpu.dma_semaphore, #tpu.memory_space<semaphore_mem>>
      %dma_start3A = arith.constant 0 : i32
      %dma_start3A_126 = tpu.memref_slice %arg10[%add3A_41, %dma_start3A] : memref<10000x64xf32, #tpu.memory_space<vmem_shared>> -> memref<25x64xf32, #tpu.memory_space<vmem_shared>>
      %dma_start3A_127 = arith.constant 0 : i32
      %dma_start3A_128 = tpu.memref_slice %arg10[%add3A_41, %dma_start3A_127] : memref<10000x64xf32, #tpu.memory_space<vmem_shared>> -> memref<25x64xf32, #tpu.memory_space<vmem_shared>>
      tpu.enqueue_dma source(%arg19 : memref<25x64xf32, #tpu.memory_space<vmem>>) target(%dma_start3A_128 : memref<25x64xf32, #tpu.memory_space<vmem_shared>>) target_semaphore(%run_scoped3A_125 : memref<!tpu.dma_semaphore, #tpu.memory_space<semaphore_mem>>)
      %dma_wait3A = arith.constant 0 : i32
      %dma_wait3A_129 = tpu.memref_slice %arg10[%add3A_41, %dma_wait3A] : memref<10000x64xf32, #tpu.memory_space<vmem_shared>> -> memref<25x64xf32, #tpu.memory_space<vmem_shared>>
      %dma_wait3A_130 = arith.constant 0 : i32
      %dma_wait3A_131 = tpu.memref_slice %arg10[%add3A_41, %dma_wait3A_130] : memref<10000x64xf32, #tpu.memory_space<vmem_shared>> -> memref<25x64xf32, #tpu.memory_space<vmem_shared>>
      tpu.wait_dma2 semaphore(%run_scoped3A_125 : memref<!tpu.dma_semaphore, #tpu.memory_space<semaphore_mem>>) src(%arg19 : memref<25x64xf32, #tpu.memory_space<vmem>>) dst(%dma_wait3A_131 : memref<25x64xf32, #tpu.memory_space<vmem_shared>>)
      tpu.yield
    }) : () -> ()
    %mul3A_42 = arith.constant 625 : i32
    %mul3A_43 = arith.muli %arg1, %mul3A_42 : i32
    %add3A_44 = arith.constant 200 : i32
    %add3A_45 = arith.addi %mul3A_43, %add3A_44 : i32
    "tpu.region"() ({
      %run_scoped3A_125 = tpu.sem_alloc : memref<!tpu.dma_semaphore, #tpu.memory_space<semaphore_mem>>
      %dma_start3A = arith.constant 0 : i32
      %dma_start3A_126 = tpu.memref_slice %arg10[%add3A_45, %dma_start3A] : memref<10000x64xf32, #tpu.memory_space<vmem_shared>> -> memref<25x64xf32, #tpu.memory_space<vmem_shared>>
      %dma_start3A_127 = arith.constant 0 : i32
      %dma_start3A_128 = tpu.memref_slice %arg10[%add3A_45, %dma_start3A_127] : memref<10000x64xf32, #tpu.memory_space<vmem_shared>> -> memref<25x64xf32, #tpu.memory_space<vmem_shared>>
      tpu.enqueue_dma source(%arg19 : memref<25x64xf32, #tpu.memory_space<vmem>>) target(%dma_start3A_128 : memref<25x64xf32, #tpu.memory_space<vmem_shared>>) target_semaphore(%run_scoped3A_125 : memref<!tpu.dma_semaphore, #tpu.memory_space<semaphore_mem>>)
      %dma_wait3A = arith.constant 0 : i32
      %dma_wait3A_129 = tpu.memref_slice %arg10[%add3A_45, %dma_wait3A] : memref<10000x64xf32, #tpu.memory_space<vmem_shared>> -> memref<25x64xf32, #tpu.memory_space<vmem_shared>>
      %dma_wait3A_130 = arith.constant 0 : i32
      %dma_wait3A_131 = tpu.memref_slice %arg10[%add3A_45, %dma_wait3A_130] : memref<10000x64xf32, #tpu.memory_space<vmem_shared>> -> memref<25x64xf32, #tpu.memory_space<vmem_shared>>
      tpu.wait_dma2 semaphore(%run_scoped3A_125 : memref<!tpu.dma_semaphore, #tpu.memory_space<semaphore_mem>>) src(%arg19 : memref<25x64xf32, #tpu.memory_space<vmem>>) dst(%dma_wait3A_131 : memref<25x64xf32, #tpu.memory_space<vmem_shared>>)
      tpu.yield
    }) : () -> ()
    %mul3A_46 = arith.constant 625 : i32
    %mul3A_47 = arith.muli %arg1, %mul3A_46 : i32
    %add3A_48 = arith.constant 225 : i32
    %add3A_49 = arith.addi %mul3A_47, %add3A_48 : i32
    "tpu.region"() ({
      %run_scoped3A_125 = tpu.sem_alloc : memref<!tpu.dma_semaphore, #tpu.memory_space<semaphore_mem>>
      %dma_start3A = arith.constant 0 : i32
      %dma_start3A_126 = tpu.memref_slice %arg10[%add3A_49, %dma_start3A] : memref<10000x64xf32, #tpu.memory_space<vmem_shared>> -> memref<25x64xf32, #tpu.memory_space<vmem_shared>>
      %dma_start3A_127 = arith.constant 0 : i32
      %dma_start3A_128 = tpu.memref_slice %arg10[%add3A_49, %dma_start3A_127] : memref<10000x64xf32, #tpu.memory_space<vmem_shared>> -> memref<25x64xf32, #tpu.memory_space<vmem_shared>>
      tpu.enqueue_dma source(%arg19 : memref<25x64xf32, #tpu.memory_space<vmem>>) target(%dma_start3A_128 : memref<25x64xf32, #tpu.memory_space<vmem_shared>>) target_semaphore(%run_scoped3A_125 : memref<!tpu.dma_semaphore, #tpu.memory_space<semaphore_mem>>)
      %dma_wait3A = arith.constant 0 : i32
      %dma_wait3A_129 = tpu.memref_slice %arg10[%add3A_49, %dma_wait3A] : memref<10000x64xf32, #tpu.memory_space<vmem_shared>> -> memref<25x64xf32, #tpu.memory_space<vmem_shared>>
      %dma_wait3A_130 = arith.constant 0 : i32
      %dma_wait3A_131 = tpu.memref_slice %arg10[%add3A_49, %dma_wait3A_130] : memref<10000x64xf32, #tpu.memory_space<vmem_shared>> -> memref<25x64xf32, #tpu.memory_space<vmem_shared>>
      tpu.wait_dma2 semaphore(%run_scoped3A_125 : memref<!tpu.dma_semaphore, #tpu.memory_space<semaphore_mem>>) src(%arg19 : memref<25x64xf32, #tpu.memory_space<vmem>>) dst(%dma_wait3A_131 : memref<25x64xf32, #tpu.memory_space<vmem_shared>>)
      tpu.yield
    }) : () -> ()
    %mul3A_50 = arith.constant 625 : i32
    %mul3A_51 = arith.muli %arg1, %mul3A_50 : i32
    %add3A_52 = arith.constant 250 : i32
    %add3A_53 = arith.addi %mul3A_51, %add3A_52 : i32
    "tpu.region"() ({
      %run_scoped3A_125 = tpu.sem_alloc : memref<!tpu.dma_semaphore, #tpu.memory_space<semaphore_mem>>
      %dma_start3A = arith.constant 0 : i32
      %dma_start3A_126 = tpu.memref_slice %arg10[%add3A_53, %dma_start3A] : memref<10000x64xf32, #tpu.memory_space<vmem_shared>> -> memref<25x64xf32, #tpu.memory_space<vmem_shared>>
      %dma_start3A_127 = arith.constant 0 : i32
      %dma_start3A_128 = tpu.memref_slice %arg10[%add3A_53, %dma_start3A_127] : memref<10000x64xf32, #tpu.memory_space<vmem_shared>> -> memref<25x64xf32, #tpu.memory_space<vmem_shared>>
      tpu.enqueue_dma source(%arg19 : memref<25x64xf32, #tpu.memory_space<vmem>>) target(%dma_start3A_128 : memref<25x64xf32, #tpu.memory_space<vmem_shared>>) target_semaphore(%run_scoped3A_125 : memref<!tpu.dma_semaphore, #tpu.memory_space<semaphore_mem>>)
      %dma_wait3A = arith.constant 0 : i32
      %dma_wait3A_129 = tpu.memref_slice %arg10[%add3A_53, %dma_wait3A] : memref<10000x64xf32, #tpu.memory_space<vmem_shared>> -> memref<25x64xf32, #tpu.memory_space<vmem_shared>>
      %dma_wait3A_130 = arith.constant 0 : i32
      %dma_wait3A_131 = tpu.memref_slice %arg10[%add3A_53, %dma_wait3A_130] : memref<10000x64xf32, #tpu.memory_space<vmem_shared>> -> memref<25x64xf32, #tpu.memory_space<vmem_shared>>
      tpu.wait_dma2 semaphore(%run_scoped3A_125 : memref<!tpu.dma_semaphore, #tpu.memory_space<semaphore_mem>>) src(%arg19 : memref<25x64xf32, #tpu.memory_space<vmem>>) dst(%dma_wait3A_131 : memref<25x64xf32, #tpu.memory_space<vmem_shared>>)
      tpu.yield
    }) : () -> ()
    %mul3A_54 = arith.constant 625 : i32
    %mul3A_55 = arith.muli %arg1, %mul3A_54 : i32
    %add3A_56 = arith.constant 275 : i32
    %add3A_57 = arith.addi %mul3A_55, %add3A_56 : i32
    "tpu.region"() ({
      %run_scoped3A_125 = tpu.sem_alloc : memref<!tpu.dma_semaphore, #tpu.memory_space<semaphore_mem>>
      %dma_start3A = arith.constant 0 : i32
      %dma_start3A_126 = tpu.memref_slice %arg10[%add3A_57, %dma_start3A] : memref<10000x64xf32, #tpu.memory_space<vmem_shared>> -> memref<25x64xf32, #tpu.memory_space<vmem_shared>>
      %dma_start3A_127 = arith.constant 0 : i32
      %dma_start3A_128 = tpu.memref_slice %arg10[%add3A_57, %dma_start3A_127] : memref<10000x64xf32, #tpu.memory_space<vmem_shared>> -> memref<25x64xf32, #tpu.memory_space<vmem_shared>>
      tpu.enqueue_dma source(%arg19 : memref<25x64xf32, #tpu.memory_space<vmem>>) target(%dma_start3A_128 : memref<25x64xf32, #tpu.memory_space<vmem_shared>>) target_semaphore(%run_scoped3A_125 : memref<!tpu.dma_semaphore, #tpu.memory_space<semaphore_mem>>)
      %dma_wait3A = arith.constant 0 : i32
      %dma_wait3A_129 = tpu.memref_slice %arg10[%add3A_57, %dma_wait3A] : memref<10000x64xf32, #tpu.memory_space<vmem_shared>> -> memref<25x64xf32, #tpu.memory_space<vmem_shared>>
      %dma_wait3A_130 = arith.constant 0 : i32
      %dma_wait3A_131 = tpu.memref_slice %arg10[%add3A_57, %dma_wait3A_130] : memref<10000x64xf32, #tpu.memory_space<vmem_shared>> -> memref<25x64xf32, #tpu.memory_space<vmem_shared>>
      tpu.wait_dma2 semaphore(%run_scoped3A_125 : memref<!tpu.dma_semaphore, #tpu.memory_space<semaphore_mem>>) src(%arg19 : memref<25x64xf32, #tpu.memory_space<vmem>>) dst(%dma_wait3A_131 : memref<25x64xf32, #tpu.memory_space<vmem_shared>>)
      tpu.yield
    }) : () -> ()
    %mul3A_58 = arith.constant 625 : i32
    %mul3A_59 = arith.muli %arg1, %mul3A_58 : i32
    %add3A_60 = arith.constant 300 : i32
    %add3A_61 = arith.addi %mul3A_59, %add3A_60 : i32
    "tpu.region"() ({
      %run_scoped3A_125 = tpu.sem_alloc : memref<!tpu.dma_semaphore, #tpu.memory_space<semaphore_mem>>
      %dma_start3A = arith.constant 0 : i32
      %dma_start3A_126 = tpu.memref_slice %arg10[%add3A_61, %dma_start3A] : memref<10000x64xf32, #tpu.memory_space<vmem_shared>> -> memref<25x64xf32, #tpu.memory_space<vmem_shared>>
      %dma_start3A_127 = arith.constant 0 : i32
      %dma_start3A_128 = tpu.memref_slice %arg10[%add3A_61, %dma_start3A_127] : memref<10000x64xf32, #tpu.memory_space<vmem_shared>> -> memref<25x64xf32, #tpu.memory_space<vmem_shared>>
      tpu.enqueue_dma source(%arg19 : memref<25x64xf32, #tpu.memory_space<vmem>>) target(%dma_start3A_128 : memref<25x64xf32, #tpu.memory_space<vmem_shared>>) target_semaphore(%run_scoped3A_125 : memref<!tpu.dma_semaphore, #tpu.memory_space<semaphore_mem>>)
      %dma_wait3A = arith.constant 0 : i32
      %dma_wait3A_129 = tpu.memref_slice %arg10[%add3A_61, %dma_wait3A] : memref<10000x64xf32, #tpu.memory_space<vmem_shared>> -> memref<25x64xf32, #tpu.memory_space<vmem_shared>>
      %dma_wait3A_130 = arith.constant 0 : i32
      %dma_wait3A_131 = tpu.memref_slice %arg10[%add3A_61, %dma_wait3A_130] : memref<10000x64xf32, #tpu.memory_space<vmem_shared>> -> memref<25x64xf32, #tpu.memory_space<vmem_shared>>
      tpu.wait_dma2 semaphore(%run_scoped3A_125 : memref<!tpu.dma_semaphore, #tpu.memory_space<semaphore_mem>>) src(%arg19 : memref<25x64xf32, #tpu.memory_space<vmem>>) dst(%dma_wait3A_131 : memref<25x64xf32, #tpu.memory_space<vmem_shared>>)
      tpu.yield
    }) : () -> ()
    %mul3A_62 = arith.constant 625 : i32
    %mul3A_63 = arith.muli %arg1, %mul3A_62 : i32
    %add3A_64 = arith.constant 325 : i32
    %add3A_65 = arith.addi %mul3A_63, %add3A_64 : i32
    "tpu.region"() ({
      %run_scoped3A_125 = tpu.sem_alloc : memref<!tpu.dma_semaphore, #tpu.memory_space<semaphore_mem>>
      %dma_start3A = arith.constant 0 : i32
      %dma_start3A_126 = tpu.memref_slice %arg10[%add3A_65, %dma_start3A] : memref<10000x64xf32, #tpu.memory_space<vmem_shared>> -> memref<25x64xf32, #tpu.memory_space<vmem_shared>>
      %dma_start3A_127 = arith.constant 0 : i32
      %dma_start3A_128 = tpu.memref_slice %arg10[%add3A_65, %dma_start3A_127] : memref<10000x64xf32, #tpu.memory_space<vmem_shared>> -> memref<25x64xf32, #tpu.memory_space<vmem_shared>>
      tpu.enqueue_dma source(%arg19 : memref<25x64xf32, #tpu.memory_space<vmem>>) target(%dma_start3A_128 : memref<25x64xf32, #tpu.memory_space<vmem_shared>>) target_semaphore(%run_scoped3A_125 : memref<!tpu.dma_semaphore, #tpu.memory_space<semaphore_mem>>)
      %dma_wait3A = arith.constant 0 : i32
      %dma_wait3A_129 = tpu.memref_slice %arg10[%add3A_65, %dma_wait3A] : memref<10000x64xf32, #tpu.memory_space<vmem_shared>> -> memref<25x64xf32, #tpu.memory_space<vmem_shared>>
      %dma_wait3A_130 = arith.constant 0 : i32
      %dma_wait3A_131 = tpu.memref_slice %arg10[%add3A_65, %dma_wait3A_130] : memref<10000x64xf32, #tpu.memory_space<vmem_shared>> -> memref<25x64xf32, #tpu.memory_space<vmem_shared>>
      tpu.wait_dma2 semaphore(%run_scoped3A_125 : memref<!tpu.dma_semaphore, #tpu.memory_space<semaphore_mem>>) src(%arg19 : memref<25x64xf32, #tpu.memory_space<vmem>>) dst(%dma_wait3A_131 : memref<25x64xf32, #tpu.memory_space<vmem_shared>>)
      tpu.yield
    }) : () -> ()
    %mul3A_66 = arith.constant 625 : i32
    %mul3A_67 = arith.muli %arg1, %mul3A_66 : i32
    %add3A_68 = arith.constant 350 : i32
    %add3A_69 = arith.addi %mul3A_67, %add3A_68 : i32
    "tpu.region"() ({
      %run_scoped3A_125 = tpu.sem_alloc : memref<!tpu.dma_semaphore, #tpu.memory_space<semaphore_mem>>
      %dma_start3A = arith.constant 0 : i32
      %dma_start3A_126 = tpu.memref_slice %arg10[%add3A_69, %dma_start3A] : memref<10000x64xf32, #tpu.memory_space<vmem_shared>> -> memref<25x64xf32, #tpu.memory_space<vmem_shared>>
      %dma_start3A_127 = arith.constant 0 : i32
      %dma_start3A_128 = tpu.memref_slice %arg10[%add3A_69, %dma_start3A_127] : memref<10000x64xf32, #tpu.memory_space<vmem_shared>> -> memref<25x64xf32, #tpu.memory_space<vmem_shared>>
      tpu.enqueue_dma source(%arg19 : memref<25x64xf32, #tpu.memory_space<vmem>>) target(%dma_start3A_128 : memref<25x64xf32, #tpu.memory_space<vmem_shared>>) target_semaphore(%run_scoped3A_125 : memref<!tpu.dma_semaphore, #tpu.memory_space<semaphore_mem>>)
      %dma_wait3A = arith.constant 0 : i32
      %dma_wait3A_129 = tpu.memref_slice %arg10[%add3A_69, %dma_wait3A] : memref<10000x64xf32, #tpu.memory_space<vmem_shared>> -> memref<25x64xf32, #tpu.memory_space<vmem_shared>>
      %dma_wait3A_130 = arith.constant 0 : i32
      %dma_wait3A_131 = tpu.memref_slice %arg10[%add3A_69, %dma_wait3A_130] : memref<10000x64xf32, #tpu.memory_space<vmem_shared>> -> memref<25x64xf32, #tpu.memory_space<vmem_shared>>
      tpu.wait_dma2 semaphore(%run_scoped3A_125 : memref<!tpu.dma_semaphore, #tpu.memory_space<semaphore_mem>>) src(%arg19 : memref<25x64xf32, #tpu.memory_space<vmem>>) dst(%dma_wait3A_131 : memref<25x64xf32, #tpu.memory_space<vmem_shared>>)
      tpu.yield
    }) : () -> ()
    %mul3A_70 = arith.constant 625 : i32
    %mul3A_71 = arith.muli %arg1, %mul3A_70 : i32
    %add3A_72 = arith.constant 375 : i32
    %add3A_73 = arith.addi %mul3A_71, %add3A_72 : i32
    "tpu.region"() ({
      %run_scoped3A_125 = tpu.sem_alloc : memref<!tpu.dma_semaphore, #tpu.memory_space<semaphore_mem>>
      %dma_start3A = arith.constant 0 : i32
      %dma_start3A_126 = tpu.memref_slice %arg10[%add3A_73, %dma_start3A] : memref<10000x64xf32, #tpu.memory_space<vmem_shared>> -> memref<25x64xf32, #tpu.memory_space<vmem_shared>>
      %dma_start3A_127 = arith.constant 0 : i32
      %dma_start3A_128 = tpu.memref_slice %arg10[%add3A_73, %dma_start3A_127] : memref<10000x64xf32, #tpu.memory_space<vmem_shared>> -> memref<25x64xf32, #tpu.memory_space<vmem_shared>>
      tpu.enqueue_dma source(%arg19 : memref<25x64xf32, #tpu.memory_space<vmem>>) target(%dma_start3A_128 : memref<25x64xf32, #tpu.memory_space<vmem_shared>>) target_semaphore(%run_scoped3A_125 : memref<!tpu.dma_semaphore, #tpu.memory_space<semaphore_mem>>)
      %dma_wait3A = arith.constant 0 : i32
      %dma_wait3A_129 = tpu.memref_slice %arg10[%add3A_73, %dma_wait3A] : memref<10000x64xf32, #tpu.memory_space<vmem_shared>> -> memref<25x64xf32, #tpu.memory_space<vmem_shared>>
      %dma_wait3A_130 = arith.constant 0 : i32
      %dma_wait3A_131 = tpu.memref_slice %arg10[%add3A_73, %dma_wait3A_130] : memref<10000x64xf32, #tpu.memory_space<vmem_shared>> -> memref<25x64xf32, #tpu.memory_space<vmem_shared>>
      tpu.wait_dma2 semaphore(%run_scoped3A_125 : memref<!tpu.dma_semaphore, #tpu.memory_space<semaphore_mem>>) src(%arg19 : memref<25x64xf32, #tpu.memory_space<vmem>>) dst(%dma_wait3A_131 : memref<25x64xf32, #tpu.memory_space<vmem_shared>>)
      tpu.yield
    }) : () -> ()
    %mul3A_74 = arith.constant 625 : i32
    %mul3A_75 = arith.muli %arg1, %mul3A_74 : i32
    %add3A_76 = arith.constant 400 : i32
    %add3A_77 = arith.addi %mul3A_75, %add3A_76 : i32
    "tpu.region"() ({
      %run_scoped3A_125 = tpu.sem_alloc : memref<!tpu.dma_semaphore, #tpu.memory_space<semaphore_mem>>
      %dma_start3A = arith.constant 0 : i32
      %dma_start3A_126 = tpu.memref_slice %arg10[%add3A_77, %dma_start3A] : memref<10000x64xf32, #tpu.memory_space<vmem_shared>> -> memref<25x64xf32, #tpu.memory_space<vmem_shared>>
      %dma_start3A_127 = arith.constant 0 : i32
      %dma_start3A_128 = tpu.memref_slice %arg10[%add3A_77, %dma_start3A_127] : memref<10000x64xf32, #tpu.memory_space<vmem_shared>> -> memref<25x64xf32, #tpu.memory_space<vmem_shared>>
      tpu.enqueue_dma source(%arg19 : memref<25x64xf32, #tpu.memory_space<vmem>>) target(%dma_start3A_128 : memref<25x64xf32, #tpu.memory_space<vmem_shared>>) target_semaphore(%run_scoped3A_125 : memref<!tpu.dma_semaphore, #tpu.memory_space<semaphore_mem>>)
      %dma_wait3A = arith.constant 0 : i32
      %dma_wait3A_129 = tpu.memref_slice %arg10[%add3A_77, %dma_wait3A] : memref<10000x64xf32, #tpu.memory_space<vmem_shared>> -> memref<25x64xf32, #tpu.memory_space<vmem_shared>>
      %dma_wait3A_130 = arith.constant 0 : i32
      %dma_wait3A_131 = tpu.memref_slice %arg10[%add3A_77, %dma_wait3A_130] : memref<10000x64xf32, #tpu.memory_space<vmem_shared>> -> memref<25x64xf32, #tpu.memory_space<vmem_shared>>
      tpu.wait_dma2 semaphore(%run_scoped3A_125 : memref<!tpu.dma_semaphore, #tpu.memory_space<semaphore_mem>>) src(%arg19 : memref<25x64xf32, #tpu.memory_space<vmem>>) dst(%dma_wait3A_131 : memref<25x64xf32, #tpu.memory_space<vmem_shared>>)
      tpu.yield
    }) : () -> ()
    %mul3A_78 = arith.constant 625 : i32
    %mul3A_79 = arith.muli %arg1, %mul3A_78 : i32
    %add3A_80 = arith.constant 425 : i32
    %add3A_81 = arith.addi %mul3A_79, %add3A_80 : i32
    "tpu.region"() ({
      %run_scoped3A_125 = tpu.sem_alloc : memref<!tpu.dma_semaphore, #tpu.memory_space<semaphore_mem>>
      %dma_start3A = arith.constant 0 : i32
      %dma_start3A_126 = tpu.memref_slice %arg10[%add3A_81, %dma_start3A] : memref<10000x64xf32, #tpu.memory_space<vmem_shared>> -> memref<25x64xf32, #tpu.memory_space<vmem_shared>>
      %dma_start3A_127 = arith.constant 0 : i32
      %dma_start3A_128 = tpu.memref_slice %arg10[%add3A_81, %dma_start3A_127] : memref<10000x64xf32, #tpu.memory_space<vmem_shared>> -> memref<25x64xf32, #tpu.memory_space<vmem_shared>>
      tpu.enqueue_dma source(%arg19 : memref<25x64xf32, #tpu.memory_space<vmem>>) target(%dma_start3A_128 : memref<25x64xf32, #tpu.memory_space<vmem_shared>>) target_semaphore(%run_scoped3A_125 : memref<!tpu.dma_semaphore, #tpu.memory_space<semaphore_mem>>)
      %dma_wait3A = arith.constant 0 : i32
      %dma_wait3A_129 = tpu.memref_slice %arg10[%add3A_81, %dma_wait3A] : memref<10000x64xf32, #tpu.memory_space<vmem_shared>> -> memref<25x64xf32, #tpu.memory_space<vmem_shared>>
      %dma_wait3A_130 = arith.constant 0 : i32
      %dma_wait3A_131 = tpu.memref_slice %arg10[%add3A_81, %dma_wait3A_130] : memref<10000x64xf32, #tpu.memory_space<vmem_shared>> -> memref<25x64xf32, #tpu.memory_space<vmem_shared>>
      tpu.wait_dma2 semaphore(%run_scoped3A_125 : memref<!tpu.dma_semaphore, #tpu.memory_space<semaphore_mem>>) src(%arg19 : memref<25x64xf32, #tpu.memory_space<vmem>>) dst(%dma_wait3A_131 : memref<25x64xf32, #tpu.memory_space<vmem_shared>>)
      tpu.yield
    }) : () -> ()
    %mul3A_82 = arith.constant 625 : i32
    %mul3A_83 = arith.muli %arg1, %mul3A_82 : i32
    %add3A_84 = arith.constant 450 : i32
    %add3A_85 = arith.addi %mul3A_83, %add3A_84 : i32
    "tpu.region"() ({
      %run_scoped3A_125 = tpu.sem_alloc : memref<!tpu.dma_semaphore, #tpu.memory_space<semaphore_mem>>
      %dma_start3A = arith.constant 0 : i32
      %dma_start3A_126 = tpu.memref_slice %arg10[%add3A_85, %dma_start3A] : memref<10000x64xf32, #tpu.memory_space<vmem_shared>> -> memref<25x64xf32, #tpu.memory_space<vmem_shared>>
      %dma_start3A_127 = arith.constant 0 : i32
      %dma_start3A_128 = tpu.memref_slice %arg10[%add3A_85, %dma_start3A_127] : memref<10000x64xf32, #tpu.memory_space<vmem_shared>> -> memref<25x64xf32, #tpu.memory_space<vmem_shared>>
      tpu.enqueue_dma source(%arg19 : memref<25x64xf32, #tpu.memory_space<vmem>>) target(%dma_start3A_128 : memref<25x64xf32, #tpu.memory_space<vmem_shared>>) target_semaphore(%run_scoped3A_125 : memref<!tpu.dma_semaphore, #tpu.memory_space<semaphore_mem>>)
      %dma_wait3A = arith.constant 0 : i32
      %dma_wait3A_129 = tpu.memref_slice %arg10[%add3A_85, %dma_wait3A] : memref<10000x64xf32, #tpu.memory_space<vmem_shared>> -> memref<25x64xf32, #tpu.memory_space<vmem_shared>>
      %dma_wait3A_130 = arith.constant 0 : i32
      %dma_wait3A_131 = tpu.memref_slice %arg10[%add3A_85, %dma_wait3A_130] : memref<10000x64xf32, #tpu.memory_space<vmem_shared>> -> memref<25x64xf32, #tpu.memory_space<vmem_shared>>
      tpu.wait_dma2 semaphore(%run_scoped3A_125 : memref<!tpu.dma_semaphore, #tpu.memory_space<semaphore_mem>>) src(%arg19 : memref<25x64xf32, #tpu.memory_space<vmem>>) dst(%dma_wait3A_131 : memref<25x64xf32, #tpu.memory_space<vmem_shared>>)
      tpu.yield
    }) : () -> ()
    %mul3A_86 = arith.constant 625 : i32
    %mul3A_87 = arith.muli %arg1, %mul3A_86 : i32
    %add3A_88 = arith.constant 475 : i32
    %add3A_89 = arith.addi %mul3A_87, %add3A_88 : i32
    "tpu.region"() ({
      %run_scoped3A_125 = tpu.sem_alloc : memref<!tpu.dma_semaphore, #tpu.memory_space<semaphore_mem>>
      %dma_start3A = arith.constant 0 : i32
      %dma_start3A_126 = tpu.memref_slice %arg10[%add3A_89, %dma_start3A] : memref<10000x64xf32, #tpu.memory_space<vmem_shared>> -> memref<25x64xf32, #tpu.memory_space<vmem_shared>>
      %dma_start3A_127 = arith.constant 0 : i32
      %dma_start3A_128 = tpu.memref_slice %arg10[%add3A_89, %dma_start3A_127] : memref<10000x64xf32, #tpu.memory_space<vmem_shared>> -> memref<25x64xf32, #tpu.memory_space<vmem_shared>>
      tpu.enqueue_dma source(%arg19 : memref<25x64xf32, #tpu.memory_space<vmem>>) target(%dma_start3A_128 : memref<25x64xf32, #tpu.memory_space<vmem_shared>>) target_semaphore(%run_scoped3A_125 : memref<!tpu.dma_semaphore, #tpu.memory_space<semaphore_mem>>)
      %dma_wait3A = arith.constant 0 : i32
      %dma_wait3A_129 = tpu.memref_slice %arg10[%add3A_89, %dma_wait3A] : memref<10000x64xf32, #tpu.memory_space<vmem_shared>> -> memref<25x64xf32, #tpu.memory_space<vmem_shared>>
      %dma_wait3A_130 = arith.constant 0 : i32
      %dma_wait3A_131 = tpu.memref_slice %arg10[%add3A_89, %dma_wait3A_130] : memref<10000x64xf32, #tpu.memory_space<vmem_shared>> -> memref<25x64xf32, #tpu.memory_space<vmem_shared>>
      tpu.wait_dma2 semaphore(%run_scoped3A_125 : memref<!tpu.dma_semaphore, #tpu.memory_space<semaphore_mem>>) src(%arg19 : memref<25x64xf32, #tpu.memory_space<vmem>>) dst(%dma_wait3A_131 : memref<25x64xf32, #tpu.memory_space<vmem_shared>>)
      tpu.yield
    }) : () -> ()
    %mul3A_90 = arith.constant 625 : i32
    %mul3A_91 = arith.muli %arg1, %mul3A_90 : i32
    %add3A_92 = arith.constant 500 : i32
    %add3A_93 = arith.addi %mul3A_91, %add3A_92 : i32
    "tpu.region"() ({
      %run_scoped3A_125 = tpu.sem_alloc : memref<!tpu.dma_semaphore, #tpu.memory_space<semaphore_mem>>
      %dma_start3A = arith.constant 0 : i32
      %dma_start3A_126 = tpu.memref_slice %arg10[%add3A_93, %dma_start3A] : memref<10000x64xf32, #tpu.memory_space<vmem_shared>> -> memref<25x64xf32, #tpu.memory_space<vmem_shared>>
      %dma_start3A_127 = arith.constant 0 : i32
      %dma_start3A_128 = tpu.memref_slice %arg10[%add3A_93, %dma_start3A_127] : memref<10000x64xf32, #tpu.memory_space<vmem_shared>> -> memref<25x64xf32, #tpu.memory_space<vmem_shared>>
      tpu.enqueue_dma source(%arg19 : memref<25x64xf32, #tpu.memory_space<vmem>>) target(%dma_start3A_128 : memref<25x64xf32, #tpu.memory_space<vmem_shared>>) target_semaphore(%run_scoped3A_125 : memref<!tpu.dma_semaphore, #tpu.memory_space<semaphore_mem>>)
      %dma_wait3A = arith.constant 0 : i32
      %dma_wait3A_129 = tpu.memref_slice %arg10[%add3A_93, %dma_wait3A] : memref<10000x64xf32, #tpu.memory_space<vmem_shared>> -> memref<25x64xf32, #tpu.memory_space<vmem_shared>>
      %dma_wait3A_130 = arith.constant 0 : i32
      %dma_wait3A_131 = tpu.memref_slice %arg10[%add3A_93, %dma_wait3A_130] : memref<10000x64xf32, #tpu.memory_space<vmem_shared>> -> memref<25x64xf32, #tpu.memory_space<vmem_shared>>
      tpu.wait_dma2 semaphore(%run_scoped3A_125 : memref<!tpu.dma_semaphore, #tpu.memory_space<semaphore_mem>>) src(%arg19 : memref<25x64xf32, #tpu.memory_space<vmem>>) dst(%dma_wait3A_131 : memref<25x64xf32, #tpu.memory_space<vmem_shared>>)
      tpu.yield
    }) : () -> ()
    %mul3A_94 = arith.constant 625 : i32
    %mul3A_95 = arith.muli %arg1, %mul3A_94 : i32
    %add3A_96 = arith.constant 525 : i32
    %add3A_97 = arith.addi %mul3A_95, %add3A_96 : i32
    "tpu.region"() ({
      %run_scoped3A_125 = tpu.sem_alloc : memref<!tpu.dma_semaphore, #tpu.memory_space<semaphore_mem>>
      %dma_start3A = arith.constant 0 : i32
      %dma_start3A_126 = tpu.memref_slice %arg10[%add3A_97, %dma_start3A] : memref<10000x64xf32, #tpu.memory_space<vmem_shared>> -> memref<25x64xf32, #tpu.memory_space<vmem_shared>>
      %dma_start3A_127 = arith.constant 0 : i32
      %dma_start3A_128 = tpu.memref_slice %arg10[%add3A_97, %dma_start3A_127] : memref<10000x64xf32, #tpu.memory_space<vmem_shared>> -> memref<25x64xf32, #tpu.memory_space<vmem_shared>>
      tpu.enqueue_dma source(%arg19 : memref<25x64xf32, #tpu.memory_space<vmem>>) target(%dma_start3A_128 : memref<25x64xf32, #tpu.memory_space<vmem_shared>>) target_semaphore(%run_scoped3A_125 : memref<!tpu.dma_semaphore, #tpu.memory_space<semaphore_mem>>)
      %dma_wait3A = arith.constant 0 : i32
      %dma_wait3A_129 = tpu.memref_slice %arg10[%add3A_97, %dma_wait3A] : memref<10000x64xf32, #tpu.memory_space<vmem_shared>> -> memref<25x64xf32, #tpu.memory_space<vmem_shared>>
      %dma_wait3A_130 = arith.constant 0 : i32
      %dma_wait3A_131 = tpu.memref_slice %arg10[%add3A_97, %dma_wait3A_130] : memref<10000x64xf32, #tpu.memory_space<vmem_shared>> -> memref<25x64xf32, #tpu.memory_space<vmem_shared>>
      tpu.wait_dma2 semaphore(%run_scoped3A_125 : memref<!tpu.dma_semaphore, #tpu.memory_space<semaphore_mem>>) src(%arg19 : memref<25x64xf32, #tpu.memory_space<vmem>>) dst(%dma_wait3A_131 : memref<25x64xf32, #tpu.memory_space<vmem_shared>>)
      tpu.yield
    }) : () -> ()
    %mul3A_98 = arith.constant 625 : i32
    %mul3A_99 = arith.muli %arg1, %mul3A_98 : i32
    %add3A_100 = arith.constant 550 : i32
    %add3A_101 = arith.addi %mul3A_99, %add3A_100 : i32
    "tpu.region"() ({
      %run_scoped3A_125 = tpu.sem_alloc : memref<!tpu.dma_semaphore, #tpu.memory_space<semaphore_mem>>
      %dma_start3A = arith.constant 0 : i32
      %dma_start3A_126 = tpu.memref_slice %arg10[%add3A_101, %dma_start3A] : memref<10000x64xf32, #tpu.memory_space<vmem_shared>> -> memref<25x64xf32, #tpu.memory_space<vmem_shared>>
      %dma_start3A_127 = arith.constant 0 : i32
      %dma_start3A_128 = tpu.memref_slice %arg10[%add3A_101, %dma_start3A_127] : memref<10000x64xf32, #tpu.memory_space<vmem_shared>> -> memref<25x64xf32, #tpu.memory_space<vmem_shared>>
      tpu.enqueue_dma source(%arg19 : memref<25x64xf32, #tpu.memory_space<vmem>>) target(%dma_start3A_128 : memref<25x64xf32, #tpu.memory_space<vmem_shared>>) target_semaphore(%run_scoped3A_125 : memref<!tpu.dma_semaphore, #tpu.memory_space<semaphore_mem>>)
      %dma_wait3A = arith.constant 0 : i32
      %dma_wait3A_129 = tpu.memref_slice %arg10[%add3A_101, %dma_wait3A] : memref<10000x64xf32, #tpu.memory_space<vmem_shared>> -> memref<25x64xf32, #tpu.memory_space<vmem_shared>>
      %dma_wait3A_130 = arith.constant 0 : i32
      %dma_wait3A_131 = tpu.memref_slice %arg10[%add3A_101, %dma_wait3A_130] : memref<10000x64xf32, #tpu.memory_space<vmem_shared>> -> memref<25x64xf32, #tpu.memory_space<vmem_shared>>
      tpu.wait_dma2 semaphore(%run_scoped3A_125 : memref<!tpu.dma_semaphore, #tpu.memory_space<semaphore_mem>>) src(%arg19 : memref<25x64xf32, #tpu.memory_space<vmem>>) dst(%dma_wait3A_131 : memref<25x64xf32, #tpu.memory_space<vmem_shared>>)
      tpu.yield
    }) : () -> ()
    %mul3A_102 = arith.constant 625 : i32
    %mul3A_103 = arith.muli %arg1, %mul3A_102 : i32
    %add3A_104 = arith.constant 575 : i32
    %add3A_105 = arith.addi %mul3A_103, %add3A_104 : i32
    "tpu.region"() ({
      %run_scoped3A_125 = tpu.sem_alloc : memref<!tpu.dma_semaphore, #tpu.memory_space<semaphore_mem>>
      %dma_start3A = arith.constant 0 : i32
      %dma_start3A_126 = tpu.memref_slice %arg10[%add3A_105, %dma_start3A] : memref<10000x64xf32, #tpu.memory_space<vmem_shared>> -> memref<25x64xf32, #tpu.memory_space<vmem_shared>>
      %dma_start3A_127 = arith.constant 0 : i32
      %dma_start3A_128 = tpu.memref_slice %arg10[%add3A_105, %dma_start3A_127] : memref<10000x64xf32, #tpu.memory_space<vmem_shared>> -> memref<25x64xf32, #tpu.memory_space<vmem_shared>>
      tpu.enqueue_dma source(%arg19 : memref<25x64xf32, #tpu.memory_space<vmem>>) target(%dma_start3A_128 : memref<25x64xf32, #tpu.memory_space<vmem_shared>>) target_semaphore(%run_scoped3A_125 : memref<!tpu.dma_semaphore, #tpu.memory_space<semaphore_mem>>)
      %dma_wait3A = arith.constant 0 : i32
      %dma_wait3A_129 = tpu.memref_slice %arg10[%add3A_105, %dma_wait3A] : memref<10000x64xf32, #tpu.memory_space<vmem_shared>> -> memref<25x64xf32, #tpu.memory_space<vmem_shared>>
      %dma_wait3A_130 = arith.constant 0 : i32
      %dma_wait3A_131 = tpu.memref_slice %arg10[%add3A_105, %dma_wait3A_130] : memref<10000x64xf32, #tpu.memory_space<vmem_shared>> -> memref<25x64xf32, #tpu.memory_space<vmem_shared>>
      tpu.wait_dma2 semaphore(%run_scoped3A_125 : memref<!tpu.dma_semaphore, #tpu.memory_space<semaphore_mem>>) src(%arg19 : memref<25x64xf32, #tpu.memory_space<vmem>>) dst(%dma_wait3A_131 : memref<25x64xf32, #tpu.memory_space<vmem_shared>>)
      tpu.yield
    }) : () -> ()
    %mul3A_106 = arith.constant 625 : i32
    %mul3A_107 = arith.muli %arg1, %mul3A_106 : i32
    %add3A_108 = arith.constant 600 : i32
    %add3A_109 = arith.addi %mul3A_107, %add3A_108 : i32
    "tpu.region"() ({
      %run_scoped3A_125 = tpu.sem_alloc : memref<!tpu.dma_semaphore, #tpu.memory_space<semaphore_mem>>
      %dma_start3A = arith.constant 0 : i32
      %dma_start3A_126 = tpu.memref_slice %arg10[%add3A_109, %dma_start3A] : memref<10000x64xf32, #tpu.memory_space<vmem_shared>> -> memref<25x64xf32, #tpu.memory_space<vmem_shared>>
      %dma_start3A_127 = arith.constant 0 : i32
      %dma_start3A_128 = tpu.memref_slice %arg10[%add3A_109, %dma_start3A_127] : memref<10000x64xf32, #tpu.memory_space<vmem_shared>> -> memref<25x64xf32, #tpu.memory_space<vmem_shared>>
      tpu.enqueue_dma source(%arg19 : memref<25x64xf32, #tpu.memory_space<vmem>>) target(%dma_start3A_128 : memref<25x64xf32, #tpu.memory_space<vmem_shared>>) target_semaphore(%run_scoped3A_125 : memref<!tpu.dma_semaphore, #tpu.memory_space<semaphore_mem>>)
      %dma_wait3A = arith.constant 0 : i32
      %dma_wait3A_129 = tpu.memref_slice %arg10[%add3A_109, %dma_wait3A] : memref<10000x64xf32, #tpu.memory_space<vmem_shared>> -> memref<25x64xf32, #tpu.memory_space<vmem_shared>>
      %dma_wait3A_130 = arith.constant 0 : i32
      %dma_wait3A_131 = tpu.memref_slice %arg10[%add3A_109, %dma_wait3A_130] : memref<10000x64xf32, #tpu.memory_space<vmem_shared>> -> memref<25x64xf32, #tpu.memory_space<vmem_shared>>
      tpu.wait_dma2 semaphore(%run_scoped3A_125 : memref<!tpu.dma_semaphore, #tpu.memory_space<semaphore_mem>>) src(%arg19 : memref<25x64xf32, #tpu.memory_space<vmem>>) dst(%dma_wait3A_131 : memref<25x64xf32, #tpu.memory_space<vmem_shared>>)
      tpu.yield
    }) : () -> ()
    %mul3A_110 = arith.constant 625 : i32
    %mul3A_111 = arith.muli %arg1, %mul3A_110 : i32
    %mul3A_112 = arith.constant 625 : i32
    %mul3A_113 = arith.muli %arg1, %mul3A_112 : i32
    "tpu.region"() ({
      %run_scoped3A_125 = tpu.sem_alloc : memref<!tpu.dma_semaphore, #tpu.memory_space<semaphore_mem>>
      %dma_start3A = arith.constant 0 : i32
      %dma_start3A_126 = tpu.memref_slice %arg9[%mul3A_113, %dma_start3A] : memref<10000x64xf32, #tpu.memory_space<vmem_shared>> -> memref<625x64xf32, #tpu.memory_space<vmem_shared>>
      %dma_start3A_127 = arith.constant 0 : i32
      %dma_start3A_128 = tpu.memref_slice %arg2[%arg0, %mul3A_111, %dma_start3A_127] : memref<2x10000x64xf32, #tpu.memory_space<hbm>> -> memref<1x625x64xf32, #tpu.memory_space<hbm>>
      %dma_start3A_129 = tpu.memref_squeeze %dma_start3A_128 : memref<1x625x64xf32, #tpu.memory_space<hbm>> -> memref<625x64xf32, #tpu.memory_space<hbm>>
      tpu.enqueue_dma source(%dma_start3A_129 : memref<625x64xf32, #tpu.memory_space<hbm>>) target(%dma_start3A_126 : memref<625x64xf32, #tpu.memory_space<vmem_shared>>) target_semaphore(%run_scoped3A_125 : memref<!tpu.dma_semaphore, #tpu.memory_space<semaphore_mem>>)
      %dma_wait3A = arith.constant 0 : i32
      %dma_wait3A_130 = tpu.memref_slice %arg9[%mul3A_113, %dma_wait3A] : memref<10000x64xf32, #tpu.memory_space<vmem_shared>> -> memref<625x64xf32, #tpu.memory_space<vmem_shared>>
      %dma_wait3A_131 = arith.constant 0 : i32
      %dma_wait3A_132 = tpu.memref_slice %arg2[%arg0, %mul3A_111, %dma_wait3A_131] : memref<2x10000x64xf32, #tpu.memory_space<hbm>> -> memref<1x625x64xf32, #tpu.memory_space<hbm>>
      %dma_wait3A_133 = tpu.memref_squeeze %dma_wait3A_132 : memref<1x625x64xf32, #tpu.memory_space<hbm>> -> memref<625x64xf32, #tpu.memory_space<hbm>>
      tpu.wait_dma2 semaphore(%run_scoped3A_125 : memref<!tpu.dma_semaphore, #tpu.memory_space<semaphore_mem>>) src(%dma_wait3A_133 : memref<625x64xf32, #tpu.memory_space<hbm>>) dst(%dma_wait3A_130 : memref<625x64xf32, #tpu.memory_space<vmem_shared>>)
      tpu.yield
    }) : () -> ()
    %barrier3A = arith.constant 0 : index
    tpu.barrier barrier_id(%barrier3A)
    %scan3A_114 = arith.constant 0 : i32
    %scan3A_115 = arith.constant 0 : i32
    %scan3A_116 = arith.constant 5 : i32
    %scan3A_117 = arith.addi %scan3A_115, %scan3A_116 : i32
    %scan3A_118 = arith.constant 1 : i32
    scf.for %scan3A_125 = %scan3A_115 to %scan3A_117 step %scan3A_118  : i32 {
      %eq3A = arith.constant 0 : i32
      %eq3A_126 = arith.cmpi eq, %arg0, %eq3A : i32
      %convert_element_type3A = arith.extui %eq3A_126 : i1 to i32
      %cond3A = arith.constant 0 : i32
      %cond3A_127 = arith.cmpi ne, %convert_element_type3A, %cond3A : i32
      scf.if %cond3A_127 {
        %mul3A_151 = arith.constant 50 : i32
        %mul3A_152 = arith.muli %scan3A_125, %mul3A_151 : i32
        %run_scoped3A_153 = arith.constant 0 : i32
        "tpu.region"() ({
          %run_scoped3A_157 = tpu.sem_alloc : memref<!tpu.dma_semaphore, #tpu.memory_space<semaphore_mem>>
          %dma_start3A_158 = arith.constant 0 : i32
          %dma_start3A_159 = tpu.memref_slice %arg5[%run_scoped3A_153, %arg1, %mul3A_152, %dma_start3A_158] : memref<2x16x250x80xi32, #tpu.memory_space<hbm>> -> memref<1x1x50x80xi32, #tpu.memory_space<hbm>>
          %dma_start3A_160 = tpu.memref_squeeze %dma_start3A_159 : memref<1x1x50x80xi32, #tpu.memory_space<hbm>> -> memref<50x80xi32, #tpu.memory_space<hbm>>
          %dma_start3A_161 = arith.constant 0 : i32
          %dma_start3A_162 = tpu.memref_slice %arg5[%run_scoped3A_153, %arg1, %mul3A_152, %dma_start3A_161] : memref<2x16x250x80xi32, #tpu.memory_space<hbm>> -> memref<1x1x50x80xi32, #tpu.memory_space<hbm>>
          %dma_start3A_163 = tpu.memref_squeeze %dma_start3A_162 : memref<1x1x50x80xi32, #tpu.memory_space<hbm>> -> memref<50x80xi32, #tpu.memory_space<hbm>>
          tpu.enqueue_dma source(%dma_start3A_163 : memref<50x80xi32, #tpu.memory_space<hbm>>) target(%arg14 : memref<50x80xi32, #tpu.memory_space<vmem>>) target_semaphore(%run_scoped3A_157 : memref<!tpu.dma_semaphore, #tpu.memory_space<semaphore_mem>>)
          %dma_wait3A_164 = arith.constant 0 : i32
          %dma_wait3A_165 = tpu.memref_slice %arg5[%run_scoped3A_153, %arg1, %mul3A_152, %dma_wait3A_164] : memref<2x16x250x80xi32, #tpu.memory_space<hbm>> -> memref<1x1x50x80xi32, #tpu.memory_space<hbm>>
          %dma_wait3A_166 = tpu.memref_squeeze %dma_wait3A_165 : memref<1x1x50x80xi32, #tpu.memory_space<hbm>> -> memref<50x80xi32, #tpu.memory_space<hbm>>
          %dma_wait3A_167 = arith.constant 0 : i32
          %dma_wait3A_168 = tpu.memref_slice %arg5[%run_scoped3A_153, %arg1, %mul3A_152, %dma_wait3A_167] : memref<2x16x250x80xi32, #tpu.memory_space<hbm>> -> memref<1x1x50x80xi32, #tpu.memory_space<hbm>>
          %dma_wait3A_169 = tpu.memref_squeeze %dma_wait3A_168 : memref<1x1x50x80xi32, #tpu.memory_space<hbm>> -> memref<50x80xi32, #tpu.memory_space<hbm>>
          tpu.wait_dma2 semaphore(%run_scoped3A_157 : memref<!tpu.dma_semaphore, #tpu.memory_space<semaphore_mem>>) src(%dma_wait3A_169 : memref<50x80xi32, #tpu.memory_space<hbm>>) dst(%arg14 : memref<50x80xi32, #tpu.memory_space<vmem>>)
          tpu.yield
        }) : () -> ()
        %mul3A_154 = arith.constant 50 : i32
        %mul3A_155 = arith.muli %scan3A_125, %mul3A_154 : i32
        %run_scoped3A_156 = arith.constant 1 : i32
        "tpu.region"() ({
          %run_scoped3A_157 = tpu.sem_alloc : memref<!tpu.dma_semaphore, #tpu.memory_space<semaphore_mem>>
          %dma_start3A_158 = arith.constant 0 : i32
          %dma_start3A_159 = tpu.memref_slice %arg5[%run_scoped3A_156, %arg1, %mul3A_155, %dma_start3A_158] : memref<2x16x250x80xi32, #tpu.memory_space<hbm>> -> memref<1x1x50x80xi32, #tpu.memory_space<hbm>>
          %dma_start3A_160 = tpu.memref_squeeze %dma_start3A_159 : memref<1x1x50x80xi32, #tpu.memory_space<hbm>> -> memref<50x80xi32, #tpu.memory_space<hbm>>
          %dma_start3A_161 = arith.constant 0 : i32
          %dma_start3A_162 = tpu.memref_slice %arg5[%run_scoped3A_156, %arg1, %mul3A_155, %dma_start3A_161] : memref<2x16x250x80xi32, #tpu.memory_space<hbm>> -> memref<1x1x50x80xi32, #tpu.memory_space<hbm>>
          %dma_start3A_163 = tpu.memref_squeeze %dma_start3A_162 : memref<1x1x50x80xi32, #tpu.memory_space<hbm>> -> memref<50x80xi32, #tpu.memory_space<hbm>>
          tpu.enqueue_dma source(%dma_start3A_163 : memref<50x80xi32, #tpu.memory_space<hbm>>) target(%arg15 : memref<50x80xi32, #tpu.memory_space<vmem>>) target_semaphore(%run_scoped3A_157 : memref<!tpu.dma_semaphore, #tpu.memory_space<semaphore_mem>>)
          %dma_wait3A_164 = arith.constant 0 : i32
          %dma_wait3A_165 = tpu.memref_slice %arg5[%run_scoped3A_156, %arg1, %mul3A_155, %dma_wait3A_164] : memref<2x16x250x80xi32, #tpu.memory_space<hbm>> -> memref<1x1x50x80xi32, #tpu.memory_space<hbm>>
          %dma_wait3A_166 = tpu.memref_squeeze %dma_wait3A_165 : memref<1x1x50x80xi32, #tpu.memory_space<hbm>> -> memref<50x80xi32, #tpu.memory_space<hbm>>
          %dma_wait3A_167 = arith.constant 0 : i32
          %dma_wait3A_168 = tpu.memref_slice %arg5[%run_scoped3A_156, %arg1, %mul3A_155, %dma_wait3A_167] : memref<2x16x250x80xi32, #tpu.memory_space<hbm>> -> memref<1x1x50x80xi32, #tpu.memory_space<hbm>>
          %dma_wait3A_169 = tpu.memref_squeeze %dma_wait3A_168 : memref<1x1x50x80xi32, #tpu.memory_space<hbm>> -> memref<50x80xi32, #tpu.memory_space<hbm>>
          tpu.wait_dma2 semaphore(%run_scoped3A_157 : memref<!tpu.dma_semaphore, #tpu.memory_space<semaphore_mem>>) src(%dma_wait3A_169 : memref<50x80xi32, #tpu.memory_space<hbm>>) dst(%arg15 : memref<50x80xi32, #tpu.memory_space<vmem>>)
          tpu.yield
        }) : () -> ()
      } else {
      }
      %eq3A_128 = arith.constant 1 : i32
      %eq3A_129 = arith.cmpi eq, %arg0, %eq3A_128 : i32
      %convert_element_type3A_130 = arith.extui %eq3A_129 : i1 to i32
      %cond3A_131 = arith.constant 0 : i32
      %cond3A_132 = arith.cmpi ne, %convert_element_type3A_130, %cond3A_131 : i32
      scf.if %cond3A_132 {
        %mul3A_151 = arith.constant 50 : i32
        %mul3A_152 = arith.muli %scan3A_125, %mul3A_151 : i32
        %run_scoped3A_153 = arith.constant 0 : i32
        "tpu.region"() ({
          %run_scoped3A_157 = tpu.sem_alloc : memref<!tpu.dma_semaphore, #tpu.memory_space<semaphore_mem>>
          %dma_start3A_158 = arith.constant 0 : i32
          %dma_start3A_159 = tpu.memref_slice %arg6[%run_scoped3A_153, %arg1, %mul3A_152, %dma_start3A_158] : memref<2x16x250x80xi32, #tpu.memory_space<hbm>> -> memref<1x1x50x80xi32, #tpu.memory_space<hbm>>
          %dma_start3A_160 = tpu.memref_squeeze %dma_start3A_159 : memref<1x1x50x80xi32, #tpu.memory_space<hbm>> -> memref<50x80xi32, #tpu.memory_space<hbm>>
          %dma_start3A_161 = arith.constant 0 : i32
          %dma_start3A_162 = tpu.memref_slice %arg6[%run_scoped3A_153, %arg1, %mul3A_152, %dma_start3A_161] : memref<2x16x250x80xi32, #tpu.memory_space<hbm>> -> memref<1x1x50x80xi32, #tpu.memory_space<hbm>>
          %dma_start3A_163 = tpu.memref_squeeze %dma_start3A_162 : memref<1x1x50x80xi32, #tpu.memory_space<hbm>> -> memref<50x80xi32, #tpu.memory_space<hbm>>
          tpu.enqueue_dma source(%dma_start3A_163 : memref<50x80xi32, #tpu.memory_space<hbm>>) target(%arg14 : memref<50x80xi32, #tpu.memory_space<vmem>>) target_semaphore(%run_scoped3A_157 : memref<!tpu.dma_semaphore, #tpu.memory_space<semaphore_mem>>)
          %dma_wait3A_164 = arith.constant 0 : i32
          %dma_wait3A_165 = tpu.memref_slice %arg6[%run_scoped3A_153, %arg1, %mul3A_152, %dma_wait3A_164] : memref<2x16x250x80xi32, #tpu.memory_space<hbm>> -> memref<1x1x50x80xi32, #tpu.memory_space<hbm>>
          %dma_wait3A_166 = tpu.memref_squeeze %dma_wait3A_165 : memref<1x1x50x80xi32, #tpu.memory_space<hbm>> -> memref<50x80xi32, #tpu.memory_space<hbm>>
          %dma_wait3A_167 = arith.constant 0 : i32
          %dma_wait3A_168 = tpu.memref_slice %arg6[%run_scoped3A_153, %arg1, %mul3A_152, %dma_wait3A_167] : memref<2x16x250x80xi32, #tpu.memory_space<hbm>> -> memref<1x1x50x80xi32, #tpu.memory_space<hbm>>
          %dma_wait3A_169 = tpu.memref_squeeze %dma_wait3A_168 : memref<1x1x50x80xi32, #tpu.memory_space<hbm>> -> memref<50x80xi32, #tpu.memory_space<hbm>>
          tpu.wait_dma2 semaphore(%run_scoped3A_157 : memref<!tpu.dma_semaphore, #tpu.memory_space<semaphore_mem>>) src(%dma_wait3A_169 : memref<50x80xi32, #tpu.memory_space<hbm>>) dst(%arg14 : memref<50x80xi32, #tpu.memory_space<vmem>>)
          tpu.yield
        }) : () -> ()
        %mul3A_154 = arith.constant 50 : i32
        %mul3A_155 = arith.muli %scan3A_125, %mul3A_154 : i32
        %run_scoped3A_156 = arith.constant 1 : i32
        "tpu.region"() ({
          %run_scoped3A_157 = tpu.sem_alloc : memref<!tpu.dma_semaphore, #tpu.memory_space<semaphore_mem>>
          %dma_start3A_158 = arith.constant 0 : i32
          %dma_start3A_159 = tpu.memref_slice %arg6[%run_scoped3A_156, %arg1, %mul3A_155, %dma_start3A_158] : memref<2x16x250x80xi32, #tpu.memory_space<hbm>> -> memref<1x1x50x80xi32, #tpu.memory_space<hbm>>
          %dma_start3A_160 = tpu.memref_squeeze %dma_start3A_159 : memref<1x1x50x80xi32, #tpu.memory_space<hbm>> -> memref<50x80xi32, #tpu.memory_space<hbm>>
          %dma_start3A_161 = arith.constant 0 : i32
          %dma_start3A_162 = tpu.memref_slice %arg6[%run_scoped3A_156, %arg1, %mul3A_155, %dma_start3A_161] : memref<2x16x250x80xi32, #tpu.memory_space<hbm>> -> memref<1x1x50x80xi32, #tpu.memory_space<hbm>>
          %dma_start3A_163 = tpu.memref_squeeze %dma_start3A_162 : memref<1x1x50x80xi32, #tpu.memory_space<hbm>> -> memref<50x80xi32, #tpu.memory_space<hbm>>
          tpu.enqueue_dma source(%dma_start3A_163 : memref<50x80xi32, #tpu.memory_space<hbm>>) target(%arg15 : memref<50x80xi32, #tpu.memory_space<vmem>>) target_semaphore(%run_scoped3A_157 : memref<!tpu.dma_semaphore, #tpu.memory_space<semaphore_mem>>)
          %dma_wait3A_164 = arith.constant 0 : i32
          %dma_wait3A_165 = tpu.memref_slice %arg6[%run_scoped3A_156, %arg1, %mul3A_155, %dma_wait3A_164] : memref<2x16x250x80xi32, #tpu.memory_space<hbm>> -> memref<1x1x50x80xi32, #tpu.memory_space<hbm>>
          %dma_wait3A_166 = tpu.memref_squeeze %dma_wait3A_165 : memref<1x1x50x80xi32, #tpu.memory_space<hbm>> -> memref<50x80xi32, #tpu.memory_space<hbm>>
          %dma_wait3A_167 = arith.constant 0 : i32
          %dma_wait3A_168 = tpu.memref_slice %arg6[%run_scoped3A_156, %arg1, %mul3A_155, %dma_wait3A_167] : memref<2x16x250x80xi32, #tpu.memory_space<hbm>> -> memref<1x1x50x80xi32, #tpu.memory_space<hbm>>
          %dma_wait3A_169 = tpu.memref_squeeze %dma_wait3A_168 : memref<1x1x50x80xi32, #tpu.memory_space<hbm>> -> memref<50x80xi32, #tpu.memory_space<hbm>>
          tpu.wait_dma2 semaphore(%run_scoped3A_157 : memref<!tpu.dma_semaphore, #tpu.memory_space<semaphore_mem>>) src(%dma_wait3A_169 : memref<50x80xi32, #tpu.memory_space<hbm>>) dst(%arg15 : memref<50x80xi32, #tpu.memory_space<vmem>>)
          tpu.yield
        }) : () -> ()
      } else {
      }
      %dma_start3A = arith.constant 0 : i32
      %dma_start3A_133 = arith.constant 0 : i32
      %dma_start3A_134 = tpu.memref_slice %arg14[%dma_start3A, %dma_start3A_133] : memref<50x80xi32, #tpu.memory_space<vmem>> -> memref<1x80xi32, #tpu.memory_space<vmem>>
      %dma_start3A_135 = tpu.memref_squeeze %dma_start3A_134 : memref<1x80xi32, #tpu.memory_space<vmem>> -> memref<80xi32, #tpu.memory_space<vmem>>
      %dma_start3A_136 = arith.constant 0 : i32
      %dma_start3A_137 = arith.constant 0 : i32
      %dma_start3A_138 = tpu.memref_slice %arg9[%dma_start3A_136, %dma_start3A_137] : memref<10000x64xf32, #tpu.memory_space<vmem_shared>> -> memref<10000x64xf32, #tpu.memory_space<vmem_shared>>
      tpu.enqueue_indirect_dma source(%dma_start3A_138 : memref<10000x64xf32, #tpu.memory_space<vmem_shared>>) target(%arg16 : memref<80x64xf32, #tpu.memory_space<vmem>>) offsets(%dma_start3A_135 : memref<80xi32, #tpu.memory_space<vmem>>) semaphore(%arg20 : memref<!tpu.dma_semaphore, #tpu.memory_space<semaphore_mem>>)
      %scan3A_139 = arith.constant 0 : i32
      %scan3A_140 = arith.constant 0 : i32
      %scan3A_141 = arith.constant 25 : i32
      %scan3A_142 = arith.addi %scan3A_140, %scan3A_141 : i32
      %scan3A_143 = arith.constant 1 : i32
      scf.for %scan3A_151 = %scan3A_140 to %scan3A_142 step %scan3A_143  : i32 {
        %mul3A_152 = arith.constant 2 : i32
        %mul3A_153 = arith.muli %mul3A_152, %scan3A_151 : i32
        %add3A_154 = arith.constant 1 : i32
        %add3A_155 = arith.addi %mul3A_153, %add3A_154 : i32
        %get3A = arith.index_cast %mul3A_153 : i32 to index
        %get3A_156 = arith.constant 0 : index
        %get3A_157 = tpu.vector_load %arg14[%get3A, %get3A_156] {strides = array<i32>} : memref<50x80xi32, #tpu.memory_space<vmem>>, vector<16xi32>,
        %get3A_158 = arith.index_cast %mul3A_153 : i32 to index
        %get3A_159 = arith.constant 0 : index
        %get3A_160 = tpu.vector_load %arg15[%get3A_158, %get3A_159] {strides = array<i32>} : memref<50x80xi32, #tpu.memory_space<vmem>>, vector<16xi32>,
        %gather3A = tpu.vector_load_idx %arg11[%get3A_157] : memref<10000xf32, #tpu.memory_space<vmem>>[vector<16xi32>], vector<16xf32>,
        %gather3A_161 = tpu.vector_load_idx %arg12[%get3A_160] : memref<10000xf32, #tpu.memory_space<vmem>>[vector<16xi32>], vector<16xf32>,
        %add3A_162 = arith.addf %gather3A, %gather3A_161 : vector<16xf32>
        %ge3A = arith.constant 0.000000e+00 : f32
        %ge3A_163 = vector.broadcast %ge3A : f32 to vector<16xf32>
        %ge3A_164 = arith.cmpf oge, %add3A_162, %ge3A_163 : vector<16xf32>
        %mul3A_165 = arith.constant 2.000000e-01 : f32
        %mul3A_166 = vector.broadcast %mul3A_165 : f32 to vector<16xf32>
        %mul3A_167 = arith.mulf %add3A_162, %mul3A_166 : vector<16xf32>
        %select_n3A = arith.select %ge3A_164, %add3A_162, %mul3A_167 : vector<16xi1>, vector<16xf32>
        %exp3A = math.exp %select_n3A : vector<16xf32>
        %swap3A = arith.constant 0 : index
        %swap3A_168 = tpu.vector_load %arg18[%swap3A] {strides = array<i32>} : memref<80xf32, #tpu.memory_space<vmem>>, vector<16xf32>,
        tpu.vector_store %arg18[%swap3A], %exp3A {strides = array<i32>} : memref<80xf32, #tpu.memory_space<vmem>>, vector<16xf32>,
        tpu.vector_store_idx %arg13[%get3A_160], %exp3A {add = true} : memref<10000xf32, #tpu.memory_space<vmem>>[vector<16xi32>], vector<16xf32>,
        %get3A_169 = arith.index_cast %mul3A_153 : i32 to index
        %get3A_170 = arith.constant 16 : index
        %get3A_171 = tpu.vector_load %arg14[%get3A_169, %get3A_170] {strides = array<i32>} : memref<50x80xi32, #tpu.memory_space<vmem>>, vector<16xi32>,
        %get3A_172 = arith.index_cast %mul3A_153 : i32 to index
        %get3A_173 = arith.constant 16 : index
        %get3A_174 = tpu.vector_load %arg15[%get3A_172, %get3A_173] {strides = array<i32>} : memref<50x80xi32, #tpu.memory_space<vmem>>, vector<16xi32>,
        %gather3A_175 = tpu.vector_load_idx %arg11[%get3A_171] : memref<10000xf32, #tpu.memory_space<vmem>>[vector<16xi32>], vector<16xf32>,
        %gather3A_176 = tpu.vector_load_idx %arg12[%get3A_174] : memref<10000xf32, #tpu.memory_space<vmem>>[vector<16xi32>], vector<16xf32>,
        %add3A_177 = arith.addf %gather3A_175, %gather3A_176 : vector<16xf32>
        %ge3A_178 = arith.constant 0.000000e+00 : f32
        %ge3A_179 = vector.broadcast %ge3A_178 : f32 to vector<16xf32>
        %ge3A_180 = arith.cmpf oge, %add3A_177, %ge3A_179 : vector<16xf32>
        %mul3A_181 = arith.constant 2.000000e-01 : f32
        %mul3A_182 = vector.broadcast %mul3A_181 : f32 to vector<16xf32>
        %mul3A_183 = arith.mulf %add3A_177, %mul3A_182 : vector<16xf32>
        %select_n3A_184 = arith.select %ge3A_180, %add3A_177, %mul3A_183 : vector<16xi1>, vector<16xf32>
        %exp3A_185 = math.exp %select_n3A_184 : vector<16xf32>
        %swap3A_186 = arith.constant 16 : index
        %swap3A_187 = tpu.vector_load %arg18[%swap3A_186] {strides = array<i32>} : memref<80xf32, #tpu.memory_space<vmem>>, vector<16xf32>,
        tpu.vector_store %arg18[%swap3A_186], %exp3A_185 {strides = array<i32>} : memref<80xf32, #tpu.memory_space<vmem>>, vector<16xf32>,
        tpu.vector_store_idx %arg13[%get3A_174], %exp3A_185 {add = true} : memref<10000xf32, #tpu.memory_space<vmem>>[vector<16xi32>], vector<16xf32>,
        %get3A_188 = arith.index_cast %mul3A_153 : i32 to index
        %get3A_189 = arith.constant 32 : index
        %get3A_190 = tpu.vector_load %arg14[%get3A_188, %get3A_189] {strides = array<i32>} : memref<50x80xi32, #tpu.memory_space<vmem>>, vector<16xi32>,
        %get3A_191 = arith.index_cast %mul3A_153 : i32 to index
        %get3A_192 = arith.constant 32 : index
        %get3A_193 = tpu.vector_load %arg15[%get3A_191, %get3A_192] {strides = array<i32>} : memref<50x80xi32, #tpu.memory_space<vmem>>, vector<16xi32>,
        %gather3A_194 = tpu.vector_load_idx %arg11[%get3A_190] : memref<10000xf32, #tpu.memory_space<vmem>>[vector<16xi32>], vector<16xf32>,
        %gather3A_195 = tpu.vector_load_idx %arg12[%get3A_193] : memref<10000xf32, #tpu.memory_space<vmem>>[vector<16xi32>], vector<16xf32>,
        %add3A_196 = arith.addf %gather3A_194, %gather3A_195 : vector<16xf32>
        %ge3A_197 = arith.constant 0.000000e+00 : f32
        %ge3A_198 = vector.broadcast %ge3A_197 : f32 to vector<16xf32>
        %ge3A_199 = arith.cmpf oge, %add3A_196, %ge3A_198 : vector<16xf32>
        %mul3A_200 = arith.constant 2.000000e-01 : f32
        %mul3A_201 = vector.broadcast %mul3A_200 : f32 to vector<16xf32>
        %mul3A_202 = arith.mulf %add3A_196, %mul3A_201 : vector<16xf32>
        %select_n3A_203 = arith.select %ge3A_199, %add3A_196, %mul3A_202 : vector<16xi1>, vector<16xf32>
        %exp3A_204 = math.exp %select_n3A_203 : vector<16xf32>
        %swap3A_205 = arith.constant 32 : index
        %swap3A_206 = tpu.vector_load %arg18[%swap3A_205] {strides = array<i32>} : memref<80xf32, #tpu.memory_space<vmem>>, vector<16xf32>,
        tpu.vector_store %arg18[%swap3A_205], %exp3A_204 {strides = array<i32>} : memref<80xf32, #tpu.memory_space<vmem>>, vector<16xf32>,
        tpu.vector_store_idx %arg13[%get3A_193], %exp3A_204 {add = true} : memref<10000xf32, #tpu.memory_space<vmem>>[vector<16xi32>], vector<16xf32>,
        %get3A_207 = arith.index_cast %mul3A_153 : i32 to index
        %get3A_208 = arith.constant 48 : index
        %get3A_209 = tpu.vector_load %arg14[%get3A_207, %get3A_208] {strides = array<i32>} : memref<50x80xi32, #tpu.memory_space<vmem>>, vector<16xi32>,
        %get3A_210 = arith.index_cast %mul3A_153 : i32 to index
        %get3A_211 = arith.constant 48 : index
        %get3A_212 = tpu.vector_load %arg15[%get3A_210, %get3A_211] {strides = array<i32>} : memref<50x80xi32, #tpu.memory_space<vmem>>, vector<16xi32>,
        %gather3A_213 = tpu.vector_load_idx %arg11[%get3A_209] : memref<10000xf32, #tpu.memory_space<vmem>>[vector<16xi32>], vector<16xf32>,
        %gather3A_214 = tpu.vector_load_idx %arg12[%get3A_212] : memref<10000xf32, #tpu.memory_space<vmem>>[vector<16xi32>], vector<16xf32>,
        %add3A_215 = arith.addf %gather3A_213, %gather3A_214 : vector<16xf32>
        %ge3A_216 = arith.constant 0.000000e+00 : f32
        %ge3A_217 = vector.broadcast %ge3A_216 : f32 to vector<16xf32>
        %ge3A_218 = arith.cmpf oge, %add3A_215, %ge3A_217 : vector<16xf32>
        %mul3A_219 = arith.constant 2.000000e-01 : f32
        %mul3A_220 = vector.broadcast %mul3A_219 : f32 to vector<16xf32>
        %mul3A_221 = arith.mulf %add3A_215, %mul3A_220 : vector<16xf32>
        %select_n3A_222 = arith.select %ge3A_218, %add3A_215, %mul3A_221 : vector<16xi1>, vector<16xf32>
        %exp3A_223 = math.exp %select_n3A_222 : vector<16xf32>
        %swap3A_224 = arith.constant 48 : index
        %swap3A_225 = tpu.vector_load %arg18[%swap3A_224] {strides = array<i32>} : memref<80xf32, #tpu.memory_space<vmem>>, vector<16xf32>,
        tpu.vector_store %arg18[%swap3A_224], %exp3A_223 {strides = array<i32>} : memref<80xf32, #tpu.memory_space<vmem>>, vector<16xf32>,
        tpu.vector_store_idx %arg13[%get3A_212], %exp3A_223 {add = true} : memref<10000xf32, #tpu.memory_space<vmem>>[vector<16xi32>], vector<16xf32>,
        %get3A_226 = arith.index_cast %mul3A_153 : i32 to index
        %get3A_227 = arith.constant 64 : index
        %get3A_228 = tpu.vector_load %arg14[%get3A_226, %get3A_227] {strides = array<i32>} : memref<50x80xi32, #tpu.memory_space<vmem>>, vector<16xi32>,
        %get3A_229 = arith.index_cast %mul3A_153 : i32 to index
        %get3A_230 = arith.constant 64 : index
        %get3A_231 = tpu.vector_load %arg15[%get3A_229, %get3A_230] {strides = array<i32>} : memref<50x80xi32, #tpu.memory_space<vmem>>, vector<16xi32>,
        %gather3A_232 = tpu.vector_load_idx %arg11[%get3A_228] : memref<10000xf32, #tpu.memory_space<vmem>>[vector<16xi32>], vector<16xf32>,
        %gather3A_233 = tpu.vector_load_idx %arg12[%get3A_231] : memref<10000xf32, #tpu.memory_space<vmem>>[vector<16xi32>], vector<16xf32>,
        %add3A_234 = arith.addf %gather3A_232, %gather3A_233 : vector<16xf32>
        %ge3A_235 = arith.constant 0.000000e+00 : f32
        %ge3A_236 = vector.broadcast %ge3A_235 : f32 to vector<16xf32>
        %ge3A_237 = arith.cmpf oge, %add3A_234, %ge3A_236 : vector<16xf32>
        %mul3A_238 = arith.constant 2.000000e-01 : f32
        %mul3A_239 = vector.broadcast %mul3A_238 : f32 to vector<16xf32>
        %mul3A_240 = arith.mulf %add3A_234, %mul3A_239 : vector<16xf32>
        %select_n3A_241 = arith.select %ge3A_237, %add3A_234, %mul3A_240 : vector<16xi1>, vector<16xf32>
        %exp3A_242 = math.exp %select_n3A_241 : vector<16xf32>
        %swap3A_243 = arith.constant 64 : index
        %swap3A_244 = tpu.vector_load %arg18[%swap3A_243] {strides = array<i32>} : memref<80xf32, #tpu.memory_space<vmem>>, vector<16xf32>,
        tpu.vector_store %arg18[%swap3A_243], %exp3A_242 {strides = array<i32>} : memref<80xf32, #tpu.memory_space<vmem>>, vector<16xf32>,
        tpu.vector_store_idx %arg13[%get3A_231], %exp3A_242 {add = true} : memref<10000xf32, #tpu.memory_space<vmem>>[vector<16xi32>], vector<16xf32>,
        %dma_wait3A_245 = arith.constant 0 : i32
        %dma_wait3A_246 = tpu.memref_slice %arg14[%mul3A_153, %dma_wait3A_245] : memref<50x80xi32, #tpu.memory_space<vmem>> -> memref<1x80xi32, #tpu.memory_space<vmem>>
        %dma_wait3A_247 = tpu.memref_squeeze %dma_wait3A_246 : memref<1x80xi32, #tpu.memory_space<vmem>> -> memref<80xi32, #tpu.memory_space<vmem>>
        %dma_wait3A_248 = arith.constant 0 : i32
        %dma_wait3A_249 = arith.constant 0 : i32
        %dma_wait3A_250 = tpu.memref_slice %arg9[%dma_wait3A_248, %dma_wait3A_249] : memref<10000x64xf32, #tpu.memory_space<vmem_shared>> -> memref<10000x64xf32, #tpu.memory_space<vmem_shared>>
        tpu.wait_indirect_dma semaphore(%arg20 : memref<!tpu.dma_semaphore, #tpu.memory_space<semaphore_mem>>) src(%dma_wait3A_250 : memref<10000x64xf32, #tpu.memory_space<vmem_shared>>) dst(%arg16 : memref<80x64xf32, #tpu.memory_space<vmem>>)
        %gt3A = arith.constant 0 : i32
        %gt3A_251 = arith.cmpi sgt, %scan3A_151, %gt3A : i32
        %convert_element_type3A_252 = arith.extui %gt3A_251 : i1 to i32
        %cond3A_253 = arith.constant 0 : i32
        %cond3A_254 = arith.cmpi ne, %convert_element_type3A_252, %cond3A_253 : i32
        scf.if %cond3A_254 {
          %dma_wait3A_389 = arith.constant 0 : i32
          %dma_wait3A_390 = tpu.memref_slice %arg15[%add3A_155, %dma_wait3A_389] : memref<50x80xi32, #tpu.memory_space<vmem>> -> memref<1x80xi32, #tpu.memory_space<vmem>>
          %dma_wait3A_391 = tpu.memref_squeeze %dma_wait3A_390 : memref<1x80xi32, #tpu.memory_space<vmem>> -> memref<80xi32, #tpu.memory_space<vmem>>
          %dma_wait3A_392 = arith.constant 0 : i32
          %dma_wait3A_393 = arith.constant 0 : i32
          %dma_wait3A_394 = tpu.memref_slice %arg10[%dma_wait3A_392, %dma_wait3A_393] : memref<10000x64xf32, #tpu.memory_space<vmem_shared>> -> memref<10000x64xf32, #tpu.memory_space<vmem_shared>>
          tpu.wait_indirect_dma semaphore(%arg23 : memref<!tpu.dma_semaphore, #tpu.memory_space<semaphore_mem>>) src(%arg17 : memref<80x64xf32, #tpu.memory_space<vmem>>) dst(%dma_wait3A_394 : memref<10000x64xf32, #tpu.memory_space<vmem_shared>>)
        } else {
        }
        %dma_start3A_255 = arith.constant 0 : i32
        %dma_start3A_256 = tpu.memref_slice %arg14[%add3A_155, %dma_start3A_255] : memref<50x80xi32, #tpu.memory_space<vmem>> -> memref<1x80xi32, #tpu.memory_space<vmem>>
        %dma_start3A_257 = tpu.memref_squeeze %dma_start3A_256 : memref<1x80xi32, #tpu.memory_space<vmem>> -> memref<80xi32, #tpu.memory_space<vmem>>
        %dma_start3A_258 = arith.constant 0 : i32
        %dma_start3A_259 = arith.constant 0 : i32
        %dma_start3A_260 = tpu.memref_slice %arg9[%dma_start3A_258, %dma_start3A_259] : memref<10000x64xf32, #tpu.memory_space<vmem_shared>> -> memref<10000x64xf32, #tpu.memory_space<vmem_shared>>
        tpu.enqueue_indirect_dma source(%dma_start3A_260 : memref<10000x64xf32, #tpu.memory_space<vmem_shared>>) target(%arg17 : memref<80x64xf32, #tpu.memory_space<vmem>>) offsets(%dma_start3A_257 : memref<80xi32, #tpu.memory_space<vmem>>) semaphore(%arg21 : memref<!tpu.dma_semaphore, #tpu.memory_space<semaphore_mem>>)
        %parallel_loop3A = arith.constant 0 : i32
        %parallel_loop3A_261 = arith.constant 5 : i32
        %parallel_loop3A_262 = arith.constant 1 : i32
        scf.for %parallel_loop3A_389 = %parallel_loop3A to %parallel_loop3A_261 step %parallel_loop3A_262  : i32 {
          %parallel_loop3A_390 = arith.constant 16 : i32
          %parallel_loop3A_391 = arith.muli %parallel_loop3A_389, %parallel_loop3A_390 : i32
          %parallel_loop3A_392 = arith.index_cast %parallel_loop3A_391 : i32 to index
          %parallel_loop3A_393 = tpu.vector_load %arg18[%parallel_loop3A_392] {strides = array<i32>} : memref<80xf32, #tpu.memory_space<vmem>>, vector<16xf32>,
          %parallel_loop3A_394 = vector.extract_strided_slice %parallel_loop3A_393 {offsets = [0], sizes = [1], strides = [1]} : vector<16xf32> to vector<1xf32>
          %parallel_loop3A_395 = vector.extract %parallel_loop3A_394[0] : f32 from vector<1xf32>
          %parallel_loop3A_396 = arith.constant 16 : i32
          %parallel_loop3A_397 = arith.muli %parallel_loop3A_389, %parallel_loop3A_396 : i32
          %parallel_loop3A_398 = arith.constant 0 : i32
          %parallel_loop3A_399 = arith.addi %parallel_loop3A_397, %parallel_loop3A_398 : i32
          %parallel_loop3A_400 = arith.index_cast %parallel_loop3A_399 : i32 to index
          %parallel_loop3A_401 = arith.constant 0 : index
          %parallel_loop3A_402 = tpu.vector_load %arg16[%parallel_loop3A_400, %parallel_loop3A_401] {strides = array<i32>} : memref<80x64xf32, #tpu.memory_space<vmem>>, vector<16xf32>,
          %parallel_loop3A_403 = vector.broadcast %parallel_loop3A_395 : f32 to vector<16xf32>
          %parallel_loop3A_404 = arith.mulf %parallel_loop3A_402, %parallel_loop3A_403 : vector<16xf32>
          %parallel_loop3A_405 = arith.index_cast %parallel_loop3A_399 : i32 to index
          %parallel_loop3A_406 = arith.constant 0 : index
          %parallel_loop3A_407 = tpu.vector_load %arg16[%parallel_loop3A_405, %parallel_loop3A_406] {strides = array<i32>} : memref<80x64xf32, #tpu.memory_space<vmem>>, vector<16xf32>,
          tpu.vector_store %arg16[%parallel_loop3A_405, %parallel_loop3A_406], %parallel_loop3A_404 {strides = array<i32>} : memref<80x64xf32, #tpu.memory_space<vmem>>, vector<16xf32>,
          %parallel_loop3A_408 = arith.index_cast %parallel_loop3A_399 : i32 to index
          %parallel_loop3A_409 = arith.constant 16 : index
          %parallel_loop3A_410 = tpu.vector_load %arg16[%parallel_loop3A_408, %parallel_loop3A_409] {strides = array<i32>} : memref<80x64xf32, #tpu.memory_space<vmem>>, vector<16xf32>,
          %parallel_loop3A_411 = vector.broadcast %parallel_loop3A_395 : f32 to vector<16xf32>
          %parallel_loop3A_412 = arith.mulf %parallel_loop3A_410, %parallel_loop3A_411 : vector<16xf32>
          %parallel_loop3A_413 = arith.index_cast %parallel_loop3A_399 : i32 to index
          %parallel_loop3A_414 = arith.constant 16 : index
          %parallel_loop3A_415 = tpu.vector_load %arg16[%parallel_loop3A_413, %parallel_loop3A_414] {strides = array<i32>} : memref<80x64xf32, #tpu.memory_space<vmem>>, vector<16xf32>,
          tpu.vector_store %arg16[%parallel_loop3A_413, %parallel_loop3A_414], %parallel_loop3A_412 {strides = array<i32>} : memref<80x64xf32, #tpu.memory_space<vmem>>, vector<16xf32>,
          %parallel_loop3A_416 = arith.index_cast %parallel_loop3A_399 : i32 to index
          %parallel_loop3A_417 = arith.constant 32 : index
          %parallel_loop3A_418 = tpu.vector_load %arg16[%parallel_loop3A_416, %parallel_loop3A_417] {strides = array<i32>} : memref<80x64xf32, #tpu.memory_space<vmem>>, vector<16xf32>,
          %parallel_loop3A_419 = vector.broadcast %parallel_loop3A_395 : f32 to vector<16xf32>
          %parallel_loop3A_420 = arith.mulf %parallel_loop3A_418, %parallel_loop3A_419 : vector<16xf32>
          %parallel_loop3A_421 = arith.index_cast %parallel_loop3A_399 : i32 to index
          %parallel_loop3A_422 = arith.constant 32 : index
          %parallel_loop3A_423 = tpu.vector_load %arg16[%parallel_loop3A_421, %parallel_loop3A_422] {strides = array<i32>} : memref<80x64xf32, #tpu.memory_space<vmem>>, vector<16xf32>,
          tpu.vector_store %arg16[%parallel_loop3A_421, %parallel_loop3A_422], %parallel_loop3A_420 {strides = array<i32>} : memref<80x64xf32, #tpu.memory_space<vmem>>, vector<16xf32>,
          %parallel_loop3A_424 = arith.index_cast %parallel_loop3A_399 : i32 to index
          %parallel_loop3A_425 = arith.constant 48 : index
          %parallel_loop3A_426 = tpu.vector_load %arg16[%parallel_loop3A_424, %parallel_loop3A_425] {strides = array<i32>} : memref<80x64xf32, #tpu.memory_space<vmem>>, vector<16xf32>,
          %parallel_loop3A_427 = vector.broadcast %parallel_loop3A_395 : f32 to vector<16xf32>
          %parallel_loop3A_428 = arith.mulf %parallel_loop3A_426, %parallel_loop3A_427 : vector<16xf32>
          %parallel_loop3A_429 = arith.index_cast %parallel_loop3A_399 : i32 to index
          %parallel_loop3A_430 = arith.constant 48 : index
          %parallel_loop3A_431 = tpu.vector_load %arg16[%parallel_loop3A_429, %parallel_loop3A_430] {strides = array<i32>} : memref<80x64xf32, #tpu.memory_space<vmem>>, vector<16xf32>,
          tpu.vector_store %arg16[%parallel_loop3A_429, %parallel_loop3A_430], %parallel_loop3A_428 {strides = array<i32>} : memref<80x64xf32, #tpu.memory_space<vmem>>, vector<16xf32>,
          %parallel_loop3A_432 = vector.extract_strided_slice %parallel_loop3A_393 {offsets = [1], sizes = [1], strides = [1]} : vector<16xf32> to vector<1xf32>
          %parallel_loop3A_433 = vector.extract %parallel_loop3A_432[0] : f32 from vector<1xf32>
          %parallel_loop3A_434 = arith.constant 16 : i32
          %parallel_loop3A_435 = arith.muli %parallel_loop3A_389, %parallel_loop3A_434 : i32
          %parallel_loop3A_436 = arith.constant 1 : i32
          %parallel_loop3A_437 = arith.addi %parallel_loop3A_435, %parallel_loop3A_436 : i32
          %parallel_loop3A_438 = arith.index_cast %parallel_loop3A_437 : i32 to index
          %parallel_loop3A_439 = arith.constant 0 : index
          %parallel_loop3A_440 = tpu.vector_load %arg16[%parallel_loop3A_438, %parallel_loop3A_439] {strides = array<i32>} : memref<80x64xf32, #tpu.memory_space<vmem>>, vector<16xf32>,
          %parallel_loop3A_441 = vector.broadcast %parallel_loop3A_433 : f32 to vector<16xf32>
          %parallel_loop3A_442 = arith.mulf %parallel_loop3A_440, %parallel_loop3A_441 : vector<16xf32>
          %parallel_loop3A_443 = arith.index_cast %parallel_loop3A_437 : i32 to index
          %parallel_loop3A_444 = arith.constant 0 : index
          %parallel_loop3A_445 = tpu.vector_load %arg16[%parallel_loop3A_443, %parallel_loop3A_444] {strides = array<i32>} : memref<80x64xf32, #tpu.memory_space<vmem>>, vector<16xf32>,
          tpu.vector_store %arg16[%parallel_loop3A_443, %parallel_loop3A_444], %parallel_loop3A_442 {strides = array<i32>} : memref<80x64xf32, #tpu.memory_space<vmem>>, vector<16xf32>,
          %parallel_loop3A_446 = arith.index_cast %parallel_loop3A_437 : i32 to index
          %parallel_loop3A_447 = arith.constant 16 : index
          %parallel_loop3A_448 = tpu.vector_load %arg16[%parallel_loop3A_446, %parallel_loop3A_447] {strides = array<i32>} : memref<80x64xf32, #tpu.memory_space<vmem>>, vector<16xf32>,
          %parallel_loop3A_449 = vector.broadcast %parallel_loop3A_433 : f32 to vector<16xf32>
          %parallel_loop3A_450 = arith.mulf %parallel_loop3A_448, %parallel_loop3A_449 : vector<16xf32>
          %parallel_loop3A_451 = arith.index_cast %parallel_loop3A_437 : i32 to index
          %parallel_loop3A_452 = arith.constant 16 : index
          %parallel_loop3A_453 = tpu.vector_load %arg16[%parallel_loop3A_451, %parallel_loop3A_452] {strides = array<i32>} : memref<80x64xf32, #tpu.memory_space<vmem>>, vector<16xf32>,
          tpu.vector_store %arg16[%parallel_loop3A_451, %parallel_loop3A_452], %parallel_loop3A_450 {strides = array<i32>} : memref<80x64xf32, #tpu.memory_space<vmem>>, vector<16xf32>,
          %parallel_loop3A_454 = arith.index_cast %parallel_loop3A_437 : i32 to index
          %parallel_loop3A_455 = arith.constant 32 : index
          %parallel_loop3A_456 = tpu.vector_load %arg16[%parallel_loop3A_454, %parallel_loop3A_455] {strides = array<i32>} : memref<80x64xf32, #tpu.memory_space<vmem>>, vector<16xf32>,
          %parallel_loop3A_457 = vector.broadcast %parallel_loop3A_433 : f32 to vector<16xf32>
          %parallel_loop3A_458 = arith.mulf %parallel_loop3A_456, %parallel_loop3A_457 : vector<16xf32>
          %parallel_loop3A_459 = arith.index_cast %parallel_loop3A_437 : i32 to index
          %parallel_loop3A_460 = arith.constant 32 : index
          %parallel_loop3A_461 = tpu.vector_load %arg16[%parallel_loop3A_459, %parallel_loop3A_460] {strides = array<i32>} : memref<80x64xf32, #tpu.memory_space<vmem>>, vector<16xf32>,
          tpu.vector_store %arg16[%parallel_loop3A_459, %parallel_loop3A_460], %parallel_loop3A_458 {strides = array<i32>} : memref<80x64xf32, #tpu.memory_space<vmem>>, vector<16xf32>,
          %parallel_loop3A_462 = arith.index_cast %parallel_loop3A_437 : i32 to index
          %parallel_loop3A_463 = arith.constant 48 : index
          %parallel_loop3A_464 = tpu.vector_load %arg16[%parallel_loop3A_462, %parallel_loop3A_463] {strides = array<i32>} : memref<80x64xf32, #tpu.memory_space<vmem>>, vector<16xf32>,
          %parallel_loop3A_465 = vector.broadcast %parallel_loop3A_433 : f32 to vector<16xf32>
          %parallel_loop3A_466 = arith.mulf %parallel_loop3A_464, %parallel_loop3A_465 : vector<16xf32>
          %parallel_loop3A_467 = arith.index_cast %parallel_loop3A_437 : i32 to index
          %parallel_loop3A_468 = arith.constant 48 : index
          %parallel_loop3A_469 = tpu.vector_load %arg16[%parallel_loop3A_467, %parallel_loop3A_468] {strides = array<i32>} : memref<80x64xf32, #tpu.memory_space<vmem>>, vector<16xf32>,
          tpu.vector_store %arg16[%parallel_loop3A_467, %parallel_loop3A_468], %parallel_loop3A_466 {strides = array<i32>} : memref<80x64xf32, #tpu.memory_space<vmem>>, vector<16xf32>,
          %parallel_loop3A_470 = vector.extract_strided_slice %parallel_loop3A_393 {offsets = [2], sizes = [1], strides = [1]} : vector<16xf32> to vector<1xf32>
          %parallel_loop3A_471 = vector.extract %parallel_loop3A_470[0] : f32 from vector<1xf32>
          %parallel_loop3A_472 = arith.constant 16 : i32
          %parallel_loop3A_473 = arith.muli %parallel_loop3A_389, %parallel_loop3A_472 : i32
          %parallel_loop3A_474 = arith.constant 2 : i32
          %parallel_loop3A_475 = arith.addi %parallel_loop3A_473, %parallel_loop3A_474 : i32
          %parallel_loop3A_476 = arith.index_cast %parallel_loop3A_475 : i32 to index
          %parallel_loop3A_477 = arith.constant 0 : index
          %parallel_loop3A_478 = tpu.vector_load %arg16[%parallel_loop3A_476, %parallel_loop3A_477] {strides = array<i32>} : memref<80x64xf32, #tpu.memory_space<vmem>>, vector<16xf32>,
          %parallel_loop3A_479 = vector.broadcast %parallel_loop3A_471 : f32 to vector<16xf32>
          %parallel_loop3A_480 = arith.mulf %parallel_loop3A_478, %parallel_loop3A_479 : vector<16xf32>
          %parallel_loop3A_481 = arith.index_cast %parallel_loop3A_475 : i32 to index
          %parallel_loop3A_482 = arith.constant 0 : index
          %parallel_loop3A_483 = tpu.vector_load %arg16[%parallel_loop3A_481, %parallel_loop3A_482] {strides = array<i32>} : memref<80x64xf32, #tpu.memory_space<vmem>>, vector<16xf32>,
          tpu.vector_store %arg16[%parallel_loop3A_481, %parallel_loop3A_482], %parallel_loop3A_480 {strides = array<i32>} : memref<80x64xf32, #tpu.memory_space<vmem>>, vector<16xf32>,
          %parallel_loop3A_484 = arith.index_cast %parallel_loop3A_475 : i32 to index
          %parallel_loop3A_485 = arith.constant 16 : index
          %parallel_loop3A_486 = tpu.vector_load %arg16[%parallel_loop3A_484, %parallel_loop3A_485] {strides = array<i32>} : memref<80x64xf32, #tpu.memory_space<vmem>>, vector<16xf32>,
          %parallel_loop3A_487 = vector.broadcast %parallel_loop3A_471 : f32 to vector<16xf32>
          %parallel_loop3A_488 = arith.mulf %parallel_loop3A_486, %parallel_loop3A_487 : vector<16xf32>
          %parallel_loop3A_489 = arith.index_cast %parallel_loop3A_475 : i32 to index
          %parallel_loop3A_490 = arith.constant 16 : index
          %parallel_loop3A_491 = tpu.vector_load %arg16[%parallel_loop3A_489, %parallel_loop3A_490] {strides = array<i32>} : memref<80x64xf32, #tpu.memory_space<vmem>>, vector<16xf32>,
          tpu.vector_store %arg16[%parallel_loop3A_489, %parallel_loop3A_490], %parallel_loop3A_488 {strides = array<i32>} : memref<80x64xf32, #tpu.memory_space<vmem>>, vector<16xf32>,
          %parallel_loop3A_492 = arith.index_cast %parallel_loop3A_475 : i32 to index
          %parallel_loop3A_493 = arith.constant 32 : index
          %parallel_loop3A_494 = tpu.vector_load %arg16[%parallel_loop3A_492, %parallel_loop3A_493] {strides = array<i32>} : memref<80x64xf32, #tpu.memory_space<vmem>>, vector<16xf32>,
          %parallel_loop3A_495 = vector.broadcast %parallel_loop3A_471 : f32 to vector<16xf32>
          %parallel_loop3A_496 = arith.mulf %parallel_loop3A_494, %parallel_loop3A_495 : vector<16xf32>
          %parallel_loop3A_497 = arith.index_cast %parallel_loop3A_475 : i32 to index
          %parallel_loop3A_498 = arith.constant 32 : index
          %parallel_loop3A_499 = tpu.vector_load %arg16[%parallel_loop3A_497, %parallel_loop3A_498] {strides = array<i32>} : memref<80x64xf32, #tpu.memory_space<vmem>>, vector<16xf32>,
          tpu.vector_store %arg16[%parallel_loop3A_497, %parallel_loop3A_498], %parallel_loop3A_496 {strides = array<i32>} : memref<80x64xf32, #tpu.memory_space<vmem>>, vector<16xf32>,
          %parallel_loop3A_500 = arith.index_cast %parallel_loop3A_475 : i32 to index
          %parallel_loop3A_501 = arith.constant 48 : index
          %parallel_loop3A_502 = tpu.vector_load %arg16[%parallel_loop3A_500, %parallel_loop3A_501] {strides = array<i32>} : memref<80x64xf32, #tpu.memory_space<vmem>>, vector<16xf32>,
          %parallel_loop3A_503 = vector.broadcast %parallel_loop3A_471 : f32 to vector<16xf32>
          %parallel_loop3A_504 = arith.mulf %parallel_loop3A_502, %parallel_loop3A_503 : vector<16xf32>
          %parallel_loop3A_505 = arith.index_cast %parallel_loop3A_475 : i32 to index
          %parallel_loop3A_506 = arith.constant 48 : index
          %parallel_loop3A_507 = tpu.vector_load %arg16[%parallel_loop3A_505, %parallel_loop3A_506] {strides = array<i32>} : memref<80x64xf32, #tpu.memory_space<vmem>>, vector<16xf32>,
          tpu.vector_store %arg16[%parallel_loop3A_505, %parallel_loop3A_506], %parallel_loop3A_504 {strides = array<i32>} : memref<80x64xf32, #tpu.memory_space<vmem>>, vector<16xf32>,
          %parallel_loop3A_508 = vector.extract_strided_slice %parallel_loop3A_393 {offsets = [3], sizes = [1], strides = [1]} : vector<16xf32> to vector<1xf32>
          %parallel_loop3A_509 = vector.extract %parallel_loop3A_508[0] : f32 from vector<1xf32>
          %parallel_loop3A_510 = arith.constant 16 : i32
          %parallel_loop3A_511 = arith.muli %parallel_loop3A_389, %parallel_loop3A_510 : i32
          %parallel_loop3A_512 = arith.constant 3 : i32
          %parallel_loop3A_513 = arith.addi %parallel_loop3A_511, %parallel_loop3A_512 : i32
          %parallel_loop3A_514 = arith.index_cast %parallel_loop3A_513 : i32 to index
          %parallel_loop3A_515 = arith.constant 0 : index
          %parallel_loop3A_516 = tpu.vector_load %arg16[%parallel_loop3A_514, %parallel_loop3A_515] {strides = array<i32>} : memref<80x64xf32, #tpu.memory_space<vmem>>, vector<16xf32>,
          %parallel_loop3A_517 = vector.broadcast %parallel_loop3A_509 : f32 to vector<16xf32>
          %parallel_loop3A_518 = arith.mulf %parallel_loop3A_516, %parallel_loop3A_517 : vector<16xf32>
          %parallel_loop3A_519 = arith.index_cast %parallel_loop3A_513 : i32 to index
          %parallel_loop3A_520 = arith.constant 0 : index
          %parallel_loop3A_521 = tpu.vector_load %arg16[%parallel_loop3A_519, %parallel_loop3A_520] {strides = array<i32>} : memref<80x64xf32, #tpu.memory_space<vmem>>, vector<16xf32>,
          tpu.vector_store %arg16[%parallel_loop3A_519, %parallel_loop3A_520], %parallel_loop3A_518 {strides = array<i32>} : memref<80x64xf32, #tpu.memory_space<vmem>>, vector<16xf32>,
          %parallel_loop3A_522 = arith.index_cast %parallel_loop3A_513 : i32 to index
          %parallel_loop3A_523 = arith.constant 16 : index
          %parallel_loop3A_524 = tpu.vector_load %arg16[%parallel_loop3A_522, %parallel_loop3A_523] {strides = array<i32>} : memref<80x64xf32, #tpu.memory_space<vmem>>, vector<16xf32>,
          %parallel_loop3A_525 = vector.broadcast %parallel_loop3A_509 : f32 to vector<16xf32>
          %parallel_loop3A_526 = arith.mulf %parallel_loop3A_524, %parallel_loop3A_525 : vector<16xf32>
          %parallel_loop3A_527 = arith.index_cast %parallel_loop3A_513 : i32 to index
          %parallel_loop3A_528 = arith.constant 16 : index
          %parallel_loop3A_529 = tpu.vector_load %arg16[%parallel_loop3A_527, %parallel_loop3A_528] {strides = array<i32>} : memref<80x64xf32, #tpu.memory_space<vmem>>, vector<16xf32>,
          tpu.vector_store %arg16[%parallel_loop3A_527, %parallel_loop3A_528], %parallel_loop3A_526 {strides = array<i32>} : memref<80x64xf32, #tpu.memory_space<vmem>>, vector<16xf32>,
          %parallel_loop3A_530 = arith.index_cast %parallel_loop3A_513 : i32 to index
          %parallel_loop3A_531 = arith.constant 32 : index
          %parallel_loop3A_532 = tpu.vector_load %arg16[%parallel_loop3A_530, %parallel_loop3A_531] {strides = array<i32>} : memref<80x64xf32, #tpu.memory_space<vmem>>, vector<16xf32>,
          %parallel_loop3A_533 = vector.broadcast %parallel_loop3A_509 : f32 to vector<16xf32>
          %parallel_loop3A_534 = arith.mulf %parallel_loop3A_532, %parallel_loop3A_533 : vector<16xf32>
          %parallel_loop3A_535 = arith.index_cast %parallel_loop3A_513 : i32 to index
          %parallel_loop3A_536 = arith.constant 32 : index
          %parallel_loop3A_537 = tpu.vector_load %arg16[%parallel_loop3A_535, %parallel_loop3A_536] {strides = array<i32>} : memref<80x64xf32, #tpu.memory_space<vmem>>, vector<16xf32>,
          tpu.vector_store %arg16[%parallel_loop3A_535, %parallel_loop3A_536], %parallel_loop3A_534 {strides = array<i32>} : memref<80x64xf32, #tpu.memory_space<vmem>>, vector<16xf32>,
          %parallel_loop3A_538 = arith.index_cast %parallel_loop3A_513 : i32 to index
          %parallel_loop3A_539 = arith.constant 48 : index
          %parallel_loop3A_540 = tpu.vector_load %arg16[%parallel_loop3A_538, %parallel_loop3A_539] {strides = array<i32>} : memref<80x64xf32, #tpu.memory_space<vmem>>, vector<16xf32>,
          %parallel_loop3A_541 = vector.broadcast %parallel_loop3A_509 : f32 to vector<16xf32>
          %parallel_loop3A_542 = arith.mulf %parallel_loop3A_540, %parallel_loop3A_541 : vector<16xf32>
          %parallel_loop3A_543 = arith.index_cast %parallel_loop3A_513 : i32 to index
          %parallel_loop3A_544 = arith.constant 48 : index
          %parallel_loop3A_545 = tpu.vector_load %arg16[%parallel_loop3A_543, %parallel_loop3A_544] {strides = array<i32>} : memref<80x64xf32, #tpu.memory_space<vmem>>, vector<16xf32>,
          tpu.vector_store %arg16[%parallel_loop3A_543, %parallel_loop3A_544], %parallel_loop3A_542 {strides = array<i32>} : memref<80x64xf32, #tpu.memory_space<vmem>>, vector<16xf32>,
          %parallel_loop3A_546 = vector.extract_strided_slice %parallel_loop3A_393 {offsets = [4], sizes = [1], strides = [1]} : vector<16xf32> to vector<1xf32>
          %parallel_loop3A_547 = vector.extract %parallel_loop3A_546[0] : f32 from vector<1xf32>
          %parallel_loop3A_548 = arith.constant 16 : i32
          %parallel_loop3A_549 = arith.muli %parallel_loop3A_389, %parallel_loop3A_548 : i32
          %parallel_loop3A_550 = arith.constant 4 : i32
          %parallel_loop3A_551 = arith.addi %parallel_loop3A_549, %parallel_loop3A_550 : i32
          %parallel_loop3A_552 = arith.index_cast %parallel_loop3A_551 : i32 to index
          %parallel_loop3A_553 = arith.constant 0 : index
          %parallel_loop3A_554 = tpu.vector_load %arg16[%parallel_loop3A_552, %parallel_loop3A_553] {strides = array<i32>} : memref<80x64xf32, #tpu.memory_space<vmem>>, vector<16xf32>,
          %parallel_loop3A_555 = vector.broadcast %parallel_loop3A_547 : f32 to vector<16xf32>
          %parallel_loop3A_556 = arith.mulf %parallel_loop3A_554, %parallel_loop3A_555 : vector<16xf32>
          %parallel_loop3A_557 = arith.index_cast %parallel_loop3A_551 : i32 to index
          %parallel_loop3A_558 = arith.constant 0 : index
          %parallel_loop3A_559 = tpu.vector_load %arg16[%parallel_loop3A_557, %parallel_loop3A_558] {strides = array<i32>} : memref<80x64xf32, #tpu.memory_space<vmem>>, vector<16xf32>,
          tpu.vector_store %arg16[%parallel_loop3A_557, %parallel_loop3A_558], %parallel_loop3A_556 {strides = array<i32>} : memref<80x64xf32, #tpu.memory_space<vmem>>, vector<16xf32>,
          %parallel_loop3A_560 = arith.index_cast %parallel_loop3A_551 : i32 to index
          %parallel_loop3A_561 = arith.constant 16 : index
          %parallel_loop3A_562 = tpu.vector_load %arg16[%parallel_loop3A_560, %parallel_loop3A_561] {strides = array<i32>} : memref<80x64xf32, #tpu.memory_space<vmem>>, vector<16xf32>,
          %parallel_loop3A_563 = vector.broadcast %parallel_loop3A_547 : f32 to vector<16xf32>
          %parallel_loop3A_564 = arith.mulf %parallel_loop3A_562, %parallel_loop3A_563 : vector<16xf32>
          %parallel_loop3A_565 = arith.index_cast %parallel_loop3A_551 : i32 to index
          %parallel_loop3A_566 = arith.constant 16 : index
          %parallel_loop3A_567 = tpu.vector_load %arg16[%parallel_loop3A_565, %parallel_loop3A_566] {strides = array<i32>} : memref<80x64xf32, #tpu.memory_space<vmem>>, vector<16xf32>,
          tpu.vector_store %arg16[%parallel_loop3A_565, %parallel_loop3A_566], %parallel_loop3A_564 {strides = array<i32>} : memref<80x64xf32, #tpu.memory_space<vmem>>, vector<16xf32>,
          %parallel_loop3A_568 = arith.index_cast %parallel_loop3A_551 : i32 to index
          %parallel_loop3A_569 = arith.constant 32 : index
          %parallel_loop3A_570 = tpu.vector_load %arg16[%parallel_loop3A_568, %parallel_loop3A_569] {strides = array<i32>} : memref<80x64xf32, #tpu.memory_space<vmem>>, vector<16xf32>,
          %parallel_loop3A_571 = vector.broadcast %parallel_loop3A_547 : f32 to vector<16xf32>
          %parallel_loop3A_572 = arith.mulf %parallel_loop3A_570, %parallel_loop3A_571 : vector<16xf32>
          %parallel_loop3A_573 = arith.index_cast %parallel_loop3A_551 : i32 to index
          %parallel_loop3A_574 = arith.constant 32 : index
          %parallel_loop3A_575 = tpu.vector_load %arg16[%parallel_loop3A_573, %parallel_loop3A_574] {strides = array<i32>} : memref<80x64xf32, #tpu.memory_space<vmem>>, vector<16xf32>,
          tpu.vector_store %arg16[%parallel_loop3A_573, %parallel_loop3A_574], %parallel_loop3A_572 {strides = array<i32>} : memref<80x64xf32, #tpu.memory_space<vmem>>, vector<16xf32>,
          %parallel_loop3A_576 = arith.index_cast %parallel_loop3A_551 : i32 to index
          %parallel_loop3A_577 = arith.constant 48 : index
          %parallel_loop3A_578 = tpu.vector_load %arg16[%parallel_loop3A_576, %parallel_loop3A_577] {strides = array<i32>} : memref<80x64xf32, #tpu.memory_space<vmem>>, vector<16xf32>,
          %parallel_loop3A_579 = vector.broadcast %parallel_loop3A_547 : f32 to vector<16xf32>
          %parallel_loop3A_580 = arith.mulf %parallel_loop3A_578, %parallel_loop3A_579 : vector<16xf32>
          %parallel_loop3A_581 = arith.index_cast %parallel_loop3A_551 : i32 to index
          %parallel_loop3A_582 = arith.constant 48 : index
          %parallel_loop3A_583 = tpu.vector_load %arg16[%parallel_loop3A_581, %parallel_loop3A_582] {strides = array<i32>} : memref<80x64xf32, #tpu.memory_space<vmem>>, vector<16xf32>,
          tpu.vector_store %arg16[%parallel_loop3A_581, %parallel_loop3A_582], %parallel_loop3A_580 {strides = array<i32>} : memref<80x64xf32, #tpu.memory_space<vmem>>, vector<16xf32>,
          %parallel_loop3A_584 = vector.extract_strided_slice %parallel_loop3A_393 {offsets = [5], sizes = [1], strides = [1]} : vector<16xf32> to vector<1xf32>
          %parallel_loop3A_585 = vector.extract %parallel_loop3A_584[0] : f32 from vector<1xf32>
          %parallel_loop3A_586 = arith.constant 16 : i32
          %parallel_loop3A_587 = arith.muli %parallel_loop3A_389, %parallel_loop3A_586 : i32
          %parallel_loop3A_588 = arith.constant 5 : i32
          %parallel_loop3A_589 = arith.addi %parallel_loop3A_587, %parallel_loop3A_588 : i32
          %parallel_loop3A_590 = arith.index_cast %parallel_loop3A_589 : i32 to index
          %parallel_loop3A_591 = arith.constant 0 : index
          %parallel_loop3A_592 = tpu.vector_load %arg16[%parallel_loop3A_590, %parallel_loop3A_591] {strides = array<i32>} : memref<80x64xf32, #tpu.memory_space<vmem>>, vector<16xf32>,
          %parallel_loop3A_593 = vector.broadcast %parallel_loop3A_585 : f32 to vector<16xf32>
          %parallel_loop3A_594 = arith.mulf %parallel_loop3A_592, %parallel_loop3A_593 : vector<16xf32>
          %parallel_loop3A_595 = arith.index_cast %parallel_loop3A_589 : i32 to index
          %parallel_loop3A_596 = arith.constant 0 : index
          %parallel_loop3A_597 = tpu.vector_load %arg16[%parallel_loop3A_595, %parallel_loop3A_596] {strides = array<i32>} : memref<80x64xf32, #tpu.memory_space<vmem>>, vector<16xf32>,
          tpu.vector_store %arg16[%parallel_loop3A_595, %parallel_loop3A_596], %parallel_loop3A_594 {strides = array<i32>} : memref<80x64xf32, #tpu.memory_space<vmem>>, vector<16xf32>,
          %parallel_loop3A_598 = arith.index_cast %parallel_loop3A_589 : i32 to index
          %parallel_loop3A_599 = arith.constant 16 : index
          %parallel_loop3A_600 = tpu.vector_load %arg16[%parallel_loop3A_598, %parallel_loop3A_599] {strides = array<i32>} : memref<80x64xf32, #tpu.memory_space<vmem>>, vector<16xf32>,
          %parallel_loop3A_601 = vector.broadcast %parallel_loop3A_585 : f32 to vector<16xf32>
          %parallel_loop3A_602 = arith.mulf %parallel_loop3A_600, %parallel_loop3A_601 : vector<16xf32>
          %parallel_loop3A_603 = arith.index_cast %parallel_loop3A_589 : i32 to index
          %parallel_loop3A_604 = arith.constant 16 : index
          %parallel_loop3A_605 = tpu.vector_load %arg16[%parallel_loop3A_603, %parallel_loop3A_604] {strides = array<i32>} : memref<80x64xf32, #tpu.memory_space<vmem>>, vector<16xf32>,
          tpu.vector_store %arg16[%parallel_loop3A_603, %parallel_loop3A_604], %parallel_loop3A_602 {strides = array<i32>} : memref<80x64xf32, #tpu.memory_space<vmem>>, vector<16xf32>,
          %parallel_loop3A_606 = arith.index_cast %parallel_loop3A_589 : i32 to index
          %parallel_loop3A_607 = arith.constant 32 : index
          %parallel_loop3A_608 = tpu.vector_load %arg16[%parallel_loop3A_606, %parallel_loop3A_607] {strides = array<i32>} : memref<80x64xf32, #tpu.memory_space<vmem>>, vector<16xf32>,
          %parallel_loop3A_609 = vector.broadcast %parallel_loop3A_585 : f32 to vector<16xf32>
          %parallel_loop3A_610 = arith.mulf %parallel_loop3A_608, %parallel_loop3A_609 : vector<16xf32>
          %parallel_loop3A_611 = arith.index_cast %parallel_loop3A_589 : i32 to index
          %parallel_loop3A_612 = arith.constant 32 : index
          %parallel_loop3A_613 = tpu.vector_load %arg16[%parallel_loop3A_611, %parallel_loop3A_612] {strides = array<i32>} : memref<80x64xf32, #tpu.memory_space<vmem>>, vector<16xf32>,
          tpu.vector_store %arg16[%parallel_loop3A_611, %parallel_loop3A_612], %parallel_loop3A_610 {strides = array<i32>} : memref<80x64xf32, #tpu.memory_space<vmem>>, vector<16xf32>,
          %parallel_loop3A_614 = arith.index_cast %parallel_loop3A_589 : i32 to index
          %parallel_loop3A_615 = arith.constant 48 : index
          %parallel_loop3A_616 = tpu.vector_load %arg16[%parallel_loop3A_614, %parallel_loop3A_615] {strides = array<i32>} : memref<80x64xf32, #tpu.memory_space<vmem>>, vector<16xf32>,
          %parallel_loop3A_617 = vector.broadcast %parallel_loop3A_585 : f32 to vector<16xf32>
          %parallel_loop3A_618 = arith.mulf %parallel_loop3A_616, %parallel_loop3A_617 : vector<16xf32>
          %parallel_loop3A_619 = arith.index_cast %parallel_loop3A_589 : i32 to index
          %parallel_loop3A_620 = arith.constant 48 : index
          %parallel_loop3A_621 = tpu.vector_load %arg16[%parallel_loop3A_619, %parallel_loop3A_620] {strides = array<i32>} : memref<80x64xf32, #tpu.memory_space<vmem>>, vector<16xf32>,
          tpu.vector_store %arg16[%parallel_loop3A_619, %parallel_loop3A_620], %parallel_loop3A_618 {strides = array<i32>} : memref<80x64xf32, #tpu.memory_space<vmem>>, vector<16xf32>,
          %parallel_loop3A_622 = vector.extract_strided_slice %parallel_loop3A_393 {offsets = [6], sizes = [1], strides = [1]} : vector<16xf32> to vector<1xf32>
          %parallel_loop3A_623 = vector.extract %parallel_loop3A_622[0] : f32 from vector<1xf32>
          %parallel_loop3A_624 = arith.constant 16 : i32
          %parallel_loop3A_625 = arith.muli %parallel_loop3A_389, %parallel_loop3A_624 : i32
          %parallel_loop3A_626 = arith.constant 6 : i32
          %parallel_loop3A_627 = arith.addi %parallel_loop3A_625, %parallel_loop3A_626 : i32
          %parallel_loop3A_628 = arith.index_cast %parallel_loop3A_627 : i32 to index
          %parallel_loop3A_629 = arith.constant 0 : index
          %parallel_loop3A_630 = tpu.vector_load %arg16[%parallel_loop3A_628, %parallel_loop3A_629] {strides = array<i32>} : memref<80x64xf32, #tpu.memory_space<vmem>>, vector<16xf32>,
          %parallel_loop3A_631 = vector.broadcast %parallel_loop3A_623 : f32 to vector<16xf32>
          %parallel_loop3A_632 = arith.mulf %parallel_loop3A_630, %parallel_loop3A_631 : vector<16xf32>
          %parallel_loop3A_633 = arith.index_cast %parallel_loop3A_627 : i32 to index
          %parallel_loop3A_634 = arith.constant 0 : index
          %parallel_loop3A_635 = tpu.vector_load %arg16[%parallel_loop3A_633, %parallel_loop3A_634] {strides = array<i32>} : memref<80x64xf32, #tpu.memory_space<vmem>>, vector<16xf32>,
          tpu.vector_store %arg16[%parallel_loop3A_633, %parallel_loop3A_634], %parallel_loop3A_632 {strides = array<i32>} : memref<80x64xf32, #tpu.memory_space<vmem>>, vector<16xf32>,
          %parallel_loop3A_636 = arith.index_cast %parallel_loop3A_627 : i32 to index
          %parallel_loop3A_637 = arith.constant 16 : index
          %parallel_loop3A_638 = tpu.vector_load %arg16[%parallel_loop3A_636, %parallel_loop3A_637] {strides = array<i32>} : memref<80x64xf32, #tpu.memory_space<vmem>>, vector<16xf32>,
          %parallel_loop3A_639 = vector.broadcast %parallel_loop3A_623 : f32 to vector<16xf32>
          %parallel_loop3A_640 = arith.mulf %parallel_loop3A_638, %parallel_loop3A_639 : vector<16xf32>
          %parallel_loop3A_641 = arith.index_cast %parallel_loop3A_627 : i32 to index
          %parallel_loop3A_642 = arith.constant 16 : index
          %parallel_loop3A_643 = tpu.vector_load %arg16[%parallel_loop3A_641, %parallel_loop3A_642] {strides = array<i32>} : memref<80x64xf32, #tpu.memory_space<vmem>>, vector<16xf32>,
          tpu.vector_store %arg16[%parallel_loop3A_641, %parallel_loop3A_642], %parallel_loop3A_640 {strides = array<i32>} : memref<80x64xf32, #tpu.memory_space<vmem>>, vector<16xf32>,
          %parallel_loop3A_644 = arith.index_cast %parallel_loop3A_627 : i32 to index
          %parallel_loop3A_645 = arith.constant 32 : index
          %parallel_loop3A_646 = tpu.vector_load %arg16[%parallel_loop3A_644, %parallel_loop3A_645] {strides = array<i32>} : memref<80x64xf32, #tpu.memory_space<vmem>>, vector<16xf32>,
          %parallel_loop3A_647 = vector.broadcast %parallel_loop3A_623 : f32 to vector<16xf32>
          %parallel_loop3A_648 = arith.mulf %parallel_loop3A_646, %parallel_loop3A_647 : vector<16xf32>
          %parallel_loop3A_649 = arith.index_cast %parallel_loop3A_627 : i32 to index
          %parallel_loop3A_650 = arith.constant 32 : index
          %parallel_loop3A_651 = tpu.vector_load %arg16[%parallel_loop3A_649, %parallel_loop3A_650] {strides = array<i32>} : memref<80x64xf32, #tpu.memory_space<vmem>>, vector<16xf32>,
          tpu.vector_store %arg16[%parallel_loop3A_649, %parallel_loop3A_650], %parallel_loop3A_648 {strides = array<i32>} : memref<80x64xf32, #tpu.memory_space<vmem>>, vector<16xf32>,
          %parallel_loop3A_652 = arith.index_cast %parallel_loop3A_627 : i32 to index
          %parallel_loop3A_653 = arith.constant 48 : index
          %parallel_loop3A_654 = tpu.vector_load %arg16[%parallel_loop3A_652, %parallel_loop3A_653] {strides = array<i32>} : memref<80x64xf32, #tpu.memory_space<vmem>>, vector<16xf32>,
          %parallel_loop3A_655 = vector.broadcast %parallel_loop3A_623 : f32 to vector<16xf32>
          %parallel_loop3A_656 = arith.mulf %parallel_loop3A_654, %parallel_loop3A_655 : vector<16xf32>
          %parallel_loop3A_657 = arith.index_cast %parallel_loop3A_627 : i32 to index
          %parallel_loop3A_658 = arith.constant 48 : index
          %parallel_loop3A_659 = tpu.vector_load %arg16[%parallel_loop3A_657, %parallel_loop3A_658] {strides = array<i32>} : memref<80x64xf32, #tpu.memory_space<vmem>>, vector<16xf32>,
          tpu.vector_store %arg16[%parallel_loop3A_657, %parallel_loop3A_658], %parallel_loop3A_656 {strides = array<i32>} : memref<80x64xf32, #tpu.memory_space<vmem>>, vector<16xf32>,
          %parallel_loop3A_660 = vector.extract_strided_slice %parallel_loop3A_393 {offsets = [7], sizes = [1], strides = [1]} : vector<16xf32> to vector<1xf32>
          %parallel_loop3A_661 = vector.extract %parallel_loop3A_660[0] : f32 from vector<1xf32>
          %parallel_loop3A_662 = arith.constant 16 : i32
          %parallel_loop3A_663 = arith.muli %parallel_loop3A_389, %parallel_loop3A_662 : i32
          %parallel_loop3A_664 = arith.constant 7 : i32
          %parallel_loop3A_665 = arith.addi %parallel_loop3A_663, %parallel_loop3A_664 : i32
          %parallel_loop3A_666 = arith.index_cast %parallel_loop3A_665 : i32 to index
          %parallel_loop3A_667 = arith.constant 0 : index
          %parallel_loop3A_668 = tpu.vector_load %arg16[%parallel_loop3A_666, %parallel_loop3A_667] {strides = array<i32>} : memref<80x64xf32, #tpu.memory_space<vmem>>, vector<16xf32>,
          %parallel_loop3A_669 = vector.broadcast %parallel_loop3A_661 : f32 to vector<16xf32>
          %parallel_loop3A_670 = arith.mulf %parallel_loop3A_668, %parallel_loop3A_669 : vector<16xf32>
          %parallel_loop3A_671 = arith.index_cast %parallel_loop3A_665 : i32 to index
          %parallel_loop3A_672 = arith.constant 0 : index
          %parallel_loop3A_673 = tpu.vector_load %arg16[%parallel_loop3A_671, %parallel_loop3A_672] {strides = array<i32>} : memref<80x64xf32, #tpu.memory_space<vmem>>, vector<16xf32>,
          tpu.vector_store %arg16[%parallel_loop3A_671, %parallel_loop3A_672], %parallel_loop3A_670 {strides = array<i32>} : memref<80x64xf32, #tpu.memory_space<vmem>>, vector<16xf32>,
          %parallel_loop3A_674 = arith.index_cast %parallel_loop3A_665 : i32 to index
          %parallel_loop3A_675 = arith.constant 16 : index
          %parallel_loop3A_676 = tpu.vector_load %arg16[%parallel_loop3A_674, %parallel_loop3A_675] {strides = array<i32>} : memref<80x64xf32, #tpu.memory_space<vmem>>, vector<16xf32>,
          %parallel_loop3A_677 = vector.broadcast %parallel_loop3A_661 : f32 to vector<16xf32>
          %parallel_loop3A_678 = arith.mulf %parallel_loop3A_676, %parallel_loop3A_677 : vector<16xf32>
          %parallel_loop3A_679 = arith.index_cast %parallel_loop3A_665 : i32 to index
          %parallel_loop3A_680 = arith.constant 16 : index
          %parallel_loop3A_681 = tpu.vector_load %arg16[%parallel_loop3A_679, %parallel_loop3A_680] {strides = array<i32>} : memref<80x64xf32, #tpu.memory_space<vmem>>, vector<16xf32>,
          tpu.vector_store %arg16[%parallel_loop3A_679, %parallel_loop3A_680], %parallel_loop3A_678 {strides = array<i32>} : memref<80x64xf32, #tpu.memory_space<vmem>>, vector<16xf32>,
          %parallel_loop3A_682 = arith.index_cast %parallel_loop3A_665 : i32 to index
          %parallel_loop3A_683 = arith.constant 32 : index
          %parallel_loop3A_684 = tpu.vector_load %arg16[%parallel_loop3A_682, %parallel_loop3A_683] {strides = array<i32>} : memref<80x64xf32, #tpu.memory_space<vmem>>, vector<16xf32>,
          %parallel_loop3A_685 = vector.broadcast %parallel_loop3A_661 : f32 to vector<16xf32>
          %parallel_loop3A_686 = arith.mulf %parallel_loop3A_684, %parallel_loop3A_685 : vector<16xf32>
          %parallel_loop3A_687 = arith.index_cast %parallel_loop3A_665 : i32 to index
          %parallel_loop3A_688 = arith.constant 32 : index
          %parallel_loop3A_689 = tpu.vector_load %arg16[%parallel_loop3A_687, %parallel_loop3A_688] {strides = array<i32>} : memref<80x64xf32, #tpu.memory_space<vmem>>, vector<16xf32>,
          tpu.vector_store %arg16[%parallel_loop3A_687, %parallel_loop3A_688], %parallel_loop3A_686 {strides = array<i32>} : memref<80x64xf32, #tpu.memory_space<vmem>>, vector<16xf32>,
          %parallel_loop3A_690 = arith.index_cast %parallel_loop3A_665 : i32 to index
          %parallel_loop3A_691 = arith.constant 48 : index
          %parallel_loop3A_692 = tpu.vector_load %arg16[%parallel_loop3A_690, %parallel_loop3A_691] {strides = array<i32>} : memref<80x64xf32, #tpu.memory_space<vmem>>, vector<16xf32>,
          %parallel_loop3A_693 = vector.broadcast %parallel_loop3A_661 : f32 to vector<16xf32>
          %parallel_loop3A_694 = arith.mulf %parallel_loop3A_692, %parallel_loop3A_693 : vector<16xf32>
          %parallel_loop3A_695 = arith.index_cast %parallel_loop3A_665 : i32 to index
          %parallel_loop3A_696 = arith.constant 48 : index
          %parallel_loop3A_697 = tpu.vector_load %arg16[%parallel_loop3A_695, %parallel_loop3A_696] {strides = array<i32>} : memref<80x64xf32, #tpu.memory_space<vmem>>, vector<16xf32>,
          tpu.vector_store %arg16[%parallel_loop3A_695, %parallel_loop3A_696], %parallel_loop3A_694 {strides = array<i32>} : memref<80x64xf32, #tpu.memory_space<vmem>>, vector<16xf32>,
          %parallel_loop3A_698 = vector.extract_strided_slice %parallel_loop3A_393 {offsets = [8], sizes = [1], strides = [1]} : vector<16xf32> to vector<1xf32>
          %parallel_loop3A_699 = vector.extract %parallel_loop3A_698[0] : f32 from vector<1xf32>
          %parallel_loop3A_700 = arith.constant 16 : i32
          %parallel_loop3A_701 = arith.muli %parallel_loop3A_389, %parallel_loop3A_700 : i32
          %parallel_loop3A_702 = arith.constant 8 : i32
          %parallel_loop3A_703 = arith.addi %parallel_loop3A_701, %parallel_loop3A_702 : i32
          %parallel_loop3A_704 = arith.index_cast %parallel_loop3A_703 : i32 to index
          %parallel_loop3A_705 = arith.constant 0 : index
          %parallel_loop3A_706 = tpu.vector_load %arg16[%parallel_loop3A_704, %parallel_loop3A_705] {strides = array<i32>} : memref<80x64xf32, #tpu.memory_space<vmem>>, vector<16xf32>,
          %parallel_loop3A_707 = vector.broadcast %parallel_loop3A_699 : f32 to vector<16xf32>
          %parallel_loop3A_708 = arith.mulf %parallel_loop3A_706, %parallel_loop3A_707 : vector<16xf32>
          %parallel_loop3A_709 = arith.index_cast %parallel_loop3A_703 : i32 to index
          %parallel_loop3A_710 = arith.constant 0 : index
          %parallel_loop3A_711 = tpu.vector_load %arg16[%parallel_loop3A_709, %parallel_loop3A_710] {strides = array<i32>} : memref<80x64xf32, #tpu.memory_space<vmem>>, vector<16xf32>,
          tpu.vector_store %arg16[%parallel_loop3A_709, %parallel_loop3A_710], %parallel_loop3A_708 {strides = array<i32>} : memref<80x64xf32, #tpu.memory_space<vmem>>, vector<16xf32>,
          %parallel_loop3A_712 = arith.index_cast %parallel_loop3A_703 : i32 to index
          %parallel_loop3A_713 = arith.constant 16 : index
          %parallel_loop3A_714 = tpu.vector_load %arg16[%parallel_loop3A_712, %parallel_loop3A_713] {strides = array<i32>} : memref<80x64xf32, #tpu.memory_space<vmem>>, vector<16xf32>,
          %parallel_loop3A_715 = vector.broadcast %parallel_loop3A_699 : f32 to vector<16xf32>
          %parallel_loop3A_716 = arith.mulf %parallel_loop3A_714, %parallel_loop3A_715 : vector<16xf32>
          %parallel_loop3A_717 = arith.index_cast %parallel_loop3A_703 : i32 to index
          %parallel_loop3A_718 = arith.constant 16 : index
          %parallel_loop3A_719 = tpu.vector_load %arg16[%parallel_loop3A_717, %parallel_loop3A_718] {strides = array<i32>} : memref<80x64xf32, #tpu.memory_space<vmem>>, vector<16xf32>,
          tpu.vector_store %arg16[%parallel_loop3A_717, %parallel_loop3A_718], %parallel_loop3A_716 {strides = array<i32>} : memref<80x64xf32, #tpu.memory_space<vmem>>, vector<16xf32>,
          %parallel_loop3A_720 = arith.index_cast %parallel_loop3A_703 : i32 to index
          %parallel_loop3A_721 = arith.constant 32 : index
          %parallel_loop3A_722 = tpu.vector_load %arg16[%parallel_loop3A_720, %parallel_loop3A_721] {strides = array<i32>} : memref<80x64xf32, #tpu.memory_space<vmem>>, vector<16xf32>,
          %parallel_loop3A_723 = vector.broadcast %parallel_loop3A_699 : f32 to vector<16xf32>
          %parallel_loop3A_724 = arith.mulf %parallel_loop3A_722, %parallel_loop3A_723 : vector<16xf32>
          %parallel_loop3A_725 = arith.index_cast %parallel_loop3A_703 : i32 to index
          %parallel_loop3A_726 = arith.constant 32 : index
          %parallel_loop3A_727 = tpu.vector_load %arg16[%parallel_loop3A_725, %parallel_loop3A_726] {strides = array<i32>} : memref<80x64xf32, #tpu.memory_space<vmem>>, vector<16xf32>,
          tpu.vector_store %arg16[%parallel_loop3A_725, %parallel_loop3A_726], %parallel_loop3A_724 {strides = array<i32>} : memref<80x64xf32, #tpu.memory_space<vmem>>, vector<16xf32>,
          %parallel_loop3A_728 = arith.index_cast %parallel_loop3A_703 : i32 to index
          %parallel_loop3A_729 = arith.constant 48 : index
          %parallel_loop3A_730 = tpu.vector_load %arg16[%parallel_loop3A_728, %parallel_loop3A_729] {strides = array<i32>} : memref<80x64xf32, #tpu.memory_space<vmem>>, vector<16xf32>,
          %parallel_loop3A_731 = vector.broadcast %parallel_loop3A_699 : f32 to vector<16xf32>
          %parallel_loop3A_732 = arith.mulf %parallel_loop3A_730, %parallel_loop3A_731 : vector<16xf32>
          %parallel_loop3A_733 = arith.index_cast %parallel_loop3A_703 : i32 to index
          %parallel_loop3A_734 = arith.constant 48 : index
          %parallel_loop3A_735 = tpu.vector_load %arg16[%parallel_loop3A_733, %parallel_loop3A_734] {strides = array<i32>} : memref<80x64xf32, #tpu.memory_space<vmem>>, vector<16xf32>,
          tpu.vector_store %arg16[%parallel_loop3A_733, %parallel_loop3A_734], %parallel_loop3A_732 {strides = array<i32>} : memref<80x64xf32, #tpu.memory_space<vmem>>, vector<16xf32>,
          %parallel_loop3A_736 = vector.extract_strided_slice %parallel_loop3A_393 {offsets = [9], sizes = [1], strides = [1]} : vector<16xf32> to vector<1xf32>
          %parallel_loop3A_737 = vector.extract %parallel_loop3A_736[0] : f32 from vector<1xf32>
          %parallel_loop3A_738 = arith.constant 16 : i32
          %parallel_loop3A_739 = arith.muli %parallel_loop3A_389, %parallel_loop3A_738 : i32
          %parallel_loop3A_740 = arith.constant 9 : i32
          %parallel_loop3A_741 = arith.addi %parallel_loop3A_739, %parallel_loop3A_740 : i32
          %parallel_loop3A_742 = arith.index_cast %parallel_loop3A_741 : i32 to index
          %parallel_loop3A_743 = arith.constant 0 : index
          %parallel_loop3A_744 = tpu.vector_load %arg16[%parallel_loop3A_742, %parallel_loop3A_743] {strides = array<i32>} : memref<80x64xf32, #tpu.memory_space<vmem>>, vector<16xf32>,
          %parallel_loop3A_745 = vector.broadcast %parallel_loop3A_737 : f32 to vector<16xf32>
          %parallel_loop3A_746 = arith.mulf %parallel_loop3A_744, %parallel_loop3A_745 : vector<16xf32>
          %parallel_loop3A_747 = arith.index_cast %parallel_loop3A_741 : i32 to index
          %parallel_loop3A_748 = arith.constant 0 : index
          %parallel_loop3A_749 = tpu.vector_load %arg16[%parallel_loop3A_747, %parallel_loop3A_748] {strides = array<i32>} : memref<80x64xf32, #tpu.memory_space<vmem>>, vector<16xf32>,
          tpu.vector_store %arg16[%parallel_loop3A_747, %parallel_loop3A_748], %parallel_loop3A_746 {strides = array<i32>} : memref<80x64xf32, #tpu.memory_space<vmem>>, vector<16xf32>,
          %parallel_loop3A_750 = arith.index_cast %parallel_loop3A_741 : i32 to index
          %parallel_loop3A_751 = arith.constant 16 : index
          %parallel_loop3A_752 = tpu.vector_load %arg16[%parallel_loop3A_750, %parallel_loop3A_751] {strides = array<i32>} : memref<80x64xf32, #tpu.memory_space<vmem>>, vector<16xf32>,
          %parallel_loop3A_753 = vector.broadcast %parallel_loop3A_737 : f32 to vector<16xf32>
          %parallel_loop3A_754 = arith.mulf %parallel_loop3A_752, %parallel_loop3A_753 : vector<16xf32>
          %parallel_loop3A_755 = arith.index_cast %parallel_loop3A_741 : i32 to index
          %parallel_loop3A_756 = arith.constant 16 : index
          %parallel_loop3A_757 = tpu.vector_load %arg16[%parallel_loop3A_755, %parallel_loop3A_756] {strides = array<i32>} : memref<80x64xf32, #tpu.memory_space<vmem>>, vector<16xf32>,
          tpu.vector_store %arg16[%parallel_loop3A_755, %parallel_loop3A_756], %parallel_loop3A_754 {strides = array<i32>} : memref<80x64xf32, #tpu.memory_space<vmem>>, vector<16xf32>,
          %parallel_loop3A_758 = arith.index_cast %parallel_loop3A_741 : i32 to index
          %parallel_loop3A_759 = arith.constant 32 : index
          %parallel_loop3A_760 = tpu.vector_load %arg16[%parallel_loop3A_758, %parallel_loop3A_759] {strides = array<i32>} : memref<80x64xf32, #tpu.memory_space<vmem>>, vector<16xf32>,
          %parallel_loop3A_761 = vector.broadcast %parallel_loop3A_737 : f32 to vector<16xf32>
          %parallel_loop3A_762 = arith.mulf %parallel_loop3A_760, %parallel_loop3A_761 : vector<16xf32>
          %parallel_loop3A_763 = arith.index_cast %parallel_loop3A_741 : i32 to index
          %parallel_loop3A_764 = arith.constant 32 : index
          %parallel_loop3A_765 = tpu.vector_load %arg16[%parallel_loop3A_763, %parallel_loop3A_764] {strides = array<i32>} : memref<80x64xf32, #tpu.memory_space<vmem>>, vector<16xf32>,
          tpu.vector_store %arg16[%parallel_loop3A_763, %parallel_loop3A_764], %parallel_loop3A_762 {strides = array<i32>} : memref<80x64xf32, #tpu.memory_space<vmem>>, vector<16xf32>,
          %parallel_loop3A_766 = arith.index_cast %parallel_loop3A_741 : i32 to index
          %parallel_loop3A_767 = arith.constant 48 : index
          %parallel_loop3A_768 = tpu.vector_load %arg16[%parallel_loop3A_766, %parallel_loop3A_767] {strides = array<i32>} : memref<80x64xf32, #tpu.memory_space<vmem>>, vector<16xf32>,
          %parallel_loop3A_769 = vector.broadcast %parallel_loop3A_737 : f32 to vector<16xf32>
          %parallel_loop3A_770 = arith.mulf %parallel_loop3A_768, %parallel_loop3A_769 : vector<16xf32>
          %parallel_loop3A_771 = arith.index_cast %parallel_loop3A_741 : i32 to index
          %parallel_loop3A_772 = arith.constant 48 : index
          %parallel_loop3A_773 = tpu.vector_load %arg16[%parallel_loop3A_771, %parallel_loop3A_772] {strides = array<i32>} : memref<80x64xf32, #tpu.memory_space<vmem>>, vector<16xf32>,
          tpu.vector_store %arg16[%parallel_loop3A_771, %parallel_loop3A_772], %parallel_loop3A_770 {strides = array<i32>} : memref<80x64xf32, #tpu.memory_space<vmem>>, vector<16xf32>,
          %parallel_loop3A_774 = vector.extract_strided_slice %parallel_loop3A_393 {offsets = [10], sizes = [1], strides = [1]} : vector<16xf32> to vector<1xf32>
          %parallel_loop3A_775 = vector.extract %parallel_loop3A_774[0] : f32 from vector<1xf32>
          %parallel_loop3A_776 = arith.constant 16 : i32
          %parallel_loop3A_777 = arith.muli %parallel_loop3A_389, %parallel_loop3A_776 : i32
          %parallel_loop3A_778 = arith.constant 10 : i32
          %parallel_loop3A_779 = arith.addi %parallel_loop3A_777, %parallel_loop3A_778 : i32
          %parallel_loop3A_780 = arith.index_cast %parallel_loop3A_779 : i32 to index
          %parallel_loop3A_781 = arith.constant 0 : index
          %parallel_loop3A_782 = tpu.vector_load %arg16[%parallel_loop3A_780, %parallel_loop3A_781] {strides = array<i32>} : memref<80x64xf32, #tpu.memory_space<vmem>>, vector<16xf32>,
          %parallel_loop3A_783 = vector.broadcast %parallel_loop3A_775 : f32 to vector<16xf32>
          %parallel_loop3A_784 = arith.mulf %parallel_loop3A_782, %parallel_loop3A_783 : vector<16xf32>
          %parallel_loop3A_785 = arith.index_cast %parallel_loop3A_779 : i32 to index
          %parallel_loop3A_786 = arith.constant 0 : index
          %parallel_loop3A_787 = tpu.vector_load %arg16[%parallel_loop3A_785, %parallel_loop3A_786] {strides = array<i32>} : memref<80x64xf32, #tpu.memory_space<vmem>>, vector<16xf32>,
          tpu.vector_store %arg16[%parallel_loop3A_785, %parallel_loop3A_786], %parallel_loop3A_784 {strides = array<i32>} : memref<80x64xf32, #tpu.memory_space<vmem>>, vector<16xf32>,
          %parallel_loop3A_788 = arith.index_cast %parallel_loop3A_779 : i32 to index
          %parallel_loop3A_789 = arith.constant 16 : index
          %parallel_loop3A_790 = tpu.vector_load %arg16[%parallel_loop3A_788, %parallel_loop3A_789] {strides = array<i32>} : memref<80x64xf32, #tpu.memory_space<vmem>>, vector<16xf32>,
          %parallel_loop3A_791 = vector.broadcast %parallel_loop3A_775 : f32 to vector<16xf32>
          %parallel_loop3A_792 = arith.mulf %parallel_loop3A_790, %parallel_loop3A_791 : vector<16xf32>
          %parallel_loop3A_793 = arith.index_cast %parallel_loop3A_779 : i32 to index
          %parallel_loop3A_794 = arith.constant 16 : index
          %parallel_loop3A_795 = tpu.vector_load %arg16[%parallel_loop3A_793, %parallel_loop3A_794] {strides = array<i32>} : memref<80x64xf32, #tpu.memory_space<vmem>>, vector<16xf32>,
          tpu.vector_store %arg16[%parallel_loop3A_793, %parallel_loop3A_794], %parallel_loop3A_792 {strides = array<i32>} : memref<80x64xf32, #tpu.memory_space<vmem>>, vector<16xf32>,
          %parallel_loop3A_796 = arith.index_cast %parallel_loop3A_779 : i32 to index
          %parallel_loop3A_797 = arith.constant 32 : index
          %parallel_loop3A_798 = tpu.vector_load %arg16[%parallel_loop3A_796, %parallel_loop3A_797] {strides = array<i32>} : memref<80x64xf32, #tpu.memory_space<vmem>>, vector<16xf32>,
          %parallel_loop3A_799 = vector.broadcast %parallel_loop3A_775 : f32 to vector<16xf32>
          %parallel_loop3A_800 = arith.mulf %parallel_loop3A_798, %parallel_loop3A_799 : vector<16xf32>
          %parallel_loop3A_801 = arith.index_cast %parallel_loop3A_779 : i32 to index
          %parallel_loop3A_802 = arith.constant 32 : index
          %parallel_loop3A_803 = tpu.vector_load %arg16[%parallel_loop3A_801, %parallel_loop3A_802] {strides = array<i32>} : memref<80x64xf32, #tpu.memory_space<vmem>>, vector<16xf32>,
          tpu.vector_store %arg16[%parallel_loop3A_801, %parallel_loop3A_802], %parallel_loop3A_800 {strides = array<i32>} : memref<80x64xf32, #tpu.memory_space<vmem>>, vector<16xf32>,
          %parallel_loop3A_804 = arith.index_cast %parallel_loop3A_779 : i32 to index
          %parallel_loop3A_805 = arith.constant 48 : index
          %parallel_loop3A_806 = tpu.vector_load %arg16[%parallel_loop3A_804, %parallel_loop3A_805] {strides = array<i32>} : memref<80x64xf32, #tpu.memory_space<vmem>>, vector<16xf32>,
          %parallel_loop3A_807 = vector.broadcast %parallel_loop3A_775 : f32 to vector<16xf32>
          %parallel_loop3A_808 = arith.mulf %parallel_loop3A_806, %parallel_loop3A_807 : vector<16xf32>
          %parallel_loop3A_809 = arith.index_cast %parallel_loop3A_779 : i32 to index
          %parallel_loop3A_810 = arith.constant 48 : index
          %parallel_loop3A_811 = tpu.vector_load %arg16[%parallel_loop3A_809, %parallel_loop3A_810] {strides = array<i32>} : memref<80x64xf32, #tpu.memory_space<vmem>>, vector<16xf32>,
          tpu.vector_store %arg16[%parallel_loop3A_809, %parallel_loop3A_810], %parallel_loop3A_808 {strides = array<i32>} : memref<80x64xf32, #tpu.memory_space<vmem>>, vector<16xf32>,
          %parallel_loop3A_812 = vector.extract_strided_slice %parallel_loop3A_393 {offsets = [11], sizes = [1], strides = [1]} : vector<16xf32> to vector<1xf32>
          %parallel_loop3A_813 = vector.extract %parallel_loop3A_812[0] : f32 from vector<1xf32>
          %parallel_loop3A_814 = arith.constant 16 : i32
          %parallel_loop3A_815 = arith.muli %parallel_loop3A_389, %parallel_loop3A_814 : i32
          %parallel_loop3A_816 = arith.constant 11 : i32
          %parallel_loop3A_817 = arith.addi %parallel_loop3A_815, %parallel_loop3A_816 : i32
          %parallel_loop3A_818 = arith.index_cast %parallel_loop3A_817 : i32 to index
          %parallel_loop3A_819 = arith.constant 0 : index
          %parallel_loop3A_820 = tpu.vector_load %arg16[%parallel_loop3A_818, %parallel_loop3A_819] {strides = array<i32>} : memref<80x64xf32, #tpu.memory_space<vmem>>, vector<16xf32>,
          %parallel_loop3A_821 = vector.broadcast %parallel_loop3A_813 : f32 to vector<16xf32>
          %parallel_loop3A_822 = arith.mulf %parallel_loop3A_820, %parallel_loop3A_821 : vector<16xf32>
          %parallel_loop3A_823 = arith.index_cast %parallel_loop3A_817 : i32 to index
          %parallel_loop3A_824 = arith.constant 0 : index
          %parallel_loop3A_825 = tpu.vector_load %arg16[%parallel_loop3A_823, %parallel_loop3A_824] {strides = array<i32>} : memref<80x64xf32, #tpu.memory_space<vmem>>, vector<16xf32>,
          tpu.vector_store %arg16[%parallel_loop3A_823, %parallel_loop3A_824], %parallel_loop3A_822 {strides = array<i32>} : memref<80x64xf32, #tpu.memory_space<vmem>>, vector<16xf32>,
          %parallel_loop3A_826 = arith.index_cast %parallel_loop3A_817 : i32 to index
          %parallel_loop3A_827 = arith.constant 16 : index
          %parallel_loop3A_828 = tpu.vector_load %arg16[%parallel_loop3A_826, %parallel_loop3A_827] {strides = array<i32>} : memref<80x64xf32, #tpu.memory_space<vmem>>, vector<16xf32>,
          %parallel_loop3A_829 = vector.broadcast %parallel_loop3A_813 : f32 to vector<16xf32>
          %parallel_loop3A_830 = arith.mulf %parallel_loop3A_828, %parallel_loop3A_829 : vector<16xf32>
          %parallel_loop3A_831 = arith.index_cast %parallel_loop3A_817 : i32 to index
          %parallel_loop3A_832 = arith.constant 16 : index
          %parallel_loop3A_833 = tpu.vector_load %arg16[%parallel_loop3A_831, %parallel_loop3A_832] {strides = array<i32>} : memref<80x64xf32, #tpu.memory_space<vmem>>, vector<16xf32>,
          tpu.vector_store %arg16[%parallel_loop3A_831, %parallel_loop3A_832], %parallel_loop3A_830 {strides = array<i32>} : memref<80x64xf32, #tpu.memory_space<vmem>>, vector<16xf32>,
          %parallel_loop3A_834 = arith.index_cast %parallel_loop3A_817 : i32 to index
          %parallel_loop3A_835 = arith.constant 32 : index
          %parallel_loop3A_836 = tpu.vector_load %arg16[%parallel_loop3A_834, %parallel_loop3A_835] {strides = array<i32>} : memref<80x64xf32, #tpu.memory_space<vmem>>, vector<16xf32>,
          %parallel_loop3A_837 = vector.broadcast %parallel_loop3A_813 : f32 to vector<16xf32>
          %parallel_loop3A_838 = arith.mulf %parallel_loop3A_836, %parallel_loop3A_837 : vector<16xf32>
          %parallel_loop3A_839 = arith.index_cast %parallel_loop3A_817 : i32 to index
          %parallel_loop3A_840 = arith.constant 32 : index
          %parallel_loop3A_841 = tpu.vector_load %arg16[%parallel_loop3A_839, %parallel_loop3A_840] {strides = array<i32>} : memref<80x64xf32, #tpu.memory_space<vmem>>, vector<16xf32>,
          tpu.vector_store %arg16[%parallel_loop3A_839, %parallel_loop3A_840], %parallel_loop3A_838 {strides = array<i32>} : memref<80x64xf32, #tpu.memory_space<vmem>>, vector<16xf32>,
          %parallel_loop3A_842 = arith.index_cast %parallel_loop3A_817 : i32 to index
          %parallel_loop3A_843 = arith.constant 48 : index
          %parallel_loop3A_844 = tpu.vector_load %arg16[%parallel_loop3A_842, %parallel_loop3A_843] {strides = array<i32>} : memref<80x64xf32, #tpu.memory_space<vmem>>, vector<16xf32>,
          %parallel_loop3A_845 = vector.broadcast %parallel_loop3A_813 : f32 to vector<16xf32>
          %parallel_loop3A_846 = arith.mulf %parallel_loop3A_844, %parallel_loop3A_845 : vector<16xf32>
          %parallel_loop3A_847 = arith.index_cast %parallel_loop3A_817 : i32 to index
          %parallel_loop3A_848 = arith.constant 48 : index
          %parallel_loop3A_849 = tpu.vector_load %arg16[%parallel_loop3A_847, %parallel_loop3A_848] {strides = array<i32>} : memref<80x64xf32, #tpu.memory_space<vmem>>, vector<16xf32>,
          tpu.vector_store %arg16[%parallel_loop3A_847, %parallel_loop3A_848], %parallel_loop3A_846 {strides = array<i32>} : memref<80x64xf32, #tpu.memory_space<vmem>>, vector<16xf32>,
          %parallel_loop3A_850 = vector.extract_strided_slice %parallel_loop3A_393 {offsets = [12], sizes = [1], strides = [1]} : vector<16xf32> to vector<1xf32>
          %parallel_loop3A_851 = vector.extract %parallel_loop3A_850[0] : f32 from vector<1xf32>
          %parallel_loop3A_852 = arith.constant 16 : i32
          %parallel_loop3A_853 = arith.muli %parallel_loop3A_389, %parallel_loop3A_852 : i32
          %parallel_loop3A_854 = arith.constant 12 : i32
          %parallel_loop3A_855 = arith.addi %parallel_loop3A_853, %parallel_loop3A_854 : i32
          %parallel_loop3A_856 = arith.index_cast %parallel_loop3A_855 : i32 to index
          %parallel_loop3A_857 = arith.constant 0 : index
          %parallel_loop3A_858 = tpu.vector_load %arg16[%parallel_loop3A_856, %parallel_loop3A_857] {strides = array<i32>} : memref<80x64xf32, #tpu.memory_space<vmem>>, vector<16xf32>,
          %parallel_loop3A_859 = vector.broadcast %parallel_loop3A_851 : f32 to vector<16xf32>
          %parallel_loop3A_860 = arith.mulf %parallel_loop3A_858, %parallel_loop3A_859 : vector<16xf32>
          %parallel_loop3A_861 = arith.index_cast %parallel_loop3A_855 : i32 to index
          %parallel_loop3A_862 = arith.constant 0 : index
          %parallel_loop3A_863 = tpu.vector_load %arg16[%parallel_loop3A_861, %parallel_loop3A_862] {strides = array<i32>} : memref<80x64xf32, #tpu.memory_space<vmem>>, vector<16xf32>,
          tpu.vector_store %arg16[%parallel_loop3A_861, %parallel_loop3A_862], %parallel_loop3A_860 {strides = array<i32>} : memref<80x64xf32, #tpu.memory_space<vmem>>, vector<16xf32>,
          %parallel_loop3A_864 = arith.index_cast %parallel_loop3A_855 : i32 to index
          %parallel_loop3A_865 = arith.constant 16 : index
          %parallel_loop3A_866 = tpu.vector_load %arg16[%parallel_loop3A_864, %parallel_loop3A_865] {strides = array<i32>} : memref<80x64xf32, #tpu.memory_space<vmem>>, vector<16xf32>,
          %parallel_loop3A_867 = vector.broadcast %parallel_loop3A_851 : f32 to vector<16xf32>
          %parallel_loop3A_868 = arith.mulf %parallel_loop3A_866, %parallel_loop3A_867 : vector<16xf32>
          %parallel_loop3A_869 = arith.index_cast %parallel_loop3A_855 : i32 to index
          %parallel_loop3A_870 = arith.constant 16 : index
          %parallel_loop3A_871 = tpu.vector_load %arg16[%parallel_loop3A_869, %parallel_loop3A_870] {strides = array<i32>} : memref<80x64xf32, #tpu.memory_space<vmem>>, vector<16xf32>,
          tpu.vector_store %arg16[%parallel_loop3A_869, %parallel_loop3A_870], %parallel_loop3A_868 {strides = array<i32>} : memref<80x64xf32, #tpu.memory_space<vmem>>, vector<16xf32>,
          %parallel_loop3A_872 = arith.index_cast %parallel_loop3A_855 : i32 to index
          %parallel_loop3A_873 = arith.constant 32 : index
          %parallel_loop3A_874 = tpu.vector_load %arg16[%parallel_loop3A_872, %parallel_loop3A_873] {strides = array<i32>} : memref<80x64xf32, #tpu.memory_space<vmem>>, vector<16xf32>,
          %parallel_loop3A_875 = vector.broadcast %parallel_loop3A_851 : f32 to vector<16xf32>
          %parallel_loop3A_876 = arith.mulf %parallel_loop3A_874, %parallel_loop3A_875 : vector<16xf32>
          %parallel_loop3A_877 = arith.index_cast %parallel_loop3A_855 : i32 to index
          %parallel_loop3A_878 = arith.constant 32 : index
          %parallel_loop3A_879 = tpu.vector_load %arg16[%parallel_loop3A_877, %parallel_loop3A_878] {strides = array<i32>} : memref<80x64xf32, #tpu.memory_space<vmem>>, vector<16xf32>,
          tpu.vector_store %arg16[%parallel_loop3A_877, %parallel_loop3A_878], %parallel_loop3A_876 {strides = array<i32>} : memref<80x64xf32, #tpu.memory_space<vmem>>, vector<16xf32>,
          %parallel_loop3A_880 = arith.index_cast %parallel_loop3A_855 : i32 to index
          %parallel_loop3A_881 = arith.constant 48 : index
          %parallel_loop3A_882 = tpu.vector_load %arg16[%parallel_loop3A_880, %parallel_loop3A_881] {strides = array<i32>} : memref<80x64xf32, #tpu.memory_space<vmem>>, vector<16xf32>,
          %parallel_loop3A_883 = vector.broadcast %parallel_loop3A_851 : f32 to vector<16xf32>
          %parallel_loop3A_884 = arith.mulf %parallel_loop3A_882, %parallel_loop3A_883 : vector<16xf32>
          %parallel_loop3A_885 = arith.index_cast %parallel_loop3A_855 : i32 to index
          %parallel_loop3A_886 = arith.constant 48 : index
          %parallel_loop3A_887 = tpu.vector_load %arg16[%parallel_loop3A_885, %parallel_loop3A_886] {strides = array<i32>} : memref<80x64xf32, #tpu.memory_space<vmem>>, vector<16xf32>,
          tpu.vector_store %arg16[%parallel_loop3A_885, %parallel_loop3A_886], %parallel_loop3A_884 {strides = array<i32>} : memref<80x64xf32, #tpu.memory_space<vmem>>, vector<16xf32>,
          %parallel_loop3A_888 = vector.extract_strided_slice %parallel_loop3A_393 {offsets = [13], sizes = [1], strides = [1]} : vector<16xf32> to vector<1xf32>
          %parallel_loop3A_889 = vector.extract %parallel_loop3A_888[0] : f32 from vector<1xf32>
          %parallel_loop3A_890 = arith.constant 16 : i32
          %parallel_loop3A_891 = arith.muli %parallel_loop3A_389, %parallel_loop3A_890 : i32
          %parallel_loop3A_892 = arith.constant 13 : i32
          %parallel_loop3A_893 = arith.addi %parallel_loop3A_891, %parallel_loop3A_892 : i32
          %parallel_loop3A_894 = arith.index_cast %parallel_loop3A_893 : i32 to index
          %parallel_loop3A_895 = arith.constant 0 : index
          %parallel_loop3A_896 = tpu.vector_load %arg16[%parallel_loop3A_894, %parallel_loop3A_895] {strides = array<i32>} : memref<80x64xf32, #tpu.memory_space<vmem>>, vector<16xf32>,
          %parallel_loop3A_897 = vector.broadcast %parallel_loop3A_889 : f32 to vector<16xf32>
          %parallel_loop3A_898 = arith.mulf %parallel_loop3A_896, %parallel_loop3A_897 : vector<16xf32>
          %parallel_loop3A_899 = arith.index_cast %parallel_loop3A_893 : i32 to index
          %parallel_loop3A_900 = arith.constant 0 : index
          %parallel_loop3A_901 = tpu.vector_load %arg16[%parallel_loop3A_899, %parallel_loop3A_900] {strides = array<i32>} : memref<80x64xf32, #tpu.memory_space<vmem>>, vector<16xf32>,
          tpu.vector_store %arg16[%parallel_loop3A_899, %parallel_loop3A_900], %parallel_loop3A_898 {strides = array<i32>} : memref<80x64xf32, #tpu.memory_space<vmem>>, vector<16xf32>,
          %parallel_loop3A_902 = arith.index_cast %parallel_loop3A_893 : i32 to index
          %parallel_loop3A_903 = arith.constant 16 : index
          %parallel_loop3A_904 = tpu.vector_load %arg16[%parallel_loop3A_902, %parallel_loop3A_903] {strides = array<i32>} : memref<80x64xf32, #tpu.memory_space<vmem>>, vector<16xf32>,
          %parallel_loop3A_905 = vector.broadcast %parallel_loop3A_889 : f32 to vector<16xf32>
          %parallel_loop3A_906 = arith.mulf %parallel_loop3A_904, %parallel_loop3A_905 : vector<16xf32>
          %parallel_loop3A_907 = arith.index_cast %parallel_loop3A_893 : i32 to index
          %parallel_loop3A_908 = arith.constant 16 : index
          %parallel_loop3A_909 = tpu.vector_load %arg16[%parallel_loop3A_907, %parallel_loop3A_908] {strides = array<i32>} : memref<80x64xf32, #tpu.memory_space<vmem>>, vector<16xf32>,
          tpu.vector_store %arg16[%parallel_loop3A_907, %parallel_loop3A_908], %parallel_loop3A_906 {strides = array<i32>} : memref<80x64xf32, #tpu.memory_space<vmem>>, vector<16xf32>,
          %parallel_loop3A_910 = arith.index_cast %parallel_loop3A_893 : i32 to index
          %parallel_loop3A_911 = arith.constant 32 : index
          %parallel_loop3A_912 = tpu.vector_load %arg16[%parallel_loop3A_910, %parallel_loop3A_911] {strides = array<i32>} : memref<80x64xf32, #tpu.memory_space<vmem>>, vector<16xf32>,
          %parallel_loop3A_913 = vector.broadcast %parallel_loop3A_889 : f32 to vector<16xf32>
          %parallel_loop3A_914 = arith.mulf %parallel_loop3A_912, %parallel_loop3A_913 : vector<16xf32>
          %parallel_loop3A_915 = arith.index_cast %parallel_loop3A_893 : i32 to index
          %parallel_loop3A_916 = arith.constant 32 : index
          %parallel_loop3A_917 = tpu.vector_load %arg16[%parallel_loop3A_915, %parallel_loop3A_916] {strides = array<i32>} : memref<80x64xf32, #tpu.memory_space<vmem>>, vector<16xf32>,
          tpu.vector_store %arg16[%parallel_loop3A_915, %parallel_loop3A_916], %parallel_loop3A_914 {strides = array<i32>} : memref<80x64xf32, #tpu.memory_space<vmem>>, vector<16xf32>,
          %parallel_loop3A_918 = arith.index_cast %parallel_loop3A_893 : i32 to index
          %parallel_loop3A_919 = arith.constant 48 : index
          %parallel_loop3A_920 = tpu.vector_load %arg16[%parallel_loop3A_918, %parallel_loop3A_919] {strides = array<i32>} : memref<80x64xf32, #tpu.memory_space<vmem>>, vector<16xf32>,
          %parallel_loop3A_921 = vector.broadcast %parallel_loop3A_889 : f32 to vector<16xf32>
          %parallel_loop3A_922 = arith.mulf %parallel_loop3A_920, %parallel_loop3A_921 : vector<16xf32>
          %parallel_loop3A_923 = arith.index_cast %parallel_loop3A_893 : i32 to index
          %parallel_loop3A_924 = arith.constant 48 : index
          %parallel_loop3A_925 = tpu.vector_load %arg16[%parallel_loop3A_923, %parallel_loop3A_924] {strides = array<i32>} : memref<80x64xf32, #tpu.memory_space<vmem>>, vector<16xf32>,
          tpu.vector_store %arg16[%parallel_loop3A_923, %parallel_loop3A_924], %parallel_loop3A_922 {strides = array<i32>} : memref<80x64xf32, #tpu.memory_space<vmem>>, vector<16xf32>,
          %parallel_loop3A_926 = vector.extract_strided_slice %parallel_loop3A_393 {offsets = [14], sizes = [1], strides = [1]} : vector<16xf32> to vector<1xf32>
          %parallel_loop3A_927 = vector.extract %parallel_loop3A_926[0] : f32 from vector<1xf32>
          %parallel_loop3A_928 = arith.constant 16 : i32
          %parallel_loop3A_929 = arith.muli %parallel_loop3A_389, %parallel_loop3A_928 : i32
          %parallel_loop3A_930 = arith.constant 14 : i32
          %parallel_loop3A_931 = arith.addi %parallel_loop3A_929, %parallel_loop3A_930 : i32
          %parallel_loop3A_932 = arith.index_cast %parallel_loop3A_931 : i32 to index
          %parallel_loop3A_933 = arith.constant 0 : index
          %parallel_loop3A_934 = tpu.vector_load %arg16[%parallel_loop3A_932, %parallel_loop3A_933] {strides = array<i32>} : memref<80x64xf32, #tpu.memory_space<vmem>>, vector<16xf32>,
          %parallel_loop3A_935 = vector.broadcast %parallel_loop3A_927 : f32 to vector<16xf32>
          %parallel_loop3A_936 = arith.mulf %parallel_loop3A_934, %parallel_loop3A_935 : vector<16xf32>
          %parallel_loop3A_937 = arith.index_cast %parallel_loop3A_931 : i32 to index
          %parallel_loop3A_938 = arith.constant 0 : index
          %parallel_loop3A_939 = tpu.vector_load %arg16[%parallel_loop3A_937, %parallel_loop3A_938] {strides = array<i32>} : memref<80x64xf32, #tpu.memory_space<vmem>>, vector<16xf32>,
          tpu.vector_store %arg16[%parallel_loop3A_937, %parallel_loop3A_938], %parallel_loop3A_936 {strides = array<i32>} : memref<80x64xf32, #tpu.memory_space<vmem>>, vector<16xf32>,
          %parallel_loop3A_940 = arith.index_cast %parallel_loop3A_931 : i32 to index
          %parallel_loop3A_941 = arith.constant 16 : index
          %parallel_loop3A_942 = tpu.vector_load %arg16[%parallel_loop3A_940, %parallel_loop3A_941] {strides = array<i32>} : memref<80x64xf32, #tpu.memory_space<vmem>>, vector<16xf32>,
          %parallel_loop3A_943 = vector.broadcast %parallel_loop3A_927 : f32 to vector<16xf32>
          %parallel_loop3A_944 = arith.mulf %parallel_loop3A_942, %parallel_loop3A_943 : vector<16xf32>
          %parallel_loop3A_945 = arith.index_cast %parallel_loop3A_931 : i32 to index
          %parallel_loop3A_946 = arith.constant 16 : index
          %parallel_loop3A_947 = tpu.vector_load %arg16[%parallel_loop3A_945, %parallel_loop3A_946] {strides = array<i32>} : memref<80x64xf32, #tpu.memory_space<vmem>>, vector<16xf32>,
          tpu.vector_store %arg16[%parallel_loop3A_945, %parallel_loop3A_946], %parallel_loop3A_944 {strides = array<i32>} : memref<80x64xf32, #tpu.memory_space<vmem>>, vector<16xf32>,
          %parallel_loop3A_948 = arith.index_cast %parallel_loop3A_931 : i32 to index
          %parallel_loop3A_949 = arith.constant 32 : index
          %parallel_loop3A_950 = tpu.vector_load %arg16[%parallel_loop3A_948, %parallel_loop3A_949] {strides = array<i32>} : memref<80x64xf32, #tpu.memory_space<vmem>>, vector<16xf32>,
          %parallel_loop3A_951 = vector.broadcast %parallel_loop3A_927 : f32 to vector<16xf32>
          %parallel_loop3A_952 = arith.mulf %parallel_loop3A_950, %parallel_loop3A_951 : vector<16xf32>
          %parallel_loop3A_953 = arith.index_cast %parallel_loop3A_931 : i32 to index
          %parallel_loop3A_954 = arith.constant 32 : index
          %parallel_loop3A_955 = tpu.vector_load %arg16[%parallel_loop3A_953, %parallel_loop3A_954] {strides = array<i32>} : memref<80x64xf32, #tpu.memory_space<vmem>>, vector<16xf32>,
          tpu.vector_store %arg16[%parallel_loop3A_953, %parallel_loop3A_954], %parallel_loop3A_952 {strides = array<i32>} : memref<80x64xf32, #tpu.memory_space<vmem>>, vector<16xf32>,
          %parallel_loop3A_956 = arith.index_cast %parallel_loop3A_931 : i32 to index
          %parallel_loop3A_957 = arith.constant 48 : index
          %parallel_loop3A_958 = tpu.vector_load %arg16[%parallel_loop3A_956, %parallel_loop3A_957] {strides = array<i32>} : memref<80x64xf32, #tpu.memory_space<vmem>>, vector<16xf32>,
          %parallel_loop3A_959 = vector.broadcast %parallel_loop3A_927 : f32 to vector<16xf32>
          %parallel_loop3A_960 = arith.mulf %parallel_loop3A_958, %parallel_loop3A_959 : vector<16xf32>
          %parallel_loop3A_961 = arith.index_cast %parallel_loop3A_931 : i32 to index
          %parallel_loop3A_962 = arith.constant 48 : index
          %parallel_loop3A_963 = tpu.vector_load %arg16[%parallel_loop3A_961, %parallel_loop3A_962] {strides = array<i32>} : memref<80x64xf32, #tpu.memory_space<vmem>>, vector<16xf32>,
          tpu.vector_store %arg16[%parallel_loop3A_961, %parallel_loop3A_962], %parallel_loop3A_960 {strides = array<i32>} : memref<80x64xf32, #tpu.memory_space<vmem>>, vector<16xf32>,
          %parallel_loop3A_964 = vector.extract_strided_slice %parallel_loop3A_393 {offsets = [15], sizes = [1], strides = [1]} : vector<16xf32> to vector<1xf32>
          %parallel_loop3A_965 = vector.extract %parallel_loop3A_964[0] : f32 from vector<1xf32>
          %parallel_loop3A_966 = arith.constant 16 : i32
          %parallel_loop3A_967 = arith.muli %parallel_loop3A_389, %parallel_loop3A_966 : i32
          %parallel_loop3A_968 = arith.constant 15 : i32
          %parallel_loop3A_969 = arith.addi %parallel_loop3A_967, %parallel_loop3A_968 : i32
          %parallel_loop3A_970 = arith.index_cast %parallel_loop3A_969 : i32 to index
          %parallel_loop3A_971 = arith.constant 0 : index
          %parallel_loop3A_972 = tpu.vector_load %arg16[%parallel_loop3A_970, %parallel_loop3A_971] {strides = array<i32>} : memref<80x64xf32, #tpu.memory_space<vmem>>, vector<16xf32>,
          %parallel_loop3A_973 = vector.broadcast %parallel_loop3A_965 : f32 to vector<16xf32>
          %parallel_loop3A_974 = arith.mulf %parallel_loop3A_972, %parallel_loop3A_973 : vector<16xf32>
          %parallel_loop3A_975 = arith.index_cast %parallel_loop3A_969 : i32 to index
          %parallel_loop3A_976 = arith.constant 0 : index
          %parallel_loop3A_977 = tpu.vector_load %arg16[%parallel_loop3A_975, %parallel_loop3A_976] {strides = array<i32>} : memref<80x64xf32, #tpu.memory_space<vmem>>, vector<16xf32>,
          tpu.vector_store %arg16[%parallel_loop3A_975, %parallel_loop3A_976], %parallel_loop3A_974 {strides = array<i32>} : memref<80x64xf32, #tpu.memory_space<vmem>>, vector<16xf32>,
          %parallel_loop3A_978 = arith.index_cast %parallel_loop3A_969 : i32 to index
          %parallel_loop3A_979 = arith.constant 16 : index
          %parallel_loop3A_980 = tpu.vector_load %arg16[%parallel_loop3A_978, %parallel_loop3A_979] {strides = array<i32>} : memref<80x64xf32, #tpu.memory_space<vmem>>, vector<16xf32>,
          %parallel_loop3A_981 = vector.broadcast %parallel_loop3A_965 : f32 to vector<16xf32>
          %parallel_loop3A_982 = arith.mulf %parallel_loop3A_980, %parallel_loop3A_981 : vector<16xf32>
          %parallel_loop3A_983 = arith.index_cast %parallel_loop3A_969 : i32 to index
          %parallel_loop3A_984 = arith.constant 16 : index
          %parallel_loop3A_985 = tpu.vector_load %arg16[%parallel_loop3A_983, %parallel_loop3A_984] {strides = array<i32>} : memref<80x64xf32, #tpu.memory_space<vmem>>, vector<16xf32>,
          tpu.vector_store %arg16[%parallel_loop3A_983, %parallel_loop3A_984], %parallel_loop3A_982 {strides = array<i32>} : memref<80x64xf32, #tpu.memory_space<vmem>>, vector<16xf32>,
          %parallel_loop3A_986 = arith.index_cast %parallel_loop3A_969 : i32 to index
          %parallel_loop3A_987 = arith.constant 32 : index
          %parallel_loop3A_988 = tpu.vector_load %arg16[%parallel_loop3A_986, %parallel_loop3A_987] {strides = array<i32>} : memref<80x64xf32, #tpu.memory_space<vmem>>, vector<16xf32>,
          %parallel_loop3A_989 = vector.broadcast %parallel_loop3A_965 : f32 to vector<16xf32>
          %parallel_loop3A_990 = arith.mulf %parallel_loop3A_988, %parallel_loop3A_989 : vector<16xf32>
          %parallel_loop3A_991 = arith.index_cast %parallel_loop3A_969 : i32 to index
          %parallel_loop3A_992 = arith.constant 32 : index
          %parallel_loop3A_993 = tpu.vector_load %arg16[%parallel_loop3A_991, %parallel_loop3A_992] {strides = array<i32>} : memref<80x64xf32, #tpu.memory_space<vmem>>, vector<16xf32>,
          tpu.vector_store %arg16[%parallel_loop3A_991, %parallel_loop3A_992], %parallel_loop3A_990 {strides = array<i32>} : memref<80x64xf32, #tpu.memory_space<vmem>>, vector<16xf32>,
          %parallel_loop3A_994 = arith.index_cast %parallel_loop3A_969 : i32 to index
          %parallel_loop3A_995 = arith.constant 48 : index
          %parallel_loop3A_996 = tpu.vector_load %arg16[%parallel_loop3A_994, %parallel_loop3A_995] {strides = array<i32>} : memref<80x64xf32, #tpu.memory_space<vmem>>, vector<16xf32>,
          %parallel_loop3A_997 = vector.broadcast %parallel_loop3A_965 : f32 to vector<16xf32>
          %parallel_loop3A_998 = arith.mulf %parallel_loop3A_996, %parallel_loop3A_997 : vector<16xf32>
          %parallel_loop3A_999 = arith.index_cast %parallel_loop3A_969 : i32 to index
          %parallel_loop3A_1000 = arith.constant 48 : index
          %parallel_loop3A_1001 = tpu.vector_load %arg16[%parallel_loop3A_999, %parallel_loop3A_1000] {strides = array<i32>} : memref<80x64xf32, #tpu.memory_space<vmem>>, vector<16xf32>,
          tpu.vector_store %arg16[%parallel_loop3A_999, %parallel_loop3A_1000], %parallel_loop3A_998 {strides = array<i32>} : memref<80x64xf32, #tpu.memory_space<vmem>>, vector<16xf32>,
        } {sc.loop_unroll_factor = 2 : i64, sc.parallel_access}
        %dma_start3A_263 = arith.constant 0 : i32
        %dma_start3A_264 = tpu.memref_slice %arg15[%mul3A_153, %dma_start3A_263] : memref<50x80xi32, #tpu.memory_space<vmem>> -> memref<1x80xi32, #tpu.memory_space<vmem>>
        %dma_start3A_265 = tpu.memref_squeeze %dma_start3A_264 : memref<1x80xi32, #tpu.memory_space<vmem>> -> memref<80xi32, #tpu.memory_space<vmem>>
        %dma_start3A_266 = arith.constant 0 : i32
        %dma_start3A_267 = arith.constant 0 : i32
        %dma_start3A_268 = tpu.memref_slice %arg10[%dma_start3A_266, %dma_start3A_267] : memref<10000x64xf32, #tpu.memory_space<vmem_shared>> -> memref<10000x64xf32, #tpu.memory_space<vmem_shared>>
        tpu.enqueue_indirect_dma source(%arg16 : memref<80x64xf32, #tpu.memory_space<vmem>>) target(%dma_start3A_268 : memref<10000x64xf32, #tpu.memory_space<vmem_shared>>) offsets(%dma_start3A_265 : memref<80xi32, #tpu.memory_space<vmem>>) semaphore(%arg22 : memref<!tpu.dma_semaphore, #tpu.memory_space<semaphore_mem>>) {add = true}
        %get3A_269 = arith.index_cast %add3A_155 : i32 to index
        %get3A_270 = arith.constant 0 : index
        %get3A_271 = tpu.vector_load %arg14[%get3A_269, %get3A_270] {strides = array<i32>} : memref<50x80xi32, #tpu.memory_space<vmem>>, vector<16xi32>,
        %get3A_272 = arith.index_cast %add3A_155 : i32 to index
        %get3A_273 = arith.constant 0 : index
        %get3A_274 = tpu.vector_load %arg15[%get3A_272, %get3A_273] {strides = array<i32>} : memref<50x80xi32, #tpu.memory_space<vmem>>, vector<16xi32>,
        %gather3A_275 = tpu.vector_load_idx %arg11[%get3A_271] : memref<10000xf32, #tpu.memory_space<vmem>>[vector<16xi32>], vector<16xf32>,
        %gather3A_276 = tpu.vector_load_idx %arg12[%get3A_274] : memref<10000xf32, #tpu.memory_space<vmem>>[vector<16xi32>], vector<16xf32>,
        %add3A_277 = arith.addf %gather3A_275, %gather3A_276 : vector<16xf32>
        %ge3A_278 = arith.constant 0.000000e+00 : f32
        %ge3A_279 = vector.broadcast %ge3A_278 : f32 to vector<16xf32>
        %ge3A_280 = arith.cmpf oge, %add3A_277, %ge3A_279 : vector<16xf32>
        %mul3A_281 = arith.constant 2.000000e-01 : f32
        %mul3A_282 = vector.broadcast %mul3A_281 : f32 to vector<16xf32>
        %mul3A_283 = arith.mulf %add3A_277, %mul3A_282 : vector<16xf32>
        %select_n3A_284 = arith.select %ge3A_280, %add3A_277, %mul3A_283 : vector<16xi1>, vector<16xf32>
        %exp3A_285 = math.exp %select_n3A_284 : vector<16xf32>
        %swap3A_286 = arith.constant 0 : index
        %swap3A_287 = tpu.vector_load %arg18[%swap3A_286] {strides = array<i32>} : memref<80xf32, #tpu.memory_space<vmem>>, vector<16xf32>,
        tpu.vector_store %arg18[%swap3A_286], %exp3A_285 {strides = array<i32>} : memref<80xf32, #tpu.memory_space<vmem>>, vector<16xf32>,
        tpu.vector_store_idx %arg13[%get3A_274], %exp3A_285 {add = true} : memref<10000xf32, #tpu.memory_space<vmem>>[vector<16xi32>], vector<16xf32>,
        %get3A_288 = arith.index_cast %add3A_155 : i32 to index
        %get3A_289 = arith.constant 16 : index
        %get3A_290 = tpu.vector_load %arg14[%get3A_288, %get3A_289] {strides = array<i32>} : memref<50x80xi32, #tpu.memory_space<vmem>>, vector<16xi32>,
        %get3A_291 = arith.index_cast %add3A_155 : i32 to index
        %get3A_292 = arith.constant 16 : index
        %get3A_293 = tpu.vector_load %arg15[%get3A_291, %get3A_292] {strides = array<i32>} : memref<50x80xi32, #tpu.memory_space<vmem>>, vector<16xi32>,
        %gather3A_294 = tpu.vector_load_idx %arg11[%get3A_290] : memref<10000xf32, #tpu.memory_space<vmem>>[vector<16xi32>], vector<16xf32>,
        %gather3A_295 = tpu.vector_load_idx %arg12[%get3A_293] : memref<10000xf32, #tpu.memory_space<vmem>>[vector<16xi32>], vector<16xf32>,
        %add3A_296 = arith.addf %gather3A_294, %gather3A_295 : vector<16xf32>
        %ge3A_297 = arith.constant 0.000000e+00 : f32
        %ge3A_298 = vector.broadcast %ge3A_297 : f32 to vector<16xf32>
        %ge3A_299 = arith.cmpf oge, %add3A_296, %ge3A_298 : vector<16xf32>
        %mul3A_300 = arith.constant 2.000000e-01 : f32
        %mul3A_301 = vector.broadcast %mul3A_300 : f32 to vector<16xf32>
        %mul3A_302 = arith.mulf %add3A_296, %mul3A_301 : vector<16xf32>
        %select_n3A_303 = arith.select %ge3A_299, %add3A_296, %mul3A_302 : vector<16xi1>, vector<16xf32>
        %exp3A_304 = math.exp %select_n3A_303 : vector<16xf32>
        %swap3A_305 = arith.constant 16 : index
        %swap3A_306 = tpu.vector_load %arg18[%swap3A_305] {strides = array<i32>} : memref<80xf32, #tpu.memory_space<vmem>>, vector<16xf32>,
        tpu.vector_store %arg18[%swap3A_305], %exp3A_304 {strides = array<i32>} : memref<80xf32, #tpu.memory_space<vmem>>, vector<16xf32>,
        tpu.vector_store_idx %arg13[%get3A_293], %exp3A_304 {add = true} : memref<10000xf32, #tpu.memory_space<vmem>>[vector<16xi32>], vector<16xf32>,
        %get3A_307 = arith.index_cast %add3A_155 : i32 to index
        %get3A_308 = arith.constant 32 : index
        %get3A_309 = tpu.vector_load %arg14[%get3A_307, %get3A_308] {strides = array<i32>} : memref<50x80xi32, #tpu.memory_space<vmem>>, vector<16xi32>,
        %get3A_310 = arith.index_cast %add3A_155 : i32 to index
        %get3A_311 = arith.constant 32 : index
        %get3A_312 = tpu.vector_load %arg15[%get3A_310, %get3A_311] {strides = array<i32>} : memref<50x80xi32, #tpu.memory_space<vmem>>, vector<16xi32>,
        %gather3A_313 = tpu.vector_load_idx %arg11[%get3A_309] : memref<10000xf32, #tpu.memory_space<vmem>>[vector<16xi32>], vector<16xf32>,
        %gather3A_314 = tpu.vector_load_idx %arg12[%get3A_312] : memref<10000xf32, #tpu.memory_space<vmem>>[vector<16xi32>], vector<16xf32>,
        %add3A_315 = arith.addf %gather3A_313, %gather3A_314 : vector<16xf32>
        %ge3A_316 = arith.constant 0.000000e+00 : f32
        %ge3A_317 = vector.broadcast %ge3A_316 : f32 to vector<16xf32>
        %ge3A_318 = arith.cmpf oge, %add3A_315, %ge3A_317 : vector<16xf32>
        %mul3A_319 = arith.constant 2.000000e-01 : f32
        %mul3A_320 = vector.broadcast %mul3A_319 : f32 to vector<16xf32>
        %mul3A_321 = arith.mulf %add3A_315, %mul3A_320 : vector<16xf32>
        %select_n3A_322 = arith.select %ge3A_318, %add3A_315, %mul3A_321 : vector<16xi1>, vector<16xf32>
        %exp3A_323 = math.exp %select_n3A_322 : vector<16xf32>
        %swap3A_324 = arith.constant 32 : index
        %swap3A_325 = tpu.vector_load %arg18[%swap3A_324] {strides = array<i32>} : memref<80xf32, #tpu.memory_space<vmem>>, vector<16xf32>,
        tpu.vector_store %arg18[%swap3A_324], %exp3A_323 {strides = array<i32>} : memref<80xf32, #tpu.memory_space<vmem>>, vector<16xf32>,
        tpu.vector_store_idx %arg13[%get3A_312], %exp3A_323 {add = true} : memref<10000xf32, #tpu.memory_space<vmem>>[vector<16xi32>], vector<16xf32>,
        %get3A_326 = arith.index_cast %add3A_155 : i32 to index
        %get3A_327 = arith.constant 48 : index
        %get3A_328 = tpu.vector_load %arg14[%get3A_326, %get3A_327] {strides = array<i32>} : memref<50x80xi32, #tpu.memory_space<vmem>>, vector<16xi32>,
        %get3A_329 = arith.index_cast %add3A_155 : i32 to index
        %get3A_330 = arith.constant 48 : index
        %get3A_331 = tpu.vector_load %arg15[%get3A_329, %get3A_330] {strides = array<i32>} : memref<50x80xi32, #tpu.memory_space<vmem>>, vector<16xi32>,
        %gather3A_332 = tpu.vector_load_idx %arg11[%get3A_328] : memref<10000xf32, #tpu.memory_space<vmem>>[vector<16xi32>], vector<16xf32>,
        %gather3A_333 = tpu.vector_load_idx %arg12[%get3A_331] : memref<10000xf32, #tpu.memory_space<vmem>>[vector<16xi32>], vector<16xf32>,
        %add3A_334 = arith.addf %gather3A_332, %gather3A_333 : vector<16xf32>
        %ge3A_335 = arith.constant 0.000000e+00 : f32
        %ge3A_336 = vector.broadcast %ge3A_335 : f32 to vector<16xf32>
        %ge3A_337 = arith.cmpf oge, %add3A_334, %ge3A_336 : vector<16xf32>
        %mul3A_338 = arith.constant 2.000000e-01 : f32
        %mul3A_339 = vector.broadcast %mul3A_338 : f32 to vector<16xf32>
        %mul3A_340 = arith.mulf %add3A_334, %mul3A_339 : vector<16xf32>
        %select_n3A_341 = arith.select %ge3A_337, %add3A_334, %mul3A_340 : vector<16xi1>, vector<16xf32>
        %exp3A_342 = math.exp %select_n3A_341 : vector<16xf32>
        %swap3A_343 = arith.constant 48 : index
        %swap3A_344 = tpu.vector_load %arg18[%swap3A_343] {strides = array<i32>} : memref<80xf32, #tpu.memory_space<vmem>>, vector<16xf32>,
        tpu.vector_store %arg18[%swap3A_343], %exp3A_342 {strides = array<i32>} : memref<80xf32, #tpu.memory_space<vmem>>, vector<16xf32>,
        tpu.vector_store_idx %arg13[%get3A_331], %exp3A_342 {add = true} : memref<10000xf32, #tpu.memory_space<vmem>>[vector<16xi32>], vector<16xf32>,
        %get3A_345 = arith.index_cast %add3A_155 : i32 to index
        %get3A_346 = arith.constant 64 : index
        %get3A_347 = tpu.vector_load %arg14[%get3A_345, %get3A_346] {strides = array<i32>} : memref<50x80xi32, #tpu.memory_space<vmem>>, vector<16xi32>,
        %get3A_348 = arith.index_cast %add3A_155 : i32 to index
        %get3A_349 = arith.constant 64 : index
        %get3A_350 = tpu.vector_load %arg15[%get3A_348, %get3A_349] {strides = array<i32>} : memref<50x80xi32, #tpu.memory_space<vmem>>, vector<16xi32>,
        %gather3A_351 = tpu.vector_load_idx %arg11[%get3A_347] : memref<10000xf32, #tpu.memory_space<vmem>>[vector<16xi32>], vector<16xf32>,
        %gather3A_352 = tpu.vector_load_idx %arg12[%get3A_350] : memref<10000xf32, #tpu.memory_space<vmem>>[vector<16xi32>], vector<16xf32>,
        %add3A_353 = arith.addf %gather3A_351, %gather3A_352 : vector<16xf32>
        %ge3A_354 = arith.constant 0.000000e+00 : f32
        %ge3A_355 = vector.broadcast %ge3A_354 : f32 to vector<16xf32>
        %ge3A_356 = arith.cmpf oge, %add3A_353, %ge3A_355 : vector<16xf32>
        %mul3A_357 = arith.constant 2.000000e-01 : f32
        %mul3A_358 = vector.broadcast %mul3A_357 : f32 to vector<16xf32>
        %mul3A_359 = arith.mulf %add3A_353, %mul3A_358 : vector<16xf32>
        %select_n3A_360 = arith.select %ge3A_356, %add3A_353, %mul3A_359 : vector<16xi1>, vector<16xf32>
        %exp3A_361 = math.exp %select_n3A_360 : vector<16xf32>
        %swap3A_362 = arith.constant 64 : index
        %swap3A_363 = tpu.vector_load %arg18[%swap3A_362] {strides = array<i32>} : memref<80xf32, #tpu.memory_space<vmem>>, vector<16xf32>,
        tpu.vector_store %arg18[%swap3A_362], %exp3A_361 {strides = array<i32>} : memref<80xf32, #tpu.memory_space<vmem>>, vector<16xf32>,
        tpu.vector_store_idx %arg13[%get3A_350], %exp3A_361 {add = true} : memref<10000xf32, #tpu.memory_space<vmem>>[vector<16xi32>], vector<16xf32>,
        %dma_wait3A_364 = arith.constant 0 : i32
        %dma_wait3A_365 = tpu.memref_slice %arg14[%add3A_155, %dma_wait3A_364] : memref<50x80xi32, #tpu.memory_space<vmem>> -> memref<1x80xi32, #tpu.memory_space<vmem>>
        %dma_wait3A_366 = tpu.memref_squeeze %dma_wait3A_365 : memref<1x80xi32, #tpu.memory_space<vmem>> -> memref<80xi32, #tpu.memory_space<vmem>>
        %dma_wait3A_367 = arith.constant 0 : i32
        %dma_wait3A_368 = arith.constant 0 : i32
        %dma_wait3A_369 = tpu.memref_slice %arg9[%dma_wait3A_367, %dma_wait3A_368] : memref<10000x64xf32, #tpu.memory_space<vmem_shared>> -> memref<10000x64xf32, #tpu.memory_space<vmem_shared>>
        tpu.wait_indirect_dma semaphore(%arg21 : memref<!tpu.dma_semaphore, #tpu.memory_space<semaphore_mem>>) src(%dma_wait3A_369 : memref<10000x64xf32, #tpu.memory_space<vmem_shared>>) dst(%arg17 : memref<80x64xf32, #tpu.memory_space<vmem>>)
        %dma_wait3A_370 = arith.constant 0 : i32
        %dma_wait3A_371 = tpu.memref_slice %arg15[%mul3A_153, %dma_wait3A_370] : memref<50x80xi32, #tpu.memory_space<vmem>> -> memref<1x80xi32, #tpu.memory_space<vmem>>
        %dma_wait3A_372 = tpu.memref_squeeze %dma_wait3A_371 : memref<1x80xi32, #tpu.memory_space<vmem>> -> memref<80xi32, #tpu.memory_space<vmem>>
        %dma_wait3A_373 = arith.constant 0 : i32
        %dma_wait3A_374 = arith.constant 0 : i32
        %dma_wait3A_375 = tpu.memref_slice %arg10[%dma_wait3A_373, %dma_wait3A_374] : memref<10000x64xf32, #tpu.memory_space<vmem_shared>> -> memref<10000x64xf32, #tpu.memory_space<vmem_shared>>
        tpu.wait_indirect_dma semaphore(%arg22 : memref<!tpu.dma_semaphore, #tpu.memory_space<semaphore_mem>>) src(%arg16 : memref<80x64xf32, #tpu.memory_space<vmem>>) dst(%dma_wait3A_375 : memref<10000x64xf32, #tpu.memory_space<vmem_shared>>)
        %lt3A = arith.constant 24 : i32
        %lt3A_376 = arith.cmpi slt, %scan3A_151, %lt3A : i32
        %convert_element_type3A_377 = arith.extui %lt3A_376 : i1 to i32
        %cond3A_378 = arith.constant 0 : i32
        %cond3A_379 = arith.cmpi ne, %convert_element_type3A_377, %cond3A_378 : i32
        scf.if %cond3A_379 {
          %add3A_389 = arith.constant 2 : i32
          %add3A_390 = arith.addi %mul3A_153, %add3A_389 : i32
          %dma_start3A_391 = arith.constant 0 : i32
          %dma_start3A_392 = tpu.memref_slice %arg14[%add3A_390, %dma_start3A_391] : memref<50x80xi32, #tpu.memory_space<vmem>> -> memref<1x80xi32, #tpu.memory_space<vmem>>
          %dma_start3A_393 = tpu.memref_squeeze %dma_start3A_392 : memref<1x80xi32, #tpu.memory_space<vmem>> -> memref<80xi32, #tpu.memory_space<vmem>>
          %dma_start3A_394 = arith.constant 0 : i32
          %dma_start3A_395 = arith.constant 0 : i32
          %dma_start3A_396 = tpu.memref_slice %arg9[%dma_start3A_394, %dma_start3A_395] : memref<10000x64xf32, #tpu.memory_space<vmem_shared>> -> memref<10000x64xf32, #tpu.memory_space<vmem_shared>>
          tpu.enqueue_indirect_dma source(%dma_start3A_396 : memref<10000x64xf32, #tpu.memory_space<vmem_shared>>) target(%arg16 : memref<80x64xf32, #tpu.memory_space<vmem>>) offsets(%dma_start3A_393 : memref<80xi32, #tpu.memory_space<vmem>>) semaphore(%arg20 : memref<!tpu.dma_semaphore, #tpu.memory_space<semaphore_mem>>)
        } else {
        }
        %parallel_loop3A_380 = arith.constant 0 : i32
        %parallel_loop3A_381 = arith.constant 5 : i32
        %parallel_loop3A_382 = arith.constant 1 : i32
        scf.for %parallel_loop3A_389 = %parallel_loop3A_380 to %parallel_loop3A_381 step %parallel_loop3A_382  : i32 {
          %parallel_loop3A_390 = arith.constant 16 : i32
          %parallel_loop3A_391 = arith.muli %parallel_loop3A_389, %parallel_loop3A_390 : i32
          %parallel_loop3A_392 = arith.index_cast %parallel_loop3A_391 : i32 to index
          %parallel_loop3A_393 = tpu.vector_load %arg18[%parallel_loop3A_392] {strides = array<i32>} : memref<80xf32, #tpu.memory_space<vmem>>, vector<16xf32>,
          %parallel_loop3A_394 = vector.extract_strided_slice %parallel_loop3A_393 {offsets = [0], sizes = [1], strides = [1]} : vector<16xf32> to vector<1xf32>
          %parallel_loop3A_395 = vector.extract %parallel_loop3A_394[0] : f32 from vector<1xf32>
          %parallel_loop3A_396 = arith.constant 16 : i32
          %parallel_loop3A_397 = arith.muli %parallel_loop3A_389, %parallel_loop3A_396 : i32
          %parallel_loop3A_398 = arith.constant 0 : i32
          %parallel_loop3A_399 = arith.addi %parallel_loop3A_397, %parallel_loop3A_398 : i32
          %parallel_loop3A_400 = arith.index_cast %parallel_loop3A_399 : i32 to index
          %parallel_loop3A_401 = arith.constant 0 : index
          %parallel_loop3A_402 = tpu.vector_load %arg17[%parallel_loop3A_400, %parallel_loop3A_401] {strides = array<i32>} : memref<80x64xf32, #tpu.memory_space<vmem>>, vector<16xf32>,
          %parallel_loop3A_403 = vector.broadcast %parallel_loop3A_395 : f32 to vector<16xf32>
          %parallel_loop3A_404 = arith.mulf %parallel_loop3A_402, %parallel_loop3A_403 : vector<16xf32>
          %parallel_loop3A_405 = arith.index_cast %parallel_loop3A_399 : i32 to index
          %parallel_loop3A_406 = arith.constant 0 : index
          %parallel_loop3A_407 = tpu.vector_load %arg17[%parallel_loop3A_405, %parallel_loop3A_406] {strides = array<i32>} : memref<80x64xf32, #tpu.memory_space<vmem>>, vector<16xf32>,
          tpu.vector_store %arg17[%parallel_loop3A_405, %parallel_loop3A_406], %parallel_loop3A_404 {strides = array<i32>} : memref<80x64xf32, #tpu.memory_space<vmem>>, vector<16xf32>,
          %parallel_loop3A_408 = arith.index_cast %parallel_loop3A_399 : i32 to index
          %parallel_loop3A_409 = arith.constant 16 : index
          %parallel_loop3A_410 = tpu.vector_load %arg17[%parallel_loop3A_408, %parallel_loop3A_409] {strides = array<i32>} : memref<80x64xf32, #tpu.memory_space<vmem>>, vector<16xf32>,
          %parallel_loop3A_411 = vector.broadcast %parallel_loop3A_395 : f32 to vector<16xf32>
          %parallel_loop3A_412 = arith.mulf %parallel_loop3A_410, %parallel_loop3A_411 : vector<16xf32>
          %parallel_loop3A_413 = arith.index_cast %parallel_loop3A_399 : i32 to index
          %parallel_loop3A_414 = arith.constant 16 : index
          %parallel_loop3A_415 = tpu.vector_load %arg17[%parallel_loop3A_413, %parallel_loop3A_414] {strides = array<i32>} : memref<80x64xf32, #tpu.memory_space<vmem>>, vector<16xf32>,
          tpu.vector_store %arg17[%parallel_loop3A_413, %parallel_loop3A_414], %parallel_loop3A_412 {strides = array<i32>} : memref<80x64xf32, #tpu.memory_space<vmem>>, vector<16xf32>,
          %parallel_loop3A_416 = arith.index_cast %parallel_loop3A_399 : i32 to index
          %parallel_loop3A_417 = arith.constant 32 : index
          %parallel_loop3A_418 = tpu.vector_load %arg17[%parallel_loop3A_416, %parallel_loop3A_417] {strides = array<i32>} : memref<80x64xf32, #tpu.memory_space<vmem>>, vector<16xf32>,
          %parallel_loop3A_419 = vector.broadcast %parallel_loop3A_395 : f32 to vector<16xf32>
          %parallel_loop3A_420 = arith.mulf %parallel_loop3A_418, %parallel_loop3A_419 : vector<16xf32>
          %parallel_loop3A_421 = arith.index_cast %parallel_loop3A_399 : i32 to index
          %parallel_loop3A_422 = arith.constant 32 : index
          %parallel_loop3A_423 = tpu.vector_load %arg17[%parallel_loop3A_421, %parallel_loop3A_422] {strides = array<i32>} : memref<80x64xf32, #tpu.memory_space<vmem>>, vector<16xf32>,
          tpu.vector_store %arg17[%parallel_loop3A_421, %parallel_loop3A_422], %parallel_loop3A_420 {strides = array<i32>} : memref<80x64xf32, #tpu.memory_space<vmem>>, vector<16xf32>,
          %parallel_loop3A_424 = arith.index_cast %parallel_loop3A_399 : i32 to index
          %parallel_loop3A_425 = arith.constant 48 : index
          %parallel_loop3A_426 = tpu.vector_load %arg17[%parallel_loop3A_424, %parallel_loop3A_425] {strides = array<i32>} : memref<80x64xf32, #tpu.memory_space<vmem>>, vector<16xf32>,
          %parallel_loop3A_427 = vector.broadcast %parallel_loop3A_395 : f32 to vector<16xf32>
          %parallel_loop3A_428 = arith.mulf %parallel_loop3A_426, %parallel_loop3A_427 : vector<16xf32>
          %parallel_loop3A_429 = arith.index_cast %parallel_loop3A_399 : i32 to index
          %parallel_loop3A_430 = arith.constant 48 : index
          %parallel_loop3A_431 = tpu.vector_load %arg17[%parallel_loop3A_429, %parallel_loop3A_430] {strides = array<i32>} : memref<80x64xf32, #tpu.memory_space<vmem>>, vector<16xf32>,
          tpu.vector_store %arg17[%parallel_loop3A_429, %parallel_loop3A_430], %parallel_loop3A_428 {strides = array<i32>} : memref<80x64xf32, #tpu.memory_space<vmem>>, vector<16xf32>,
          %parallel_loop3A_432 = vector.extract_strided_slice %parallel_loop3A_393 {offsets = [1], sizes = [1], strides = [1]} : vector<16xf32> to vector<1xf32>
          %parallel_loop3A_433 = vector.extract %parallel_loop3A_432[0] : f32 from vector<1xf32>
          %parallel_loop3A_434 = arith.constant 16 : i32
          %parallel_loop3A_435 = arith.muli %parallel_loop3A_389, %parallel_loop3A_434 : i32
          %parallel_loop3A_436 = arith.constant 1 : i32
          %parallel_loop3A_437 = arith.addi %parallel_loop3A_435, %parallel_loop3A_436 : i32
          %parallel_loop3A_438 = arith.index_cast %parallel_loop3A_437 : i32 to index
          %parallel_loop3A_439 = arith.constant 0 : index
          %parallel_loop3A_440 = tpu.vector_load %arg17[%parallel_loop3A_438, %parallel_loop3A_439] {strides = array<i32>} : memref<80x64xf32, #tpu.memory_space<vmem>>, vector<16xf32>,
          %parallel_loop3A_441 = vector.broadcast %parallel_loop3A_433 : f32 to vector<16xf32>
          %parallel_loop3A_442 = arith.mulf %parallel_loop3A_440, %parallel_loop3A_441 : vector<16xf32>
          %parallel_loop3A_443 = arith.index_cast %parallel_loop3A_437 : i32 to index
          %parallel_loop3A_444 = arith.constant 0 : index
          %parallel_loop3A_445 = tpu.vector_load %arg17[%parallel_loop3A_443, %parallel_loop3A_444] {strides = array<i32>} : memref<80x64xf32, #tpu.memory_space<vmem>>, vector<16xf32>,
          tpu.vector_store %arg17[%parallel_loop3A_443, %parallel_loop3A_444], %parallel_loop3A_442 {strides = array<i32>} : memref<80x64xf32, #tpu.memory_space<vmem>>, vector<16xf32>,
          %parallel_loop3A_446 = arith.index_cast %parallel_loop3A_437 : i32 to index
          %parallel_loop3A_447 = arith.constant 16 : index
          %parallel_loop3A_448 = tpu.vector_load %arg17[%parallel_loop3A_446, %parallel_loop3A_447] {strides = array<i32>} : memref<80x64xf32, #tpu.memory_space<vmem>>, vector<16xf32>,
          %parallel_loop3A_449 = vector.broadcast %parallel_loop3A_433 : f32 to vector<16xf32>
          %parallel_loop3A_450 = arith.mulf %parallel_loop3A_448, %parallel_loop3A_449 : vector<16xf32>
          %parallel_loop3A_451 = arith.index_cast %parallel_loop3A_437 : i32 to index
          %parallel_loop3A_452 = arith.constant 16 : index
          %parallel_loop3A_453 = tpu.vector_load %arg17[%parallel_loop3A_451, %parallel_loop3A_452] {strides = array<i32>} : memref<80x64xf32, #tpu.memory_space<vmem>>, vector<16xf32>,
          tpu.vector_store %arg17[%parallel_loop3A_451, %parallel_loop3A_452], %parallel_loop3A_450 {strides = array<i32>} : memref<80x64xf32, #tpu.memory_space<vmem>>, vector<16xf32>,
          %parallel_loop3A_454 = arith.index_cast %parallel_loop3A_437 : i32 to index
          %parallel_loop3A_455 = arith.constant 32 : index
          %parallel_loop3A_456 = tpu.vector_load %arg17[%parallel_loop3A_454, %parallel_loop3A_455] {strides = array<i32>} : memref<80x64xf32, #tpu.memory_space<vmem>>, vector<16xf32>,
          %parallel_loop3A_457 = vector.broadcast %parallel_loop3A_433 : f32 to vector<16xf32>
          %parallel_loop3A_458 = arith.mulf %parallel_loop3A_456, %parallel_loop3A_457 : vector<16xf32>
          %parallel_loop3A_459 = arith.index_cast %parallel_loop3A_437 : i32 to index
          %parallel_loop3A_460 = arith.constant 32 : index
          %parallel_loop3A_461 = tpu.vector_load %arg17[%parallel_loop3A_459, %parallel_loop3A_460] {strides = array<i32>} : memref<80x64xf32, #tpu.memory_space<vmem>>, vector<16xf32>,
          tpu.vector_store %arg17[%parallel_loop3A_459, %parallel_loop3A_460], %parallel_loop3A_458 {strides = array<i32>} : memref<80x64xf32, #tpu.memory_space<vmem>>, vector<16xf32>,
          %parallel_loop3A_462 = arith.index_cast %parallel_loop3A_437 : i32 to index
          %parallel_loop3A_463 = arith.constant 48 : index
          %parallel_loop3A_464 = tpu.vector_load %arg17[%parallel_loop3A_462, %parallel_loop3A_463] {strides = array<i32>} : memref<80x64xf32, #tpu.memory_space<vmem>>, vector<16xf32>,
          %parallel_loop3A_465 = vector.broadcast %parallel_loop3A_433 : f32 to vector<16xf32>
          %parallel_loop3A_466 = arith.mulf %parallel_loop3A_464, %parallel_loop3A_465 : vector<16xf32>
          %parallel_loop3A_467 = arith.index_cast %parallel_loop3A_437 : i32 to index
          %parallel_loop3A_468 = arith.constant 48 : index
          %parallel_loop3A_469 = tpu.vector_load %arg17[%parallel_loop3A_467, %parallel_loop3A_468] {strides = array<i32>} : memref<80x64xf32, #tpu.memory_space<vmem>>, vector<16xf32>,
          tpu.vector_store %arg17[%parallel_loop3A_467, %parallel_loop3A_468], %parallel_loop3A_466 {strides = array<i32>} : memref<80x64xf32, #tpu.memory_space<vmem>>, vector<16xf32>,
          %parallel_loop3A_470 = vector.extract_strided_slice %parallel_loop3A_393 {offsets = [2], sizes = [1], strides = [1]} : vector<16xf32> to vector<1xf32>
          %parallel_loop3A_471 = vector.extract %parallel_loop3A_470[0] : f32 from vector<1xf32>
          %parallel_loop3A_472 = arith.constant 16 : i32
          %parallel_loop3A_473 = arith.muli %parallel_loop3A_389, %parallel_loop3A_472 : i32
          %parallel_loop3A_474 = arith.constant 2 : i32
          %parallel_loop3A_475 = arith.addi %parallel_loop3A_473, %parallel_loop3A_474 : i32
          %parallel_loop3A_476 = arith.index_cast %parallel_loop3A_475 : i32 to index
          %parallel_loop3A_477 = arith.constant 0 : index
          %parallel_loop3A_478 = tpu.vector_load %arg17[%parallel_loop3A_476, %parallel_loop3A_477] {strides = array<i32>} : memref<80x64xf32, #tpu.memory_space<vmem>>, vector<16xf32>,
          %parallel_loop3A_479 = vector.broadcast %parallel_loop3A_471 : f32 to vector<16xf32>
          %parallel_loop3A_480 = arith.mulf %parallel_loop3A_478, %parallel_loop3A_479 : vector<16xf32>
          %parallel_loop3A_481 = arith.index_cast %parallel_loop3A_475 : i32 to index
          %parallel_loop3A_482 = arith.constant 0 : index
          %parallel_loop3A_483 = tpu.vector_load %arg17[%parallel_loop3A_481, %parallel_loop3A_482] {strides = array<i32>} : memref<80x64xf32, #tpu.memory_space<vmem>>, vector<16xf32>,
          tpu.vector_store %arg17[%parallel_loop3A_481, %parallel_loop3A_482], %parallel_loop3A_480 {strides = array<i32>} : memref<80x64xf32, #tpu.memory_space<vmem>>, vector<16xf32>,
          %parallel_loop3A_484 = arith.index_cast %parallel_loop3A_475 : i32 to index
          %parallel_loop3A_485 = arith.constant 16 : index
          %parallel_loop3A_486 = tpu.vector_load %arg17[%parallel_loop3A_484, %parallel_loop3A_485] {strides = array<i32>} : memref<80x64xf32, #tpu.memory_space<vmem>>, vector<16xf32>,
          %parallel_loop3A_487 = vector.broadcast %parallel_loop3A_471 : f32 to vector<16xf32>
          %parallel_loop3A_488 = arith.mulf %parallel_loop3A_486, %parallel_loop3A_487 : vector<16xf32>
          %parallel_loop3A_489 = arith.index_cast %parallel_loop3A_475 : i32 to index
          %parallel_loop3A_490 = arith.constant 16 : index
          %parallel_loop3A_491 = tpu.vector_load %arg17[%parallel_loop3A_489, %parallel_loop3A_490] {strides = array<i32>} : memref<80x64xf32, #tpu.memory_space<vmem>>, vector<16xf32>,
          tpu.vector_store %arg17[%parallel_loop3A_489, %parallel_loop3A_490], %parallel_loop3A_488 {strides = array<i32>} : memref<80x64xf32, #tpu.memory_space<vmem>>, vector<16xf32>,
          %parallel_loop3A_492 = arith.index_cast %parallel_loop3A_475 : i32 to index
          %parallel_loop3A_493 = arith.constant 32 : index
          %parallel_loop3A_494 = tpu.vector_load %arg17[%parallel_loop3A_492, %parallel_loop3A_493] {strides = array<i32>} : memref<80x64xf32, #tpu.memory_space<vmem>>, vector<16xf32>,
          %parallel_loop3A_495 = vector.broadcast %parallel_loop3A_471 : f32 to vector<16xf32>
          %parallel_loop3A_496 = arith.mulf %parallel_loop3A_494, %parallel_loop3A_495 : vector<16xf32>
          %parallel_loop3A_497 = arith.index_cast %parallel_loop3A_475 : i32 to index
          %parallel_loop3A_498 = arith.constant 32 : index
          %parallel_loop3A_499 = tpu.vector_load %arg17[%parallel_loop3A_497, %parallel_loop3A_498] {strides = array<i32>} : memref<80x64xf32, #tpu.memory_space<vmem>>, vector<16xf32>,
          tpu.vector_store %arg17[%parallel_loop3A_497, %parallel_loop3A_498], %parallel_loop3A_496 {strides = array<i32>} : memref<80x64xf32, #tpu.memory_space<vmem>>, vector<16xf32>,
          %parallel_loop3A_500 = arith.index_cast %parallel_loop3A_475 : i32 to index
          %parallel_loop3A_501 = arith.constant 48 : index
          %parallel_loop3A_502 = tpu.vector_load %arg17[%parallel_loop3A_500, %parallel_loop3A_501] {strides = array<i32>} : memref<80x64xf32, #tpu.memory_space<vmem>>, vector<16xf32>,
          %parallel_loop3A_503 = vector.broadcast %parallel_loop3A_471 : f32 to vector<16xf32>
          %parallel_loop3A_504 = arith.mulf %parallel_loop3A_502, %parallel_loop3A_503 : vector<16xf32>
          %parallel_loop3A_505 = arith.index_cast %parallel_loop3A_475 : i32 to index
          %parallel_loop3A_506 = arith.constant 48 : index
          %parallel_loop3A_507 = tpu.vector_load %arg17[%parallel_loop3A_505, %parallel_loop3A_506] {strides = array<i32>} : memref<80x64xf32, #tpu.memory_space<vmem>>, vector<16xf32>,
          tpu.vector_store %arg17[%parallel_loop3A_505, %parallel_loop3A_506], %parallel_loop3A_504 {strides = array<i32>} : memref<80x64xf32, #tpu.memory_space<vmem>>, vector<16xf32>,
          %parallel_loop3A_508 = vector.extract_strided_slice %parallel_loop3A_393 {offsets = [3], sizes = [1], strides = [1]} : vector<16xf32> to vector<1xf32>
          %parallel_loop3A_509 = vector.extract %parallel_loop3A_508[0] : f32 from vector<1xf32>
          %parallel_loop3A_510 = arith.constant 16 : i32
          %parallel_loop3A_511 = arith.muli %parallel_loop3A_389, %parallel_loop3A_510 : i32
          %parallel_loop3A_512 = arith.constant 3 : i32
          %parallel_loop3A_513 = arith.addi %parallel_loop3A_511, %parallel_loop3A_512 : i32
          %parallel_loop3A_514 = arith.index_cast %parallel_loop3A_513 : i32 to index
          %parallel_loop3A_515 = arith.constant 0 : index
          %parallel_loop3A_516 = tpu.vector_load %arg17[%parallel_loop3A_514, %parallel_loop3A_515] {strides = array<i32>} : memref<80x64xf32, #tpu.memory_space<vmem>>, vector<16xf32>,
          %parallel_loop3A_517 = vector.broadcast %parallel_loop3A_509 : f32 to vector<16xf32>
          %parallel_loop3A_518 = arith.mulf %parallel_loop3A_516, %parallel_loop3A_517 : vector<16xf32>
          %parallel_loop3A_519 = arith.index_cast %parallel_loop3A_513 : i32 to index
          %parallel_loop3A_520 = arith.constant 0 : index
          %parallel_loop3A_521 = tpu.vector_load %arg17[%parallel_loop3A_519, %parallel_loop3A_520] {strides = array<i32>} : memref<80x64xf32, #tpu.memory_space<vmem>>, vector<16xf32>,
          tpu.vector_store %arg17[%parallel_loop3A_519, %parallel_loop3A_520], %parallel_loop3A_518 {strides = array<i32>} : memref<80x64xf32, #tpu.memory_space<vmem>>, vector<16xf32>,
          %parallel_loop3A_522 = arith.index_cast %parallel_loop3A_513 : i32 to index
          %parallel_loop3A_523 = arith.constant 16 : index
          %parallel_loop3A_524 = tpu.vector_load %arg17[%parallel_loop3A_522, %parallel_loop3A_523] {strides = array<i32>} : memref<80x64xf32, #tpu.memory_space<vmem>>, vector<16xf32>,
          %parallel_loop3A_525 = vector.broadcast %parallel_loop3A_509 : f32 to vector<16xf32>
          %parallel_loop3A_526 = arith.mulf %parallel_loop3A_524, %parallel_loop3A_525 : vector<16xf32>
          %parallel_loop3A_527 = arith.index_cast %parallel_loop3A_513 : i32 to index
          %parallel_loop3A_528 = arith.constant 16 : index
          %parallel_loop3A_529 = tpu.vector_load %arg17[%parallel_loop3A_527, %parallel_loop3A_528] {strides = array<i32>} : memref<80x64xf32, #tpu.memory_space<vmem>>, vector<16xf32>,
          tpu.vector_store %arg17[%parallel_loop3A_527, %parallel_loop3A_528], %parallel_loop3A_526 {strides = array<i32>} : memref<80x64xf32, #tpu.memory_space<vmem>>, vector<16xf32>,
          %parallel_loop3A_530 = arith.index_cast %parallel_loop3A_513 : i32 to index
          %parallel_loop3A_531 = arith.constant 32 : index
          %parallel_loop3A_532 = tpu.vector_load %arg17[%parallel_loop3A_530, %parallel_loop3A_531] {strides = array<i32>} : memref<80x64xf32, #tpu.memory_space<vmem>>, vector<16xf32>,
          %parallel_loop3A_533 = vector.broadcast %parallel_loop3A_509 : f32 to vector<16xf32>
          %parallel_loop3A_534 = arith.mulf %parallel_loop3A_532, %parallel_loop3A_533 : vector<16xf32>
          %parallel_loop3A_535 = arith.index_cast %parallel_loop3A_513 : i32 to index
          %parallel_loop3A_536 = arith.constant 32 : index
          %parallel_loop3A_537 = tpu.vector_load %arg17[%parallel_loop3A_535, %parallel_loop3A_536] {strides = array<i32>} : memref<80x64xf32, #tpu.memory_space<vmem>>, vector<16xf32>,
          tpu.vector_store %arg17[%parallel_loop3A_535, %parallel_loop3A_536], %parallel_loop3A_534 {strides = array<i32>} : memref<80x64xf32, #tpu.memory_space<vmem>>, vector<16xf32>,
          %parallel_loop3A_538 = arith.index_cast %parallel_loop3A_513 : i32 to index
          %parallel_loop3A_539 = arith.constant 48 : index
          %parallel_loop3A_540 = tpu.vector_load %arg17[%parallel_loop3A_538, %parallel_loop3A_539] {strides = array<i32>} : memref<80x64xf32, #tpu.memory_space<vmem>>, vector<16xf32>,
          %parallel_loop3A_541 = vector.broadcast %parallel_loop3A_509 : f32 to vector<16xf32>
          %parallel_loop3A_542 = arith.mulf %parallel_loop3A_540, %parallel_loop3A_541 : vector<16xf32>
          %parallel_loop3A_543 = arith.index_cast %parallel_loop3A_513 : i32 to index
          %parallel_loop3A_544 = arith.constant 48 : index
          %parallel_loop3A_545 = tpu.vector_load %arg17[%parallel_loop3A_543, %parallel_loop3A_544] {strides = array<i32>} : memref<80x64xf32, #tpu.memory_space<vmem>>, vector<16xf32>,
          tpu.vector_store %arg17[%parallel_loop3A_543, %parallel_loop3A_544], %parallel_loop3A_542 {strides = array<i32>} : memref<80x64xf32, #tpu.memory_space<vmem>>, vector<16xf32>,
          %parallel_loop3A_546 = vector.extract_strided_slice %parallel_loop3A_393 {offsets = [4], sizes = [1], strides = [1]} : vector<16xf32> to vector<1xf32>
          %parallel_loop3A_547 = vector.extract %parallel_loop3A_546[0] : f32 from vector<1xf32>
          %parallel_loop3A_548 = arith.constant 16 : i32
          %parallel_loop3A_549 = arith.muli %parallel_loop3A_389, %parallel_loop3A_548 : i32
          %parallel_loop3A_550 = arith.constant 4 : i32
          %parallel_loop3A_551 = arith.addi %parallel_loop3A_549, %parallel_loop3A_550 : i32
          %parallel_loop3A_552 = arith.index_cast %parallel_loop3A_551 : i32 to index
          %parallel_loop3A_553 = arith.constant 0 : index
          %parallel_loop3A_554 = tpu.vector_load %arg17[%parallel_loop3A_552, %parallel_loop3A_553] {strides = array<i32>} : memref<80x64xf32, #tpu.memory_space<vmem>>, vector<16xf32>,
          %parallel_loop3A_555 = vector.broadcast %parallel_loop3A_547 : f32 to vector<16xf32>
          %parallel_loop3A_556 = arith.mulf %parallel_loop3A_554, %parallel_loop3A_555 : vector<16xf32>
          %parallel_loop3A_557 = arith.index_cast %parallel_loop3A_551 : i32 to index
          %parallel_loop3A_558 = arith.constant 0 : index
          %parallel_loop3A_559 = tpu.vector_load %arg17[%parallel_loop3A_557, %parallel_loop3A_558] {strides = array<i32>} : memref<80x64xf32, #tpu.memory_space<vmem>>, vector<16xf32>,
          tpu.vector_store %arg17[%parallel_loop3A_557, %parallel_loop3A_558], %parallel_loop3A_556 {strides = array<i32>} : memref<80x64xf32, #tpu.memory_space<vmem>>, vector<16xf32>,
          %parallel_loop3A_560 = arith.index_cast %parallel_loop3A_551 : i32 to index
          %parallel_loop3A_561 = arith.constant 16 : index
          %parallel_loop3A_562 = tpu.vector_load %arg17[%parallel_loop3A_560, %parallel_loop3A_561] {strides = array<i32>} : memref<80x64xf32, #tpu.memory_space<vmem>>, vector<16xf32>,
          %parallel_loop3A_563 = vector.broadcast %parallel_loop3A_547 : f32 to vector<16xf32>
          %parallel_loop3A_564 = arith.mulf %parallel_loop3A_562, %parallel_loop3A_563 : vector<16xf32>
          %parallel_loop3A_565 = arith.index_cast %parallel_loop3A_551 : i32 to index
          %parallel_loop3A_566 = arith.constant 16 : index
          %parallel_loop3A_567 = tpu.vector_load %arg17[%parallel_loop3A_565, %parallel_loop3A_566] {strides = array<i32>} : memref<80x64xf32, #tpu.memory_space<vmem>>, vector<16xf32>,
          tpu.vector_store %arg17[%parallel_loop3A_565, %parallel_loop3A_566], %parallel_loop3A_564 {strides = array<i32>} : memref<80x64xf32, #tpu.memory_space<vmem>>, vector<16xf32>,
          %parallel_loop3A_568 = arith.index_cast %parallel_loop3A_551 : i32 to index
          %parallel_loop3A_569 = arith.constant 32 : index
          %parallel_loop3A_570 = tpu.vector_load %arg17[%parallel_loop3A_568, %parallel_loop3A_569] {strides = array<i32>} : memref<80x64xf32, #tpu.memory_space<vmem>>, vector<16xf32>,
          %parallel_loop3A_571 = vector.broadcast %parallel_loop3A_547 : f32 to vector<16xf32>
          %parallel_loop3A_572 = arith.mulf %parallel_loop3A_570, %parallel_loop3A_571 : vector<16xf32>
          %parallel_loop3A_573 = arith.index_cast %parallel_loop3A_551 : i32 to index
          %parallel_loop3A_574 = arith.constant 32 : index
          %parallel_loop3A_575 = tpu.vector_load %arg17[%parallel_loop3A_573, %parallel_loop3A_574] {strides = array<i32>} : memref<80x64xf32, #tpu.memory_space<vmem>>, vector<16xf32>,
          tpu.vector_store %arg17[%parallel_loop3A_573, %parallel_loop3A_574], %parallel_loop3A_572 {strides = array<i32>} : memref<80x64xf32, #tpu.memory_space<vmem>>, vector<16xf32>,
          %parallel_loop3A_576 = arith.index_cast %parallel_loop3A_551 : i32 to index
          %parallel_loop3A_577 = arith.constant 48 : index
          %parallel_loop3A_578 = tpu.vector_load %arg17[%parallel_loop3A_576, %parallel_loop3A_577] {strides = array<i32>} : memref<80x64xf32, #tpu.memory_space<vmem>>, vector<16xf32>,
          %parallel_loop3A_579 = vector.broadcast %parallel_loop3A_547 : f32 to vector<16xf32>
          %parallel_loop3A_580 = arith.mulf %parallel_loop3A_578, %parallel_loop3A_579 : vector<16xf32>
          %parallel_loop3A_581 = arith.index_cast %parallel_loop3A_551 : i32 to index
          %parallel_loop3A_582 = arith.constant 48 : index
          %parallel_loop3A_583 = tpu.vector_load %arg17[%parallel_loop3A_581, %parallel_loop3A_582] {strides = array<i32>} : memref<80x64xf32, #tpu.memory_space<vmem>>, vector<16xf32>,
          tpu.vector_store %arg17[%parallel_loop3A_581, %parallel_loop3A_582], %parallel_loop3A_580 {strides = array<i32>} : memref<80x64xf32, #tpu.memory_space<vmem>>, vector<16xf32>,
          %parallel_loop3A_584 = vector.extract_strided_slice %parallel_loop3A_393 {offsets = [5], sizes = [1], strides = [1]} : vector<16xf32> to vector<1xf32>
          %parallel_loop3A_585 = vector.extract %parallel_loop3A_584[0] : f32 from vector<1xf32>
          %parallel_loop3A_586 = arith.constant 16 : i32
          %parallel_loop3A_587 = arith.muli %parallel_loop3A_389, %parallel_loop3A_586 : i32
          %parallel_loop3A_588 = arith.constant 5 : i32
          %parallel_loop3A_589 = arith.addi %parallel_loop3A_587, %parallel_loop3A_588 : i32
          %parallel_loop3A_590 = arith.index_cast %parallel_loop3A_589 : i32 to index
          %parallel_loop3A_591 = arith.constant 0 : index
          %parallel_loop3A_592 = tpu.vector_load %arg17[%parallel_loop3A_590, %parallel_loop3A_591] {strides = array<i32>} : memref<80x64xf32, #tpu.memory_space<vmem>>, vector<16xf32>,
          %parallel_loop3A_593 = vector.broadcast %parallel_loop3A_585 : f32 to vector<16xf32>
          %parallel_loop3A_594 = arith.mulf %parallel_loop3A_592, %parallel_loop3A_593 : vector<16xf32>
          %parallel_loop3A_595 = arith.index_cast %parallel_loop3A_589 : i32 to index
          %parallel_loop3A_596 = arith.constant 0 : index
          %parallel_loop3A_597 = tpu.vector_load %arg17[%parallel_loop3A_595, %parallel_loop3A_596] {strides = array<i32>} : memref<80x64xf32, #tpu.memory_space<vmem>>, vector<16xf32>,
          tpu.vector_store %arg17[%parallel_loop3A_595, %parallel_loop3A_596], %parallel_loop3A_594 {strides = array<i32>} : memref<80x64xf32, #tpu.memory_space<vmem>>, vector<16xf32>,
          %parallel_loop3A_598 = arith.index_cast %parallel_loop3A_589 : i32 to index
          %parallel_loop3A_599 = arith.constant 16 : index
          %parallel_loop3A_600 = tpu.vector_load %arg17[%parallel_loop3A_598, %parallel_loop3A_599] {strides = array<i32>} : memref<80x64xf32, #tpu.memory_space<vmem>>, vector<16xf32>,
          %parallel_loop3A_601 = vector.broadcast %parallel_loop3A_585 : f32 to vector<16xf32>
          %parallel_loop3A_602 = arith.mulf %parallel_loop3A_600, %parallel_loop3A_601 : vector<16xf32>
          %parallel_loop3A_603 = arith.index_cast %parallel_loop3A_589 : i32 to index
          %parallel_loop3A_604 = arith.constant 16 : index
          %parallel_loop3A_605 = tpu.vector_load %arg17[%parallel_loop3A_603, %parallel_loop3A_604] {strides = array<i32>} : memref<80x64xf32, #tpu.memory_space<vmem>>, vector<16xf32>,
          tpu.vector_store %arg17[%parallel_loop3A_603, %parallel_loop3A_604], %parallel_loop3A_602 {strides = array<i32>} : memref<80x64xf32, #tpu.memory_space<vmem>>, vector<16xf32>,
          %parallel_loop3A_606 = arith.index_cast %parallel_loop3A_589 : i32 to index
          %parallel_loop3A_607 = arith.constant 32 : index
          %parallel_loop3A_608 = tpu.vector_load %arg17[%parallel_loop3A_606, %parallel_loop3A_607] {strides = array<i32>} : memref<80x64xf32, #tpu.memory_space<vmem>>, vector<16xf32>,
          %parallel_loop3A_609 = vector.broadcast %parallel_loop3A_585 : f32 to vector<16xf32>
          %parallel_loop3A_610 = arith.mulf %parallel_loop3A_608, %parallel_loop3A_609 : vector<16xf32>
          %parallel_loop3A_611 = arith.index_cast %parallel_loop3A_589 : i32 to index
          %parallel_loop3A_612 = arith.constant 32 : index
          %parallel_loop3A_613 = tpu.vector_load %arg17[%parallel_loop3A_611, %parallel_loop3A_612] {strides = array<i32>} : memref<80x64xf32, #tpu.memory_space<vmem>>, vector<16xf32>,
          tpu.vector_store %arg17[%parallel_loop3A_611, %parallel_loop3A_612], %parallel_loop3A_610 {strides = array<i32>} : memref<80x64xf32, #tpu.memory_space<vmem>>, vector<16xf32>,
          %parallel_loop3A_614 = arith.index_cast %parallel_loop3A_589 : i32 to index
          %parallel_loop3A_615 = arith.constant 48 : index
          %parallel_loop3A_616 = tpu.vector_load %arg17[%parallel_loop3A_614, %parallel_loop3A_615] {strides = array<i32>} : memref<80x64xf32, #tpu.memory_space<vmem>>, vector<16xf32>,
          %parallel_loop3A_617 = vector.broadcast %parallel_loop3A_585 : f32 to vector<16xf32>
          %parallel_loop3A_618 = arith.mulf %parallel_loop3A_616, %parallel_loop3A_617 : vector<16xf32>
          %parallel_loop3A_619 = arith.index_cast %parallel_loop3A_589 : i32 to index
          %parallel_loop3A_620 = arith.constant 48 : index
          %parallel_loop3A_621 = tpu.vector_load %arg17[%parallel_loop3A_619, %parallel_loop3A_620] {strides = array<i32>} : memref<80x64xf32, #tpu.memory_space<vmem>>, vector<16xf32>,
          tpu.vector_store %arg17[%parallel_loop3A_619, %parallel_loop3A_620], %parallel_loop3A_618 {strides = array<i32>} : memref<80x64xf32, #tpu.memory_space<vmem>>, vector<16xf32>,
          %parallel_loop3A_622 = vector.extract_strided_slice %parallel_loop3A_393 {offsets = [6], sizes = [1], strides = [1]} : vector<16xf32> to vector<1xf32>
          %parallel_loop3A_623 = vector.extract %parallel_loop3A_622[0] : f32 from vector<1xf32>
          %parallel_loop3A_624 = arith.constant 16 : i32
          %parallel_loop3A_625 = arith.muli %parallel_loop3A_389, %parallel_loop3A_624 : i32
          %parallel_loop3A_626 = arith.constant 6 : i32
          %parallel_loop3A_627 = arith.addi %parallel_loop3A_625, %parallel_loop3A_626 : i32
          %parallel_loop3A_628 = arith.index_cast %parallel_loop3A_627 : i32 to index
          %parallel_loop3A_629 = arith.constant 0 : index
          %parallel_loop3A_630 = tpu.vector_load %arg17[%parallel_loop3A_628, %parallel_loop3A_629] {strides = array<i32>} : memref<80x64xf32, #tpu.memory_space<vmem>>, vector<16xf32>,
          %parallel_loop3A_631 = vector.broadcast %parallel_loop3A_623 : f32 to vector<16xf32>
          %parallel_loop3A_632 = arith.mulf %parallel_loop3A_630, %parallel_loop3A_631 : vector<16xf32>
          %parallel_loop3A_633 = arith.index_cast %parallel_loop3A_627 : i32 to index
          %parallel_loop3A_634 = arith.constant 0 : index
          %parallel_loop3A_635 = tpu.vector_load %arg17[%parallel_loop3A_633, %parallel_loop3A_634] {strides = array<i32>} : memref<80x64xf32, #tpu.memory_space<vmem>>, vector<16xf32>,
          tpu.vector_store %arg17[%parallel_loop3A_633, %parallel_loop3A_634], %parallel_loop3A_632 {strides = array<i32>} : memref<80x64xf32, #tpu.memory_space<vmem>>, vector<16xf32>,
          %parallel_loop3A_636 = arith.index_cast %parallel_loop3A_627 : i32 to index
          %parallel_loop3A_637 = arith.constant 16 : index
          %parallel_loop3A_638 = tpu.vector_load %arg17[%parallel_loop3A_636, %parallel_loop3A_637] {strides = array<i32>} : memref<80x64xf32, #tpu.memory_space<vmem>>, vector<16xf32>,
          %parallel_loop3A_639 = vector.broadcast %parallel_loop3A_623 : f32 to vector<16xf32>
          %parallel_loop3A_640 = arith.mulf %parallel_loop3A_638, %parallel_loop3A_639 : vector<16xf32>
          %parallel_loop3A_641 = arith.index_cast %parallel_loop3A_627 : i32 to index
          %parallel_loop3A_642 = arith.constant 16 : index
          %parallel_loop3A_643 = tpu.vector_load %arg17[%parallel_loop3A_641, %parallel_loop3A_642] {strides = array<i32>} : memref<80x64xf32, #tpu.memory_space<vmem>>, vector<16xf32>,
          tpu.vector_store %arg17[%parallel_loop3A_641, %parallel_loop3A_642], %parallel_loop3A_640 {strides = array<i32>} : memref<80x64xf32, #tpu.memory_space<vmem>>, vector<16xf32>,
          %parallel_loop3A_644 = arith.index_cast %parallel_loop3A_627 : i32 to index
          %parallel_loop3A_645 = arith.constant 32 : index
          %parallel_loop3A_646 = tpu.vector_load %arg17[%parallel_loop3A_644, %parallel_loop3A_645] {strides = array<i32>} : memref<80x64xf32, #tpu.memory_space<vmem>>, vector<16xf32>,
          %parallel_loop3A_647 = vector.broadcast %parallel_loop3A_623 : f32 to vector<16xf32>
          %parallel_loop3A_648 = arith.mulf %parallel_loop3A_646, %parallel_loop3A_647 : vector<16xf32>
          %parallel_loop3A_649 = arith.index_cast %parallel_loop3A_627 : i32 to index
          %parallel_loop3A_650 = arith.constant 32 : index
          %parallel_loop3A_651 = tpu.vector_load %arg17[%parallel_loop3A_649, %parallel_loop3A_650] {strides = array<i32>} : memref<80x64xf32, #tpu.memory_space<vmem>>, vector<16xf32>,
          tpu.vector_store %arg17[%parallel_loop3A_649, %parallel_loop3A_650], %parallel_loop3A_648 {strides = array<i32>} : memref<80x64xf32, #tpu.memory_space<vmem>>, vector<16xf32>,
          %parallel_loop3A_652 = arith.index_cast %parallel_loop3A_627 : i32 to index
          %parallel_loop3A_653 = arith.constant 48 : index
          %parallel_loop3A_654 = tpu.vector_load %arg17[%parallel_loop3A_652, %parallel_loop3A_653] {strides = array<i32>} : memref<80x64xf32, #tpu.memory_space<vmem>>, vector<16xf32>,
          %parallel_loop3A_655 = vector.broadcast %parallel_loop3A_623 : f32 to vector<16xf32>
          %parallel_loop3A_656 = arith.mulf %parallel_loop3A_654, %parallel_loop3A_655 : vector<16xf32>
          %parallel_loop3A_657 = arith.index_cast %parallel_loop3A_627 : i32 to index
          %parallel_loop3A_658 = arith.constant 48 : index
          %parallel_loop3A_659 = tpu.vector_load %arg17[%parallel_loop3A_657, %parallel_loop3A_658] {strides = array<i32>} : memref<80x64xf32, #tpu.memory_space<vmem>>, vector<16xf32>,
          tpu.vector_store %arg17[%parallel_loop3A_657, %parallel_loop3A_658], %parallel_loop3A_656 {strides = array<i32>} : memref<80x64xf32, #tpu.memory_space<vmem>>, vector<16xf32>,
          %parallel_loop3A_660 = vector.extract_strided_slice %parallel_loop3A_393 {offsets = [7], sizes = [1], strides = [1]} : vector<16xf32> to vector<1xf32>
          %parallel_loop3A_661 = vector.extract %parallel_loop3A_660[0] : f32 from vector<1xf32>
          %parallel_loop3A_662 = arith.constant 16 : i32
          %parallel_loop3A_663 = arith.muli %parallel_loop3A_389, %parallel_loop3A_662 : i32
          %parallel_loop3A_664 = arith.constant 7 : i32
          %parallel_loop3A_665 = arith.addi %parallel_loop3A_663, %parallel_loop3A_664 : i32
          %parallel_loop3A_666 = arith.index_cast %parallel_loop3A_665 : i32 to index
          %parallel_loop3A_667 = arith.constant 0 : index
          %parallel_loop3A_668 = tpu.vector_load %arg17[%parallel_loop3A_666, %parallel_loop3A_667] {strides = array<i32>} : memref<80x64xf32, #tpu.memory_space<vmem>>, vector<16xf32>,
          %parallel_loop3A_669 = vector.broadcast %parallel_loop3A_661 : f32 to vector<16xf32>
          %parallel_loop3A_670 = arith.mulf %parallel_loop3A_668, %parallel_loop3A_669 : vector<16xf32>
          %parallel_loop3A_671 = arith.index_cast %parallel_loop3A_665 : i32 to index
          %parallel_loop3A_672 = arith.constant 0 : index
          %parallel_loop3A_673 = tpu.vector_load %arg17[%parallel_loop3A_671, %parallel_loop3A_672] {strides = array<i32>} : memref<80x64xf32, #tpu.memory_space<vmem>>, vector<16xf32>,
          tpu.vector_store %arg17[%parallel_loop3A_671, %parallel_loop3A_672], %parallel_loop3A_670 {strides = array<i32>} : memref<80x64xf32, #tpu.memory_space<vmem>>, vector<16xf32>,
          %parallel_loop3A_674 = arith.index_cast %parallel_loop3A_665 : i32 to index
          %parallel_loop3A_675 = arith.constant 16 : index
          %parallel_loop3A_676 = tpu.vector_load %arg17[%parallel_loop3A_674, %parallel_loop3A_675] {strides = array<i32>} : memref<80x64xf32, #tpu.memory_space<vmem>>, vector<16xf32>,
          %parallel_loop3A_677 = vector.broadcast %parallel_loop3A_661 : f32 to vector<16xf32>
          %parallel_loop3A_678 = arith.mulf %parallel_loop3A_676, %parallel_loop3A_677 : vector<16xf32>
          %parallel_loop3A_679 = arith.index_cast %parallel_loop3A_665 : i32 to index
          %parallel_loop3A_680 = arith.constant 16 : index
          %parallel_loop3A_681 = tpu.vector_load %arg17[%parallel_loop3A_679, %parallel_loop3A_680] {strides = array<i32>} : memref<80x64xf32, #tpu.memory_space<vmem>>, vector<16xf32>,
          tpu.vector_store %arg17[%parallel_loop3A_679, %parallel_loop3A_680], %parallel_loop3A_678 {strides = array<i32>} : memref<80x64xf32, #tpu.memory_space<vmem>>, vector<16xf32>,
          %parallel_loop3A_682 = arith.index_cast %parallel_loop3A_665 : i32 to index
          %parallel_loop3A_683 = arith.constant 32 : index
          %parallel_loop3A_684 = tpu.vector_load %arg17[%parallel_loop3A_682, %parallel_loop3A_683] {strides = array<i32>} : memref<80x64xf32, #tpu.memory_space<vmem>>, vector<16xf32>,
          %parallel_loop3A_685 = vector.broadcast %parallel_loop3A_661 : f32 to vector<16xf32>
          %parallel_loop3A_686 = arith.mulf %parallel_loop3A_684, %parallel_loop3A_685 : vector<16xf32>
          %parallel_loop3A_687 = arith.index_cast %parallel_loop3A_665 : i32 to index
          %parallel_loop3A_688 = arith.constant 32 : index
          %parallel_loop3A_689 = tpu.vector_load %arg17[%parallel_loop3A_687, %parallel_loop3A_688] {strides = array<i32>} : memref<80x64xf32, #tpu.memory_space<vmem>>, vector<16xf32>,
          tpu.vector_store %arg17[%parallel_loop3A_687, %parallel_loop3A_688], %parallel_loop3A_686 {strides = array<i32>} : memref<80x64xf32, #tpu.memory_space<vmem>>, vector<16xf32>,
          %parallel_loop3A_690 = arith.index_cast %parallel_loop3A_665 : i32 to index
          %parallel_loop3A_691 = arith.constant 48 : index
          %parallel_loop3A_692 = tpu.vector_load %arg17[%parallel_loop3A_690, %parallel_loop3A_691] {strides = array<i32>} : memref<80x64xf32, #tpu.memory_space<vmem>>, vector<16xf32>,
          %parallel_loop3A_693 = vector.broadcast %parallel_loop3A_661 : f32 to vector<16xf32>
          %parallel_loop3A_694 = arith.mulf %parallel_loop3A_692, %parallel_loop3A_693 : vector<16xf32>
          %parallel_loop3A_695 = arith.index_cast %parallel_loop3A_665 : i32 to index
          %parallel_loop3A_696 = arith.constant 48 : index
          %parallel_loop3A_697 = tpu.vector_load %arg17[%parallel_loop3A_695, %parallel_loop3A_696] {strides = array<i32>} : memref<80x64xf32, #tpu.memory_space<vmem>>, vector<16xf32>,
          tpu.vector_store %arg17[%parallel_loop3A_695, %parallel_loop3A_696], %parallel_loop3A_694 {strides = array<i32>} : memref<80x64xf32, #tpu.memory_space<vmem>>, vector<16xf32>,
          %parallel_loop3A_698 = vector.extract_strided_slice %parallel_loop3A_393 {offsets = [8], sizes = [1], strides = [1]} : vector<16xf32> to vector<1xf32>
          %parallel_loop3A_699 = vector.extract %parallel_loop3A_698[0] : f32 from vector<1xf32>
          %parallel_loop3A_700 = arith.constant 16 : i32
          %parallel_loop3A_701 = arith.muli %parallel_loop3A_389, %parallel_loop3A_700 : i32
          %parallel_loop3A_702 = arith.constant 8 : i32
          %parallel_loop3A_703 = arith.addi %parallel_loop3A_701, %parallel_loop3A_702 : i32
          %parallel_loop3A_704 = arith.index_cast %parallel_loop3A_703 : i32 to index
          %parallel_loop3A_705 = arith.constant 0 : index
          %parallel_loop3A_706 = tpu.vector_load %arg17[%parallel_loop3A_704, %parallel_loop3A_705] {strides = array<i32>} : memref<80x64xf32, #tpu.memory_space<vmem>>, vector<16xf32>,
          %parallel_loop3A_707 = vector.broadcast %parallel_loop3A_699 : f32 to vector<16xf32>
          %parallel_loop3A_708 = arith.mulf %parallel_loop3A_706, %parallel_loop3A_707 : vector<16xf32>
          %parallel_loop3A_709 = arith.index_cast %parallel_loop3A_703 : i32 to index
          %parallel_loop3A_710 = arith.constant 0 : index
          %parallel_loop3A_711 = tpu.vector_load %arg17[%parallel_loop3A_709, %parallel_loop3A_710] {strides = array<i32>} : memref<80x64xf32, #tpu.memory_space<vmem>>, vector<16xf32>,
          tpu.vector_store %arg17[%parallel_loop3A_709, %parallel_loop3A_710], %parallel_loop3A_708 {strides = array<i32>} : memref<80x64xf32, #tpu.memory_space<vmem>>, vector<16xf32>,
          %parallel_loop3A_712 = arith.index_cast %parallel_loop3A_703 : i32 to index
          %parallel_loop3A_713 = arith.constant 16 : index
          %parallel_loop3A_714 = tpu.vector_load %arg17[%parallel_loop3A_712, %parallel_loop3A_713] {strides = array<i32>} : memref<80x64xf32, #tpu.memory_space<vmem>>, vector<16xf32>,
          %parallel_loop3A_715 = vector.broadcast %parallel_loop3A_699 : f32 to vector<16xf32>
          %parallel_loop3A_716 = arith.mulf %parallel_loop3A_714, %parallel_loop3A_715 : vector<16xf32>
          %parallel_loop3A_717 = arith.index_cast %parallel_loop3A_703 : i32 to index
          %parallel_loop3A_718 = arith.constant 16 : index
          %parallel_loop3A_719 = tpu.vector_load %arg17[%parallel_loop3A_717, %parallel_loop3A_718] {strides = array<i32>} : memref<80x64xf32, #tpu.memory_space<vmem>>, vector<16xf32>,
          tpu.vector_store %arg17[%parallel_loop3A_717, %parallel_loop3A_718], %parallel_loop3A_716 {strides = array<i32>} : memref<80x64xf32, #tpu.memory_space<vmem>>, vector<16xf32>,
          %parallel_loop3A_720 = arith.index_cast %parallel_loop3A_703 : i32 to index
          %parallel_loop3A_721 = arith.constant 32 : index
          %parallel_loop3A_722 = tpu.vector_load %arg17[%parallel_loop3A_720, %parallel_loop3A_721] {strides = array<i32>} : memref<80x64xf32, #tpu.memory_space<vmem>>, vector<16xf32>,
          %parallel_loop3A_723 = vector.broadcast %parallel_loop3A_699 : f32 to vector<16xf32>
          %parallel_loop3A_724 = arith.mulf %parallel_loop3A_722, %parallel_loop3A_723 : vector<16xf32>
          %parallel_loop3A_725 = arith.index_cast %parallel_loop3A_703 : i32 to index
          %parallel_loop3A_726 = arith.constant 32 : index
          %parallel_loop3A_727 = tpu.vector_load %arg17[%parallel_loop3A_725, %parallel_loop3A_726] {strides = array<i32>} : memref<80x64xf32, #tpu.memory_space<vmem>>, vector<16xf32>,
          tpu.vector_store %arg17[%parallel_loop3A_725, %parallel_loop3A_726], %parallel_loop3A_724 {strides = array<i32>} : memref<80x64xf32, #tpu.memory_space<vmem>>, vector<16xf32>,
          %parallel_loop3A_728 = arith.index_cast %parallel_loop3A_703 : i32 to index
          %parallel_loop3A_729 = arith.constant 48 : index
          %parallel_loop3A_730 = tpu.vector_load %arg17[%parallel_loop3A_728, %parallel_loop3A_729] {strides = array<i32>} : memref<80x64xf32, #tpu.memory_space<vmem>>, vector<16xf32>,
          %parallel_loop3A_731 = vector.broadcast %parallel_loop3A_699 : f32 to vector<16xf32>
          %parallel_loop3A_732 = arith.mulf %parallel_loop3A_730, %parallel_loop3A_731 : vector<16xf32>
          %parallel_loop3A_733 = arith.index_cast %parallel_loop3A_703 : i32 to index
          %parallel_loop3A_734 = arith.constant 48 : index
          %parallel_loop3A_735 = tpu.vector_load %arg17[%parallel_loop3A_733, %parallel_loop3A_734] {strides = array<i32>} : memref<80x64xf32, #tpu.memory_space<vmem>>, vector<16xf32>,
          tpu.vector_store %arg17[%parallel_loop3A_733, %parallel_loop3A_734], %parallel_loop3A_732 {strides = array<i32>} : memref<80x64xf32, #tpu.memory_space<vmem>>, vector<16xf32>,
          %parallel_loop3A_736 = vector.extract_strided_slice %parallel_loop3A_393 {offsets = [9], sizes = [1], strides = [1]} : vector<16xf32> to vector<1xf32>
          %parallel_loop3A_737 = vector.extract %parallel_loop3A_736[0] : f32 from vector<1xf32>
          %parallel_loop3A_738 = arith.constant 16 : i32
          %parallel_loop3A_739 = arith.muli %parallel_loop3A_389, %parallel_loop3A_738 : i32
          %parallel_loop3A_740 = arith.constant 9 : i32
          %parallel_loop3A_741 = arith.addi %parallel_loop3A_739, %parallel_loop3A_740 : i32
          %parallel_loop3A_742 = arith.index_cast %parallel_loop3A_741 : i32 to index
          %parallel_loop3A_743 = arith.constant 0 : index
          %parallel_loop3A_744 = tpu.vector_load %arg17[%parallel_loop3A_742, %parallel_loop3A_743] {strides = array<i32>} : memref<80x64xf32, #tpu.memory_space<vmem>>, vector<16xf32>,
          %parallel_loop3A_745 = vector.broadcast %parallel_loop3A_737 : f32 to vector<16xf32>
          %parallel_loop3A_746 = arith.mulf %parallel_loop3A_744, %parallel_loop3A_745 : vector<16xf32>
          %parallel_loop3A_747 = arith.index_cast %parallel_loop3A_741 : i32 to index
          %parallel_loop3A_748 = arith.constant 0 : index
          %parallel_loop3A_749 = tpu.vector_load %arg17[%parallel_loop3A_747, %parallel_loop3A_748] {strides = array<i32>} : memref<80x64xf32, #tpu.memory_space<vmem>>, vector<16xf32>,
          tpu.vector_store %arg17[%parallel_loop3A_747, %parallel_loop3A_748], %parallel_loop3A_746 {strides = array<i32>} : memref<80x64xf32, #tpu.memory_space<vmem>>, vector<16xf32>,
          %parallel_loop3A_750 = arith.index_cast %parallel_loop3A_741 : i32 to index
          %parallel_loop3A_751 = arith.constant 16 : index
          %parallel_loop3A_752 = tpu.vector_load %arg17[%parallel_loop3A_750, %parallel_loop3A_751] {strides = array<i32>} : memref<80x64xf32, #tpu.memory_space<vmem>>, vector<16xf32>,
          %parallel_loop3A_753 = vector.broadcast %parallel_loop3A_737 : f32 to vector<16xf32>
          %parallel_loop3A_754 = arith.mulf %parallel_loop3A_752, %parallel_loop3A_753 : vector<16xf32>
          %parallel_loop3A_755 = arith.index_cast %parallel_loop3A_741 : i32 to index
          %parallel_loop3A_756 = arith.constant 16 : index
          %parallel_loop3A_757 = tpu.vector_load %arg17[%parallel_loop3A_755, %parallel_loop3A_756] {strides = array<i32>} : memref<80x64xf32, #tpu.memory_space<vmem>>, vector<16xf32>,
          tpu.vector_store %arg17[%parallel_loop3A_755, %parallel_loop3A_756], %parallel_loop3A_754 {strides = array<i32>} : memref<80x64xf32, #tpu.memory_space<vmem>>, vector<16xf32>,
          %parallel_loop3A_758 = arith.index_cast %parallel_loop3A_741 : i32 to index
          %parallel_loop3A_759 = arith.constant 32 : index
          %parallel_loop3A_760 = tpu.vector_load %arg17[%parallel_loop3A_758, %parallel_loop3A_759] {strides = array<i32>} : memref<80x64xf32, #tpu.memory_space<vmem>>, vector<16xf32>,
          %parallel_loop3A_761 = vector.broadcast %parallel_loop3A_737 : f32 to vector<16xf32>
          %parallel_loop3A_762 = arith.mulf %parallel_loop3A_760, %parallel_loop3A_761 : vector<16xf32>
          %parallel_loop3A_763 = arith.index_cast %parallel_loop3A_741 : i32 to index
          %parallel_loop3A_764 = arith.constant 32 : index
          %parallel_loop3A_765 = tpu.vector_load %arg17[%parallel_loop3A_763, %parallel_loop3A_764] {strides = array<i32>} : memref<80x64xf32, #tpu.memory_space<vmem>>, vector<16xf32>,
          tpu.vector_store %arg17[%parallel_loop3A_763, %parallel_loop3A_764], %parallel_loop3A_762 {strides = array<i32>} : memref<80x64xf32, #tpu.memory_space<vmem>>, vector<16xf32>,
          %parallel_loop3A_766 = arith.index_cast %parallel_loop3A_741 : i32 to index
          %parallel_loop3A_767 = arith.constant 48 : index
          %parallel_loop3A_768 = tpu.vector_load %arg17[%parallel_loop3A_766, %parallel_loop3A_767] {strides = array<i32>} : memref<80x64xf32, #tpu.memory_space<vmem>>, vector<16xf32>,
          %parallel_loop3A_769 = vector.broadcast %parallel_loop3A_737 : f32 to vector<16xf32>
          %parallel_loop3A_770 = arith.mulf %parallel_loop3A_768, %parallel_loop3A_769 : vector<16xf32>
          %parallel_loop3A_771 = arith.index_cast %parallel_loop3A_741 : i32 to index
          %parallel_loop3A_772 = arith.constant 48 : index
          %parallel_loop3A_773 = tpu.vector_load %arg17[%parallel_loop3A_771, %parallel_loop3A_772] {strides = array<i32>} : memref<80x64xf32, #tpu.memory_space<vmem>>, vector<16xf32>,
          tpu.vector_store %arg17[%parallel_loop3A_771, %parallel_loop3A_772], %parallel_loop3A_770 {strides = array<i32>} : memref<80x64xf32, #tpu.memory_space<vmem>>, vector<16xf32>,
          %parallel_loop3A_774 = vector.extract_strided_slice %parallel_loop3A_393 {offsets = [10], sizes = [1], strides = [1]} : vector<16xf32> to vector<1xf32>
          %parallel_loop3A_775 = vector.extract %parallel_loop3A_774[0] : f32 from vector<1xf32>
          %parallel_loop3A_776 = arith.constant 16 : i32
          %parallel_loop3A_777 = arith.muli %parallel_loop3A_389, %parallel_loop3A_776 : i32
          %parallel_loop3A_778 = arith.constant 10 : i32
          %parallel_loop3A_779 = arith.addi %parallel_loop3A_777, %parallel_loop3A_778 : i32
          %parallel_loop3A_780 = arith.index_cast %parallel_loop3A_779 : i32 to index
          %parallel_loop3A_781 = arith.constant 0 : index
          %parallel_loop3A_782 = tpu.vector_load %arg17[%parallel_loop3A_780, %parallel_loop3A_781] {strides = array<i32>} : memref<80x64xf32, #tpu.memory_space<vmem>>, vector<16xf32>,
          %parallel_loop3A_783 = vector.broadcast %parallel_loop3A_775 : f32 to vector<16xf32>
          %parallel_loop3A_784 = arith.mulf %parallel_loop3A_782, %parallel_loop3A_783 : vector<16xf32>
          %parallel_loop3A_785 = arith.index_cast %parallel_loop3A_779 : i32 to index
          %parallel_loop3A_786 = arith.constant 0 : index
          %parallel_loop3A_787 = tpu.vector_load %arg17[%parallel_loop3A_785, %parallel_loop3A_786] {strides = array<i32>} : memref<80x64xf32, #tpu.memory_space<vmem>>, vector<16xf32>,
          tpu.vector_store %arg17[%parallel_loop3A_785, %parallel_loop3A_786], %parallel_loop3A_784 {strides = array<i32>} : memref<80x64xf32, #tpu.memory_space<vmem>>, vector<16xf32>,
          %parallel_loop3A_788 = arith.index_cast %parallel_loop3A_779 : i32 to index
          %parallel_loop3A_789 = arith.constant 16 : index
          %parallel_loop3A_790 = tpu.vector_load %arg17[%parallel_loop3A_788, %parallel_loop3A_789] {strides = array<i32>} : memref<80x64xf32, #tpu.memory_space<vmem>>, vector<16xf32>,
          %parallel_loop3A_791 = vector.broadcast %parallel_loop3A_775 : f32 to vector<16xf32>
          %parallel_loop3A_792 = arith.mulf %parallel_loop3A_790, %parallel_loop3A_791 : vector<16xf32>
          %parallel_loop3A_793 = arith.index_cast %parallel_loop3A_779 : i32 to index
          %parallel_loop3A_794 = arith.constant 16 : index
          %parallel_loop3A_795 = tpu.vector_load %arg17[%parallel_loop3A_793, %parallel_loop3A_794] {strides = array<i32>} : memref<80x64xf32, #tpu.memory_space<vmem>>, vector<16xf32>,
          tpu.vector_store %arg17[%parallel_loop3A_793, %parallel_loop3A_794], %parallel_loop3A_792 {strides = array<i32>} : memref<80x64xf32, #tpu.memory_space<vmem>>, vector<16xf32>,
          %parallel_loop3A_796 = arith.index_cast %parallel_loop3A_779 : i32 to index
          %parallel_loop3A_797 = arith.constant 32 : index
          %parallel_loop3A_798 = tpu.vector_load %arg17[%parallel_loop3A_796, %parallel_loop3A_797] {strides = array<i32>} : memref<80x64xf32, #tpu.memory_space<vmem>>, vector<16xf32>,
          %parallel_loop3A_799 = vector.broadcast %parallel_loop3A_775 : f32 to vector<16xf32>
          %parallel_loop3A_800 = arith.mulf %parallel_loop3A_798, %parallel_loop3A_799 : vector<16xf32>
          %parallel_loop3A_801 = arith.index_cast %parallel_loop3A_779 : i32 to index
          %parallel_loop3A_802 = arith.constant 32 : index
          %parallel_loop3A_803 = tpu.vector_load %arg17[%parallel_loop3A_801, %parallel_loop3A_802] {strides = array<i32>} : memref<80x64xf32, #tpu.memory_space<vmem>>, vector<16xf32>,
          tpu.vector_store %arg17[%parallel_loop3A_801, %parallel_loop3A_802], %parallel_loop3A_800 {strides = array<i32>} : memref<80x64xf32, #tpu.memory_space<vmem>>, vector<16xf32>,
          %parallel_loop3A_804 = arith.index_cast %parallel_loop3A_779 : i32 to index
          %parallel_loop3A_805 = arith.constant 48 : index
          %parallel_loop3A_806 = tpu.vector_load %arg17[%parallel_loop3A_804, %parallel_loop3A_805] {strides = array<i32>} : memref<80x64xf32, #tpu.memory_space<vmem>>, vector<16xf32>,
          %parallel_loop3A_807 = vector.broadcast %parallel_loop3A_775 : f32 to vector<16xf32>
          %parallel_loop3A_808 = arith.mulf %parallel_loop3A_806, %parallel_loop3A_807 : vector<16xf32>
          %parallel_loop3A_809 = arith.index_cast %parallel_loop3A_779 : i32 to index
          %parallel_loop3A_810 = arith.constant 48 : index
          %parallel_loop3A_811 = tpu.vector_load %arg17[%parallel_loop3A_809, %parallel_loop3A_810] {strides = array<i32>} : memref<80x64xf32, #tpu.memory_space<vmem>>, vector<16xf32>,
          tpu.vector_store %arg17[%parallel_loop3A_809, %parallel_loop3A_810], %parallel_loop3A_808 {strides = array<i32>} : memref<80x64xf32, #tpu.memory_space<vmem>>, vector<16xf32>,
          %parallel_loop3A_812 = vector.extract_strided_slice %parallel_loop3A_393 {offsets = [11], sizes = [1], strides = [1]} : vector<16xf32> to vector<1xf32>
          %parallel_loop3A_813 = vector.extract %parallel_loop3A_812[0] : f32 from vector<1xf32>
          %parallel_loop3A_814 = arith.constant 16 : i32
          %parallel_loop3A_815 = arith.muli %parallel_loop3A_389, %parallel_loop3A_814 : i32
          %parallel_loop3A_816 = arith.constant 11 : i32
          %parallel_loop3A_817 = arith.addi %parallel_loop3A_815, %parallel_loop3A_816 : i32
          %parallel_loop3A_818 = arith.index_cast %parallel_loop3A_817 : i32 to index
          %parallel_loop3A_819 = arith.constant 0 : index
          %parallel_loop3A_820 = tpu.vector_load %arg17[%parallel_loop3A_818, %parallel_loop3A_819] {strides = array<i32>} : memref<80x64xf32, #tpu.memory_space<vmem>>, vector<16xf32>,
          %parallel_loop3A_821 = vector.broadcast %parallel_loop3A_813 : f32 to vector<16xf32>
          %parallel_loop3A_822 = arith.mulf %parallel_loop3A_820, %parallel_loop3A_821 : vector<16xf32>
          %parallel_loop3A_823 = arith.index_cast %parallel_loop3A_817 : i32 to index
          %parallel_loop3A_824 = arith.constant 0 : index
          %parallel_loop3A_825 = tpu.vector_load %arg17[%parallel_loop3A_823, %parallel_loop3A_824] {strides = array<i32>} : memref<80x64xf32, #tpu.memory_space<vmem>>, vector<16xf32>,
          tpu.vector_store %arg17[%parallel_loop3A_823, %parallel_loop3A_824], %parallel_loop3A_822 {strides = array<i32>} : memref<80x64xf32, #tpu.memory_space<vmem>>, vector<16xf32>,
          %parallel_loop3A_826 = arith.index_cast %parallel_loop3A_817 : i32 to index
          %parallel_loop3A_827 = arith.constant 16 : index
          %parallel_loop3A_828 = tpu.vector_load %arg17[%parallel_loop3A_826, %parallel_loop3A_827] {strides = array<i32>} : memref<80x64xf32, #tpu.memory_space<vmem>>, vector<16xf32>,
          %parallel_loop3A_829 = vector.broadcast %parallel_loop3A_813 : f32 to vector<16xf32>
          %parallel_loop3A_830 = arith.mulf %parallel_loop3A_828, %parallel_loop3A_829 : vector<16xf32>
          %parallel_loop3A_831 = arith.index_cast %parallel_loop3A_817 : i32 to index
          %parallel_loop3A_832 = arith.constant 16 : index
          %parallel_loop3A_833 = tpu.vector_load %arg17[%parallel_loop3A_831, %parallel_loop3A_832] {strides = array<i32>} : memref<80x64xf32, #tpu.memory_space<vmem>>, vector<16xf32>,
          tpu.vector_store %arg17[%parallel_loop3A_831, %parallel_loop3A_832], %parallel_loop3A_830 {strides = array<i32>} : memref<80x64xf32, #tpu.memory_space<vmem>>, vector<16xf32>,
          %parallel_loop3A_834 = arith.index_cast %parallel_loop3A_817 : i32 to index
          %parallel_loop3A_835 = arith.constant 32 : index
          %parallel_loop3A_836 = tpu.vector_load %arg17[%parallel_loop3A_834, %parallel_loop3A_835] {strides = array<i32>} : memref<80x64xf32, #tpu.memory_space<vmem>>, vector<16xf32>,
          %parallel_loop3A_837 = vector.broadcast %parallel_loop3A_813 : f32 to vector<16xf32>
          %parallel_loop3A_838 = arith.mulf %parallel_loop3A_836, %parallel_loop3A_837 : vector<16xf32>
          %parallel_loop3A_839 = arith.index_cast %parallel_loop3A_817 : i32 to index
          %parallel_loop3A_840 = arith.constant 32 : index
          %parallel_loop3A_841 = tpu.vector_load %arg17[%parallel_loop3A_839, %parallel_loop3A_840] {strides = array<i32>} : memref<80x64xf32, #tpu.memory_space<vmem>>, vector<16xf32>,
          tpu.vector_store %arg17[%parallel_loop3A_839, %parallel_loop3A_840], %parallel_loop3A_838 {strides = array<i32>} : memref<80x64xf32, #tpu.memory_space<vmem>>, vector<16xf32>,
          %parallel_loop3A_842 = arith.index_cast %parallel_loop3A_817 : i32 to index
          %parallel_loop3A_843 = arith.constant 48 : index
          %parallel_loop3A_844 = tpu.vector_load %arg17[%parallel_loop3A_842, %parallel_loop3A_843] {strides = array<i32>} : memref<80x64xf32, #tpu.memory_space<vmem>>, vector<16xf32>,
          %parallel_loop3A_845 = vector.broadcast %parallel_loop3A_813 : f32 to vector<16xf32>
          %parallel_loop3A_846 = arith.mulf %parallel_loop3A_844, %parallel_loop3A_845 : vector<16xf32>
          %parallel_loop3A_847 = arith.index_cast %parallel_loop3A_817 : i32 to index
          %parallel_loop3A_848 = arith.constant 48 : index
          %parallel_loop3A_849 = tpu.vector_load %arg17[%parallel_loop3A_847, %parallel_loop3A_848] {strides = array<i32>} : memref<80x64xf32, #tpu.memory_space<vmem>>, vector<16xf32>,
          tpu.vector_store %arg17[%parallel_loop3A_847, %parallel_loop3A_848], %parallel_loop3A_846 {strides = array<i32>} : memref<80x64xf32, #tpu.memory_space<vmem>>, vector<16xf32>,
          %parallel_loop3A_850 = vector.extract_strided_slice %parallel_loop3A_393 {offsets = [12], sizes = [1], strides = [1]} : vector<16xf32> to vector<1xf32>
          %parallel_loop3A_851 = vector.extract %parallel_loop3A_850[0] : f32 from vector<1xf32>
          %parallel_loop3A_852 = arith.constant 16 : i32
          %parallel_loop3A_853 = arith.muli %parallel_loop3A_389, %parallel_loop3A_852 : i32
          %parallel_loop3A_854 = arith.constant 12 : i32
          %parallel_loop3A_855 = arith.addi %parallel_loop3A_853, %parallel_loop3A_854 : i32
          %parallel_loop3A_856 = arith.index_cast %parallel_loop3A_855 : i32 to index
          %parallel_loop3A_857 = arith.constant 0 : index
          %parallel_loop3A_858 = tpu.vector_load %arg17[%parallel_loop3A_856, %parallel_loop3A_857] {strides = array<i32>} : memref<80x64xf32, #tpu.memory_space<vmem>>, vector<16xf32>,
          %parallel_loop3A_859 = vector.broadcast %parallel_loop3A_851 : f32 to vector<16xf32>
          %parallel_loop3A_860 = arith.mulf %parallel_loop3A_858, %parallel_loop3A_859 : vector<16xf32>
          %parallel_loop3A_861 = arith.index_cast %parallel_loop3A_855 : i32 to index
          %parallel_loop3A_862 = arith.constant 0 : index
          %parallel_loop3A_863 = tpu.vector_load %arg17[%parallel_loop3A_861, %parallel_loop3A_862] {strides = array<i32>} : memref<80x64xf32, #tpu.memory_space<vmem>>, vector<16xf32>,
          tpu.vector_store %arg17[%parallel_loop3A_861, %parallel_loop3A_862], %parallel_loop3A_860 {strides = array<i32>} : memref<80x64xf32, #tpu.memory_space<vmem>>, vector<16xf32>,
          %parallel_loop3A_864 = arith.index_cast %parallel_loop3A_855 : i32 to index
          %parallel_loop3A_865 = arith.constant 16 : index
          %parallel_loop3A_866 = tpu.vector_load %arg17[%parallel_loop3A_864, %parallel_loop3A_865] {strides = array<i32>} : memref<80x64xf32, #tpu.memory_space<vmem>>, vector<16xf32>,
          %parallel_loop3A_867 = vector.broadcast %parallel_loop3A_851 : f32 to vector<16xf32>
          %parallel_loop3A_868 = arith.mulf %parallel_loop3A_866, %parallel_loop3A_867 : vector<16xf32>
          %parallel_loop3A_869 = arith.index_cast %parallel_loop3A_855 : i32 to index
          %parallel_loop3A_870 = arith.constant 16 : index
          %parallel_loop3A_871 = tpu.vector_load %arg17[%parallel_loop3A_869, %parallel_loop3A_870] {strides = array<i32>} : memref<80x64xf32, #tpu.memory_space<vmem>>, vector<16xf32>,
          tpu.vector_store %arg17[%parallel_loop3A_869, %parallel_loop3A_870], %parallel_loop3A_868 {strides = array<i32>} : memref<80x64xf32, #tpu.memory_space<vmem>>, vector<16xf32>,
          %parallel_loop3A_872 = arith.index_cast %parallel_loop3A_855 : i32 to index
          %parallel_loop3A_873 = arith.constant 32 : index
          %parallel_loop3A_874 = tpu.vector_load %arg17[%parallel_loop3A_872, %parallel_loop3A_873] {strides = array<i32>} : memref<80x64xf32, #tpu.memory_space<vmem>>, vector<16xf32>,
          %parallel_loop3A_875 = vector.broadcast %parallel_loop3A_851 : f32 to vector<16xf32>
          %parallel_loop3A_876 = arith.mulf %parallel_loop3A_874, %parallel_loop3A_875 : vector<16xf32>
          %parallel_loop3A_877 = arith.index_cast %parallel_loop3A_855 : i32 to index
          %parallel_loop3A_878 = arith.constant 32 : index
          %parallel_loop3A_879 = tpu.vector_load %arg17[%parallel_loop3A_877, %parallel_loop3A_878] {strides = array<i32>} : memref<80x64xf32, #tpu.memory_space<vmem>>, vector<16xf32>,
          tpu.vector_store %arg17[%parallel_loop3A_877, %parallel_loop3A_878], %parallel_loop3A_876 {strides = array<i32>} : memref<80x64xf32, #tpu.memory_space<vmem>>, vector<16xf32>,
          %parallel_loop3A_880 = arith.index_cast %parallel_loop3A_855 : i32 to index
          %parallel_loop3A_881 = arith.constant 48 : index
          %parallel_loop3A_882 = tpu.vector_load %arg17[%parallel_loop3A_880, %parallel_loop3A_881] {strides = array<i32>} : memref<80x64xf32, #tpu.memory_space<vmem>>, vector<16xf32>,
          %parallel_loop3A_883 = vector.broadcast %parallel_loop3A_851 : f32 to vector<16xf32>
          %parallel_loop3A_884 = arith.mulf %parallel_loop3A_882, %parallel_loop3A_883 : vector<16xf32>
          %parallel_loop3A_885 = arith.index_cast %parallel_loop3A_855 : i32 to index
          %parallel_loop3A_886 = arith.constant 48 : index
          %parallel_loop3A_887 = tpu.vector_load %arg17[%parallel_loop3A_885, %parallel_loop3A_886] {strides = array<i32>} : memref<80x64xf32, #tpu.memory_space<vmem>>, vector<16xf32>,
          tpu.vector_store %arg17[%parallel_loop3A_885, %parallel_loop3A_886], %parallel_loop3A_884 {strides = array<i32>} : memref<80x64xf32, #tpu.memory_space<vmem>>, vector<16xf32>,
          %parallel_loop3A_888 = vector.extract_strided_slice %parallel_loop3A_393 {offsets = [13], sizes = [1], strides = [1]} : vector<16xf32> to vector<1xf32>
          %parallel_loop3A_889 = vector.extract %parallel_loop3A_888[0] : f32 from vector<1xf32>
          %parallel_loop3A_890 = arith.constant 16 : i32
          %parallel_loop3A_891 = arith.muli %parallel_loop3A_389, %parallel_loop3A_890 : i32
          %parallel_loop3A_892 = arith.constant 13 : i32
          %parallel_loop3A_893 = arith.addi %parallel_loop3A_891, %parallel_loop3A_892 : i32
          %parallel_loop3A_894 = arith.index_cast %parallel_loop3A_893 : i32 to index
          %parallel_loop3A_895 = arith.constant 0 : index
          %parallel_loop3A_896 = tpu.vector_load %arg17[%parallel_loop3A_894, %parallel_loop3A_895] {strides = array<i32>} : memref<80x64xf32, #tpu.memory_space<vmem>>, vector<16xf32>,
          %parallel_loop3A_897 = vector.broadcast %parallel_loop3A_889 : f32 to vector<16xf32>
          %parallel_loop3A_898 = arith.mulf %parallel_loop3A_896, %parallel_loop3A_897 : vector<16xf32>
          %parallel_loop3A_899 = arith.index_cast %parallel_loop3A_893 : i32 to index
          %parallel_loop3A_900 = arith.constant 0 : index
          %parallel_loop3A_901 = tpu.vector_load %arg17[%parallel_loop3A_899, %parallel_loop3A_900] {strides = array<i32>} : memref<80x64xf32, #tpu.memory_space<vmem>>, vector<16xf32>,
          tpu.vector_store %arg17[%parallel_loop3A_899, %parallel_loop3A_900], %parallel_loop3A_898 {strides = array<i32>} : memref<80x64xf32, #tpu.memory_space<vmem>>, vector<16xf32>,
          %parallel_loop3A_902 = arith.index_cast %parallel_loop3A_893 : i32 to index
          %parallel_loop3A_903 = arith.constant 16 : index
          %parallel_loop3A_904 = tpu.vector_load %arg17[%parallel_loop3A_902, %parallel_loop3A_903] {strides = array<i32>} : memref<80x64xf32, #tpu.memory_space<vmem>>, vector<16xf32>,
          %parallel_loop3A_905 = vector.broadcast %parallel_loop3A_889 : f32 to vector<16xf32>
          %parallel_loop3A_906 = arith.mulf %parallel_loop3A_904, %parallel_loop3A_905 : vector<16xf32>
          %parallel_loop3A_907 = arith.index_cast %parallel_loop3A_893 : i32 to index
          %parallel_loop3A_908 = arith.constant 16 : index
          %parallel_loop3A_909 = tpu.vector_load %arg17[%parallel_loop3A_907, %parallel_loop3A_908] {strides = array<i32>} : memref<80x64xf32, #tpu.memory_space<vmem>>, vector<16xf32>,
          tpu.vector_store %arg17[%parallel_loop3A_907, %parallel_loop3A_908], %parallel_loop3A_906 {strides = array<i32>} : memref<80x64xf32, #tpu.memory_space<vmem>>, vector<16xf32>,
          %parallel_loop3A_910 = arith.index_cast %parallel_loop3A_893 : i32 to index
          %parallel_loop3A_911 = arith.constant 32 : index
          %parallel_loop3A_912 = tpu.vector_load %arg17[%parallel_loop3A_910, %parallel_loop3A_911] {strides = array<i32>} : memref<80x64xf32, #tpu.memory_space<vmem>>, vector<16xf32>,
          %parallel_loop3A_913 = vector.broadcast %parallel_loop3A_889 : f32 to vector<16xf32>
          %parallel_loop3A_914 = arith.mulf %parallel_loop3A_912, %parallel_loop3A_913 : vector<16xf32>
          %parallel_loop3A_915 = arith.index_cast %parallel_loop3A_893 : i32 to index
          %parallel_loop3A_916 = arith.constant 32 : index
          %parallel_loop3A_917 = tpu.vector_load %arg17[%parallel_loop3A_915, %parallel_loop3A_916] {strides = array<i32>} : memref<80x64xf32, #tpu.memory_space<vmem>>, vector<16xf32>,
          tpu.vector_store %arg17[%parallel_loop3A_915, %parallel_loop3A_916], %parallel_loop3A_914 {strides = array<i32>} : memref<80x64xf32, #tpu.memory_space<vmem>>, vector<16xf32>,
          %parallel_loop3A_918 = arith.index_cast %parallel_loop3A_893 : i32 to index
          %parallel_loop3A_919 = arith.constant 48 : index
          %parallel_loop3A_920 = tpu.vector_load %arg17[%parallel_loop3A_918, %parallel_loop3A_919] {strides = array<i32>} : memref<80x64xf32, #tpu.memory_space<vmem>>, vector<16xf32>,
          %parallel_loop3A_921 = vector.broadcast %parallel_loop3A_889 : f32 to vector<16xf32>
          %parallel_loop3A_922 = arith.mulf %parallel_loop3A_920, %parallel_loop3A_921 : vector<16xf32>
          %parallel_loop3A_923 = arith.index_cast %parallel_loop3A_893 : i32 to index
          %parallel_loop3A_924 = arith.constant 48 : index
          %parallel_loop3A_925 = tpu.vector_load %arg17[%parallel_loop3A_923, %parallel_loop3A_924] {strides = array<i32>} : memref<80x64xf32, #tpu.memory_space<vmem>>, vector<16xf32>,
          tpu.vector_store %arg17[%parallel_loop3A_923, %parallel_loop3A_924], %parallel_loop3A_922 {strides = array<i32>} : memref<80x64xf32, #tpu.memory_space<vmem>>, vector<16xf32>,
          %parallel_loop3A_926 = vector.extract_strided_slice %parallel_loop3A_393 {offsets = [14], sizes = [1], strides = [1]} : vector<16xf32> to vector<1xf32>
          %parallel_loop3A_927 = vector.extract %parallel_loop3A_926[0] : f32 from vector<1xf32>
          %parallel_loop3A_928 = arith.constant 16 : i32
          %parallel_loop3A_929 = arith.muli %parallel_loop3A_389, %parallel_loop3A_928 : i32
          %parallel_loop3A_930 = arith.constant 14 : i32
          %parallel_loop3A_931 = arith.addi %parallel_loop3A_929, %parallel_loop3A_930 : i32
          %parallel_loop3A_932 = arith.index_cast %parallel_loop3A_931 : i32 to index
          %parallel_loop3A_933 = arith.constant 0 : index
          %parallel_loop3A_934 = tpu.vector_load %arg17[%parallel_loop3A_932, %parallel_loop3A_933] {strides = array<i32>} : memref<80x64xf32, #tpu.memory_space<vmem>>, vector<16xf32>,
          %parallel_loop3A_935 = vector.broadcast %parallel_loop3A_927 : f32 to vector<16xf32>
          %parallel_loop3A_936 = arith.mulf %parallel_loop3A_934, %parallel_loop3A_935 : vector<16xf32>
          %parallel_loop3A_937 = arith.index_cast %parallel_loop3A_931 : i32 to index
          %parallel_loop3A_938 = arith.constant 0 : index
          %parallel_loop3A_939 = tpu.vector_load %arg17[%parallel_loop3A_937, %parallel_loop3A_938] {strides = array<i32>} : memref<80x64xf32, #tpu.memory_space<vmem>>, vector<16xf32>,
          tpu.vector_store %arg17[%parallel_loop3A_937, %parallel_loop3A_938], %parallel_loop3A_936 {strides = array<i32>} : memref<80x64xf32, #tpu.memory_space<vmem>>, vector<16xf32>,
          %parallel_loop3A_940 = arith.index_cast %parallel_loop3A_931 : i32 to index
          %parallel_loop3A_941 = arith.constant 16 : index
          %parallel_loop3A_942 = tpu.vector_load %arg17[%parallel_loop3A_940, %parallel_loop3A_941] {strides = array<i32>} : memref<80x64xf32, #tpu.memory_space<vmem>>, vector<16xf32>,
          %parallel_loop3A_943 = vector.broadcast %parallel_loop3A_927 : f32 to vector<16xf32>
          %parallel_loop3A_944 = arith.mulf %parallel_loop3A_942, %parallel_loop3A_943 : vector<16xf32>
          %parallel_loop3A_945 = arith.index_cast %parallel_loop3A_931 : i32 to index
          %parallel_loop3A_946 = arith.constant 16 : index
          %parallel_loop3A_947 = tpu.vector_load %arg17[%parallel_loop3A_945, %parallel_loop3A_946] {strides = array<i32>} : memref<80x64xf32, #tpu.memory_space<vmem>>, vector<16xf32>,
          tpu.vector_store %arg17[%parallel_loop3A_945, %parallel_loop3A_946], %parallel_loop3A_944 {strides = array<i32>} : memref<80x64xf32, #tpu.memory_space<vmem>>, vector<16xf32>,
          %parallel_loop3A_948 = arith.index_cast %parallel_loop3A_931 : i32 to index
          %parallel_loop3A_949 = arith.constant 32 : index
          %parallel_loop3A_950 = tpu.vector_load %arg17[%parallel_loop3A_948, %parallel_loop3A_949] {strides = array<i32>} : memref<80x64xf32, #tpu.memory_space<vmem>>, vector<16xf32>,
          %parallel_loop3A_951 = vector.broadcast %parallel_loop3A_927 : f32 to vector<16xf32>
          %parallel_loop3A_952 = arith.mulf %parallel_loop3A_950, %parallel_loop3A_951 : vector<16xf32>
          %parallel_loop3A_953 = arith.index_cast %parallel_loop3A_931 : i32 to index
          %parallel_loop3A_954 = arith.constant 32 : index
          %parallel_loop3A_955 = tpu.vector_load %arg17[%parallel_loop3A_953, %parallel_loop3A_954] {strides = array<i32>} : memref<80x64xf32, #tpu.memory_space<vmem>>, vector<16xf32>,
          tpu.vector_store %arg17[%parallel_loop3A_953, %parallel_loop3A_954], %parallel_loop3A_952 {strides = array<i32>} : memref<80x64xf32, #tpu.memory_space<vmem>>, vector<16xf32>,
          %parallel_loop3A_956 = arith.index_cast %parallel_loop3A_931 : i32 to index
          %parallel_loop3A_957 = arith.constant 48 : index
          %parallel_loop3A_958 = tpu.vector_load %arg17[%parallel_loop3A_956, %parallel_loop3A_957] {strides = array<i32>} : memref<80x64xf32, #tpu.memory_space<vmem>>, vector<16xf32>,
          %parallel_loop3A_959 = vector.broadcast %parallel_loop3A_927 : f32 to vector<16xf32>
          %parallel_loop3A_960 = arith.mulf %parallel_loop3A_958, %parallel_loop3A_959 : vector<16xf32>
          %parallel_loop3A_961 = arith.index_cast %parallel_loop3A_931 : i32 to index
          %parallel_loop3A_962 = arith.constant 48 : index
          %parallel_loop3A_963 = tpu.vector_load %arg17[%parallel_loop3A_961, %parallel_loop3A_962] {strides = array<i32>} : memref<80x64xf32, #tpu.memory_space<vmem>>, vector<16xf32>,
          tpu.vector_store %arg17[%parallel_loop3A_961, %parallel_loop3A_962], %parallel_loop3A_960 {strides = array<i32>} : memref<80x64xf32, #tpu.memory_space<vmem>>, vector<16xf32>,
          %parallel_loop3A_964 = vector.extract_strided_slice %parallel_loop3A_393 {offsets = [15], sizes = [1], strides = [1]} : vector<16xf32> to vector<1xf32>
          %parallel_loop3A_965 = vector.extract %parallel_loop3A_964[0] : f32 from vector<1xf32>
          %parallel_loop3A_966 = arith.constant 16 : i32
          %parallel_loop3A_967 = arith.muli %parallel_loop3A_389, %parallel_loop3A_966 : i32
          %parallel_loop3A_968 = arith.constant 15 : i32
          %parallel_loop3A_969 = arith.addi %parallel_loop3A_967, %parallel_loop3A_968 : i32
          %parallel_loop3A_970 = arith.index_cast %parallel_loop3A_969 : i32 to index
          %parallel_loop3A_971 = arith.constant 0 : index
          %parallel_loop3A_972 = tpu.vector_load %arg17[%parallel_loop3A_970, %parallel_loop3A_971] {strides = array<i32>} : memref<80x64xf32, #tpu.memory_space<vmem>>, vector<16xf32>,
          %parallel_loop3A_973 = vector.broadcast %parallel_loop3A_965 : f32 to vector<16xf32>
          %parallel_loop3A_974 = arith.mulf %parallel_loop3A_972, %parallel_loop3A_973 : vector<16xf32>
          %parallel_loop3A_975 = arith.index_cast %parallel_loop3A_969 : i32 to index
          %parallel_loop3A_976 = arith.constant 0 : index
          %parallel_loop3A_977 = tpu.vector_load %arg17[%parallel_loop3A_975, %parallel_loop3A_976] {strides = array<i32>} : memref<80x64xf32, #tpu.memory_space<vmem>>, vector<16xf32>,
          tpu.vector_store %arg17[%parallel_loop3A_975, %parallel_loop3A_976], %parallel_loop3A_974 {strides = array<i32>} : memref<80x64xf32, #tpu.memory_space<vmem>>, vector<16xf32>,
          %parallel_loop3A_978 = arith.index_cast %parallel_loop3A_969 : i32 to index
          %parallel_loop3A_979 = arith.constant 16 : index
          %parallel_loop3A_980 = tpu.vector_load %arg17[%parallel_loop3A_978, %parallel_loop3A_979] {strides = array<i32>} : memref<80x64xf32, #tpu.memory_space<vmem>>, vector<16xf32>,
          %parallel_loop3A_981 = vector.broadcast %parallel_loop3A_965 : f32 to vector<16xf32>
          %parallel_loop3A_982 = arith.mulf %parallel_loop3A_980, %parallel_loop3A_981 : vector<16xf32>
          %parallel_loop3A_983 = arith.index_cast %parallel_loop3A_969 : i32 to index
          %parallel_loop3A_984 = arith.constant 16 : index
          %parallel_loop3A_985 = tpu.vector_load %arg17[%parallel_loop3A_983, %parallel_loop3A_984] {strides = array<i32>} : memref<80x64xf32, #tpu.memory_space<vmem>>, vector<16xf32>,
          tpu.vector_store %arg17[%parallel_loop3A_983, %parallel_loop3A_984], %parallel_loop3A_982 {strides = array<i32>} : memref<80x64xf32, #tpu.memory_space<vmem>>, vector<16xf32>,
          %parallel_loop3A_986 = arith.index_cast %parallel_loop3A_969 : i32 to index
          %parallel_loop3A_987 = arith.constant 32 : index
          %parallel_loop3A_988 = tpu.vector_load %arg17[%parallel_loop3A_986, %parallel_loop3A_987] {strides = array<i32>} : memref<80x64xf32, #tpu.memory_space<vmem>>, vector<16xf32>,
          %parallel_loop3A_989 = vector.broadcast %parallel_loop3A_965 : f32 to vector<16xf32>
          %parallel_loop3A_990 = arith.mulf %parallel_loop3A_988, %parallel_loop3A_989 : vector<16xf32>
          %parallel_loop3A_991 = arith.index_cast %parallel_loop3A_969 : i32 to index
          %parallel_loop3A_992 = arith.constant 32 : index
          %parallel_loop3A_993 = tpu.vector_load %arg17[%parallel_loop3A_991, %parallel_loop3A_992] {strides = array<i32>} : memref<80x64xf32, #tpu.memory_space<vmem>>, vector<16xf32>,
          tpu.vector_store %arg17[%parallel_loop3A_991, %parallel_loop3A_992], %parallel_loop3A_990 {strides = array<i32>} : memref<80x64xf32, #tpu.memory_space<vmem>>, vector<16xf32>,
          %parallel_loop3A_994 = arith.index_cast %parallel_loop3A_969 : i32 to index
          %parallel_loop3A_995 = arith.constant 48 : index
          %parallel_loop3A_996 = tpu.vector_load %arg17[%parallel_loop3A_994, %parallel_loop3A_995] {strides = array<i32>} : memref<80x64xf32, #tpu.memory_space<vmem>>, vector<16xf32>,
          %parallel_loop3A_997 = vector.broadcast %parallel_loop3A_965 : f32 to vector<16xf32>
          %parallel_loop3A_998 = arith.mulf %parallel_loop3A_996, %parallel_loop3A_997 : vector<16xf32>
          %parallel_loop3A_999 = arith.index_cast %parallel_loop3A_969 : i32 to index
          %parallel_loop3A_1000 = arith.constant 48 : index
          %parallel_loop3A_1001 = tpu.vector_load %arg17[%parallel_loop3A_999, %parallel_loop3A_1000] {strides = array<i32>} : memref<80x64xf32, #tpu.memory_space<vmem>>, vector<16xf32>,
          tpu.vector_store %arg17[%parallel_loop3A_999, %parallel_loop3A_1000], %parallel_loop3A_998 {strides = array<i32>} : memref<80x64xf32, #tpu.memory_space<vmem>>, vector<16xf32>,
        } {sc.loop_unroll_factor = 2 : i64, sc.parallel_access}
        %dma_start3A_383 = arith.constant 0 : i32
        %dma_start3A_384 = tpu.memref_slice %arg15[%add3A_155, %dma_start3A_383] : memref<50x80xi32, #tpu.memory_space<vmem>> -> memref<1x80xi32, #tpu.memory_space<vmem>>
        %dma_start3A_385 = tpu.memref_squeeze %dma_start3A_384 : memref<1x80xi32, #tpu.memory_space<vmem>> -> memref<80xi32, #tpu.memory_space<vmem>>
        %dma_start3A_386 = arith.constant 0 : i32
        %dma_start3A_387 = arith.constant 0 : i32
        %dma_start3A_388 = tpu.memref_slice %arg10[%dma_start3A_386, %dma_start3A_387] : memref<10000x64xf32, #tpu.memory_space<vmem_shared>> -> memref<10000x64xf32, #tpu.memory_space<vmem_shared>>
        tpu.enqueue_indirect_dma source(%arg17 : memref<80x64xf32, #tpu.memory_space<vmem>>) target(%dma_start3A_388 : memref<10000x64xf32, #tpu.memory_space<vmem_shared>>) offsets(%dma_start3A_385 : memref<80xi32, #tpu.memory_space<vmem>>) semaphore(%arg23 : memref<!tpu.dma_semaphore, #tpu.memory_space<semaphore_mem>>) {add = true}
      }
      %scan3A_144 = arith.constant 25 : i32
      %dma_wait3A = arith.constant 49 : i32
      %dma_wait3A_145 = arith.constant 0 : i32
      %dma_wait3A_146 = tpu.memref_slice %arg15[%dma_wait3A, %dma_wait3A_145] : memref<50x80xi32, #tpu.memory_space<vmem>> -> memref<1x80xi32, #tpu.memory_space<vmem>>
      %dma_wait3A_147 = tpu.memref_squeeze %dma_wait3A_146 : memref<1x80xi32, #tpu.memory_space<vmem>> -> memref<80xi32, #tpu.memory_space<vmem>>
      %dma_wait3A_148 = arith.constant 0 : i32
      %dma_wait3A_149 = arith.constant 0 : i32
      %dma_wait3A_150 = tpu.memref_slice %arg10[%dma_wait3A_148, %dma_wait3A_149] : memref<10000x64xf32, #tpu.memory_space<vmem_shared>> -> memref<10000x64xf32, #tpu.memory_space<vmem_shared>>
      tpu.wait_indirect_dma semaphore(%arg23 : memref<!tpu.dma_semaphore, #tpu.memory_space<semaphore_mem>>) src(%arg17 : memref<80x64xf32, #tpu.memory_space<vmem>>) dst(%dma_wait3A_150 : memref<10000x64xf32, #tpu.memory_space<vmem_shared>>)
    }
    %scan3A_119 = arith.constant 5 : i32
    %barrier3A_120 = arith.constant 0 : index
    tpu.barrier barrier_id(%barrier3A_120)
    %mul3A_121 = arith.constant 625 : i32
    %mul3A_122 = arith.muli %arg1, %mul3A_121 : i32
    %mul3A_123 = arith.constant 625 : i32
    %mul3A_124 = arith.muli %arg1, %mul3A_123 : i32
    "tpu.region"() ({
      %run_scoped3A_125 = tpu.sem_alloc : memref<!tpu.dma_semaphore, #tpu.memory_space<semaphore_mem>>
      %dma_start3A = arith.constant 0 : i32
      %dma_start3A_126 = tpu.memref_slice %arg7[%arg0, %mul3A_124, %dma_start3A] : memref<2x10000x64xf32, #tpu.memory_space<hbm>> -> memref<1x625x64xf32, #tpu.memory_space<hbm>>
      %dma_start3A_127 = tpu.memref_squeeze %dma_start3A_126 : memref<1x625x64xf32, #tpu.memory_space<hbm>> -> memref<625x64xf32, #tpu.memory_space<hbm>>
      %dma_start3A_128 = arith.constant 0 : i32
      %dma_start3A_129 = tpu.memref_slice %arg10[%mul3A_122, %dma_start3A_128] : memref<10000x64xf32, #tpu.memory_space<vmem_shared>> -> memref<625x64xf32, #tpu.memory_space<vmem_shared>>
      tpu.enqueue_dma source(%dma_start3A_129 : memref<625x64xf32, #tpu.memory_space<vmem_shared>>) target(%dma_start3A_127 : memref<625x64xf32, #tpu.memory_space<hbm>>) target_semaphore(%run_scoped3A_125 : memref<!tpu.dma_semaphore, #tpu.memory_space<semaphore_mem>>)
      %dma_wait3A = arith.constant 0 : i32
      %dma_wait3A_130 = tpu.memref_slice %arg7[%arg0, %mul3A_124, %dma_wait3A] : memref<2x10000x64xf32, #tpu.memory_space<hbm>> -> memref<1x625x64xf32, #tpu.memory_space<hbm>>
      %dma_wait3A_131 = tpu.memref_squeeze %dma_wait3A_130 : memref<1x625x64xf32, #tpu.memory_space<hbm>> -> memref<625x64xf32, #tpu.memory_space<hbm>>
      %dma_wait3A_132 = arith.constant 0 : i32
      %dma_wait3A_133 = tpu.memref_slice %arg10[%mul3A_122, %dma_wait3A_132] : memref<10000x64xf32, #tpu.memory_space<vmem_shared>> -> memref<625x64xf32, #tpu.memory_space<vmem_shared>>
      tpu.wait_dma2 semaphore(%run_scoped3A_125 : memref<!tpu.dma_semaphore, #tpu.memory_space<semaphore_mem>>) src(%dma_wait3A_133 : memref<625x64xf32, #tpu.memory_space<vmem_shared>>) dst(%dma_wait3A_131 : memref<625x64xf32, #tpu.memory_space<hbm>>)
      tpu.yield
    }) : () -> ()
    %run_scoped3A = arith.constant 0 : i32
    "tpu.region"() ({
      %run_scoped3A_125 = tpu.sem_alloc : memref<!tpu.dma_semaphore, #tpu.memory_space<semaphore_mem>>
      %dma_start3A = arith.constant 0 : i32
      %dma_start3A_126 = tpu.memref_slice %arg8[%arg0, %arg1, %run_scoped3A, %dma_start3A] : memref<2x16x1x10000xf32, #tpu.memory_space<hbm>> -> memref<1x1x1x10000xf32, #tpu.memory_space<hbm>>
      %dma_start3A_127 = tpu.memref_squeeze %dma_start3A_126 : memref<1x1x1x10000xf32, #tpu.memory_space<hbm>> -> memref<10000xf32, #tpu.memory_space<hbm>>
      %dma_start3A_128 = arith.constant 0 : i32
      %dma_start3A_129 = tpu.memref_slice %arg8[%arg0, %arg1, %run_scoped3A, %dma_start3A_128] : memref<2x16x1x10000xf32, #tpu.memory_space<hbm>> -> memref<1x1x1x10000xf32, #tpu.memory_space<hbm>>
      %dma_start3A_130 = tpu.memref_squeeze %dma_start3A_129 : memref<1x1x1x10000xf32, #tpu.memory_space<hbm>> -> memref<10000xf32, #tpu.memory_space<hbm>>
      tpu.enqueue_dma source(%arg13 : memref<10000xf32, #tpu.memory_space<vmem>>) target(%dma_start3A_130 : memref<10000xf32, #tpu.memory_space<hbm>>) target_semaphore(%run_scoped3A_125 : memref<!tpu.dma_semaphore, #tpu.memory_space<semaphore_mem>>)
      %dma_wait3A = arith.constant 0 : i32
      %dma_wait3A_131 = tpu.memref_slice %arg8[%arg0, %arg1, %run_scoped3A, %dma_wait3A] : memref<2x16x1x10000xf32, #tpu.memory_space<hbm>> -> memref<1x1x1x10000xf32, #tpu.memory_space<hbm>>
      %dma_wait3A_132 = tpu.memref_squeeze %dma_wait3A_131 : memref<1x1x1x10000xf32, #tpu.memory_space<hbm>> -> memref<10000xf32, #tpu.memory_space<hbm>>
      %dma_wait3A_133 = arith.constant 0 : i32
      %dma_wait3A_134 = tpu.memref_slice %arg8[%arg0, %arg1, %run_scoped3A, %dma_wait3A_133] : memref<2x16x1x10000xf32, #tpu.memory_space<hbm>> -> memref<1x1x1x10000xf32, #tpu.memory_space<hbm>>
      %dma_wait3A_135 = tpu.memref_squeeze %dma_wait3A_134 : memref<1x1x1x10000xf32, #tpu.memory_space<hbm>> -> memref<10000xf32, #tpu.memory_space<hbm>>
      tpu.wait_dma2 semaphore(%run_scoped3A_125 : memref<!tpu.dma_semaphore, #tpu.memory_space<semaphore_mem>>) src(%arg13 : memref<10000xf32, #tpu.memory_space<vmem>>) dst(%dma_wait3A_135 : memref<10000xf32, #tpu.memory_space<hbm>>)
      tpu.yield
    }) : () -> ()
    return
  }
}

module attributes {stable_mosaic.version = 14 : i64} {
  func.func @_front_body(%arg0: i32, %arg1: memref<2000x128xf32, #tpu.memory_space<vmem>>, %arg2: memref<2000x128xf32, #tpu.memory_space<vmem>>, %arg3: memref<2x128x64xf32, #tpu.memory_space<vmem>>, %arg4: memref<2x1x64xf32, #tpu.memory_space<vmem>>, %arg5: memref<2x1x64xf32, #tpu.memory_space<vmem>>, %arg6: memref<2x2000x64xf32, #tpu.memory_space<vmem>>, %arg7: memref<2x1x1x2000xf32, #tpu.memory_space<vmem>>, %arg8: memref<2x1x1x2000xf32, #tpu.memory_space<vmem>>) attributes {dimension_semantics = [#tpu.dimension_semantics<arbitrary>], iteration_bounds = array<i64: 5>, scalar_prefetch = 0 : i64, scratch_operands = 0 : i64, tpu.core_type = #tpu.core_type<tc>, window_params = [{transform_indices = @transform_0, window_bounds = array<i64: 2000, 128>}, {transform_indices = @transform_1, window_bounds = array<i64: 2000, 128>}, {pipeline_mode = #tpu.pipeline_mode<synchronous>, transform_indices = @transform_2, window_bounds = array<i64: 2, 128, 64>}, {pipeline_mode = #tpu.pipeline_mode<synchronous>, transform_indices = @transform_3, window_bounds = array<i64: 2, 1, 64>}, {pipeline_mode = #tpu.pipeline_mode<synchronous>, transform_indices = @transform_4, window_bounds = array<i64: 2, 1, 64>}, {transform_indices = @transform_5, window_bounds = array<i64: 2, 2000, 64>}, {transform_indices = @transform_6, window_bounds = array<i64: 2, 1, 1, 2000>}, {transform_indices = @transform_7, window_bounds = array<i64: 2, 1, 1, 2000>}]} {
    %get3A = arith.constant 0 : index
    %get3A_0 = arith.constant 0 : index
    %get3A_1 = vector.load %arg1[%get3A, %get3A_0] : memref<2000x128xf32, #tpu.memory_space<vmem>>, vector<2000x128xf32>
    %get3A_2 = arith.constant 0 : index
    %get3A_3 = arith.constant 0 : index
    %get3A_4 = arith.constant 0 : index
    %get3A_5 = vector.load %arg3[%get3A_2, %get3A_3, %get3A_4] : memref<2x128x64xf32, #tpu.memory_space<vmem>>, vector<1x128x64xf32>
    %get3A_6 = vector.shape_cast %get3A_5 : vector<1x128x64xf32> to vector<128x64xf32>
    %dot_general3A = arith.constant dense<0.000000e+00> : vector<2000x64xf32>
    %dot_general3A_7 = tpu.matmul %get3A_1, %get3A_6, %dot_general3A {dimension_numbers = #tpu.dot_dimension_numbers<[1], [0], [0], [1], [0, 0, 1, 1], [], []>, transpose_lhs_hint = false} : vector<2000x128xf32>, vector<128x64xf32>, vector<2000x64xf32> -> vector<2000x64xf32>
    %swap3A = arith.constant 0 : index
    %swap3A_8 = arith.constant 0 : index
    %swap3A_9 = arith.constant 0 : index
    %swap3A_10 = vector.load %arg6[%swap3A, %swap3A_8, %swap3A_9] : memref<2x2000x64xf32, #tpu.memory_space<vmem>>, vector<1x2000x64xf32>
    %swap3A_11 = vector.shape_cast %swap3A_10 : vector<1x2000x64xf32> to vector<2000x64xf32>
    %swap3A_12 = vector.shape_cast %dot_general3A_7 : vector<2000x64xf32> to vector<1x2000x64xf32>
    tpu.vector_store %arg6[%swap3A, %swap3A_8, %swap3A_9], %swap3A_12 {strides = array<i32>} : memref<2x2000x64xf32, #tpu.memory_space<vmem>>, vector<1x2000x64xf32>,
    %get3A_13 = arith.constant 0 : index
    %get3A_14 = arith.constant 0 : index
    %get3A_15 = arith.constant 0 : index
    %get3A_16 = vector.load %arg4[%get3A_13, %get3A_14, %get3A_15] : memref<2x1x64xf32, #tpu.memory_space<vmem>>, vector<1x1x64xf32>
    %get3A_17 = vector.shape_cast %get3A_16 : vector<1x1x64xf32> to vector<64xf32>
    %dot_general3A_18 = arith.constant dense<0.000000e+00> : vector<2000xf32>
    %dot_general3A_19 = tpu.matmul %dot_general3A_7, %get3A_17, %dot_general3A_18 {dimension_numbers = #tpu.dot_dimension_numbers<[1], [0], [0], [], [0, 0], [], []>, transpose_lhs_hint = false} : vector<2000x64xf32>, vector<64xf32>, vector<2000xf32> -> vector<2000xf32>
    %swap3A_20 = arith.constant 0 : index
    %swap3A_21 = arith.constant 0 : index
    %swap3A_22 = arith.constant 0 : index
    %swap3A_23 = arith.constant 0 : index
    %swap3A_24 = vector.load %arg7[%swap3A_20, %swap3A_21, %swap3A_22, %swap3A_23] : memref<2x1x1x2000xf32, #tpu.memory_space<vmem>>, vector<1x1x1x2000xf32>
    %swap3A_25 = vector.shape_cast %swap3A_24 : vector<1x1x1x2000xf32> to vector<2000xf32>
    %swap3A_26 = vector.shape_cast %dot_general3A_19 : vector<2000xf32> to vector<1x1x1x2000xf32>
    tpu.vector_store %arg7[%swap3A_20, %swap3A_21, %swap3A_22, %swap3A_23], %swap3A_26 {strides = array<i32>} : memref<2x1x1x2000xf32, #tpu.memory_space<vmem>>, vector<1x1x1x2000xf32>,
    %get3A_27 = arith.constant 0 : index
    %get3A_28 = arith.constant 0 : index
    %get3A_29 = arith.constant 0 : index
    %get3A_30 = vector.load %arg5[%get3A_27, %get3A_28, %get3A_29] : memref<2x1x64xf32, #tpu.memory_space<vmem>>, vector<1x1x64xf32>
    %get3A_31 = vector.shape_cast %get3A_30 : vector<1x1x64xf32> to vector<64xf32>
    %dot_general3A_32 = arith.constant dense<0.000000e+00> : vector<2000xf32>
    %dot_general3A_33 = tpu.matmul %dot_general3A_7, %get3A_31, %dot_general3A_32 {dimension_numbers = #tpu.dot_dimension_numbers<[1], [0], [0], [], [0, 0], [], []>, transpose_lhs_hint = false} : vector<2000x64xf32>, vector<64xf32>, vector<2000xf32> -> vector<2000xf32>
    %swap3A_34 = arith.constant 0 : index
    %swap3A_35 = arith.constant 0 : index
    %swap3A_36 = arith.constant 0 : index
    %swap3A_37 = arith.constant 0 : index
    %swap3A_38 = vector.load %arg8[%swap3A_34, %swap3A_35, %swap3A_36, %swap3A_37] : memref<2x1x1x2000xf32, #tpu.memory_space<vmem>>, vector<1x1x1x2000xf32>
    %swap3A_39 = vector.shape_cast %swap3A_38 : vector<1x1x1x2000xf32> to vector<2000xf32>
    %swap3A_40 = vector.shape_cast %dot_general3A_33 : vector<2000xf32> to vector<1x1x1x2000xf32>
    tpu.vector_store %arg8[%swap3A_34, %swap3A_35, %swap3A_36, %swap3A_37], %swap3A_40 {strides = array<i32>} : memref<2x1x1x2000xf32, #tpu.memory_space<vmem>>, vector<1x1x1x2000xf32>,
    %get3A_41 = arith.constant 0 : index
    %get3A_42 = arith.constant 0 : index
    %get3A_43 = vector.load %arg2[%get3A_41, %get3A_42] : memref<2000x128xf32, #tpu.memory_space<vmem>>, vector<2000x128xf32>
    %get3A_44 = arith.constant 1 : index
    %get3A_45 = arith.constant 0 : index
    %get3A_46 = arith.constant 0 : index
    %get3A_47 = vector.load %arg3[%get3A_44, %get3A_45, %get3A_46] : memref<2x128x64xf32, #tpu.memory_space<vmem>>, vector<1x128x64xf32>
    %get3A_48 = vector.shape_cast %get3A_47 : vector<1x128x64xf32> to vector<128x64xf32>
    %dot_general3A_49 = arith.constant dense<0.000000e+00> : vector<2000x64xf32>
    %dot_general3A_50 = tpu.matmul %get3A_43, %get3A_48, %dot_general3A_49 {dimension_numbers = #tpu.dot_dimension_numbers<[1], [0], [0], [1], [0, 0, 1, 1], [], []>, transpose_lhs_hint = false} : vector<2000x128xf32>, vector<128x64xf32>, vector<2000x64xf32> -> vector<2000x64xf32>
    %swap3A_51 = arith.constant 1 : index
    %swap3A_52 = arith.constant 0 : index
    %swap3A_53 = arith.constant 0 : index
    %swap3A_54 = vector.load %arg6[%swap3A_51, %swap3A_52, %swap3A_53] : memref<2x2000x64xf32, #tpu.memory_space<vmem>>, vector<1x2000x64xf32>
    %swap3A_55 = vector.shape_cast %swap3A_54 : vector<1x2000x64xf32> to vector<2000x64xf32>
    %swap3A_56 = vector.shape_cast %dot_general3A_50 : vector<2000x64xf32> to vector<1x2000x64xf32>
    tpu.vector_store %arg6[%swap3A_51, %swap3A_52, %swap3A_53], %swap3A_56 {strides = array<i32>} : memref<2x2000x64xf32, #tpu.memory_space<vmem>>, vector<1x2000x64xf32>,
    %get3A_57 = arith.constant 1 : index
    %get3A_58 = arith.constant 0 : index
    %get3A_59 = arith.constant 0 : index
    %get3A_60 = vector.load %arg4[%get3A_57, %get3A_58, %get3A_59] : memref<2x1x64xf32, #tpu.memory_space<vmem>>, vector<1x1x64xf32>
    %get3A_61 = vector.shape_cast %get3A_60 : vector<1x1x64xf32> to vector<64xf32>
    %dot_general3A_62 = arith.constant dense<0.000000e+00> : vector<2000xf32>
    %dot_general3A_63 = tpu.matmul %dot_general3A_50, %get3A_61, %dot_general3A_62 {dimension_numbers = #tpu.dot_dimension_numbers<[1], [0], [0], [], [0, 0], [], []>, transpose_lhs_hint = false} : vector<2000x64xf32>, vector<64xf32>, vector<2000xf32> -> vector<2000xf32>
    %swap3A_64 = arith.constant 1 : index
    %swap3A_65 = arith.constant 0 : index
    %swap3A_66 = arith.constant 0 : index
    %swap3A_67 = arith.constant 0 : index
    %swap3A_68 = vector.load %arg7[%swap3A_64, %swap3A_65, %swap3A_66, %swap3A_67] : memref<2x1x1x2000xf32, #tpu.memory_space<vmem>>, vector<1x1x1x2000xf32>
    %swap3A_69 = vector.shape_cast %swap3A_68 : vector<1x1x1x2000xf32> to vector<2000xf32>
    %swap3A_70 = vector.shape_cast %dot_general3A_63 : vector<2000xf32> to vector<1x1x1x2000xf32>
    tpu.vector_store %arg7[%swap3A_64, %swap3A_65, %swap3A_66, %swap3A_67], %swap3A_70 {strides = array<i32>} : memref<2x1x1x2000xf32, #tpu.memory_space<vmem>>, vector<1x1x1x2000xf32>,
    %get3A_71 = arith.constant 1 : index
    %get3A_72 = arith.constant 0 : index
    %get3A_73 = arith.constant 0 : index
    %get3A_74 = vector.load %arg5[%get3A_71, %get3A_72, %get3A_73] : memref<2x1x64xf32, #tpu.memory_space<vmem>>, vector<1x1x64xf32>
    %get3A_75 = vector.shape_cast %get3A_74 : vector<1x1x64xf32> to vector<64xf32>
    %dot_general3A_76 = arith.constant dense<0.000000e+00> : vector<2000xf32>
    %dot_general3A_77 = tpu.matmul %dot_general3A_50, %get3A_75, %dot_general3A_76 {dimension_numbers = #tpu.dot_dimension_numbers<[1], [0], [0], [], [0, 0], [], []>, transpose_lhs_hint = false} : vector<2000x64xf32>, vector<64xf32>, vector<2000xf32> -> vector<2000xf32>
    %swap3A_78 = arith.constant 1 : index
    %swap3A_79 = arith.constant 0 : index
    %swap3A_80 = arith.constant 0 : index
    %swap3A_81 = arith.constant 0 : index
    %swap3A_82 = vector.load %arg8[%swap3A_78, %swap3A_79, %swap3A_80, %swap3A_81] : memref<2x1x1x2000xf32, #tpu.memory_space<vmem>>, vector<1x1x1x2000xf32>
    %swap3A_83 = vector.shape_cast %swap3A_82 : vector<1x1x1x2000xf32> to vector<2000xf32>
    %swap3A_84 = vector.shape_cast %dot_general3A_77 : vector<2000xf32> to vector<1x1x1x2000xf32>
    tpu.vector_store %arg8[%swap3A_78, %swap3A_79, %swap3A_80, %swap3A_81], %swap3A_84 {strides = array<i32>} : memref<2x1x1x2000xf32, #tpu.memory_space<vmem>>, vector<1x1x1x2000xf32>,
    return
  }
  func.func @transform_0(%arg0: i32) -> (i32, i32) {
    %c0_i32 = arith.constant 0 : i32
    %c0_i32_0 = arith.constant 0 : i32
    return %arg0, %c0_i32 : i32, i32
  }
  func.func @transform_1(%arg0: i32) -> (i32, i32) {
    %c0_i32 = arith.constant 0 : i32
    %c0_i32_0 = arith.constant 0 : i32
    return %arg0, %c0_i32 : i32, i32
  }
  func.func @transform_2(%arg0: i32) -> (i32, i32, i32) {
    %c0_i32 = arith.constant 0 : i32
    %c0_i32_0 = arith.constant 0 : i32
    %c0_i32_1 = arith.constant 0 : i32
    %c0_i32_2 = arith.constant 0 : i32
    return %c0_i32, %c0_i32_0, %c0_i32_1 : i32, i32, i32
  }
  func.func @transform_3(%arg0: i32) -> (i32, i32, i32) {
    %c0_i32 = arith.constant 0 : i32
    %c0_i32_0 = arith.constant 0 : i32
    %c0_i32_1 = arith.constant 0 : i32
    %c0_i32_2 = arith.constant 0 : i32
    return %c0_i32, %c0_i32_0, %c0_i32_1 : i32, i32, i32
  }
  func.func @transform_4(%arg0: i32) -> (i32, i32, i32) {
    %c0_i32 = arith.constant 0 : i32
    %c0_i32_0 = arith.constant 0 : i32
    %c0_i32_1 = arith.constant 0 : i32
    %c0_i32_2 = arith.constant 0 : i32
    return %c0_i32, %c0_i32_0, %c0_i32_1 : i32, i32, i32
  }
  func.func @transform_5(%arg0: i32) -> (i32, i32, i32) {
    %c0_i32 = arith.constant 0 : i32
    %c0_i32_0 = arith.constant 0 : i32
    %c0_i32_1 = arith.constant 0 : i32
    return %c0_i32, %arg0, %c0_i32_0 : i32, i32, i32
  }
  func.func @transform_6(%arg0: i32) -> (i32, i32, i32, i32) {
    %c0_i32 = arith.constant 0 : i32
    %c0_i32_0 = arith.constant 0 : i32
    %c0_i32_1 = arith.constant 0 : i32
    %c0_i32_2 = arith.constant 0 : i32
    return %c0_i32, %arg0, %c0_i32_0, %c0_i32_1 : i32, i32, i32, i32
  }
  func.func @transform_7(%arg0: i32) -> (i32, i32, i32, i32) {
    %c0_i32 = arith.constant 0 : i32
    %c0_i32_0 = arith.constant 0 : i32
    %c0_i32_1 = arith.constant 0 : i32
    %c0_i32_2 = arith.constant 0 : i32
    return %c0_i32, %arg0, %c0_i32_0, %c0_i32_1 : i32, i32, i32, i32
  }
}

module attributes {stable_mosaic.version = 14 : i64} {
  func.func @_node_body(%arg0: i32, %arg1: i32, %arg2: memref<1x2000x64xf32, #tpu.memory_space<vmem>>, %arg3: memref<1x1x16x2000xf32, #tpu.memory_space<vmem>>, %arg4: memref<1x1x1x2000xi32, #tpu.memory_space<vmem>>, %arg5: memref<2x64x10xf32, #tpu.memory_space<vmem>>, %arg6: memref<2x10xf32, #tpu.memory_space<vmem>>, %arg7: memref<20x15xf32, #tpu.memory_space<vmem>>, %arg8: memref<15xf32, #tpu.memory_space<vmem>>, %arg9: memref<15x10xf32, #tpu.memory_space<vmem>>, %arg10: memref<10xf32, #tpu.memory_space<vmem>>, %arg11: memref<64x10xf32, #tpu.memory_space<vmem>>, %arg12: memref<2x64x64xf32, #tpu.memory_space<vmem>>, %arg13: memref<2x1x64xf32, #tpu.memory_space<vmem>>) attributes {dimension_semantics = [#tpu.dimension_semantics<arbitrary>, #tpu.dimension_semantics<arbitrary>], iteration_bounds = array<i64: 2, 5>, scalar_prefetch = 0 : i64, scratch_operands = 2 : i64, tpu.core_type = #tpu.core_type<tc>, window_params = [{transform_indices = @transform_0, window_bounds = array<i64: 1, 2000, 64>}, {transform_indices = @transform_1, window_bounds = array<i64: 1, 1, 16, 2000>}, {transform_indices = @transform_2, window_bounds = array<i64: 1, 1, 1, 2000>}, {pipeline_mode = #tpu.pipeline_mode<synchronous>, transform_indices = @transform_3, window_bounds = array<i64: 2, 64, 10>}, {pipeline_mode = #tpu.pipeline_mode<synchronous>, transform_indices = @transform_4, window_bounds = array<i64: 2, 10>}, {pipeline_mode = #tpu.pipeline_mode<synchronous>, transform_indices = @transform_5, window_bounds = array<i64: 20, 15>}, {pipeline_mode = #tpu.pipeline_mode<synchronous>, transform_indices = @transform_6, window_bounds = array<i64: 15>}, {pipeline_mode = #tpu.pipeline_mode<synchronous>, transform_indices = @transform_7, window_bounds = array<i64: 15, 10>}, {pipeline_mode = #tpu.pipeline_mode<synchronous>, transform_indices = @transform_8, window_bounds = array<i64: 10>}, {pipeline_mode = #tpu.pipeline_mode<synchronous>, transform_indices = @transform_9, window_bounds = array<i64: 64, 10>}]} {
    %get3A = arith.constant 0 : index
    %get3A_0 = arith.constant 0 : index
    %get3A_1 = arith.constant 0 : index
    %get3A_2 = vector.load %arg2[%get3A, %get3A_0, %get3A_1] : memref<1x2000x64xf32, #tpu.memory_space<vmem>>, vector<1x2000x64xf32>
    %get3A_3 = vector.shape_cast %get3A_2 : vector<1x2000x64xf32> to vector<2000x64xf32>
    %get3A_4 = arith.constant 0 : index
    %get3A_5 = arith.constant 0 : index
    %get3A_6 = arith.constant 0 : index
    %get3A_7 = arith.constant 0 : index
    %get3A_8 = vector.load %arg3[%get3A_4, %get3A_5, %get3A_6, %get3A_7] : memref<1x1x16x2000xf32, #tpu.memory_space<vmem>>, vector<1x1x16x2000xf32>
    %get3A_9 = vector.shape_cast %get3A_8 : vector<1x1x16x2000xf32> to vector<16x2000xf32>
    %reduce_sum3A = arith.constant dense<0.000000e+00> : vector<2000xf32>
    %reduce_sum3A_10 = vector.multi_reduction <add>, %get3A_9, %reduce_sum3A [0] : vector<16x2000xf32> to vector<2000xf32>
    %add3A = arith.constant 1.000000e-16 : f32
    %add3A_11 = vector.broadcast %add3A : f32 to vector<2000xf32>
    %add3A_12 = arith.addf %reduce_sum3A_10, %add3A_11 : vector<2000xf32>
    %broadcast_in_dim3A = vector.shape_cast %add3A_12 : vector<2000xf32> to vector<2000x1xf32>
    %div3A = vector.broadcast %broadcast_in_dim3A : vector<2000x1xf32> to vector<2000x64xf32>
    %div3A_13 = arith.divf %get3A_3, %div3A : vector<2000x64xf32>
    %gt3A = arith.constant 0.000000e+00 : f32
    %gt3A_14 = vector.broadcast %gt3A : f32 to vector<2000x64xf32>
    %gt3A_15 = arith.cmpf ogt, %div3A_13, %gt3A_14 : vector<2000x64xf32>
    %min3A = arith.constant 0.000000e+00 : f32
    %min3A_16 = vector.broadcast %min3A : f32 to vector<2000x64xf32>
    %min3A_17 = arith.minimumf %div3A_13, %min3A_16 : vector<2000x64xf32>
    %exp3A = math.exp %min3A_17 : vector<2000x64xf32>
    %sub3A = arith.constant 1.000000e+00 : f32
    %sub3A_18 = vector.broadcast %sub3A : f32 to vector<2000x64xf32>
    %sub3A_19 = arith.subf %exp3A, %sub3A_18 : vector<2000x64xf32>
    %select_n3A = arith.select %gt3A_15, %div3A_13, %sub3A_19 : vector<2000x64xi1>, vector<2000x64xf32>
    %get3A_20 = arith.constant 0 : index
    %get3A_21 = arith.constant 0 : index
    %get3A_22 = arith.constant 0 : index
    %get3A_23 = arith.constant 0 : index
    %get3A_24 = vector.load %arg4[%get3A_20, %get3A_21, %get3A_22, %get3A_23] : memref<1x1x1x2000xi32, #tpu.memory_space<vmem>>, vector<1x1x1x2000xi32>
    %get3A_25 = vector.shape_cast %get3A_24 : vector<1x1x1x2000xi32> to vector<2000xi32>
    %iota3A = tpu.iota {dimensions = array<i32: 1>} : vector<2000x64xi32>
    %broadcast_in_dim3A_26 = vector.shape_cast %get3A_25 : vector<2000xi32> to vector<2000x1xi32>
    %eq3A = vector.broadcast %broadcast_in_dim3A_26 : vector<2000x1xi32> to vector<2000x64xi32>
    %eq3A_27 = arith.cmpi eq, %eq3A, %iota3A : vector<2000x64xi32>
    %convert_element_type3A = arith.extui %eq3A_27 : vector<2000x64xi1> to vector<2000x64xi32>
    %convert_element_type3A_28 = arith.sitofp %convert_element_type3A : vector<2000x64xi32> to vector<2000x64xf32>
    %dot_general3A = arith.constant dense<0.000000e+00> : vector<64x64xf32>
    %dot_general3A_29 = tpu.matmul %convert_element_type3A_28, %select_n3A, %dot_general3A {dimension_numbers = #tpu.dot_dimension_numbers<[0], [0], [1], [1], [0, 1, 1, 1], [], []>, transpose_lhs_hint = false} : vector<2000x64xf32>, vector<2000x64xf32>, vector<64x64xf32> -> vector<64x64xf32>
    %reduce_sum3A_30 = arith.constant dense<0.000000e+00> : vector<64xf32>
    %reduce_sum3A_31 = vector.multi_reduction <add>, %convert_element_type3A_28, %reduce_sum3A_30 [0] : vector<2000x64xf32> to vector<64xf32>
    %eq3A_32 = arith.constant 0 : i32
    %eq3A_33 = arith.cmpi eq, %arg1, %eq3A_32 : i32
    %convert_element_type3A_34 = arith.extui %eq3A_33 : i1 to i32
    %cond3A = arith.constant 0 : i32
    %cond3A_35 = arith.cmpi ne, %convert_element_type3A_34, %cond3A : i32
    scf.if %cond3A_35 {
      %swap3A = arith.index_cast %arg0 : i32 to index
      %swap3A_47 = arith.constant 0 : index
      %swap3A_48 = arith.constant 0 : index
      %swap3A_49 = vector.load %arg12[%swap3A, %swap3A_47, %swap3A_48] : memref<2x64x64xf32, #tpu.memory_space<vmem>>, vector<1x64x64xf32>
      %swap3A_50 = vector.shape_cast %swap3A_49 : vector<1x64x64xf32> to vector<64x64xf32>
      %swap3A_51 = vector.shape_cast %dot_general3A_29 : vector<64x64xf32> to vector<1x64x64xf32>
      tpu.vector_store %arg12[%swap3A, %swap3A_47, %swap3A_48], %swap3A_51 {strides = array<i32>} : memref<2x64x64xf32, #tpu.memory_space<vmem>>, vector<1x64x64xf32>,
      %swap3A_52 = arith.index_cast %arg0 : i32 to index
      %swap3A_53 = arith.constant 0 : index
      %swap3A_54 = arith.constant 0 : index
      %swap3A_55 = vector.load %arg13[%swap3A_52, %swap3A_53, %swap3A_54] : memref<2x1x64xf32, #tpu.memory_space<vmem>>, vector<1x1x64xf32>
      %swap3A_56 = vector.shape_cast %swap3A_55 : vector<1x1x64xf32> to vector<64xf32>
      %swap3A_57 = vector.shape_cast %reduce_sum3A_31 : vector<64xf32> to vector<1x1x64xf32>
      tpu.vector_store %arg13[%swap3A_52, %swap3A_53, %swap3A_54], %swap3A_57 {strides = array<i32>} : memref<2x1x64xf32, #tpu.memory_space<vmem>>, vector<1x1x64xf32>,
    } else {
    }
    %ne3A = arith.constant 0 : i32
    %ne3A_36 = arith.cmpi ne, %arg1, %ne3A : i32
    %convert_element_type3A_37 = arith.extui %ne3A_36 : i1 to i32
    %cond3A_38 = arith.constant 0 : i32
    %cond3A_39 = arith.cmpi ne, %convert_element_type3A_37, %cond3A_38 : i32
    scf.if %cond3A_39 {
      %get3A_47 = arith.index_cast %arg0 : i32 to index
      %get3A_48 = arith.constant 0 : index
      %get3A_49 = arith.constant 0 : index
      %get3A_50 = vector.load %arg12[%get3A_47, %get3A_48, %get3A_49] : memref<2x64x64xf32, #tpu.memory_space<vmem>>, vector<1x64x64xf32>
      %get3A_51 = vector.shape_cast %get3A_50 : vector<1x64x64xf32> to vector<64x64xf32>
      %add3A_52 = arith.addf %get3A_51, %dot_general3A_29 : vector<64x64xf32>
      %swap3A = arith.index_cast %arg0 : i32 to index
      %swap3A_53 = arith.constant 0 : index
      %swap3A_54 = arith.constant 0 : index
      %swap3A_55 = vector.load %arg12[%swap3A, %swap3A_53, %swap3A_54] : memref<2x64x64xf32, #tpu.memory_space<vmem>>, vector<1x64x64xf32>
      %swap3A_56 = vector.shape_cast %swap3A_55 : vector<1x64x64xf32> to vector<64x64xf32>
      %swap3A_57 = vector.shape_cast %add3A_52 : vector<64x64xf32> to vector<1x64x64xf32>
      tpu.vector_store %arg12[%swap3A, %swap3A_53, %swap3A_54], %swap3A_57 {strides = array<i32>} : memref<2x64x64xf32, #tpu.memory_space<vmem>>, vector<1x64x64xf32>,
      %get3A_58 = arith.index_cast %arg0 : i32 to index
      %get3A_59 = arith.constant 0 : index
      %get3A_60 = arith.constant 0 : index
      %get3A_61 = vector.load %arg13[%get3A_58, %get3A_59, %get3A_60] : memref<2x1x64xf32, #tpu.memory_space<vmem>>, vector<1x1x64xf32>
      %get3A_62 = vector.shape_cast %get3A_61 : vector<1x1x64xf32> to vector<64xf32>
      %add3A_63 = arith.addf %get3A_62, %reduce_sum3A_31 : vector<64xf32>
      %swap3A_64 = arith.index_cast %arg0 : i32 to index
      %swap3A_65 = arith.constant 0 : index
      %swap3A_66 = arith.constant 0 : index
      %swap3A_67 = vector.load %arg13[%swap3A_64, %swap3A_65, %swap3A_66] : memref<2x1x64xf32, #tpu.memory_space<vmem>>, vector<1x1x64xf32>
      %swap3A_68 = vector.shape_cast %swap3A_67 : vector<1x1x64xf32> to vector<64xf32>
      %swap3A_69 = vector.shape_cast %add3A_63 : vector<64xf32> to vector<1x1x64xf32>
      tpu.vector_store %arg13[%swap3A_64, %swap3A_65, %swap3A_66], %swap3A_69 {strides = array<i32>} : memref<2x1x64xf32, #tpu.memory_space<vmem>>, vector<1x1x64xf32>,
    } else {
    }
    %eq3A_40 = arith.constant 1 : i32
    %eq3A_41 = arith.cmpi eq, %arg0, %eq3A_40 : i32
    %eq3A_42 = arith.constant 4 : i32
    %eq3A_43 = arith.cmpi eq, %arg1, %eq3A_42 : i32
    %and3A = arith.andi %eq3A_41, %eq3A_43 : i1
    %convert_element_type3A_44 = arith.extui %and3A : i1 to i32
    %cond3A_45 = arith.constant 0 : i32
    %cond3A_46 = arith.cmpi ne, %convert_element_type3A_44, %cond3A_45 : i32
    scf.if %cond3A_46 {
      %get3A_47 = arith.constant 0 : index
      %get3A_48 = arith.constant 0 : index
      %get3A_49 = arith.constant 0 : index
      %get3A_50 = vector.load %arg12[%get3A_47, %get3A_48, %get3A_49] : memref<2x64x64xf32, #tpu.memory_space<vmem>>, vector<1x64x64xf32>
      %get3A_51 = vector.shape_cast %get3A_50 : vector<1x64x64xf32> to vector<64x64xf32>
      %get3A_52 = arith.constant 0 : index
      %get3A_53 = arith.constant 0 : index
      %get3A_54 = arith.constant 0 : index
      %get3A_55 = vector.load %arg13[%get3A_52, %get3A_53, %get3A_54] : memref<2x1x64xf32, #tpu.memory_space<vmem>>, vector<1x1x64xf32>
      %get3A_56 = vector.shape_cast %get3A_55 : vector<1x1x64xf32> to vector<64xf32>
      %max3A = arith.constant 1.000000e+00 : f32
      %max3A_57 = vector.broadcast %max3A : f32 to vector<64xf32>
      %max3A_58 = arith.maximumf %get3A_56, %max3A_57 : vector<64xf32>
      %broadcast_in_dim3A_59 = vector.shape_cast %max3A_58 : vector<64xf32> to vector<64x1xf32>
      %div3A_60 = vector.broadcast %broadcast_in_dim3A_59 : vector<64x1xf32> to vector<64x64xf32>
      %div3A_61 = arith.divf %get3A_51, %div3A_60 : vector<64x64xf32>
      %get3A_62 = arith.constant 0 : index
      %get3A_63 = arith.constant 0 : index
      %get3A_64 = arith.constant 0 : index
      %get3A_65 = vector.load %arg5[%get3A_62, %get3A_63, %get3A_64] : memref<2x64x10xf32, #tpu.memory_space<vmem>>, vector<1x64x10xf32>
      %get3A_66 = vector.shape_cast %get3A_65 : vector<1x64x10xf32> to vector<64x10xf32>
      %dot_general3A_67 = arith.constant dense<0.000000e+00> : vector<64x10xf32>
      %dot_general3A_68 = tpu.matmul %div3A_61, %get3A_66, %dot_general3A_67 {dimension_numbers = #tpu.dot_dimension_numbers<[1], [0], [0], [1], [0, 0, 1, 1], [], []>, transpose_lhs_hint = false} : vector<64x64xf32>, vector<64x10xf32>, vector<64x10xf32> -> vector<64x10xf32>
      %get3A_69 = arith.constant 0 : index
      %get3A_70 = arith.constant 0 : index
      %get3A_71 = vector.load %arg6[%get3A_69, %get3A_70] : memref<2x10xf32, #tpu.memory_space<vmem>>, vector<1x10xf32>
      %get3A_72 = vector.shape_cast %get3A_71 : vector<1x10xf32> to vector<10xf32>
      %broadcast_in_dim3A_73 = vector.shape_cast %get3A_72 : vector<10xf32> to vector<1x10xf32>
      %add3A_74 = vector.broadcast %broadcast_in_dim3A_73 : vector<1x10xf32> to vector<64x10xf32>
      %add3A_75 = arith.addf %dot_general3A_68, %add3A_74 : vector<64x10xf32>
      %get3A_76 = arith.constant 1 : index
      %get3A_77 = arith.constant 0 : index
      %get3A_78 = arith.constant 0 : index
      %get3A_79 = vector.load %arg12[%get3A_76, %get3A_77, %get3A_78] : memref<2x64x64xf32, #tpu.memory_space<vmem>>, vector<1x64x64xf32>
      %get3A_80 = vector.shape_cast %get3A_79 : vector<1x64x64xf32> to vector<64x64xf32>
      %get3A_81 = arith.constant 1 : index
      %get3A_82 = arith.constant 0 : index
      %get3A_83 = arith.constant 0 : index
      %get3A_84 = vector.load %arg13[%get3A_81, %get3A_82, %get3A_83] : memref<2x1x64xf32, #tpu.memory_space<vmem>>, vector<1x1x64xf32>
      %get3A_85 = vector.shape_cast %get3A_84 : vector<1x1x64xf32> to vector<64xf32>
      %max3A_86 = arith.constant 1.000000e+00 : f32
      %max3A_87 = vector.broadcast %max3A_86 : f32 to vector<64xf32>
      %max3A_88 = arith.maximumf %get3A_85, %max3A_87 : vector<64xf32>
      %broadcast_in_dim3A_89 = vector.shape_cast %max3A_88 : vector<64xf32> to vector<64x1xf32>
      %div3A_90 = vector.broadcast %broadcast_in_dim3A_89 : vector<64x1xf32> to vector<64x64xf32>
      %div3A_91 = arith.divf %get3A_80, %div3A_90 : vector<64x64xf32>
      %get3A_92 = arith.constant 1 : index
      %get3A_93 = arith.constant 0 : index
      %get3A_94 = arith.constant 0 : index
      %get3A_95 = vector.load %arg5[%get3A_92, %get3A_93, %get3A_94] : memref<2x64x10xf32, #tpu.memory_space<vmem>>, vector<1x64x10xf32>
      %get3A_96 = vector.shape_cast %get3A_95 : vector<1x64x10xf32> to vector<64x10xf32>
      %dot_general3A_97 = arith.constant dense<0.000000e+00> : vector<64x10xf32>
      %dot_general3A_98 = tpu.matmul %div3A_91, %get3A_96, %dot_general3A_97 {dimension_numbers = #tpu.dot_dimension_numbers<[1], [0], [0], [1], [0, 0, 1, 1], [], []>, transpose_lhs_hint = false} : vector<64x64xf32>, vector<64x10xf32>, vector<64x10xf32> -> vector<64x10xf32>
      %get3A_99 = arith.constant 1 : index
      %get3A_100 = arith.constant 0 : index
      %get3A_101 = vector.load %arg6[%get3A_99, %get3A_100] : memref<2x10xf32, #tpu.memory_space<vmem>>, vector<1x10xf32>
      %get3A_102 = vector.shape_cast %get3A_101 : vector<1x10xf32> to vector<10xf32>
      %broadcast_in_dim3A_103 = vector.shape_cast %get3A_102 : vector<10xf32> to vector<1x10xf32>
      %add3A_104 = vector.broadcast %broadcast_in_dim3A_103 : vector<1x10xf32> to vector<64x10xf32>
      %add3A_105 = arith.addf %dot_general3A_98, %add3A_104 : vector<64x10xf32>
      %get3A_106 = arith.constant 0 : index
      %get3A_107 = arith.constant 0 : index
      %get3A_108 = vector.load %arg7[%get3A_106, %get3A_107] : memref<20x15xf32, #tpu.memory_space<vmem>>, vector<20x15xf32>
      %slice3A = vector.extract_strided_slice %get3A_108 {offsets = [0, 0], sizes = [10, 15], strides = [1, 1]} : vector<20x15xf32> to vector<10x15xf32>
      %dot_general3A_109 = arith.constant dense<0.000000e+00> : vector<64x15xf32>
      %dot_general3A_110 = tpu.matmul %add3A_75, %slice3A, %dot_general3A_109 {dimension_numbers = #tpu.dot_dimension_numbers<[1], [0], [0], [1], [0, 0, 1, 1], [], []>, transpose_lhs_hint = false} : vector<64x10xf32>, vector<10x15xf32>, vector<64x15xf32> -> vector<64x15xf32>
      %slice3A_111 = vector.extract_strided_slice %get3A_108 {offsets = [10, 0], sizes = [10, 15], strides = [1, 1]} : vector<20x15xf32> to vector<10x15xf32>
      %dot_general3A_112 = arith.constant dense<0.000000e+00> : vector<64x15xf32>
      %dot_general3A_113 = tpu.matmul %add3A_105, %slice3A_111, %dot_general3A_112 {dimension_numbers = #tpu.dot_dimension_numbers<[1], [0], [0], [1], [0, 0, 1, 1], [], []>, transpose_lhs_hint = false} : vector<64x10xf32>, vector<10x15xf32>, vector<64x15xf32> -> vector<64x15xf32>
      %add3A_114 = arith.addf %dot_general3A_110, %dot_general3A_113 : vector<64x15xf32>
      %get3A_115 = arith.constant 0 : index
      %get3A_116 = vector.load %arg8[%get3A_115] : memref<15xf32, #tpu.memory_space<vmem>>, vector<15xf32>
      %broadcast_in_dim3A_117 = vector.shape_cast %get3A_116 : vector<15xf32> to vector<1x15xf32>
      %add3A_118 = vector.broadcast %broadcast_in_dim3A_117 : vector<1x15xf32> to vector<64x15xf32>
      %add3A_119 = arith.addf %add3A_114, %add3A_118 : vector<64x15xf32>
      %max3A_120 = arith.constant 0.000000e+00 : f32
      %max3A_121 = vector.broadcast %max3A_120 : f32 to vector<64x15xf32>
      %max3A_122 = arith.maximumf %add3A_119, %max3A_121 : vector<64x15xf32>
      %get3A_123 = arith.constant 0 : index
      %get3A_124 = arith.constant 0 : index
      %get3A_125 = vector.load %arg9[%get3A_123, %get3A_124] : memref<15x10xf32, #tpu.memory_space<vmem>>, vector<15x10xf32>
      %dot_general3A_126 = arith.constant dense<0.000000e+00> : vector<64x10xf32>
      %dot_general3A_127 = tpu.matmul %max3A_122, %get3A_125, %dot_general3A_126 {dimension_numbers = #tpu.dot_dimension_numbers<[1], [0], [0], [1], [0, 0, 1, 1], [], []>, transpose_lhs_hint = false} : vector<64x15xf32>, vector<15x10xf32>, vector<64x10xf32> -> vector<64x10xf32>
      %get3A_128 = arith.constant 0 : index
      %get3A_129 = vector.load %arg10[%get3A_128] : memref<10xf32, #tpu.memory_space<vmem>>, vector<10xf32>
      %broadcast_in_dim3A_130 = vector.shape_cast %get3A_129 : vector<10xf32> to vector<1x10xf32>
      %add3A_131 = vector.broadcast %broadcast_in_dim3A_130 : vector<1x10xf32> to vector<64x10xf32>
      %add3A_132 = arith.addf %dot_general3A_127, %add3A_131 : vector<64x10xf32>
      %swap3A = arith.constant 0 : index
      %swap3A_133 = arith.constant 0 : index
      %swap3A_134 = vector.load %arg11[%swap3A, %swap3A_133] : memref<64x10xf32, #tpu.memory_space<vmem>>, vector<64x10xf32>
      tpu.vector_store %arg11[%swap3A, %swap3A_133], %add3A_132 {strides = array<i32>} : memref<64x10xf32, #tpu.memory_space<vmem>>, vector<64x10xf32>,
    } else {
    }
    return
  }
  func.func @transform_0(%arg0: i32, %arg1: i32) -> (i32, i32, i32) {
    %c0_i32 = arith.constant 0 : i32
    %c0_i32_0 = arith.constant 0 : i32
    return %arg0, %arg1, %c0_i32 : i32, i32, i32
  }
  func.func @transform_1(%arg0: i32, %arg1: i32) -> (i32, i32, i32, i32) {
    %c0_i32 = arith.constant 0 : i32
    %c0_i32_0 = arith.constant 0 : i32
    %c0_i32_1 = arith.constant 0 : i32
    return %arg0, %arg1, %c0_i32, %c0_i32_0 : i32, i32, i32, i32
  }
  func.func @transform_2(%arg0: i32, %arg1: i32) -> (i32, i32, i32, i32) {
    %c0_i32 = arith.constant 0 : i32
    %c0_i32_0 = arith.constant 0 : i32
    %c0_i32_1 = arith.constant 0 : i32
    return %arg0, %arg1, %c0_i32, %c0_i32_0 : i32, i32, i32, i32
  }
  func.func @transform_3(%arg0: i32, %arg1: i32) -> (i32, i32, i32) {
    %c0_i32 = arith.constant 0 : i32
    %c0_i32_0 = arith.constant 0 : i32
    %c0_i32_1 = arith.constant 0 : i32
    %c0_i32_2 = arith.constant 0 : i32
    return %c0_i32, %c0_i32_0, %c0_i32_1 : i32, i32, i32
  }
  func.func @transform_4(%arg0: i32, %arg1: i32) -> (i32, i32) {
    %c0_i32 = arith.constant 0 : i32
    %c0_i32_0 = arith.constant 0 : i32
    %c0_i32_1 = arith.constant 0 : i32
    return %c0_i32, %c0_i32_0 : i32, i32
  }
  func.func @transform_5(%arg0: i32, %arg1: i32) -> (i32, i32) {
    %c0_i32 = arith.constant 0 : i32
    %c0_i32_0 = arith.constant 0 : i32
    %c0_i32_1 = arith.constant 0 : i32
    return %c0_i32, %c0_i32_0 : i32, i32
  }
  func.func @transform_6(%arg0: i32, %arg1: i32) -> i32 {
    %c0_i32 = arith.constant 0 : i32
    %c0_i32_0 = arith.constant 0 : i32
    return %c0_i32 : i32
  }
  func.func @transform_7(%arg0: i32, %arg1: i32) -> (i32, i32) {
    %c0_i32 = arith.constant 0 : i32
    %c0_i32_0 = arith.constant 0 : i32
    %c0_i32_1 = arith.constant 0 : i32
    return %c0_i32, %c0_i32_0 : i32, i32
  }
  func.func @transform_8(%arg0: i32, %arg1: i32) -> i32 {
    %c0_i32 = arith.constant 0 : i32
    %c0_i32_0 = arith.constant 0 : i32
    return %c0_i32 : i32
  }
  func.func @transform_9(%arg0: i32, %arg1: i32) -> (i32, i32) {
    %c0_i32 = arith.constant 0 : i32
    %c0_i32_0 = arith.constant 0 : i32
    %c0_i32_1 = arith.constant 0 : i32
    return %c0_i32, %c0_i32_0 : i32, i32
  }
}

</mosaic_0001>

<sc_bundles>
// kernel: kernel.5.cloned.1.call-start
scs
__scs_entry_jumppad:
0x0: {  	(pc) =	sbr.rel $0x88, $3  }
0x1: {  	(tag) =	ssettag $0x0;
	lr =	simm.s32 $0x1  }
0x2: {  	[smem:$0x3F8D] =	sst lr;
	_ =	strace $0xD0000000  }
0x3: {  	_ = 	snop  }
0x4: {  	_ = 	snop  }
0x5: {  	_ = 	snop  }
0x6: {  	_ = 	snop  }
0x7: {  	_ = 	snop  }
__scs_overlays_trampoline_lowered:
0x8: {  	[smem:$0x3F9C] =	sst s0  }
0x9: {  	[smem:$0x3F9D] =	sst s1  }
0xa: {  	[smem:$0x3F9E] =	sst s2  }
0xb: {  	[smem:$0x3F9F] =	sst s3  }
0xc: {  	[smem:$0x3FA0] =	sst s4  }
0xd: {  	[smem:$0x3FA1] =	sst s5  }
0xe: {  	[smem:$0x3FA2] =	sst s6  }
0xf: {  	[smem:$0x3FA3] =	sst s7  }
0x10: {  	[smem:$0x3FA4] =	sst s8  }
0x11: {  	[smem:$0x3FA5] =	sst s9;
	s0 =	simm.s32 @!p0 $0x0  }
0x12: {  	s1 =	sld [smem:$0x3F8B];
	s0 =	simm.s32 @p0 $0x1  }
0x13: {  	[smem:$0x3FA6] =	sst s0;
	s0 =	simm.s32 @!p1 $0x0  }
0x14: {  	s2 =	sld [smem:$0x3F8A];
	s0 =	simm.s32 @p1 $0x1  }
0x15: {  	[smem:$0x3FA7] =	sst s0;
	s0 =	simm.s32 @!p2 $0x0  }
0x16: {  	s3 =	sld [smem:$0x3FDB];
	s0 =	simm.s32 @p2 $0x1  }
0x17: {  	s4 =	simm.s32 $0x1BF5;
	[smem:$0x3FA9] =	sst s0  }
0x18: {  	s0 =	sld [smem:$0x3F8C];
	_ =	swait.ge [sflag:s4], $0x0  }
0x19: {  	s7 =	sld [smem:$0x3F8D]  }
0x1a: {  	s8 =	sadd.s32 $0xFFFFE003, lr  }
0x1b: {  	s9 =	sadd.s32 $0xFFFFFEF7, lr;
	s5 =	simm.s32 $0xFFFFFFFF;
	p2 =	slt.u32 s8, $0xFFFFF086  }
0x1c: {  	p1 =	slt.u32 s9, $0xF7A;
	s5 =	simm.s32 @!p2 $0x0  }
0x1d: {  	s5 =	simm.s32 @p1 $0x1;
	p0 =	seq.s32 s7, s2  }
0x1e: {  	s7 =	smul.u32 @!p0 $0xF7A, s2;
	p2 =	seq.s32 @!p0 s5, $0x0  }
0x1f: {  	s9 =	smul.u32 $0xF7A, s1;
	s8 =	simm.s32 @!p0 $0x1BF5;
	p2 =	por !p2, p0  }
0x20: {  	[sflag:s8] =	ssyncset.s32 @!p0 $0xFFFFF086;
	s6 =	sadd.s32 @!p0 s3, s7;
	s7 =	simm.s32 @!p0 $0x108  }
0x21: {  	s3 =	sadd.s32 s3, s9;
	s6 =	sadd.s32 @!p0 $0x88, s6;
	s7 =	simm.s32 @p2 $0x1082  }
0x22: {  	[simem:s7], [sflag:s8] =	dma.local @!p0 [hbm:s6], $0xF7A  }
0x23: {  	s9 =	sor.u32 $0xD0000000, s2;
	s6 =	simm.s32 $0x108;
	_ =	swait.ge @!p0 [sflag:s8], $0x0  }
0x24: {  	s3 =	sadd.s32 $0x88, s3;
	s6 =	simm.s32 @!p1 $0x1082;
	[sflag:s4] =	ssyncset.s32 $0xFFFFF086  }
0x25: {  	[simem:s6], [sflag:s4] =	dma.local [hbm:s3], $0xF7A  }
0x26: {  	[smem:$0x3F8D] =	sst s1;
	(tag) =	ssettag s2;
	_ =	strace s9  }
0x27: {  	s1 =	sld [smem:$0x3F9D]  }
0x28: {  	s2 =	sld [smem:$0x3F9E]  }
0x29: {  	s4 =	sld [smem:$0x3FA0]  }
0x2a: {  	p0 =	seq.s32 s5, $0x0;
	s5 =	sld [smem:$0x3FA1]  }
0x2b: {  	s6 =	sld [smem:$0x3FA2]  }
0x2c: {  	s7 =	sld [smem:$0x3FA3]  }
0x2d: {  	s3 =	simm.s32 $0x108;
	s8 =	sld [smem:$0x3FA4]  }
0x2e: {  	s3 =	simm.s32 @!p0 $0x1082;
	s9 =	sld [smem:$0x3FA5]  }
0x2f: {  	lr =	sadd.s32 s0, s3;
	s0 =	sld [smem:$0x3F9C]  }
0x30: {  	s3 =	sld [smem:$0x3F9F]  }
0x31: {  	[smem:$0x3FA8] =	sst s10  }
0x32: {  	s10 =	sld [smem:$0x3FA6];
	_ =	sdelay $0x3  }
0x33: {  	p0 =	seq.s32 s10, $0x1;
	s10 =	sld [smem:$0x3FA8];
	_ =	sdelay $0x3  }
0x34: {  	[smem:$0x3FA8] =	sst s10  }
0x35: {  	s10 =	sld [smem:$0x3FA7];
	_ =	sdelay $0x3  }
0x36: {  	p1 =	seq.s32 s10, $0x1;
	s10 =	sld [smem:$0x3FA8];
	_ =	sdelay $0x3  }
0x37: {  	[smem:$0x3FA8] =	sst s10  }
0x38: {  	s10 =	sld [smem:$0x3FA9]  }
0x39: {  	_ = 	snop;
	(pc) =	sbr.ind lr, $3  }
0x3a: {  	_ = 	snop  }
0x3b: {  	_ = 	snop  }
0x3c: {  	p2 =	seq.s32 s10, $0x1;
	s10 =	sld [smem:$0x3FA8]  }
0x3d: {  	_ =	shalt  }
0x3e: {  	_ =	shalt  }
0x3f: {  	_ =	shalt  }
0x40: {  	_ =	shalt  }
0x41: {  	_ =	shalt  }
0x42: {  	_ =	shalt  }
0x43: {  	_ =	shalt  }
0x44: {  	_ =	shalt  }
0x45: {  	_ =	shalt  }
0x46: {  	_ =	shalt  }
0x47: {  	_ =	shalt  }
0x48: {  	_ =	shalt  }
0x49: {  	_ =	shalt  }
0x4a: {  	_ =	shalt  }
0x4b: {  	_ =	shalt  }
0x4c: {  	_ =	shalt  }
0x4d: {  	_ =	shalt  }
0x4e: {  	_ =	shalt  }
0x4f: {  	_ =	shalt  }
0x50: {  	_ =	shalt  }
0x51: {  	_ =	shalt  }
0x52: {  	_ =	shalt  }
0x53: {  	_ =	shalt  }
0x54: {  	_ =	shalt  }
0x55: {  	_ =	shalt  }
0x56: {  	_ =	shalt  }
0x57: {  	_ =	shalt  }
0x58: {  	_ =	shalt  }
0x59: {  	_ =	shalt  }
0x5a: {  	_ =	shalt  }
0x5b: {  	_ =	shalt  }
0x5c: {  	_ =	shalt  }
0x5d: {  	_ =	shalt  }
0x5e: {  	_ =	shalt  }
0x5f: {  	_ =	shalt  }
0x60: {  	_ =	shalt  }
0x61: {  	_ =	shalt  }
0x62: {  	_ =	shalt  }
0x63: {  	_ =	shalt  }
0x64: {  	_ =	shalt  }
0x65: {  	_ =	shalt  }
0x66: {  	_ =	shalt  }
0x67: {  	_ =	shalt  }
0x68: {  	_ =	shalt  }
0x69: {  	_ =	shalt  }
0x6a: {  	_ =	shalt  }
0x6b: {  	_ =	shalt  }
0x6c: {  	_ =	shalt  }
0x6d: {  	_ =	shalt  }
0x6e: {  	_ =	shalt  }
0x6f: {  	_ =	shalt  }
0x70: {  	_ =	shalt  }
0x71: {  	_ =	shalt  }
0x72: {  	_ =	shalt  }
0x73: {  	_ =	shalt  }
0x74: {  	_ =	shalt  }
0x75: {  	_ =	shalt  }
0x76: {  	_ =	shalt  }
0x77: {  	_ =	shalt  }
0x78: {  	_ =	shalt  }
0x79: {  	_ =	shalt  }
0x7a: {  	_ =	shalt  }
0x7b: {  	_ =	shalt  }
0x7c: {  	_ =	shalt  }
0x7d: {  	_ =	shalt  }
0x7e: {  	_ =	shalt  }
0x7f: {  	_ =	shalt  }
0x80: {  	_ =	shalt  }
0x81: {  	_ =	shalt  }
0x82: {  	_ =	shalt  }
0x83: {  	_ =	shalt  }
0x84: {  	_ =	shalt  }
0x85: {  	_ =	shalt  }
0x86: {  	_ =	shalt  }
0x87: {  	_ =	shalt  }
.Lfunc_end0:
.L_simem_size_0:
called_computation_lowered:
.L_overlay_start_0:
0x88: {  	s2 =	sld [smem:$0x3FD9]  }
0x89: {  	s3 =	sld [smem:$0x3FFE];
	_ =	sdelay $0x1  }
0x8a: {  	s1 =	srdreg.scid  }
0x8b: {  	s0 =	sand.u32 $0x1, s1  }
0x8c: {  	s16 =	sshll.u32 s0, $0xA;
	s2 =	sadd.s32 s3, s2  }
0x8d: {  	s2 =	sadd.s32 s2, s16  }
0x8e: {  	[smem:$0x3FB4] =	sst s2  }
0x8f: {  	_ = 	snop  }
0x90: {  	(tm) =	ssettm $0x1  }
0x91: {  	s17 =	sld [smem:$0x3FFB];
	_ =	sdelay $0x3  }
0x92: {  	_ =	strace s17  }
0x93: {  	s2 =	sld [smem:$0x3FFC];
	_ =	sdelay $0x3  }
0x94: {  	_ =	strace s2  }
0x95: {  	s2 =	sld [smem:$0x3FFD];
	_ =	sdelay $0x3  }
0x96: {  	_ =	strace s2  }
0x97: {  	_ =	strace $0x8FFFFFFF  }
0x98: {  	s18 =	sld [smem:$0x3FDB];
	_ =	sdelay $0x1  }
0x99: {  	s19 =	simm.s32 $_scs_section_size  }
0x9a: {  	s4 =	simm.s32 $_size__tile_overlayer_lowered;
	s5 =	simm.s32 $_tile_overlayer_lowered  }
0x9b: {  	s22 =	simm.s32 $0x1BFF;
	s21 =	sshll.u32 s5, $0x1;
	s2 =	sadd.s32 s19, s18  }
0x9c: {  	s6 =	simm.s32 $0x0;
	s20 =	sshll.u32 s4, $0x1;
	s4 =	sadd.s32 s21, s2  }
0x9d: {  	[timem:s6], [sflag:s22] =	dma.local [hbm:s4], s20  }
0x9e: {  	_ =	swait.ge [sflag:s22], s20  }
0x9f: {  	s3 =	ssub.s32 $0x0, s20;
	[sflag:s22] =	ssyncset.done $0x0  }
0xa0: {  	[sflag:s22] =	ssyncadd.s32 s3;
	_ =	sdelay $0x1  }
0xa1: {  	s23 =	simm.s32 $0x1B8B  }
0xa2: {  	_ =	swait.ge [sflag:s23], $0x1  }
0xa3: {  	[sflag:s23] =	ssyncset.done $0x0  }
0xa4: {  	s25 =	simm.s32 $0x1B8E;
	s24 =	sld [smem:$0x3FFE];
	[sflag:s23] =	ssyncadd.s32 $0xFFFFFFFF  }
0xa5: {  	s26 =	simm.s32 $execute0_lowered;
	[smem:$0x3FD2] =	sst s25  }
0xa6: {  	s4 =	sshll.u32 s26, $0x1;
	_ =	strace $0x80000046;
	[dreg:$0x1] =	wrdreg $0xFFFFFFFF  }
0xa7: {  	s28 =	simm.s32 $_size_execute0_lowered;
	s2 =	sadd.s32 s2, s4;
	[dreg:$0x0] =	wrdreg $0x0  }
0xa8: {  	s4 =	sshll.u32 s28, $0x1;
	[dreg:$0x2] =	wrdreg s2  }
0xa9: {  	[dreg:$0x3] =	wrdreg s4  }
0xaa: {  	[dreg:$0x4] =	wrdreg $0xC0  }
0xab: {  	_ =	task [dreg:s6], $0x5FFFF  }
0xac: {  	[dreg:$0x1] =	wrdreg $0xFFFFFFFF  }
0xad: {  	[dreg:$0x0] =	wrdreg $0x60  }
0xae: {  	[dreg:$0x2] =	wrdreg s24  }
0xaf: {  	[dreg:$0x3] =	wrdreg $0x9C400  }
0xb0: {  	[dreg:$0x4] =	wrdreg $0x0  }
0xb1: {  	[dreg:$0x5] =	wrdreg $0x9  }
0xb2: {  	_ =	task.clear_ibuf [dreg:s6], $0x6FFFF;
	_ =	strace $0x90000046  }
0xb3: {  	s29 =	simm.s32 $0x9;
	_ =	strace $0x80000048  }
0xb4: {  	_ =	swait.ge [sflag:s29], $0x1  }
0xb5: {  	[sflag:s29] =	ssyncadd.s32 $0xFFFFFFFF  }
0xb6: {  	_ =	strace $0x90000048  }
0xb7: {  	_ =	sfence  }
0xb8: {  	s30 =	sld [smem:$0x0];
	_ =	sdelay $0x2  }
0xb9: {  	s31 =	sshll.u32 s1, $0xD;
	s1 =	sshrl.u32 s1, $0x2  }
0xba: {  	s3 =	sand.u32 $0x4000, s31;
	s1 =	sadd.s32 s1, s30  }
0xbb: {  	s0 =	sor.u32 s3, s0;
	s1 =	sshll.u32 s1, $0x11  }
0xbc: {  	s0 =	sor.u32 s1, s0  }
0xbd: {  	s0 =	sadd.s32 $0x8F2B, s0  }
0xbe: {  	[sflag:s0] =	ssyncadd.remote.s32 $0x1  }
0xbf: {  	_ =	sfence.sel $0xFFFF  }
0xc0: {  	[dreg:$0x0] =	wrdreg $0xFFFFFFFF;
	(pc) =	sbr.abs _section_cstart, $3  }
0xc1: {  	[dreg:$0x1] =	wrdreg $0xFFFFFFFF  }
0xc2: {  	_ =	task.clear_ibuf [dreg:s6], $0x2FFFF;
	_ =	strace $0x9FFFFFFF  }
0xc3: {  	(tm) =	ssettm $0x7FFFFFFF  }
tec
execute0_lowered:
.L_overlay_start_1:
0x0: {  	(tag) =	ssettag $0x1  }
0x1: {  	s0 =	srdreg.scid  }
0x2: {  	s1 =	rddreg [dreg:$0x0];
	s11 =	stileid.u32;
	s0 =	sand.u32 $0x1, s0  }
0x3: {  	s2 =	rddreg [dreg:$0x1];
	s4 =	smul.u32 $0x4E2, s0  }
0x4: {  	s3 =	rddreg [dreg:$0x2];
	s8 =	simm.s32 $0x0;
	s9 =	smul.u32 $0x27100, s11  }
0x5: {  	[smem:$0x7FF] =	sst s8;
	s4 =	sadd.s32 s4, s1  }
0x6: {  	s9 =	sshrl.u32 s9, $0x2;
	s21 =	sadd.s32 $0x29A00, s4;
	s4 =	sadd.s32 $0x29000, s4  }
0x7: {  	_ =	strace $0x80000047;
	[dreg:$0x5] =	wrdreg s4;
	s4 =	sadd.s32 s9, s2  }
0x8: {  	[dreg:$0x4] =	wrdreg s21;
	s9 =	sadd.s32 $0x640, s4  }
0x9: {  	s22 =	sadd.s32 $0xC80, s4;
	[dreg:$0x6] =	wrdreg s9  }
0xa: {  	s23 =	sadd.s32 $0x12C0, s4;
	[dreg:$0x7] =	wrdreg s22  }
0xb: {  	s24 =	sadd.s32 $0x1900, s4;
	[dreg:$0x8] =	wrdreg s23  }
0xc: {  	s5 =	smul.u32 $0x9C40, s11;
	s25 =	sadd.s32 $0x1F40, s4;
	[dreg:$0x9] =	wrdreg s24  }
0xd: {  	s19 =	smul.u32 $0x2710, s11;
	s26 =	sadd.s32 $0x2580, s4;
	[dreg:$0xa] =	wrdreg s25  }
0xe: {  	s6 =	smul.u32 $0x9C400, s0;
	s28 =	sadd.s32 $0x2BC0, s4;
	[dreg:$0xb] =	wrdreg s26  }
0xf: {  	s7 =	smul.u32 $0x27100, s0;
	s29 =	sadd.s32 $0x3200, s4;
	[dreg:$0xc] =	wrdreg s28  }
0x10: {  	s20 =	ssub.s32 $0x2, s0;
	s30 =	sadd.s32 $0x3840, s4;
	[dreg:$0xd] =	wrdreg s29  }
0x11: {  	s10 =	sshrl.u32 s20, $0x1;
	s31 =	sadd.s32 $0x3E80, s4;
	[dreg:$0xe] =	wrdreg s30  }
0x12: {  	s8 =	ssub.s32 s20, s10;
	s10 =	sadd.s32 $0x44C0, s4;
	[dreg:$0xf] =	wrdreg s31  }
0x13: {  	p0 =	seq.s32 s0, $0x1;
	s12 =	sadd.s32 $0x4B00, s4;
	[dreg:$0x10] =	wrdreg s10  }
0x14: {  	s0 =	simm.s32 $0x2A400;
	s13 =	sadd.s32 $0x5140, s4;
	[dreg:$0x11] =	wrdreg s12  }
0x15: {  	s0 =	simm.s32 @!p0 $0x3DE00;
	s14 =	sadd.s32 $0x5780, s4;
	[dreg:$0x12] =	wrdreg s13  }
0x16: {  	s6 =	sadd.s32 s5, s6;
	s15 =	sadd.s32 $0x5DC0, s4;
	[dreg:$0x13] =	wrdreg s14  }
0x17: {  	s7 =	sadd.s32 s19, s7;
	s16 =	sadd.s32 $0x6400, s4;
	[dreg:$0x14] =	wrdreg s15  }
0x18: {  	s19 =	sadd.s32 s0, s1;
	s17 =	sadd.s32 $0x6A40, s4;
	[dreg:$0x15] =	wrdreg s16  }
0x19: {  	s6 =	sshrl.u32 s6, $0x3;
	s18 =	sadd.s32 $0x7080, s4;
	[dreg:$0x16] =	wrdreg s17  }
0x1a: {  	s7 =	sshrl.u32 s7, $0x3;
	s20 =	sadd.s32 $0x76C0, s4;
	[dreg:$0x17] =	wrdreg s18  }
0x1b: {  	s6 =	sadd.s32 s6, s1;
	s21 =	sadd.s32 $0x7D00, s4;
	[dreg:$0x18] =	wrdreg s20  }
0x1c: {  	s7 =	sadd.s32 s7, s1;
	[dreg:$0x19] =	wrdreg s21;
	s22 =	sadd.s32 $0x8340, s4  }
0x1d: {  	s23 =	sadd.s32 $0x8980, s4;
	s24 =	sadd.s32 $0x8FC0, s4;
	s25 =	sadd.s32 $0x9600, s4  }
0x1e: {  	s4 =	sadd.s32 s5, s2;
	s26 =	sadd.s32 s5, s3;
	s28 =	sadd.s32 $0x1E00, s6  }
0x1f: {  	s29 =	sadd.s32 $0x51800, s6;
	s30 =	sadd.s32 $0x78A00, s7;
	[dreg:$0x1a] =	wrdreg s22  }
0x20: {  	s31 =	smax.u32 s8, $0x1;
	s9 =	smul.u32 $0x4E20, s11;
	[dreg:$0x1b] =	wrdreg s23  }
0x21: {  	s10 =	simm.s32 $0x13880;
	s11 =	simm.s32 $0x5;
	[dreg:$0x1c] =	wrdreg s24  }
0x22: {  	s12 =	simm.s32 $0x15F90;
	s13 =	simm.s32 $0x1F540;
	[dreg:$0x1d] =	wrdreg s25  }
0x23: {  	s14 =	simm.s32 $0x1ADB0;
	s15 =	simm.s32 $0x1BD50;
	[dreg:$0x1e] =	wrdreg s28  }
0x24: {  	s16 =	simm.s32 $0x50;
	s17 =	simm.s32 $0x1CCF0;
	[dreg:$0x1f] =	wrdreg s29  }
0x25: {  	s18 =	simm.s32 $0x186A0;
	s20 =	simm.s32 $0x1;
	[smem:$0x7FB] =	sst s30  }
0x26: {  	s21 =	simm.s32 $0x1E0F0;
	[smem:$0x7FC] =	sst s31;
	s0 =	sshrl.u32 s26, $0x3  }
0x27: {  	s22 =	simm.s32 $0x2;
	s23 =	simm.s32 $0x3;
	s24 =	simm.s32 $0x4  }
0x28: {  	v0 =	vimm.f32 $0.0e+00;
	s25 =	simm.s32 $0x0;
	s26 =	simm.s32 $0x0;
	[smem:$0x7FD] =	sst s0  }
.LBB2_1:
0x29: {  	s0 =	simm.s32 $0x0  }
.LBB2_2:
0x2a: {  	p0 =	sne.s32 s0, $0x1800  }
.Ltmp0:
0x2b: {  	s1 =	sshra.s32 s0, $0x2;
	(pc) =	sbr.rel @p0 .LBB2_2-.Ltmp0, $4  }
0x2c: {  	[tilespmem:s1+$0x1F540] =	vst v0  }
0x2d: {  	[tilespmem:s1+$0x1F550] =	vst v0  }
0x2e: {  	[tilespmem:s1+$0x1F560] =	vst v0  }
0x2f: {  	s0 =	sadd.s32 $0x100, s0;
	[tilespmem:s1+$0x1F570] =	vst v0  }
0x30: {  	s0 =	simm.s32 $0x40;
	s1 =	simm.s32 $0x0  }
.LBB2_4:
0x31: {  	p0 =	sne.s32 s0, $0x9C00;
	[tilespmem:s1+$0x186A0] =	vst v0;
	s1 =	smov.u32 s0;
	s0 =	sadd.s32 $0x40, s0  }
.Ltmp1:
0x32: {  	(pc) =	sbr.rel @p0 .LBB2_4-.Ltmp1, $2  }
0x33: {  	_ =	sdelay $0x2  }
0x34: {  	s1 =	sshra.s32 s1, $0x2  }
0x35: {  	[tilespmem:s1+$0x186A0] =	vst v0;
	s0 =	rddreg [dreg:$0x4]  }
0x36: {  	[tilespmem:s10], [sflag:$0x5] =	stream.linear.gather [hbm4b:s0+s26], $0x2710, $0x38;
	[tilespmem:$0x1FB80] =	vst v63  }
0x37: {  	_ =	swait.ge [sflag:s11], $0x2710  }
0x38: {  	[sflag:s11] =	ssyncset.done $0x0  }
0x39: {  	s1 =	rddreg [dreg:$0x5];
	[sflag:s11] =	ssyncadd.s32 $0xFFFFD8F0  }
0x3a: {  	[tilespmem:s12], [sflag:$0x5] =	stream.linear.gather [hbm4b:s1+s26], $0x2710, $0x38;
	[tilespmem:$0x1FB80] =	vst v63  }
0x3b: {  	_ =	swait.ge [sflag:s11], $0x2710  }
0x3c: {  	[sflag:s11] =	ssyncset.done $0x0  }
0x3d: {  	[sflag:s11] =	ssyncadd.s32 $0xFFFFD8F0  }
0x3e: {  	[spmem:s4] =	stream.linear.scatter [tilespmem:s13], [sflag:$0x5], $0x640, $0x38;
	[tilespmem:$0x1FB80] =	vst v63  }
0x3f: {  	_ =	swait.ge [sflag:s11], $0x640  }
0x40: {  	[sflag:s11] =	ssyncset.done $0x0  }
0x41: {  	s5 =	rddreg [dreg:$0x6];
	[sflag:s11] =	ssyncadd.s32 $0xFFFFF9C0  }
0x42: {  	[spmem:s5] =	stream.linear.scatter [tilespmem:s13], [sflag:$0x5], $0x640, $0x38;
	[tilespmem:$0x1FB80] =	vst v63  }
0x43: {  	_ =	swait.ge [sflag:s11], $0x640  }
0x44: {  	[sflag:s11] =	ssyncset.done $0x0  }
0x45: {  	s6 =	rddreg [dreg:$0x7];
	[sflag:s11] =	ssyncadd.s32 $0xFFFFF9C0  }
0x46: {  	[spmem:s6] =	stream.linear.scatter [tilespmem:s13], [sflag:$0x5], $0x640, $0x38;
	[tilespmem:$0x1FB80] =	vst v63  }
0x47: {  	_ =	swait.ge [sflag:s11], $0x640  }
0x48: {  	[sflag:s11] =	ssyncset.done $0x0  }
0x49: {  	s7 =	rddreg [dreg:$0x8];
	[sflag:s11] =	ssyncadd.s32 $0xFFFFF9C0  }
0x4a: {  	[spmem:s7] =	stream.linear.scatter [tilespmem:s13], [sflag:$0x5], $0x640, $0x38;
	[tilespmem:$0x1FB80] =	vst v63  }
0x4b: {  	_ =	swait.ge [sflag:s11], $0x640  }
0x4c: {  	[sflag:s11] =	ssyncset.done $0x0  }
0x4d: {  	s8 =	rddreg [dreg:$0x9];
	[sflag:s11] =	ssyncadd.s32 $0xFFFFF9C0  }
0x4e: {  	[spmem:s8] =	stream.linear.scatter [tilespmem:s13], [sflag:$0x5], $0x640, $0x38;
	[tilespmem:$0x1FB80] =	vst v63  }
0x4f: {  	_ =	swait.ge [sflag:s11], $0x640  }
0x50: {  	[sflag:s11] =	ssyncset.done $0x0  }
0x51: {  	s30 =	rddreg [dreg:$0xa];
	[sflag:s11] =	ssyncadd.s32 $0xFFFFF9C0  }
0x52: {  	[spmem:s30] =	stream.linear.scatter [tilespmem:s13], [sflag:$0x5], $0x640, $0x38;
	[tilespmem:$0x1FB80] =	vst v63  }
0x53: {  	_ =	swait.ge [sflag:s11], $0x640  }
0x54: {  	[sflag:s11] =	ssyncset.done $0x0  }
0x55: {  	s31 =	rddreg [dreg:$0xb];
	[sflag:s11] =	ssyncadd.s32 $0xFFFFF9C0  }
0x56: {  	[spmem:s31] =	stream.linear.scatter [tilespmem:s13], [sflag:$0x5], $0x640, $0x38;
	[tilespmem:$0x1FB80] =	vst v63  }
0x57: {  	_ =	swait.ge [sflag:s11], $0x640  }
0x58: {  	[sflag:s11] =	ssyncset.done $0x0  }
0x59: {  	s1 =	rddreg [dreg:$0xc];
	[sflag:s11] =	ssyncadd.s32 $0xFFFFF9C0  }
0x5a: {  	[spmem:s1] =	stream.linear.scatter [tilespmem:s13], [sflag:$0x5], $0x640, $0x38;
	[tilespmem:$0x1FB80] =	vst v63  }
0x5b: {  	_ =	swait.ge [sflag:s11], $0x640  }
0x5c: {  	[sflag:s11] =	ssyncset.done $0x0  }
0x5d: {  	s5 =	rddreg [dreg:$0xd];
	[sflag:s11] =	ssyncadd.s32 $0xFFFFF9C0  }
0x5e: {  	[spmem:s5] =	stream.linear.scatter [tilespmem:s13], [sflag:$0x5], $0x640, $0x38;
	[tilespmem:$0x1FB80] =	vst v63  }
0x5f: {  	_ =	swait.ge [sflag:s11], $0x640  }
0x60: {  	[sflag:s11] =	ssyncset.done $0x0  }
0x61: {  	s6 =	rddreg [dreg:$0xe];
	[sflag:s11] =	ssyncadd.s32 $0xFFFFF9C0  }
0x62: {  	[spmem:s6] =	stream.linear.scatter [tilespmem:s13], [sflag:$0x5], $0x640, $0x38;
	[tilespmem:$0x1FB80] =	vst v63  }
0x63: {  	_ =	swait.ge [sflag:s11], $0x640  }
0x64: {  	[sflag:s11] =	ssyncset.done $0x0  }
0x65: {  	s7 =	rddreg [dreg:$0xf];
	[sflag:s11] =	ssyncadd.s32 $0xFFFFF9C0  }
0x66: {  	[spmem:s7] =	stream.linear.scatter [tilespmem:s13], [sflag:$0x5], $0x640, $0x38;
	[tilespmem:$0x1FB80] =	vst v63  }
0x67: {  	_ =	swait.ge [sflag:s11], $0x640  }
0x68: {  	[sflag:s11] =	ssyncset.done $0x0  }
0x69: {  	s8 =	rddreg [dreg:$0x10];
	[sflag:s11] =	ssyncadd.s32 $0xFFFFF9C0  }
0x6a: {  	[spmem:s8] =	stream.linear.scatter [tilespmem:s13], [sflag:$0x5], $0x640, $0x38;
	[tilespmem:$0x1FB80] =	vst v63  }
0x6b: {  	_ =	swait.ge [sflag:s11], $0x640  }
0x6c: {  	[sflag:s11] =	ssyncset.done $0x0  }
0x6d: {  	s30 =	rddreg [dreg:$0x11];
	[sflag:s11] =	ssyncadd.s32 $0xFFFFF9C0  }
0x6e: {  	[spmem:s30] =	stream.linear.scatter [tilespmem:s13], [sflag:$0x5], $0x640, $0x38;
	[tilespmem:$0x1FB80] =	vst v63  }
0x6f: {  	_ =	swait.ge [sflag:s11], $0x640  }
0x70: {  	[sflag:s11] =	ssyncset.done $0x0  }
0x71: {  	s31 =	rddreg [dreg:$0x12];
	[sflag:s11] =	ssyncadd.s32 $0xFFFFF9C0  }
0x72: {  	[spmem:s31] =	stream.linear.scatter [tilespmem:s13], [sflag:$0x5], $0x640, $0x38;
	[tilespmem:$0x1FB80] =	vst v63  }
0x73: {  	_ =	swait.ge [sflag:s11], $0x640  }
0x74: {  	[sflag:s11] =	ssyncset.done $0x0  }
0x75: {  	s1 =	rddreg [dreg:$0x13];
	[sflag:s11] =	ssyncadd.s32 $0xFFFFF9C0  }
0x76: {  	[spmem:s1] =	stream.linear.scatter [tilespmem:s13], [sflag:$0x5], $0x640, $0x38;
	[tilespmem:$0x1FB80] =	vst v63  }
0x77: {  	_ =	swait.ge [sflag:s11], $0x640  }
0x78: {  	[sflag:s11] =	ssyncset.done $0x0  }
0x79: {  	s5 =	rddreg [dreg:$0x14];
	[sflag:s11] =	ssyncadd.s32 $0xFFFFF9C0  }
0x7a: {  	[spmem:s5] =	stream.linear.scatter [tilespmem:s13], [sflag:$0x5], $0x640, $0x38;
	[tilespmem:$0x1FB80] =	vst v63  }
0x7b: {  	_ =	swait.ge [sflag:s11], $0x640  }
0x7c: {  	[sflag:s11] =	ssyncset.done $0x0  }
0x7d: {  	s6 =	rddreg [dreg:$0x15];
	[sflag:s11] =	ssyncadd.s32 $0xFFFFF9C0  }
0x7e: {  	[spmem:s6] =	stream.linear.scatter [tilespmem:s13], [sflag:$0x5], $0x640, $0x38;
	[tilespmem:$0x1FB80] =	vst v63  }
0x7f: {  	_ =	swait.ge [sflag:s11], $0x640  }
0x80: {  	[sflag:s11] =	ssyncset.done $0x0  }
0x81: {  	s7 =	rddreg [dreg:$0x16];
	[sflag:s11] =	ssyncadd.s32 $0xFFFFF9C0  }
0x82: {  	[spmem:s7] =	stream.linear.scatter [tilespmem:s13], [sflag:$0x5], $0x640, $0x38;
	[tilespmem:$0x1FB80] =	vst v63  }
0x83: {  	_ =	swait.ge [sflag:s11], $0x640  }
0x84: {  	[sflag:s11] =	ssyncset.done $0x0  }
0x85: {  	s8 =	rddreg [dreg:$0x17];
	[sflag:s11] =	ssyncadd.s32 $0xFFFFF9C0  }
0x86: {  	[spmem:s8] =	stream.linear.scatter [tilespmem:s13], [sflag:$0x5], $0x640, $0x38;
	[tilespmem:$0x1FB80] =	vst v63  }
0x87: {  	_ =	swait.ge [sflag:s11], $0x640  }
0x88: {  	[sflag:s11] =	ssyncset.done $0x0  }
0x89: {  	s30 =	rddreg [dreg:$0x18];
	[sflag:s11] =	ssyncadd.s32 $0xFFFFF9C0  }
0x8a: {  	[spmem:s30] =	stream.linear.scatter [tilespmem:s13], [sflag:$0x5], $0x640, $0x38;
	[tilespmem:$0x1FB80] =	vst v63  }
0x8b: {  	_ =	swait.ge [sflag:s11], $0x640  }
0x8c: {  	[sflag:s11] =	ssyncset.done $0x0  }
0x8d: {  	s31 =	rddreg [dreg:$0x19];
	[sflag:s11] =	ssyncadd.s32 $0xFFFFF9C0  }
0x8e: {  	[spmem:s31] =	stream.linear.scatter [tilespmem:s13], [sflag:$0x5], $0x640, $0x38;
	[tilespmem:$0x1FB80] =	vst v63  }
0x8f: {  	_ =	swait.ge [sflag:s11], $0x640  }
0x90: {  	[sflag:s11] =	ssyncset.done $0x0  }
0x91: {  	s1 =	rddreg [dreg:$0x1a];
	[sflag:s11] =	ssyncadd.s32 $0xFFFFF9C0  }
0x92: {  	[spmem:s1] =	stream.linear.scatter [tilespmem:s13], [sflag:$0x5], $0x640, $0x38;
	[tilespmem:$0x1FB80] =	vst v63  }
0x93: {  	_ =	swait.ge [sflag:s11], $0x640  }
0x94: {  	[sflag:s11] =	ssyncset.done $0x0  }
0x95: {  	s5 =	rddreg [dreg:$0x1b];
	[sflag:s11] =	ssyncadd.s32 $0xFFFFF9C0  }
0x96: {  	[spmem:s5] =	stream.linear.scatter [tilespmem:s13], [sflag:$0x5], $0x640, $0x38;
	[tilespmem:$0x1FB80] =	vst v63  }
0x97: {  	_ =	swait.ge [sflag:s11], $0x640  }
0x98: {  	[sflag:s11] =	ssyncset.done $0x0  }
0x99: {  	s6 =	rddreg [dreg:$0x1c];
	[sflag:s11] =	ssyncadd.s32 $0xFFFFF9C0  }
0x9a: {  	[spmem:s6] =	stream.linear.scatter [tilespmem:s13], [sflag:$0x5], $0x640, $0x38;
	[tilespmem:$0x1FB80] =	vst v63  }
0x9b: {  	_ =	swait.ge [sflag:s11], $0x640  }
0x9c: {  	[sflag:s11] =	ssyncset.done $0x0  }
0x9d: {  	s7 =	rddreg [dreg:$0x1d];
	[sflag:s11] =	ssyncadd.s32 $0xFFFFF9C0  }
0x9e: {  	[spmem:s7] =	stream.linear.scatter [tilespmem:s13], [sflag:$0x5], $0x640, $0x38;
	[tilespmem:$0x1FB80] =	vst v63  }
0x9f: {  	_ =	swait.ge [sflag:s11], $0x640  }
0xa0: {  	s8 =	stileid.u32;
	s31 =	sld [smem:$0x7FD]  }
0xa1: {  	s0 =	sshll.u32 s8, $0x6;
	[sflag:s11] =	ssyncset.done $0x0  }
0xa2: {  	s28 =	sor.u32 $0x1C05, s0;
	s30 =	rddreg [dreg:$0x1e];
	[sflag:s11] =	ssyncadd.s32 $0xFFFFF9C0  }
0xa3: {  	[spmem:s31], [sflag:s28] =	dma.local [hbm:s30], $0x1388  }
0xa4: {  	_ =	swait.ge [sflag:s11], $0x1388  }
0xa5: {  	[sflag:s11] =	ssyncset.done $0x0  }
0xa6: {  	[sflag:s11] =	ssyncadd.s32 $0xFFFFEC78  }
0xa7: {  	s29 =	simm.s32 $0x0;
	[bflag:$0x0] =	sbarrier.arrive $0xFFFF  }
.LBB2_6:
0xa8: {  	s0 =	smul.u32 $0xFA0, s29;
	_ =	sdelay $0x1  }
0xa9: {  	s0 =	sadd.s32 s9, s0  }
0xaa: {  	s0 =	sshrl.u32 s0, $0x3  }
0xab: {  	s0 =	sadd.s32 s19, s0  }
0xac: {  	[tilespmem:s14], [sflag:$0x5] =	stream.linear.gather [hbm4b:s0+s26], $0xFA0, $0x38;
	[tilespmem:$0x1FB80] =	vst v63  }
0xad: {  	_ =	swait.ge [sflag:s11], $0xFA0  }
0xae: {  	[sflag:s11] =	ssyncset.done $0x0  }
0xaf: {  	s0 =	sadd.s32 $0x9C40, s0;
	[sflag:s11] =	ssyncadd.s32 $0xFFFFF060  }
0xb0: {  	[tilespmem:s15], [sflag:$0x5] =	stream.linear.gather [hbm4b:s0+s26], $0xFA0, $0x38;
	[tilespmem:$0x1FB80] =	vst v63  }
0xb1: {  	_ =	swait.ge [sflag:s11], $0xFA0  }
0xb2: {  	[sflag:s11] =	ssyncset.done $0x0  }
0xb3: {  	s30 =	simm.s32 $0x0;
	[sflag:s11] =	ssyncadd.s32 $0xFFFFF060  }
0xb4: {  	[tilespmem:s17], [sflag:$0x1] =	stream.indirect.gather [spmem:s3], $0x40, s14, s16, $0xb8;
	[tilespmem:$0x1FB80] =	vst v63  }
.LBB2_7:
0xb5: {  	s31 =	smul.u32 $0xA0, s30;
	_ =	sdelay $0x1  }
0xb6: {  	v1 =	vld [tilespmem:s31+$0x1ADB0]  }
0xb7: {  	v2 =	vld [tilespmem:s31+$0x1BD50];
	_ =	sdelay $0x6  }
0xb8: {  	v1 =	vld.idx.msk [tilespmem:v1+s10+$0x0], $0xffff  }
0xb9: {  	v3 =	vld.idx.msk [tilespmem:v2+s12+$0x0], $0xffff;
	_ =	sdelay $0x4  }
0xba: {  	v1 =	vadd.f32 v3, v1;
	_ =	sdelay $0x1  }
0xbb: {  	v3 =	vmul.f32 $2.000000030e-01, v1  }
0xbc: {  	vm0 =	vge.f32 v1, $0.0e+00  }
0xbd: {  	v1 =	vsel vm0, v1, v3  }
0xbe: {  	v1 =	vmul.f32 $1.442695020e+00, v1;
	_ =	sdelay $0x1  }
0xbf: {  	(erf) = vpow2.f32 v1;
	_ =	sdelay $0x8  }
0xc0: {  	v1 =	vpop (erf)  }
0xc1: {  	[tilespmem:$0x1F4F0] =	vst v1  }
0xc2: {  	[tilespmem:v2+s18+$0x0] =	vst.idx.add.f32.msk $0xffff, v1  }
0xc3: {  	v1 =	vld [tilespmem:s31+$0x1ADC0]  }
0xc4: {  	v2 =	vld [tilespmem:s31+$0x1BD60];
	_ =	sdelay $0x6  }
0xc5: {  	v1 =	vld.idx.msk [tilespmem:v1+s10+$0x0], $0xffff  }
0xc6: {  	v3 =	vld.idx.msk [tilespmem:v2+s12+$0x0], $0xffff;
	_ =	sdelay $0x4  }
0xc7: {  	v1 =	vadd.f32 v3, v1;
	_ =	sdelay $0x1  }
0xc8: {  	v3 =	vmul.f32 $2.000000030e-01, v1  }
0xc9: {  	vm12 =	vge.f32 v1, $0.0e+00  }
0xca: {  	v1 =	vsel vm12, v1, v3  }
0xcb: {  	v1 =	vmul.f32 $1.442695020e+00, v1;
	_ =	sdelay $0x1  }
0xcc: {  	(erf) = vpow2.f32 v1;
	_ =	sdelay $0x8  }
0xcd: {  	v1 =	vpop (erf)  }
0xce: {  	[tilespmem:$0x1F500] =	vst v1  }
0xcf: {  	[tilespmem:v2+s18+$0x0] =	vst.idx.add.f32.msk $0xffff, v1  }
0xd0: {  	v1 =	vld [tilespmem:s31+$0x1ADD0]  }
0xd1: {  	v2 =	vld [tilespmem:s31+$0x1BD70];
	_ =	sdelay $0x6  }
0xd2: {  	v1 =	vld.idx.msk [tilespmem:v1+s10+$0x0], $0xffff  }
0xd3: {  	v3 =	vld.idx.msk [tilespmem:v2+s12+$0x0], $0xffff;
	_ =	sdelay $0x4  }
0xd4: {  	v1 =	vadd.f32 v3, v1;
	_ =	sdelay $0x1  }
0xd5: {  	v3 =	vmul.f32 $2.000000030e-01, v1  }
0xd6: {  	vm13 =	vge.f32 v1, $0.0e+00  }
0xd7: {  	v1 =	vsel vm13, v1, v3  }
0xd8: {  	v1 =	vmul.f32 $1.442695020e+00, v1;
	_ =	sdelay $0x1  }
0xd9: {  	(erf) = vpow2.f32 v1;
	_ =	sdelay $0x8  }
0xda: {  	v1 =	vpop (erf)  }
0xdb: {  	[tilespmem:$0x1F510] =	vst v1  }
0xdc: {  	[tilespmem:v2+s18+$0x0] =	vst.idx.add.f32.msk $0xffff, v1  }
0xdd: {  	v1 =	vld [tilespmem:s31+$0x1ADE0]  }
0xde: {  	v2 =	vld [tilespmem:s31+$0x1BD80];
	_ =	sdelay $0x6  }
0xdf: {  	v1 =	vld.idx.msk [tilespmem:v1+s10+$0x0], $0xffff  }
0xe0: {  	v3 =	vld.idx.msk [tilespmem:v2+s12+$0x0], $0xffff;
	_ =	sdelay $0x4  }
0xe1: {  	v1 =	vadd.f32 v3, v1;
	_ =	sdelay $0x1  }
0xe2: {  	v3 =	vmul.f32 $2.000000030e-01, v1  }
0xe3: {  	vm14 =	vge.f32 v1, $0.0e+00  }
0xe4: {  	v1 =	vsel vm14, v1, v3  }
0xe5: {  	v1 =	vmul.f32 $1.442695020e+00, v1;
	_ =	sdelay $0x1  }
0xe6: {  	(erf) = vpow2.f32 v1;
	_ =	sdelay $0x8  }
0xe7: {  	v1 =	vpop (erf)  }
0xe8: {  	[tilespmem:$0x1F520] =	vst v1  }
0xe9: {  	[tilespmem:v2+s18+$0x0] =	vst.idx.add.f32.msk $0xffff, v1  }
0xea: {  	v1 =	vld [tilespmem:s31+$0x1ADF0]  }
0xeb: {  	v2 =	vld [tilespmem:s31+$0x1BD90];
	_ =	sdelay $0x6  }
0xec: {  	v1 =	vld.idx.msk [tilespmem:v1+s10+$0x0], $0xffff  }
0xed: {  	v3 =	vld.idx.msk [tilespmem:v2+s12+$0x0], $0xffff;
	_ =	sdelay $0x4  }
0xee: {  	v1 =	vadd.f32 v3, v1;
	_ =	sdelay $0x1  }
0xef: {  	v3 =	vmul.f32 $2.000000030e-01, v1  }
0xf0: {  	vm15 =	vge.f32 v1, $0.0e+00  }
0xf1: {  	v1 =	vsel vm15, v1, v3  }
0xf2: {  	v1 =	vmul.f32 $1.442695020e+00, v1;
	_ =	sdelay $0x1  }
0xf3: {  	(erf) = vpow2.f32 v1;
	_ =	sdelay $0x8  }
0xf4: {  	v1 =	vpop (erf)  }
0xf5: {  	[tilespmem:$0x1F530] =	vst v1  }
0xf6: {  	[tilespmem:v2+s18+$0x0] =	vst.idx.add.f32.msk $0xffff, v1  }
0xf7: {  	_ =	swait.ge [sflag:s20], $0x1400  }
0xf8: {  	p0 =	seq.s32 s30, $0x0;
	[sflag:s20] =	ssyncset.done $0x0  }
0xf9: {  	s0 =	simm.s32 @!p0 $0x4;
	[sflag:s20] =	ssyncadd.s32 $0xFFFFEC00  }
0xfa: {  	s5 =	simm.s32 $0x0;
	_ =	swait.ge @!p0 [sflag:s0], $0x1400  }
0xfb: {  	s8 =	sadd.s32 $0x1AE00, s31;
	s1 =	sadd.s32 $0x50, s31;
	[sflag:s0] =	ssyncset.done @!p0 $0x0  }
0xfc: {  	[sflag:s0] =	ssyncadd.s32 @!p0 $0xFFFFEC00;
	s0 =	sadd.s32 $0x1BD50, s31;
	p0 =	por $0x1, $0x1  }
0xfd: {  	[tilespmem:s21], [sflag:$0x2] =	stream.indirect.gather [spmem:s3], $0x40, s8, s16, $0xb8;
	[tilespmem:$0x1FB80] =	vst v63  }
.LBB2_8:
0xfe: {  	s6 =	sshll.u32 s5, $0x4  }
0xff: {  	s7 =	sshll.u32 s5, $0xA;
	s8 =	sand.u32 $0x3FFFFFF0, s6  }
0x100: {  	s5 =	sand.u32 $0x3FFFFC00, s7;
	v2 =	vld [tilespmem:s8+$0x1F4F0]  }
0x101: {  	v1 =	vld [tilespmem:s5+$0x1CCF0]  }
0x102: {  	v3 =	vld [tilespmem:s5+$0x1CD00]  }
0x103: {  	v4 =	vld [tilespmem:s5+$0x1CD10]  }
0x104: {  	v5 =	vld [tilespmem:s5+$0x1CD20]  }
0x105: {  	v7 =	vld [tilespmem:s5+$0x1CD30];
	v6 =	vbroadcast v2, $0x0  }
0x106: {  	v8 =	vld [tilespmem:s5+$0x1CD40]  }
0x107: {  	v9 =	vld [tilespmem:s5+$0x1CD50];
	v1 =	vmul.f32 v6, v1  }
0x108: {  	v10 =	vld [tilespmem:s5+$0x1CD60];
	v3 =	vmul.f32 v3, v6  }
0x109: {  	v11 =	vld [tilespmem:s5+$0x1CD70];
	v18 =	vbroadcast v2, $0x1;
	[tilespmem:s5+$0x1CCF0] =	vst v1;
	v1 =	vmul.f32 v4, v6  }
0x10a: {  	v19 =	vld [tilespmem:s5+$0x1CD80];
	[tilespmem:s5+$0x1CD00] =	vst v3;
	v3 =	vmul.f32 v5, v6  }
0x10b: {  	v20 =	vld [tilespmem:s5+$0x1CD90];
	[tilespmem:s5+$0x1CD10] =	vst v1;
	v1 =	vmul.f32 v7, v18  }
0x10c: {  	v21 =	vld [tilespmem:s5+$0x1CDA0];
	[tilespmem:s5+$0x1CD20] =	vst v3;
	v3 =	vmul.f32 v8, v18  }
0x10d: {  	v23 =	vld [tilespmem:s5+$0x1CDB0];
	v22 =	vbroadcast v2, $0x2;
	[tilespmem:s5+$0x1CD30] =	vst v1;
	v1 =	vmul.f32 v9, v18  }
0x10e: {  	v24 =	vld [tilespmem:s5+$0x1CDC0];
	[tilespmem:s5+$0x1CD40] =	vst v3;
	v3 =	vmul.f32 v10, v18  }
0x10f: {  	v25 =	vld [tilespmem:s5+$0x1CDD0];
	[tilespmem:s5+$0x1CD50] =	vst v1;
	v1 =	vmul.f32 v11, v22  }
0x110: {  	v26 =	vld [tilespmem:s5+$0x1CDE0];
	[tilespmem:s5+$0x1CD60] =	vst v3;
	v3 =	vmul.f32 v19, v22  }
0x111: {  	v28 =	vld [tilespmem:s5+$0x1CDF0];
	v27 =	vbroadcast v2, $0x3;
	[tilespmem:s5+$0x1CD70] =	vst v1;
	v1 =	vmul.f32 v20, v22  }
0x112: {  	v29 =	vld [tilespmem:s5+$0x1CE00];
	[tilespmem:s5+$0x1CD80] =	vst v3;
	v3 =	vmul.f32 v21, v22  }
0x113: {  	v30 =	vld [tilespmem:s5+$0x1CE10];
	[tilespmem:s5+$0x1CD90] =	vst v1;
	v1 =	vmul.f32 v23, v27  }
0x114: {  	v31 =	vld [tilespmem:s5+$0x1CE20];
	[tilespmem:s5+$0x1CDA0] =	vst v3;
	v3 =	vmul.f32 v24, v27  }
0x115: {  	v33 =	vld [tilespmem:s5+$0x1CE30];
	v32 =	vbroadcast v2, $0x4;
	[tilespmem:s5+$0x1CDB0] =	vst v1;
	v1 =	vmul.f32 v25, v27  }
0x116: {  	v34 =	vld [tilespmem:s5+$0x1CE40];
	[tilespmem:s5+$0x1CDC0] =	vst v3;
	v3 =	vmul.f32 v26, v27  }
0x117: {  	v35 =	vld [tilespmem:s5+$0x1CE50];
	[tilespmem:s5+$0x1CDD0] =	vst v1;
	v1 =	vmul.f32 v28, v32  }
0x118: {  	v36 =	vld [tilespmem:s5+$0x1CE60];
	[tilespmem:s5+$0x1CDE0] =	vst v3;
	v3 =	vmul.f32 v29, v32  }
0x119: {  	v38 =	vld [tilespmem:s5+$0x1CE70];
	v37 =	vbroadcast v2, $0x5;
	[tilespmem:s5+$0x1CDF0] =	vst v1;
	v1 =	vmul.f32 v30, v32  }
0x11a: {  	v39 =	vld [tilespmem:s5+$0x1CE80];
	[tilespmem:s5+$0x1CE00] =	vst v3;
	v3 =	vmul.f32 v31, v32  }
0x11b: {  	v40 =	vld [tilespmem:s5+$0x1CE90];
	[tilespmem:s5+$0x1CE10] =	vst v1;
	v1 =	vmul.f32 v33, v37  }
0x11c: {  	v41 =	vld [tilespmem:s5+$0x1CEA0];
	[tilespmem:s5+$0x1CE20] =	vst v3;
	v3 =	vmul.f32 v34, v37  }
0x11d: {  	v43 =	vld [tilespmem:s5+$0x1CEB0];
	v42 =	vbroadcast v2, $0x6;
	[tilespmem:s5+$0x1CE30] =	vst v1;
	v1 =	vmul.f32 v35, v37  }
0x11e: {  	v44 =	vld [tilespmem:s5+$0x1CEC0];
	[tilespmem:s5+$0x1CE40] =	vst v3;
	v3 =	vmul.f32 v36, v37  }
0x11f: {  	v45 =	vld [tilespmem:s5+$0x1CED0];
	[tilespmem:s5+$0x1CE50] =	vst v1;
	v1 =	vmul.f32 v38, v42  }
0x120: {  	v46 =	vld [tilespmem:s5+$0x1CEE0];
	[tilespmem:s5+$0x1CE60] =	vst v3;
	v3 =	vmul.f32 v39, v42  }
0x121: {  	v48 =	vld [tilespmem:s5+$0x1CEF0];
	v47 =	vbroadcast v2, $0x7;
	[tilespmem:s5+$0x1CE70] =	vst v1;
	v1 =	vmul.f32 v40, v42  }
0x122: {  	v49 =	vld [tilespmem:s5+$0x1CF00];
	[tilespmem:s5+$0x1CE80] =	vst v3;
	v3 =	vmul.f32 v41, v42  }
0x123: {  	v50 =	vld [tilespmem:s5+$0x1CF10];
	[tilespmem:s5+$0x1CE90] =	vst v1;
	v1 =	vmul.f32 v43, v47  }
0x124: {  	v51 =	vld [tilespmem:s5+$0x1CF20];
	[tilespmem:s5+$0x1CEA0] =	vst v3;
	v3 =	vmul.f32 v44, v47  }
0x125: {  	v53 =	vld [tilespmem:s5+$0x1CF30];
	v52 =	vbroadcast v2, $0x8;
	[tilespmem:s5+$0x1CEB0] =	vst v1;
	v1 =	vmul.f32 v45, v47  }
0x126: {  	v54 =	vld [tilespmem:s5+$0x1CF40];
	[tilespmem:s5+$0x1CEC0] =	vst v3;
	v3 =	vmul.f32 v46, v47  }
0x127: {  	v55 =	vld [tilespmem:s5+$0x1CF50];
	[tilespmem:s5+$0x1CED0] =	vst v1;
	v1 =	vmul.f32 v48, v52  }
0x128: {  	v56 =	vld [tilespmem:s5+$0x1CF60];
	[tilespmem:s5+$0x1CEE0] =	vst v3;
	v3 =	vmul.f32 v49, v52  }
0x129: {  	v58 =	vld [tilespmem:s5+$0x1CF70];
	v57 =	vbroadcast v2, $0x9;
	[tilespmem:s5+$0x1CEF0] =	vst v1;
	v1 =	vmul.f32 v50, v52  }
0x12a: {  	v59 =	vld [tilespmem:s5+$0x1CF80];
	[tilespmem:s5+$0x1CF00] =	vst v3;
	v3 =	vmul.f32 v51, v52  }
0x12b: {  	v60 =	vld [tilespmem:s5+$0x1CF90];
	[tilespmem:s5+$0x1CF10] =	vst v1;
	v1 =	vmul.f32 v53, v57  }
0x12c: {  	v61 =	vld [tilespmem:s5+$0x1CFA0];
	[tilespmem:s5+$0x1CF20] =	vst v3;
	v3 =	vmul.f32 v54, v57  }
0x12d: {  	v63 =	vld [tilespmem:s5+$0x1CFB0];
	v62 =	vbroadcast v2, $0xA;
	[tilespmem:s5+$0x1CF30] =	vst v1;
	v1 =	vmul.f32 v55, v57  }
0x12e: {  	v12 =	vld [tilespmem:s5+$0x1CFC0];
	[tilespmem:s5+$0x1CF40] =	vst v3;
	v3 =	vmul.f32 v56, v57  }
0x12f: {  	v13 =	vld [tilespmem:s5+$0x1CFD0];
	[tilespmem:s5+$0x1CF50] =	vst v1;
	v1 =	vmul.f32 v58, v62  }
0x130: {  	v14 =	vld [tilespmem:s5+$0x1CFE0];
	[tilespmem:s5+$0x1CF60] =	vst v3;
	v3 =	vmul.f32 v59, v62  }
0x131: {  	v16 =	vld [tilespmem:s5+$0x1CFF0];
	v15 =	vbroadcast v2, $0xB;
	[tilespmem:s5+$0x1CF70] =	vst v1;
	v1 =	vmul.f32 v60, v62  }
0x132: {  	v17 =	vld [tilespmem:s5+$0x1D000];
	[tilespmem:s5+$0x1CF80] =	vst v3;
	v3 =	vmul.f32 v61, v62  }
0x133: {  	v18 =	vld [tilespmem:s5+$0x1D010];
	[tilespmem:s5+$0x1CF90] =	vst v1;
	v1 =	vmul.f32 v63, v15  }
0x134: {  	v19 =	vld [tilespmem:s5+$0x1D020];
	[tilespmem:s5+$0x1CFA0] =	vst v3;
	v3 =	vmul.f32 v12, v15  }
0x135: {  	v20 =	vbroadcast v2, $0xC;
	v21 =	vld [tilespmem:s5+$0x1D030];
	[tilespmem:s5+$0x1CFB0] =	vst v1;
	v1 =	vmul.f32 v13, v15  }
0x136: {  	v22 =	vld [tilespmem:s5+$0x1D040];
	[tilespmem:s5+$0x1CFC0] =	vst v3;
	v3 =	vmul.f32 v14, v15  }
0x137: {  	v23 =	vld [tilespmem:s5+$0x1D050];
	[tilespmem:s5+$0x1CFD0] =	vst v1;
	v1 =	vmul.f32 v16, v20  }
0x138: {  	v24 =	vld [tilespmem:s5+$0x1D060];
	[tilespmem:s5+$0x1CFE0] =	vst v3;
	v3 =	vmul.f32 v17, v20  }
0x139: {  	s8 =	sor.u32 $0x400, s7;
	v9 =	vmul.f32 v18, v20;
	v25 =	vbroadcast v2, $0xD;
	[tilespmem:s5+$0x1CFF0] =	vst v1;
	v1 =	vld [tilespmem:s6+$0x1F500]  }
0x13a: {  	v26 =	vld [tilespmem:s5+$0x1D070];
	[tilespmem:s5+$0x1D000] =	vst v3;
	v3 =	vmul.f32 v19, v20;
	s6 =	sand.u32 $0x3FFFFC00, s8  }
0x13b: {  	[tilespmem:s5+$0x1D010] =	vst v9;
	v27 =	vmul.f32 v21, v25;
	v28 =	vld [tilespmem:s6+$0x1CCF0]  }
0x13c: {  	v29 =	vld [tilespmem:s6+$0x1CD00];
	[tilespmem:s5+$0x1D020] =	vst v3;
	v3 =	vmul.f32 v22, v25  }
0x13d: {  	[tilespmem:s5+$0x1D030] =	vst v27;
	v30 =	vmul.f32 v23, v25;
	v31 =	vbroadcast v2, $0xE;
	v32 =	vld [tilespmem:s6+$0x1CD10]  }
0x13e: {  	v34 =	vld [tilespmem:s6+$0x1CD20];
	[tilespmem:s5+$0x1D040] =	vst v3;
	v3 =	vmul.f32 v24, v25;
	v33 =	vbroadcast v1, $0x0  }
0x13f: {  	[tilespmem:s5+$0x1D050] =	vst v30;
	v5 =	vmul.f32 v26, v31;
	v35 =	vld [tilespmem:s5+$0x1D080]  }
0x140: {  	[tilespmem:s5+$0x1D060] =	vst v3;
	v3 =	vld [tilespmem:s5+$0x1D090];
	v9 =	vmul.f32 v33, v28  }
0x141: {  	[tilespmem:s5+$0x1D070] =	vst v5;
	v36 =	vld [tilespmem:s5+$0x1D0A0];
	v7 =	vmul.f32 v29, v33  }
0x142: {  	v37 =	vld [tilespmem:s5+$0x1D0B0];
	v10 =	vmul.f32 v32, v33;
	[tilespmem:s6+$0x1CCF0] =	vst v9  }
0x143: {  	v38 =	vld [tilespmem:s5+$0x1D0C0];
	v4 =	vmul.f32 v34, v33;
	[tilespmem:s6+$0x1CD00] =	vst v7  }
0x144: {  	v39 =	vld [tilespmem:s5+$0x1D0D0];
	v6 =	vmul.f32 v35, v31;
	[tilespmem:s6+$0x1CD10] =	vst v10  }
0x145: {  	v2 =	vbroadcast v2, $0xF;
	v40 =	vld [tilespmem:s5+$0x1D0E0];
	[tilespmem:s6+$0x1CD20] =	vst v4;
	v3 =	vmul.f32 v3, v31  }
0x146: {  	v5 =	vmul.f32 v36, v31;
	[tilespmem:s5+$0x1D080] =	vst v6;
	v41 =	vld [tilespmem:s5+$0x1D130]  }
0x147: {  	v42 =	vld [tilespmem:s5+$0x1D140];
	[tilespmem:s5+$0x1D090] =	vst v3;
	v3 =	vmul.f32 v37, v2  }
0x148: {  	[tilespmem:s5+$0x1D0A0] =	vst v5;
	v43 =	vmul.f32 v38, v2;
	v44 =	vld [tilespmem:s5+$0x1D150]  }
0x149: {  	v45 =	vbroadcast v1, $0x1;
	v46 =	vld [tilespmem:s5+$0x1D160];
	[tilespmem:s5+$0x1D0B0] =	vst v3;
	v3 =	vmul.f32 v39, v2  }
0x14a: {  	[tilespmem:s5+$0x1D0C0] =	vst v43;
	v47 =	vld [tilespmem:s5+$0x1D170];
	v2 =	vmul.f32 v40, v2  }
0x14b: {  	v48 =	vld [tilespmem:s5+$0x1D180];
	[tilespmem:s5+$0x1D0D0] =	vst v3;
	v3 =	vmul.f32 v41, v45  }
0x14c: {  	v49 =	vld [tilespmem:s5+$0x1D190];
	[tilespmem:s5+$0x1D0E0] =	vst v2;
	v2 =	vmul.f32 v42, v45  }
0x14d: {  	v50 =	vbroadcast v1, $0x2;
	v51 =	vld [tilespmem:s5+$0x1D1A0];
	[tilespmem:s5+$0x1D130] =	vst v3;
	v3 =	vmul.f32 v44, v45  }
0x14e: {  	v52 =	vld [tilespmem:s5+$0x1D1B0];
	[tilespmem:s5+$0x1D140] =	vst v2;
	v2 =	vmul.f32 v46, v45  }
0x14f: {  	v53 =	vld [tilespmem:s5+$0x1D1C0];
	[tilespmem:s5+$0x1D150] =	vst v3;
	v3 =	vmul.f32 v47, v50  }
0x150: {  	v54 =	vld [tilespmem:s5+$0x1D1D0];
	[tilespmem:s5+$0x1D160] =	vst v2;
	v2 =	vmul.f32 v48, v50  }
0x151: {  	v55 =	vbroadcast v1, $0x3;
	v56 =	vld [tilespmem:s5+$0x1D1E0];
	[tilespmem:s5+$0x1D170] =	vst v3;
	v3 =	vmul.f32 v49, v50  }
0x152: {  	v57 =	vld [tilespmem:s5+$0x1D1F0];
	[tilespmem:s5+$0x1D180] =	vst v2;
	v2 =	vmul.f32 v51, v50  }
0x153: {  	v58 =	vld [tilespmem:s5+$0x1D200];
	[tilespmem:s5+$0x1D190] =	vst v3;
	v3 =	vmul.f32 v52, v55  }
0x154: {  	v59 =	vld [tilespmem:s5+$0x1D210];
	[tilespmem:s5+$0x1D1A0] =	vst v2;
	v2 =	vmul.f32 v53, v55  }
0x155: {  	v60 =	vbroadcast v1, $0x4;
	v61 =	vld [tilespmem:s5+$0x1D220];
	[tilespmem:s5+$0x1D1B0] =	vst v3;
	v3 =	vmul.f32 v54, v55  }
0x156: {  	v62 =	vld [tilespmem:s5+$0x1D230];
	[tilespmem:s5+$0x1D1C0] =	vst v2;
	v2 =	vmul.f32 v56, v55  }
0x157: {  	v63 =	vld [tilespmem:s5+$0x1D240];
	[tilespmem:s5+$0x1D1D0] =	vst v3;
	v3 =	vmul.f32 v57, v60  }
0x158: {  	v12 =	vld [tilespmem:s5+$0x1D250];
	[tilespmem:s5+$0x1D1E0] =	vst v2;
	v2 =	vmul.f32 v58, v60  }
0x159: {  	v13 =	vbroadcast v1, $0x5;
	v14 =	vld [tilespmem:s5+$0x1D260];
	[tilespmem:s5+$0x1D1F0] =	vst v3;
	v3 =	vmul.f32 v59, v60  }
0x15a: {  	v15 =	vld [tilespmem:s5+$0x1D270];
	[tilespmem:s5+$0x1D200] =	vst v2;
	v2 =	vmul.f32 v61, v60  }
0x15b: {  	v16 =	vld [tilespmem:s5+$0x1D280];
	[tilespmem:s5+$0x1D210] =	vst v3;
	v3 =	vmul.f32 v62, v13  }
0x15c: {  	v17 =	vld [tilespmem:s5+$0x1D290];
	[tilespmem:s5+$0x1D220] =	vst v2;
	v2 =	vmul.f32 v63, v13  }
0x15d: {  	v18 =	vbroadcast v1, $0x6;
	v19 =	vld [tilespmem:s5+$0x1D2A0];
	[tilespmem:s5+$0x1D230] =	vst v3;
	v3 =	vmul.f32 v12, v13  }
0x15e: {  	v20 =	vld [tilespmem:s5+$0x1D2B0];
	[tilespmem:s5+$0x1D240] =	vst v2;
	v2 =	vmul.f32 v14, v13  }
0x15f: {  	v21 =	vld [tilespmem:s5+$0x1D2C0];
	[tilespmem:s5+$0x1D250] =	vst v3;
	v3 =	vmul.f32 v15, v18  }
0x160: {  	v22 =	vld [tilespmem:s5+$0x1D2D0];
	[tilespmem:s5+$0x1D260] =	vst v2;
	v2 =	vmul.f32 v16, v18  }
0x161: {  	v23 =	vbroadcast v1, $0x7;
	v24 =	vld [tilespmem:s5+$0x1D2E0];
	[tilespmem:s5+$0x1D270] =	vst v3;
	v3 =	vmul.f32 v17, v18  }
0x162: {  	v25 =	vld [tilespmem:s5+$0x1D2F0];
	[tilespmem:s5+$0x1D280] =	vst v2;
	v2 =	vmul.f32 v19, v18  }
0x163: {  	v26 =	vld [tilespmem:s5+$0x1D300];
	[tilespmem:s5+$0x1D290] =	vst v3;
	v3 =	vmul.f32 v20, v23  }
0x164: {  	v27 =	vld [tilespmem:s5+$0x1D310];
	[tilespmem:s5+$0x1D2A0] =	vst v2;
	v2 =	vmul.f32 v21, v23  }
0x165: {  	v28 =	vbroadcast v1, $0x8;
	v29 =	vld [tilespmem:s5+$0x1D320];
	[tilespmem:s5+$0x1D2B0] =	vst v3;
	v3 =	vmul.f32 v22, v23  }
0x166: {  	v30 =	vld [tilespmem:s5+$0x1D330];
	[tilespmem:s5+$0x1D2C0] =	vst v2;
	v2 =	vmul.f32 v24, v23  }
0x167: {  	v31 =	vld [tilespmem:s5+$0x1D340];
	[tilespmem:s5+$0x1D2D0] =	vst v3;
	v3 =	vmul.f32 v25, v28  }
0x168: {  	v32 =	vld [tilespmem:s5+$0x1D350];
	[tilespmem:s5+$0x1D2E0] =	vst v2;
	v2 =	vmul.f32 v26, v28  }
0x169: {  	v33 =	vbroadcast v1, $0x9;
	v34 =	vld [tilespmem:s5+$0x1D360];
	[tilespmem:s5+$0x1D2F0] =	vst v3;
	v3 =	vmul.f32 v27, v28  }
0x16a: {  	v35 =	vld [tilespmem:s5+$0x1D370];
	[tilespmem:s5+$0x1D300] =	vst v2;
	v2 =	vmul.f32 v29, v28  }
0x16b: {  	v36 =	vld [tilespmem:s5+$0x1D380];
	[tilespmem:s5+$0x1D310] =	vst v3;
	v3 =	vmul.f32 v30, v33  }
0x16c: {  	v37 =	vld [tilespmem:s5+$0x1D390];
	[tilespmem:s5+$0x1D320] =	vst v2;
	v2 =	vmul.f32 v31, v33  }
0x16d: {  	v38 =	vbroadcast v1, $0xA;
	v39 =	vld [tilespmem:s5+$0x1D3A0];
	[tilespmem:s5+$0x1D330] =	vst v3;
	v3 =	vmul.f32 v32, v33  }
0x16e: {  	v40 =	vld [tilespmem:s5+$0x1D3B0];
	[tilespmem:s5+$0x1D340] =	vst v2;
	v2 =	vmul.f32 v34, v33  }
0x16f: {  	v41 =	vld [tilespmem:s5+$0x1D3C0];
	[tilespmem:s5+$0x1D350] =	vst v3;
	v3 =	vmul.f32 v35, v38  }
0x170: {  	v42 =	vld [tilespmem:s5+$0x1D3D0];
	[tilespmem:s5+$0x1D360] =	vst v2;
	v2 =	vmul.f32 v36, v38  }
0x171: {  	v43 =	vbroadcast v1, $0xB;
	v44 =	vld [tilespmem:s5+$0x1D3E0];
	[tilespmem:s5+$0x1D370] =	vst v3;
	v3 =	vmul.f32 v37, v38  }
0x172: {  	v45 =	vld [tilespmem:s5+$0x1D3F0];
	[tilespmem:s5+$0x1D380] =	vst v2;
	v2 =	vmul.f32 v39, v38  }
0x173: {  	v46 =	vld [tilespmem:s5+$0x1D400];
	[tilespmem:s5+$0x1D390] =	vst v3;
	v3 =	vmul.f32 v40, v43  }
0x174: {  	v47 =	vld [tilespmem:s5+$0x1D410];
	[tilespmem:s5+$0x1D3A0] =	vst v2;
	v2 =	vmul.f32 v41, v43  }
0x175: {  	v48 =	vbroadcast v1, $0xC;
	v49 =	vld [tilespmem:s5+$0x1D420];
	[tilespmem:s5+$0x1D3B0] =	vst v3;
	v3 =	vmul.f32 v42, v43  }
0x176: {  	v50 =	vld [tilespmem:s5+$0x1D430];
	[tilespmem:s5+$0x1D3C0] =	vst v2;
	v2 =	vmul.f32 v44, v43  }
0x177: {  	v51 =	vld [tilespmem:s5+$0x1D440];
	[tilespmem:s5+$0x1D3D0] =	vst v3;
	v3 =	vmul.f32 v45, v48  }
0x178: {  	v52 =	vld [tilespmem:s5+$0x1D450];
	[tilespmem:s5+$0x1D3E0] =	vst v2;
	v2 =	vmul.f32 v46, v48  }
0x179: {  	v53 =	vbroadcast v1, $0xD;
	v54 =	vld [tilespmem:s5+$0x1D460];
	[tilespmem:s5+$0x1D3F0] =	vst v3;
	v3 =	vmul.f32 v47, v48  }
0x17a: {  	v55 =	vld [tilespmem:s5+$0x1D470];
	[tilespmem:s5+$0x1D400] =	vst v2;
	v2 =	vmul.f32 v49, v48  }
0x17b: {  	v56 =	vld [tilespmem:s5+$0x1D480];
	[tilespmem:s5+$0x1D410] =	vst v3;
	v3 =	vmul.f32 v50, v53  }
0x17c: {  	v57 =	vld [tilespmem:s5+$0x1D490];
	[tilespmem:s5+$0x1D420] =	vst v2;
	v2 =	vmul.f32 v51, v53  }
0x17d: {  	v58 =	vbroadcast v1, $0xE;
	v59 =	vld [tilespmem:s5+$0x1D4A0];
	[tilespmem:s5+$0x1D430] =	vst v3;
	v3 =	vmul.f32 v52, v53  }
0x17e: {  	v60 =	vld [tilespmem:s5+$0x1D4B0];
	[tilespmem:s5+$0x1D440] =	vst v2;
	v2 =	vmul.f32 v54, v53  }
0x17f: {  	v61 =	vld [tilespmem:s5+$0x1D4C0];
	[tilespmem:s5+$0x1D450] =	vst v3;
	v3 =	vmul.f32 v55, v58  }
0x180: {  	v62 =	vld [tilespmem:s5+$0x1D4D0];
	[tilespmem:s5+$0x1D460] =	vst v2;
	v2 =	vmul.f32 v56, v58  }
0x181: {  	v1 =	vbroadcast v1, $0xF;
	v63 =	vld [tilespmem:s5+$0x1D4E0];
	[tilespmem:s5+$0x1D470] =	vst v3;
	v3 =	vmul.f32 v57, v58  }
0x182: {  	[tilespmem:s5+$0x1D480] =	vst v2;
	v2 =	vmul.f32 v59, v58  }
0x183: {  	p1 =	por p0, p0;
	[tilespmem:s5+$0x1D490] =	vst v3;
	v3 =	vmul.f32 v60, v1  }
.Ltmp2:
0x184: {  	[tilespmem:s5+$0x1D4A0] =	vst v2;
	v2 =	vmul.f32 v61, v1;
	(pc) =	sbr.rel @p1 .LBB2_8-.Ltmp2, $4  }
0x185: {  	[tilespmem:s5+$0x1D4B0] =	vst v3;
	v3 =	vmul.f32 v62, v1  }
0x186: {  	[tilespmem:s5+$0x1D4C0] =	vst v2;
	v1 =	vmul.f32 v63, v1  }
0x187: {  	[tilespmem:s5+$0x1D4D0] =	vst v3  }
0x188: {  	p0 =	por $0x0, $0x0;
	[tilespmem:s5+$0x1D4E0] =	vst v1;
	s5 =	simm.s32 $0x2  }
0x189: {  	v1 =	vld [tilespmem:$0x1F530];
	_ =	sdelay $0x1  }
0x18a: {  	v2 =	vld [tilespmem:$0x1DCF0]  }
0x18b: {  	v3 =	vld [tilespmem:$0x1DD00]  }
0x18c: {  	v4 =	vld [tilespmem:$0x1DD10]  }
0x18d: {  	v6 =	vld [tilespmem:$0x1DD20];
	v5 =	vbroadcast v1, $0x0  }
0x18e: {  	v7 =	vld [tilespmem:$0x1DD30]  }
0x18f: {  	v8 =	vld [tilespmem:$0x1DD40];
	v2 =	vmul.f32 v5, v2  }
0x190: {  	v9 =	vld [tilespmem:$0x1DD50];
	v3 =	vmul.f32 v3, v5  }
0x191: {  	v10 =	vld [tilespmem:$0x1DD60];
	v46 =	vbroadcast v1, $0x1;
	[tilespmem:$0x1DCF0] =	vst v2;
	v2 =	vmul.f32 v4, v5  }
0x192: {  	v47 =	vld [tilespmem:$0x1DD70];
	[tilespmem:$0x1DD00] =	vst v3;
	v3 =	vmul.f32 v6, v5  }
0x193: {  	v48 =	vld [tilespmem:$0x1DD80];
	[tilespmem:$0x1DD10] =	vst v2;
	v2 =	vmul.f32 v7, v46  }
0x194: {  	v49 =	vld [tilespmem:$0x1DD90];
	[tilespmem:$0x1DD20] =	vst v3;
	v3 =	vmul.f32 v8, v46  }
0x195: {  	v51 =	vld [tilespmem:$0x1DDA0];
	v50 =	vbroadcast v1, $0x2;
	[tilespmem:$0x1DD30] =	vst v2;
	v2 =	vmul.f32 v9, v46  }
0x196: {  	v52 =	vld [tilespmem:$0x1DDB0];
	[tilespmem:$0x1DD40] =	vst v3;
	v3 =	vmul.f32 v10, v46  }
0x197: {  	v53 =	vld [tilespmem:$0x1DDC0];
	[tilespmem:$0x1DD50] =	vst v2;
	v2 =	vmul.f32 v47, v50  }
0x198: {  	v54 =	vld [tilespmem:$0x1DDD0];
	[tilespmem:$0x1DD60] =	vst v3;
	v3 =	vmul.f32 v48, v50  }
0x199: {  	v56 =	vld [tilespmem:$0x1DDE0];
	v55 =	vbroadcast v1, $0x3;
	[tilespmem:$0x1DD70] =	vst v2;
	v2 =	vmul.f32 v49, v50  }
0x19a: {  	v57 =	vld [tilespmem:$0x1DDF0];
	[tilespmem:$0x1DD80] =	vst v3;
	v3 =	vmul.f32 v51, v50  }
0x19b: {  	v58 =	vld [tilespmem:$0x1DE00];
	[tilespmem:$0x1DD90] =	vst v2;
	v2 =	vmul.f32 v52, v55  }
0x19c: {  	v59 =	vld [tilespmem:$0x1DE10];
	[tilespmem:$0x1DDA0] =	vst v3;
	v3 =	vmul.f32 v53, v55  }
0x19d: {  	v61 =	vld [tilespmem:$0x1DE20];
	v60 =	vbroadcast v1, $0x4;
	[tilespmem:$0x1DDB0] =	vst v2;
	v2 =	vmul.f32 v54, v55  }
0x19e: {  	v62 =	vld [tilespmem:$0x1DE30];
	[tilespmem:$0x1DDC0] =	vst v3;
	v3 =	vmul.f32 v56, v55  }
0x19f: {  	v63 =	vld [tilespmem:$0x1DE40];
	[tilespmem:$0x1DDD0] =	vst v2;
	v2 =	vmul.f32 v57, v60  }
0x1a0: {  	v12 =	vld [tilespmem:$0x1DE50];
	[tilespmem:$0x1DDE0] =	vst v3;
	v3 =	vmul.f32 v58, v60  }
0x1a1: {  	v14 =	vld [tilespmem:$0x1DE60];
	v13 =	vbroadcast v1, $0x5;
	[tilespmem:$0x1DDF0] =	vst v2;
	v2 =	vmul.f32 v59, v60  }
0x1a2: {  	v15 =	vld [tilespmem:$0x1DE70];
	[tilespmem:$0x1DE00] =	vst v3;
	v3 =	vmul.f32 v61, v60  }
0x1a3: {  	v16 =	vld [tilespmem:$0x1DE80];
	[tilespmem:$0x1DE10] =	vst v2;
	v2 =	vmul.f32 v62, v13  }
0x1a4: {  	v17 =	vld [tilespmem:$0x1DE90];
	[tilespmem:$0x1DE20] =	vst v3;
	v3 =	vmul.f32 v63, v13  }
0x1a5: {  	v19 =	vld [tilespmem:$0x1DEA0];
	v18 =	vbroadcast v1, $0x6;
	[tilespmem:$0x1DE30] =	vst v2;
	v2 =	vmul.f32 v12, v13  }
0x1a6: {  	v20 =	vld [tilespmem:$0x1DEB0];
	[tilespmem:$0x1DE40] =	vst v3;
	v3 =	vmul.f32 v14, v13  }
0x1a7: {  	v21 =	vld [tilespmem:$0x1DEC0];
	[tilespmem:$0x1DE50] =	vst v2;
	v2 =	vmul.f32 v15, v18  }
0x1a8: {  	v22 =	vld [tilespmem:$0x1DED0];
	[tilespmem:$0x1DE60] =	vst v3;
	v3 =	vmul.f32 v16, v18  }
0x1a9: {  	v24 =	vld [tilespmem:$0x1DEE0];
	v23 =	vbroadcast v1, $0x7;
	[tilespmem:$0x1DE70] =	vst v2;
	v2 =	vmul.f32 v17, v18  }
0x1aa: {  	v25 =	vld [tilespmem:$0x1DEF0];
	[tilespmem:$0x1DE80] =	vst v3;
	v3 =	vmul.f32 v19, v18  }
0x1ab: {  	v26 =	vld [tilespmem:$0x1DF00];
	[tilespmem:$0x1DE90] =	vst v2;
	v2 =	vmul.f32 v20, v23  }
0x1ac: {  	v27 =	vld [tilespmem:$0x1DF10];
	[tilespmem:$0x1DEA0] =	vst v3;
	v3 =	vmul.f32 v21, v23  }
0x1ad: {  	v29 =	vld [tilespmem:$0x1DF20];
	v28 =	vbroadcast v1, $0x8;
	[tilespmem:$0x1DEB0] =	vst v2;
	v2 =	vmul.f32 v22, v23  }
0x1ae: {  	v30 =	vld [tilespmem:$0x1DF30];
	[tilespmem:$0x1DEC0] =	vst v3;
	v3 =	vmul.f32 v24, v23  }
0x1af: {  	v31 =	vld [tilespmem:$0x1DF40];
	[tilespmem:$0x1DED0] =	vst v2;
	v2 =	vmul.f32 v25, v28  }
0x1b0: {  	v32 =	vld [tilespmem:$0x1DF50];
	[tilespmem:$0x1DEE0] =	vst v3;
	v3 =	vmul.f32 v26, v28  }
0x1b1: {  	v34 =	vld [tilespmem:$0x1DF60];
	v33 =	vbroadcast v1, $0x9;
	[tilespmem:$0x1DEF0] =	vst v2;
	v2 =	vmul.f32 v27, v28  }
0x1b2: {  	v35 =	vld [tilespmem:$0x1DF70];
	[tilespmem:$0x1DF00] =	vst v3;
	v3 =	vmul.f32 v29, v28  }
0x1b3: {  	v36 =	vld [tilespmem:$0x1DF80];
	[tilespmem:$0x1DF10] =	vst v2;
	v2 =	vmul.f32 v30, v33  }
0x1b4: {  	v37 =	vld [tilespmem:$0x1DF90];
	[tilespmem:$0x1DF20] =	vst v3;
	v3 =	vmul.f32 v31, v33  }
0x1b5: {  	v39 =	vld [tilespmem:$0x1DFA0];
	v38 =	vbroadcast v1, $0xA;
	[tilespmem:$0x1DF30] =	vst v2;
	v2 =	vmul.f32 v32, v33  }
0x1b6: {  	v40 =	vld [tilespmem:$0x1DFB0];
	[tilespmem:$0x1DF40] =	vst v3;
	v3 =	vmul.f32 v34, v33  }
0x1b7: {  	v41 =	vld [tilespmem:$0x1DFC0];
	[tilespmem:$0x1DF50] =	vst v2;
	v2 =	vmul.f32 v35, v38  }
0x1b8: {  	v42 =	vld [tilespmem:$0x1DFD0];
	[tilespmem:$0x1DF60] =	vst v3;
	v3 =	vmul.f32 v36, v38  }
0x1b9: {  	v44 =	vld [tilespmem:$0x1DFE0];
	v43 =	vbroadcast v1, $0xB;
	[tilespmem:$0x1DF70] =	vst v2;
	v2 =	vmul.f32 v37, v38  }
0x1ba: {  	v45 =	vld [tilespmem:$0x1DFF0];
	[tilespmem:$0x1DF80] =	vst v3;
	v3 =	vmul.f32 v39, v38  }
0x1bb: {  	v46 =	vld [tilespmem:$0x1E000];
	[tilespmem:$0x1DF90] =	vst v2;
	v2 =	vmul.f32 v40, v43  }
0x1bc: {  	v47 =	vld [tilespmem:$0x1E010];
	[tilespmem:$0x1DFA0] =	vst v3;
	v3 =	vmul.f32 v41, v43  }
0x1bd: {  	v48 =	vbroadcast v1, $0xC;
	v49 =	vld [tilespmem:$0x1E020];
	[tilespmem:$0x1DFB0] =	vst v2;
	v2 =	vmul.f32 v42, v43  }
0x1be: {  	v50 =	vld [tilespmem:$0x1E030];
	[tilespmem:$0x1DFC0] =	vst v3;
	v3 =	vmul.f32 v44, v43  }
0x1bf: {  	v51 =	vld [tilespmem:$0x1E040];
	[tilespmem:$0x1DFD0] =	vst v2;
	v2 =	vmul.f32 v45, v48  }
0x1c0: {  	v52 =	vld [tilespmem:$0x1E050];
	[tilespmem:$0x1DFE0] =	vst v3;
	v3 =	vmul.f32 v46, v48  }
0x1c1: {  	v53 =	vbroadcast v1, $0xD;
	v54 =	vld [tilespmem:$0x1E060];
	[tilespmem:$0x1DFF0] =	vst v2;
	v2 =	vmul.f32 v47, v48  }
0x1c2: {  	v55 =	vld [tilespmem:$0x1E070];
	[tilespmem:$0x1E000] =	vst v3;
	v3 =	vmul.f32 v49, v48  }
0x1c3: {  	v56 =	vld [tilespmem:$0x1E080];
	[tilespmem:$0x1E010] =	vst v2;
	v2 =	vmul.f32 v50, v53  }
0x1c4: {  	v57 =	vld [tilespmem:$0x1E090];
	[tilespmem:$0x1E020] =	vst v3;
	v3 =	vmul.f32 v51, v53  }
0x1c5: {  	v58 =	vbroadcast v1, $0xE;
	v59 =	vld [tilespmem:$0x1E0A0];
	[tilespmem:$0x1E030] =	vst v2;
	v2 =	vmul.f32 v52, v53  }
0x1c6: {  	v60 =	vld [tilespmem:$0x1E0B0];
	[tilespmem:$0x1E040] =	vst v3;
	v3 =	vmul.f32 v54, v53  }
0x1c7: {  	v61 =	vld [tilespmem:$0x1E0C0];
	[tilespmem:$0x1E050] =	vst v2;
	v2 =	vmul.f32 v55, v58  }
0x1c8: {  	v62 =	vld [tilespmem:$0x1E0D0];
	[tilespmem:$0x1E060] =	vst v3;
	v3 =	vmul.f32 v56, v58  }
0x1c9: {  	v1 =	vbroadcast v1, $0xF;
	v63 =	vld [tilespmem:$0x1E0E0];
	[tilespmem:$0x1E070] =	vst v2;
	v2 =	vmul.f32 v57, v58  }
0x1ca: {  	[tilespmem:$0x1E080] =	vst v3;
	v3 =	vmul.f32 v59, v58  }
0x1cb: {  	[tilespmem:$0x1E090] =	vst v2;
	v2 =	vmul.f32 v60, v1  }
0x1cc: {  	[tilespmem:$0x1E0A0] =	vst v3;
	v3 =	vmul.f32 v61, v1  }
0x1cd: {  	[tilespmem:$0x1E0B0] =	vst v2;
	v2 =	vmul.f32 v62, v1  }
0x1ce: {  	[tilespmem:$0x1E0C0] =	vst v3;
	v1 =	vmul.f32 v63, v1  }
0x1cf: {  	[tilespmem:$0x1E0D0] =	vst v2  }
0x1d0: {  	[tilespmem:$0x1E0E0] =	vst v1  }
0x1d1: {  	[spmem:s2] =	stream.indirect.scatter.add.f32 [tilespmem:s17], [sflag:$0x3], $0x40, s0, s16, $0xb8;
	[tilespmem:$0x1FB80] =	vst v63  }
0x1d2: {  	v1 =	vld [tilespmem:s1+$0x1ADB0]  }
0x1d3: {  	v2 =	vld [tilespmem:s1+$0x1BD50];
	_ =	sdelay $0x6  }
0x1d4: {  	v1 =	vld.idx.msk [tilespmem:v1+s10+$0x0], $0xffff  }
0x1d5: {  	v3 =	vld.idx.msk [tilespmem:v2+s12+$0x0], $0xffff;
	_ =	sdelay $0x4  }
0x1d6: {  	v1 =	vadd.f32 v3, v1;
	_ =	sdelay $0x1  }
0x1d7: {  	v3 =	vmul.f32 $2.000000030e-01, v1  }
0x1d8: {  	vm0 =	vge.f32 v1, $0.0e+00  }
0x1d9: {  	v1 =	vsel vm0, v1, v3  }
0x1da: {  	v1 =	vmul.f32 $1.442695020e+00, v1;
	_ =	sdelay $0x1  }
0x1db: {  	(erf) = vpow2.f32 v1;
	_ =	sdelay $0x8  }
0x1dc: {  	v1 =	vpop (erf)  }
0x1dd: {  	[tilespmem:$0x1F4F0] =	vst v1  }
0x1de: {  	[tilespmem:v2+s18+$0x0] =	vst.idx.add.f32.msk $0xffff, v1  }
0x1df: {  	v1 =	vld [tilespmem:s31+$0x1AE10]  }
0x1e0: {  	v2 =	vld [tilespmem:s31+$0x1BDB0];
	_ =	sdelay $0x6  }
0x1e1: {  	v1 =	vld.idx.msk [tilespmem:v1+s10+$0x0], $0xffff  }
0x1e2: {  	v3 =	vld.idx.msk [tilespmem:v2+s12+$0x0], $0xffff;
	_ =	sdelay $0x4  }
0x1e3: {  	v1 =	vadd.f32 v3, v1;
	_ =	sdelay $0x1  }
0x1e4: {  	v3 =	vmul.f32 $2.000000030e-01, v1  }
0x1e5: {  	vm12 =	vge.f32 v1, $0.0e+00  }
0x1e6: {  	v1 =	vsel vm12, v1, v3  }
0x1e7: {  	v1 =	vmul.f32 $1.442695020e+00, v1;
	_ =	sdelay $0x1  }
0x1e8: {  	(erf) = vpow2.f32 v1;
	_ =	sdelay $0x8  }
0x1e9: {  	v1 =	vpop (erf)  }
0x1ea: {  	[tilespmem:$0x1F500] =	vst v1  }
0x1eb: {  	[tilespmem:v2+s18+$0x0] =	vst.idx.add.f32.msk $0xffff, v1  }
0x1ec: {  	v1 =	vld [tilespmem:s31+$0x1AE20]  }
0x1ed: {  	v2 =	vld [tilespmem:s31+$0x1BDC0];
	_ =	sdelay $0x6  }
0x1ee: {  	v1 =	vld.idx.msk [tilespmem:v1+s10+$0x0], $0xffff  }
0x1ef: {  	v3 =	vld.idx.msk [tilespmem:v2+s12+$0x0], $0xffff;
	_ =	sdelay $0x4  }
0x1f0: {  	v1 =	vadd.f32 v3, v1;
	_ =	sdelay $0x1  }
0x1f1: {  	v3 =	vmul.f32 $2.000000030e-01, v1  }
0x1f2: {  	vm13 =	vge.f32 v1, $0.0e+00  }
0x1f3: {  	v1 =	vsel vm13, v1, v3  }
0x1f4: {  	v1 =	vmul.f32 $1.442695020e+00, v1;
	_ =	sdelay $0x1  }
0x1f5: {  	(erf) = vpow2.f32 v1;
	_ =	sdelay $0x8  }
0x1f6: {  	v1 =	vpop (erf)  }
0x1f7: {  	[tilespmem:$0x1F510] =	vst v1  }
0x1f8: {  	[tilespmem:v2+s18+$0x0] =	vst.idx.add.f32.msk $0xffff, v1  }
0x1f9: {  	v1 =	vld [tilespmem:s31+$0x1AE30]  }
0x1fa: {  	v2 =	vld [tilespmem:s31+$0x1BDD0];
	_ =	sdelay $0x6  }
0x1fb: {  	v1 =	vld.idx.msk [tilespmem:v1+s10+$0x0], $0xffff  }
0x1fc: {  	v3 =	vld.idx.msk [tilespmem:v2+s12+$0x0], $0xffff;
	_ =	sdelay $0x4  }
0x1fd: {  	v1 =	vadd.f32 v3, v1;
	_ =	sdelay $0x1  }
0x1fe: {  	v3 =	vmul.f32 $2.000000030e-01, v1  }
0x1ff: {  	vm14 =	vge.f32 v1, $0.0e+00  }
0x200: {  	v1 =	vsel vm14, v1, v3  }
0x201: {  	v1 =	vmul.f32 $1.442695020e+00, v1;
	_ =	sdelay $0x1  }
0x202: {  	(erf) = vpow2.f32 v1;
	_ =	sdelay $0x8  }
0x203: {  	v1 =	vpop (erf)  }
0x204: {  	[tilespmem:$0x1F520] =	vst v1  }
0x205: {  	[tilespmem:v2+s18+$0x0] =	vst.idx.add.f32.msk $0xffff, v1  }
0x206: {  	v1 =	vld [tilespmem:s31+$0x1AE40]  }
0x207: {  	v2 =	vld [tilespmem:s31+$0x1BDE0];
	_ =	sdelay $0x6  }
0x208: {  	v1 =	vld.idx.msk [tilespmem:v1+s10+$0x0], $0xffff  }
0x209: {  	v3 =	vld.idx.msk [tilespmem:v2+s12+$0x0], $0xffff;
	_ =	sdelay $0x4  }
0x20a: {  	v1 =	vadd.f32 v3, v1;
	_ =	sdelay $0x1  }
0x20b: {  	v3 =	vmul.f32 $2.000000030e-01, v1  }
0x20c: {  	vm15 =	vge.f32 v1, $0.0e+00  }
0x20d: {  	v1 =	vsel vm15, v1, v3  }
0x20e: {  	v1 =	vmul.f32 $1.442695020e+00, v1;
	_ =	sdelay $0x1  }
0x20f: {  	(erf) = vpow2.f32 v1;
	_ =	sdelay $0x8  }
0x210: {  	v1 =	vpop (erf)  }
0x211: {  	[tilespmem:$0x1F530] =	vst v1  }
0x212: {  	[tilespmem:v2+s18+$0x0] =	vst.idx.add.f32.msk $0xffff, v1  }
0x213: {  	_ =	swait.ge [sflag:s22], $0x1400  }
0x214: {  	p0 =	seq.s32 s30, $0x18;
	[sflag:s22] =	ssyncset.done $0x0  }
0x215: {  	s0 =	smul.u32 @!p0 $0x280, s30;
	[sflag:s22] =	ssyncadd.s32 $0xFFFFEC00  }
0x216: {  	_ =	swait.ge [sflag:s23], $0x1400  }
0x217: {  	s5 =	simm.s32 @!p0 $0x50;
	s0 =	sshra.s32 @!p0 s0, $0x2;
	[sflag:s23] =	ssyncset.done $0x0  }
0x218: {  	s6 =	simm.s32 @!p0 $0x1CCF0;
	s0 =	sadd.s32 @!p0 $0x1AE50, s0;
	[sflag:s23] =	ssyncadd.s32 $0xFFFFEC00  }
0x219: {  	[tilespmem:s6], [sflag:$0x1] =	stream.indirect.gather @!p0 [spmem:s3], $0x40, s0, s5, $0xb8;
	[tilespmem:$0x1FB80] =	vst v63  }
0x21a: {  	s0 =	sadd.s32 $0x1BD50, s1;
	s1 =	simm.s32 $0x0;
	p0 =	por $0x1, $0x1  }
.LBB2_10:
0x21b: {  	s5 =	sshll.u32 s1, $0x4  }
0x21c: {  	s6 =	sshll.u32 s1, $0xA;
	s7 =	sand.u32 $0x3FFFFFF0, s5  }
0x21d: {  	s1 =	sand.u32 $0x3FFFFC00, s6;
	v2 =	vld [tilespmem:s7+$0x1F4F0]  }
0x21e: {  	v1 =	vld [tilespmem:s1+$0x1E0F0]  }
0x21f: {  	v3 =	vld [tilespmem:s1+$0x1E100]  }
0x220: {  	v4 =	vld [tilespmem:s1+$0x1E110]  }
0x221: {  	v5 =	vld [tilespmem:s1+$0x1E120]  }
0x222: {  	v7 =	vld [tilespmem:s1+$0x1E130];
	v6 =	vbroadcast v2, $0x0  }
0x223: {  	v8 =	vld [tilespmem:s1+$0x1E140]  }
0x224: {  	v9 =	vld [tilespmem:s1+$0x1E150];
	v1 =	vmul.f32 v6, v1  }
0x225: {  	v10 =	vld [tilespmem:s1+$0x1E160];
	v3 =	vmul.f32 v3, v6  }
0x226: {  	v11 =	vld [tilespmem:s1+$0x1E170];
	v18 =	vbroadcast v2, $0x1;
	[tilespmem:s1+$0x1E0F0] =	vst v1;
	v1 =	vmul.f32 v4, v6  }
0x227: {  	v19 =	vld [tilespmem:s1+$0x1E180];
	[tilespmem:s1+$0x1E100] =	vst v3;
	v3 =	vmul.f32 v5, v6  }
0x228: {  	v20 =	vld [tilespmem:s1+$0x1E190];
	[tilespmem:s1+$0x1E110] =	vst v1;
	v1 =	vmul.f32 v7, v18  }
0x229: {  	v21 =	vld [tilespmem:s1+$0x1E1A0];
	[tilespmem:s1+$0x1E120] =	vst v3;
	v3 =	vmul.f32 v8, v18  }
0x22a: {  	v23 =	vld [tilespmem:s1+$0x1E1B0];
	v22 =	vbroadcast v2, $0x2;
	[tilespmem:s1+$0x1E130] =	vst v1;
	v1 =	vmul.f32 v9, v18  }
0x22b: {  	v24 =	vld [tilespmem:s1+$0x1E1C0];
	[tilespmem:s1+$0x1E140] =	vst v3;
	v3 =	vmul.f32 v10, v18  }
0x22c: {  	v25 =	vld [tilespmem:s1+$0x1E1D0];
	[tilespmem:s1+$0x1E150] =	vst v1;
	v1 =	vmul.f32 v11, v22  }
0x22d: {  	v26 =	vld [tilespmem:s1+$0x1E1E0];
	[tilespmem:s1+$0x1E160] =	vst v3;
	v3 =	vmul.f32 v19, v22  }
0x22e: {  	v28 =	vld [tilespmem:s1+$0x1E1F0];
	v27 =	vbroadcast v2, $0x3;
	[tilespmem:s1+$0x1E170] =	vst v1;
	v1 =	vmul.f32 v20, v22  }
0x22f: {  	v29 =	vld [tilespmem:s1+$0x1E200];
	[tilespmem:s1+$0x1E180] =	vst v3;
	v3 =	vmul.f32 v21, v22  }
0x230: {  	v30 =	vld [tilespmem:s1+$0x1E210];
	[tilespmem:s1+$0x1E190] =	vst v1;
	v1 =	vmul.f32 v23, v27  }
0x231: {  	v31 =	vld [tilespmem:s1+$0x1E220];
	[tilespmem:s1+$0x1E1A0] =	vst v3;
	v3 =	vmul.f32 v24, v27  }
0x232: {  	v33 =	vld [tilespmem:s1+$0x1E230];
	v32 =	vbroadcast v2, $0x4;
	[tilespmem:s1+$0x1E1B0] =	vst v1;
	v1 =	vmul.f32 v25, v27  }
0x233: {  	v34 =	vld [tilespmem:s1+$0x1E240];
	[tilespmem:s1+$0x1E1C0] =	vst v3;
	v3 =	vmul.f32 v26, v27  }
0x234: {  	v35 =	vld [tilespmem:s1+$0x1E250];
	[tilespmem:s1+$0x1E1D0] =	vst v1;
	v1 =	vmul.f32 v28, v32  }
0x235: {  	v36 =	vld [tilespmem:s1+$0x1E260];
	[tilespmem:s1+$0x1E1E0] =	vst v3;
	v3 =	vmul.f32 v29, v32  }
0x236: {  	v38 =	vld [tilespmem:s1+$0x1E270];
	v37 =	vbroadcast v2, $0x5;
	[tilespmem:s1+$0x1E1F0] =	vst v1;
	v1 =	vmul.f32 v30, v32  }
0x237: {  	v39 =	vld [tilespmem:s1+$0x1E280];
	[tilespmem:s1+$0x1E200] =	vst v3;
	v3 =	vmul.f32 v31, v32  }
0x238: {  	v40 =	vld [tilespmem:s1+$0x1E290];
	[tilespmem:s1+$0x1E210] =	vst v1;
	v1 =	vmul.f32 v33, v37  }
0x239: {  	v41 =	vld [tilespmem:s1+$0x1E2A0];
	[tilespmem:s1+$0x1E220] =	vst v3;
	v3 =	vmul.f32 v34, v37  }
0x23a: {  	v43 =	vld [tilespmem:s1+$0x1E2B0];
	v42 =	vbroadcast v2, $0x6;
	[tilespmem:s1+$0x1E230] =	vst v1;
	v1 =	vmul.f32 v35, v37  }
0x23b: {  	v44 =	vld [tilespmem:s1+$0x1E2C0];
	[tilespmem:s1+$0x1E240] =	vst v3;
	v3 =	vmul.f32 v36, v37  }
0x23c: {  	v45 =	vld [tilespmem:s1+$0x1E2D0];
	[tilespmem:s1+$0x1E250] =	vst v1;
	v1 =	vmul.f32 v38, v42  }
0x23d: {  	v46 =	vld [tilespmem:s1+$0x1E2E0];
	[tilespmem:s1+$0x1E260] =	vst v3;
	v3 =	vmul.f32 v39, v42  }
0x23e: {  	v48 =	vld [tilespmem:s1+$0x1E2F0];
	v47 =	vbroadcast v2, $0x7;
	[tilespmem:s1+$0x1E270] =	vst v1;
	v1 =	vmul.f32 v40, v42  }
0x23f: {  	v49 =	vld [tilespmem:s1+$0x1E300];
	[tilespmem:s1+$0x1E280] =	vst v3;
	v3 =	vmul.f32 v41, v42  }
0x240: {  	v50 =	vld [tilespmem:s1+$0x1E310];
	[tilespmem:s1+$0x1E290] =	vst v1;
	v1 =	vmul.f32 v43, v47  }
0x241: {  	v51 =	vld [tilespmem:s1+$0x1E320];
	[tilespmem:s1+$0x1E2A0] =	vst v3;
	v3 =	vmul.f32 v44, v47  }
0x242: {  	v53 =	vld [tilespmem:s1+$0x1E330];
	v52 =	vbroadcast v2, $0x8;
	[tilespmem:s1+$0x1E2B0] =	vst v1;
	v1 =	vmul.f32 v45, v47  }
0x243: {  	v54 =	vld [tilespmem:s1+$0x1E340];
	[tilespmem:s1+$0x1E2C0] =	vst v3;
	v3 =	vmul.f32 v46, v47  }
0x244: {  	v55 =	vld [tilespmem:s1+$0x1E350];
	[tilespmem:s1+$0x1E2D0] =	vst v1;
	v1 =	vmul.f32 v48, v52  }
0x245: {  	v56 =	vld [tilespmem:s1+$0x1E360];
	[tilespmem:s1+$0x1E2E0] =	vst v3;
	v3 =	vmul.f32 v49, v52  }
0x246: {  	v58 =	vld [tilespmem:s1+$0x1E370];
	v57 =	vbroadcast v2, $0x9;
	[tilespmem:s1+$0x1E2F0] =	vst v1;
	v1 =	vmul.f32 v50, v52  }
0x247: {  	v59 =	vld [tilespmem:s1+$0x1E380];
	[tilespmem:s1+$0x1E300] =	vst v3;
	v3 =	vmul.f32 v51, v52  }
0x248: {  	v60 =	vld [tilespmem:s1+$0x1E390];
	[tilespmem:s1+$0x1E310] =	vst v1;
	v1 =	vmul.f32 v53, v57  }
0x249: {  	v61 =	vld [tilespmem:s1+$0x1E3A0];
	[tilespmem:s1+$0x1E320] =	vst v3;
	v3 =	vmul.f32 v54, v57  }
0x24a: {  	v63 =	vld [tilespmem:s1+$0x1E3B0];
	v62 =	vbroadcast v2, $0xA;
	[tilespmem:s1+$0x1E330] =	vst v1;
	v1 =	vmul.f32 v55, v57  }
0x24b: {  	v12 =	vld [tilespmem:s1+$0x1E3C0];
	[tilespmem:s1+$0x1E340] =	vst v3;
	v3 =	vmul.f32 v56, v57  }
0x24c: {  	v13 =	vld [tilespmem:s1+$0x1E3D0];
	[tilespmem:s1+$0x1E350] =	vst v1;
	v1 =	vmul.f32 v58, v62  }
0x24d: {  	v14 =	vld [tilespmem:s1+$0x1E3E0];
	[tilespmem:s1+$0x1E360] =	vst v3;
	v3 =	vmul.f32 v59, v62  }
0x24e: {  	v16 =	vld [tilespmem:s1+$0x1E3F0];
	v15 =	vbroadcast v2, $0xB;
	[tilespmem:s1+$0x1E370] =	vst v1;
	v1 =	vmul.f32 v60, v62  }
0x24f: {  	v17 =	vld [tilespmem:s1+$0x1E400];
	[tilespmem:s1+$0x1E380] =	vst v3;
	v3 =	vmul.f32 v61, v62  }
0x250: {  	v18 =	vld [tilespmem:s1+$0x1E410];
	[tilespmem:s1+$0x1E390] =	vst v1;
	v1 =	vmul.f32 v63, v15  }
0x251: {  	v19 =	vld [tilespmem:s1+$0x1E420];
	[tilespmem:s1+$0x1E3A0] =	vst v3;
	v3 =	vmul.f32 v12, v15  }
0x252: {  	v20 =	vbroadcast v2, $0xC;
	v21 =	vld [tilespmem:s1+$0x1E430];
	[tilespmem:s1+$0x1E3B0] =	vst v1;
	v1 =	vmul.f32 v13, v15  }
0x253: {  	v22 =	vld [tilespmem:s1+$0x1E440];
	[tilespmem:s1+$0x1E3C0] =	vst v3;
	v3 =	vmul.f32 v14, v15  }
0x254: {  	v23 =	vld [tilespmem:s1+$0x1E450];
	[tilespmem:s1+$0x1E3D0] =	vst v1;
	v1 =	vmul.f32 v16, v20  }
0x255: {  	v24 =	vld [tilespmem:s1+$0x1E460];
	[tilespmem:s1+$0x1E3E0] =	vst v3;
	v3 =	vmul.f32 v17, v20  }
0x256: {  	s31 =	sor.u32 $0x400, s6;
	v9 =	vmul.f32 v18, v20;
	v25 =	vbroadcast v2, $0xD;
	[tilespmem:s1+$0x1E3F0] =	vst v1;
	v1 =	vld [tilespmem:s5+$0x1F500]  }
0x257: {  	v26 =	vld [tilespmem:s1+$0x1E470];
	[tilespmem:s1+$0x1E400] =	vst v3;
	v3 =	vmul.f32 v19, v20;
	s5 =	sand.u32 $0x3FFFFC00, s31  }
0x258: {  	[tilespmem:s1+$0x1E410] =	vst v9;
	v27 =	vmul.f32 v21, v25;
	v28 =	vld [tilespmem:s5+$0x1E0F0]  }
0x259: {  	v29 =	vld [tilespmem:s5+$0x1E100];
	[tilespmem:s1+$0x1E420] =	vst v3;
	v3 =	vmul.f32 v22, v25  }
0x25a: {  	[tilespmem:s1+$0x1E430] =	vst v27;
	v30 =	vmul.f32 v23, v25;
	v31 =	vbroadcast v2, $0xE;
	v32 =	vld [tilespmem:s5+$0x1E110]  }
0x25b: {  	v34 =	vld [tilespmem:s5+$0x1E120];
	[tilespmem:s1+$0x1E440] =	vst v3;
	v3 =	vmul.f32 v24, v25;
	v33 =	vbroadcast v1, $0x0  }
0x25c: {  	[tilespmem:s1+$0x1E450] =	vst v30;
	v5 =	vmul.f32 v26, v31;
	v35 =	vld [tilespmem:s1+$0x1E480]  }
0x25d: {  	[tilespmem:s1+$0x1E460] =	vst v3;
	v3 =	vld [tilespmem:s1+$0x1E490];
	v9 =	vmul.f32 v33, v28  }
0x25e: {  	[tilespmem:s1+$0x1E470] =	vst v5;
	v36 =	vld [tilespmem:s1+$0x1E4A0];
	v7 =	vmul.f32 v29, v33  }
0x25f: {  	v37 =	vld [tilespmem:s1+$0x1E4B0];
	v10 =	vmul.f32 v32, v33;
	[tilespmem:s5+$0x1E0F0] =	vst v9  }
0x260: {  	v38 =	vld [tilespmem:s1+$0x1E4C0];
	v4 =	vmul.f32 v34, v33;
	[tilespmem:s5+$0x1E100] =	vst v7  }
0x261: {  	v39 =	vld [tilespmem:s1+$0x1E4D0];
	v6 =	vmul.f32 v35, v31;
	[tilespmem:s5+$0x1E110] =	vst v10  }
0x262: {  	v2 =	vbroadcast v2, $0xF;
	v40 =	vld [tilespmem:s1+$0x1E4E0];
	[tilespmem:s5+$0x1E120] =	vst v4;
	v3 =	vmul.f32 v3, v31  }
0x263: {  	v5 =	vmul.f32 v36, v31;
	[tilespmem:s1+$0x1E480] =	vst v6;
	v41 =	vld [tilespmem:s1+$0x1E530]  }
0x264: {  	v42 =	vld [tilespmem:s1+$0x1E540];
	[tilespmem:s1+$0x1E490] =	vst v3;
	v3 =	vmul.f32 v37, v2  }
0x265: {  	[tilespmem:s1+$0x1E4A0] =	vst v5;
	v43 =	vmul.f32 v38, v2;
	v44 =	vld [tilespmem:s1+$0x1E550]  }
0x266: {  	v45 =	vbroadcast v1, $0x1;
	v46 =	vld [tilespmem:s1+$0x1E560];
	[tilespmem:s1+$0x1E4B0] =	vst v3;
	v3 =	vmul.f32 v39, v2  }
0x267: {  	[tilespmem:s1+$0x1E4C0] =	vst v43;
	v47 =	vld [tilespmem:s1+$0x1E570];
	v2 =	vmul.f32 v40, v2  }
0x268: {  	v48 =	vld [tilespmem:s1+$0x1E580];
	[tilespmem:s1+$0x1E4D0] =	vst v3;
	v3 =	vmul.f32 v41, v45  }
0x269: {  	v49 =	vld [tilespmem:s1+$0x1E590];
	[tilespmem:s1+$0x1E4E0] =	vst v2;
	v2 =	vmul.f32 v42, v45  }
0x26a: {  	v50 =	vbroadcast v1, $0x2;
	v51 =	vld [tilespmem:s1+$0x1E5A0];
	[tilespmem:s1+$0x1E530] =	vst v3;
	v3 =	vmul.f32 v44, v45  }
0x26b: {  	v52 =	vld [tilespmem:s1+$0x1E5B0];
	[tilespmem:s1+$0x1E540] =	vst v2;
	v2 =	vmul.f32 v46, v45  }
0x26c: {  	v53 =	vld [tilespmem:s1+$0x1E5C0];
	[tilespmem:s1+$0x1E550] =	vst v3;
	v3 =	vmul.f32 v47, v50  }
0x26d: {  	v54 =	vld [tilespmem:s1+$0x1E5D0];
	[tilespmem:s1+$0x1E560] =	vst v2;
	v2 =	vmul.f32 v48, v50  }
0x26e: {  	v55 =	vbroadcast v1, $0x3;
	v56 =	vld [tilespmem:s1+$0x1E5E0];
	[tilespmem:s1+$0x1E570] =	vst v3;
	v3 =	vmul.f32 v49, v50  }
0x26f: {  	v57 =	vld [tilespmem:s1+$0x1E5F0];
	[tilespmem:s1+$0x1E580] =	vst v2;
	v2 =	vmul.f32 v51, v50  }
0x270: {  	v58 =	vld [tilespmem:s1+$0x1E600];
	[tilespmem:s1+$0x1E590] =	vst v3;
	v3 =	vmul.f32 v52, v55  }
0x271: {  	v59 =	vld [tilespmem:s1+$0x1E610];
	[tilespmem:s1+$0x1E5A0] =	vst v2;
	v2 =	vmul.f32 v53, v55  }
0x272: {  	v60 =	vbroadcast v1, $0x4;
	v61 =	vld [tilespmem:s1+$0x1E620];
	[tilespmem:s1+$0x1E5B0] =	vst v3;
	v3 =	vmul.f32 v54, v55  }
0x273: {  	v62 =	vld [tilespmem:s1+$0x1E630];
	[tilespmem:s1+$0x1E5C0] =	vst v2;
	v2 =	vmul.f32 v56, v55  }
0x274: {  	v63 =	vld [tilespmem:s1+$0x1E640];
	[tilespmem:s1+$0x1E5D0] =	vst v3;
	v3 =	vmul.f32 v57, v60  }
0x275: {  	v12 =	vld [tilespmem:s1+$0x1E650];
	[tilespmem:s1+$0x1E5E0] =	vst v2;
	v2 =	vmul.f32 v58, v60  }
0x276: {  	v13 =	vbroadcast v1, $0x5;
	v14 =	vld [tilespmem:s1+$0x1E660];
	[tilespmem:s1+$0x1E5F0] =	vst v3;
	v3 =	vmul.f32 v59, v60  }
0x277: {  	v15 =	vld [tilespmem:s1+$0x1E670];
	[tilespmem:s1+$0x1E600] =	vst v2;
	v2 =	vmul.f32 v61, v60  }
0x278: {  	v16 =	vld [tilespmem:s1+$0x1E680];
	[tilespmem:s1+$0x1E610] =	vst v3;
	v3 =	vmul.f32 v62, v13  }
0x279: {  	v17 =	vld [tilespmem:s1+$0x1E690];
	[tilespmem:s1+$0x1E620] =	vst v2;
	v2 =	vmul.f32 v63, v13  }
0x27a: {  	v18 =	vbroadcast v1, $0x6;
	v19 =	vld [tilespmem:s1+$0x1E6A0];
	[tilespmem:s1+$0x1E630] =	vst v3;
	v3 =	vmul.f32 v12, v13  }
0x27b: {  	v20 =	vld [tilespmem:s1+$0x1E6B0];
	[tilespmem:s1+$0x1E640] =	vst v2;
	v2 =	vmul.f32 v14, v13  }
0x27c: {  	v21 =	vld [tilespmem:s1+$0x1E6C0];
	[tilespmem:s1+$0x1E650] =	vst v3;
	v3 =	vmul.f32 v15, v18  }
0x27d: {  	v22 =	vld [tilespmem:s1+$0x1E6D0];
	[tilespmem:s1+$0x1E660] =	vst v2;
	v2 =	vmul.f32 v16, v18  }
0x27e: {  	v23 =	vbroadcast v1, $0x7;
	v24 =	vld [tilespmem:s1+$0x1E6E0];
	[tilespmem:s1+$0x1E670] =	vst v3;
	v3 =	vmul.f32 v17, v18  }
0x27f: {  	v25 =	vld [tilespmem:s1+$0x1E6F0];
	[tilespmem:s1+$0x1E680] =	vst v2;
	v2 =	vmul.f32 v19, v18  }
0x280: {  	v26 =	vld [tilespmem:s1+$0x1E700];
	[tilespmem:s1+$0x1E690] =	vst v3;
	v3 =	vmul.f32 v20, v23  }
0x281: {  	v27 =	vld [tilespmem:s1+$0x1E710];
	[tilespmem:s1+$0x1E6A0] =	vst v2;
	v2 =	vmul.f32 v21, v23  }
0x282: {  	v28 =	vbroadcast v1, $0x8;
	v29 =	vld [tilespmem:s1+$0x1E720];
	[tilespmem:s1+$0x1E6B0] =	vst v3;
	v3 =	vmul.f32 v22, v23  }
0x283: {  	v30 =	vld [tilespmem:s1+$0x1E730];
	[tilespmem:s1+$0x1E6C0] =	vst v2;
	v2 =	vmul.f32 v24, v23  }
0x284: {  	v31 =	vld [tilespmem:s1+$0x1E740];
	[tilespmem:s1+$0x1E6D0] =	vst v3;
	v3 =	vmul.f32 v25, v28  }
0x285: {  	v32 =	vld [tilespmem:s1+$0x1E750];
	[tilespmem:s1+$0x1E6E0] =	vst v2;
	v2 =	vmul.f32 v26, v28  }
0x286: {  	v33 =	vbroadcast v1, $0x9;
	v34 =	vld [tilespmem:s1+$0x1E760];
	[tilespmem:s1+$0x1E6F0] =	vst v3;
	v3 =	vmul.f32 v27, v28  }
0x287: {  	v35 =	vld [tilespmem:s1+$0x1E770];
	[tilespmem:s1+$0x1E700] =	vst v2;
	v2 =	vmul.f32 v29, v28  }
0x288: {  	v36 =	vld [tilespmem:s1+$0x1E780];
	[tilespmem:s1+$0x1E710] =	vst v3;
	v3 =	vmul.f32 v30, v33  }
0x289: {  	v37 =	vld [tilespmem:s1+$0x1E790];
	[tilespmem:s1+$0x1E720] =	vst v2;
	v2 =	vmul.f32 v31, v33  }
0x28a: {  	v38 =	vbroadcast v1, $0xA;
	v39 =	vld [tilespmem:s1+$0x1E7A0];
	[tilespmem:s1+$0x1E730] =	vst v3;
	v3 =	vmul.f32 v32, v33  }
0x28b: {  	v40 =	vld [tilespmem:s1+$0x1E7B0];
	[tilespmem:s1+$0x1E740] =	vst v2;
	v2 =	vmul.f32 v34, v33  }
0x28c: {  	v41 =	vld [tilespmem:s1+$0x1E7C0];
	[tilespmem:s1+$0x1E750] =	vst v3;
	v3 =	vmul.f32 v35, v38  }
0x28d: {  	v42 =	vld [tilespmem:s1+$0x1E7D0];
	[tilespmem:s1+$0x1E760] =	vst v2;
	v2 =	vmul.f32 v36, v38  }
0x28e: {  	v43 =	vbroadcast v1, $0xB;
	v44 =	vld [tilespmem:s1+$0x1E7E0];
	[tilespmem:s1+$0x1E770] =	vst v3;
	v3 =	vmul.f32 v37, v38  }
0x28f: {  	v45 =	vld [tilespmem:s1+$0x1E7F0];
	[tilespmem:s1+$0x1E780] =	vst v2;
	v2 =	vmul.f32 v39, v38  }
0x290: {  	v46 =	vld [tilespmem:s1+$0x1E800];
	[tilespmem:s1+$0x1E790] =	vst v3;
	v3 =	vmul.f32 v40, v43  }
0x291: {  	v47 =	vld [tilespmem:s1+$0x1E810];
	[tilespmem:s1+$0x1E7A0] =	vst v2;
	v2 =	vmul.f32 v41, v43  }
0x292: {  	v48 =	vbroadcast v1, $0xC;
	v49 =	vld [tilespmem:s1+$0x1E820];
	[tilespmem:s1+$0x1E7B0] =	vst v3;
	v3 =	vmul.f32 v42, v43  }
0x293: {  	v50 =	vld [tilespmem:s1+$0x1E830];
	[tilespmem:s1+$0x1E7C0] =	vst v2;
	v2 =	vmul.f32 v44, v43  }
0x294: {  	v51 =	vld [tilespmem:s1+$0x1E840];
	[tilespmem:s1+$0x1E7D0] =	vst v3;
	v3 =	vmul.f32 v45, v48  }
0x295: {  	v52 =	vld [tilespmem:s1+$0x1E850];
	[tilespmem:s1+$0x1E7E0] =	vst v2;
	v2 =	vmul.f32 v46, v48  }
0x296: {  	v53 =	vbroadcast v1, $0xD;
	v54 =	vld [tilespmem:s1+$0x1E860];
	[tilespmem:s1+$0x1E7F0] =	vst v3;
	v3 =	vmul.f32 v47, v48  }
0x297: {  	v55 =	vld [tilespmem:s1+$0x1E870];
	[tilespmem:s1+$0x1E800] =	vst v2;
	v2 =	vmul.f32 v49, v48  }
0x298: {  	v56 =	vld [tilespmem:s1+$0x1E880];
	[tilespmem:s1+$0x1E810] =	vst v3;
	v3 =	vmul.f32 v50, v53  }
0x299: {  	v57 =	vld [tilespmem:s1+$0x1E890];
	[tilespmem:s1+$0x1E820] =	vst v2;
	v2 =	vmul.f32 v51, v53  }
0x29a: {  	v58 =	vbroadcast v1, $0xE;
	v59 =	vld [tilespmem:s1+$0x1E8A0];
	[tilespmem:s1+$0x1E830] =	vst v3;
	v3 =	vmul.f32 v52, v53  }
0x29b: {  	v60 =	vld [tilespmem:s1+$0x1E8B0];
	[tilespmem:s1+$0x1E840] =	vst v2;
	v2 =	vmul.f32 v54, v53  }
0x29c: {  	v61 =	vld [tilespmem:s1+$0x1E8C0];
	[tilespmem:s1+$0x1E850] =	vst v3;
	v3 =	vmul.f32 v55, v58  }
0x29d: {  	v62 =	vld [tilespmem:s1+$0x1E8D0];
	[tilespmem:s1+$0x1E860] =	vst v2;
	v2 =	vmul.f32 v56, v58  }
0x29e: {  	v1 =	vbroadcast v1, $0xF;
	v63 =	vld [tilespmem:s1+$0x1E8E0];
	[tilespmem:s1+$0x1E870] =	vst v3;
	v3 =	vmul.f32 v57, v58  }
0x29f: {  	[tilespmem:s1+$0x1E880] =	vst v2;
	v2 =	vmul.f32 v59, v58  }
0x2a0: {  	p1 =	por p0, p0;
	[tilespmem:s1+$0x1E890] =	vst v3;
	v3 =	vmul.f32 v60, v1  }
.Ltmp3:
0x2a1: {  	[tilespmem:s1+$0x1E8A0] =	vst v2;
	v2 =	vmul.f32 v61, v1;
	(pc) =	sbr.rel @p1 .LBB2_10-.Ltmp3, $4  }
0x2a2: {  	[tilespmem:s1+$0x1E8B0] =	vst v3;
	v3 =	vmul.f32 v62, v1  }
0x2a3: {  	[tilespmem:s1+$0x1E8C0] =	vst v2;
	v1 =	vmul.f32 v63, v1  }
0x2a4: {  	[tilespmem:s1+$0x1E8D0] =	vst v3  }
0x2a5: {  	p0 =	por $0x0, $0x0;
	[tilespmem:s1+$0x1E8E0] =	vst v1;
	s1 =	simm.s32 $0x2  }
0x2a6: {  	v1 =	vld [tilespmem:$0x1F530];
	_ =	sdelay $0x1  }
0x2a7: {  	v2 =	vld [tilespmem:$0x1F0F0]  }
0x2a8: {  	v3 =	vld [tilespmem:$0x1F100]  }
0x2a9: {  	v4 =	vld [tilespmem:$0x1F110]  }
0x2aa: {  	v6 =	vld [tilespmem:$0x1F120];
	v5 =	vbroadcast v1, $0x0  }
0x2ab: {  	v7 =	vld [tilespmem:$0x1F130]  }
0x2ac: {  	v8 =	vld [tilespmem:$0x1F140];
	v2 =	vmul.f32 v5, v2  }
0x2ad: {  	v9 =	vld [tilespmem:$0x1F150];
	v3 =	vmul.f32 v3, v5  }
0x2ae: {  	v10 =	vld [tilespmem:$0x1F160];
	v46 =	vbroadcast v1, $0x1;
	[tilespmem:$0x1F0F0] =	vst v2;
	v2 =	vmul.f32 v4, v5  }
0x2af: {  	v47 =	vld [tilespmem:$0x1F170];
	[tilespmem:$0x1F100] =	vst v3;
	v3 =	vmul.f32 v6, v5  }
0x2b0: {  	v48 =	vld [tilespmem:$0x1F180];
	[tilespmem:$0x1F110] =	vst v2;
	v2 =	vmul.f32 v7, v46  }
0x2b1: {  	v49 =	vld [tilespmem:$0x1F190];
	[tilespmem:$0x1F120] =	vst v3;
	v3 =	vmul.f32 v8, v46  }
0x2b2: {  	v51 =	vld [tilespmem:$0x1F1A0];
	v50 =	vbroadcast v1, $0x2;
	[tilespmem:$0x1F130] =	vst v2;
	v2 =	vmul.f32 v9, v46  }
0x2b3: {  	v52 =	vld [tilespmem:$0x1F1B0];
	[tilespmem:$0x1F140] =	vst v3;
	v3 =	vmul.f32 v10, v46  }
0x2b4: {  	v53 =	vld [tilespmem:$0x1F1C0];
	[tilespmem:$0x1F150] =	vst v2;
	v2 =	vmul.f32 v47, v50  }
0x2b5: {  	v54 =	vld [tilespmem:$0x1F1D0];
	[tilespmem:$0x1F160] =	vst v3;
	v3 =	vmul.f32 v48, v50  }
0x2b6: {  	v56 =	vld [tilespmem:$0x1F1E0];
	v55 =	vbroadcast v1, $0x3;
	[tilespmem:$0x1F170] =	vst v2;
	v2 =	vmul.f32 v49, v50  }
0x2b7: {  	v57 =	vld [tilespmem:$0x1F1F0];
	[tilespmem:$0x1F180] =	vst v3;
	v3 =	vmul.f32 v51, v50  }
0x2b8: {  	v58 =	vld [tilespmem:$0x1F200];
	[tilespmem:$0x1F190] =	vst v2;
	v2 =	vmul.f32 v52, v55  }
0x2b9: {  	v59 =	vld [tilespmem:$0x1F210];
	[tilespmem:$0x1F1A0] =	vst v3;
	v3 =	vmul.f32 v53, v55  }
0x2ba: {  	v61 =	vld [tilespmem:$0x1F220];
	v60 =	vbroadcast v1, $0x4;
	[tilespmem:$0x1F1B0] =	vst v2;
	v2 =	vmul.f32 v54, v55  }
0x2bb: {  	v62 =	vld [tilespmem:$0x1F230];
	[tilespmem:$0x1F1C0] =	vst v3;
	v3 =	vmul.f32 v56, v55  }
0x2bc: {  	v63 =	vld [tilespmem:$0x1F240];
	[tilespmem:$0x1F1D0] =	vst v2;
	v2 =	vmul.f32 v57, v60  }
0x2bd: {  	v12 =	vld [tilespmem:$0x1F250];
	[tilespmem:$0x1F1E0] =	vst v3;
	v3 =	vmul.f32 v58, v60  }
0x2be: {  	v14 =	vld [tilespmem:$0x1F260];
	v13 =	vbroadcast v1, $0x5;
	[tilespmem:$0x1F1F0] =	vst v2;
	v2 =	vmul.f32 v59, v60  }
0x2bf: {  	v15 =	vld [tilespmem:$0x1F270];
	[tilespmem:$0x1F200] =	vst v3;
	v3 =	vmul.f32 v61, v60  }
0x2c0: {  	v16 =	vld [tilespmem:$0x1F280];
	[tilespmem:$0x1F210] =	vst v2;
	v2 =	vmul.f32 v62, v13  }
0x2c1: {  	v17 =	vld [tilespmem:$0x1F290];
	[tilespmem:$0x1F220] =	vst v3;
	v3 =	vmul.f32 v63, v13  }
0x2c2: {  	v19 =	vld [tilespmem:$0x1F2A0];
	v18 =	vbroadcast v1, $0x6;
	[tilespmem:$0x1F230] =	vst v2;
	v2 =	vmul.f32 v12, v13  }
0x2c3: {  	v20 =	vld [tilespmem:$0x1F2B0];
	[tilespmem:$0x1F240] =	vst v3;
	v3 =	vmul.f32 v14, v13  }
0x2c4: {  	v21 =	vld [tilespmem:$0x1F2C0];
	[tilespmem:$0x1F250] =	vst v2;
	v2 =	vmul.f32 v15, v18  }
0x2c5: {  	v22 =	vld [tilespmem:$0x1F2D0];
	[tilespmem:$0x1F260] =	vst v3;
	v3 =	vmul.f32 v16, v18  }
0x2c6: {  	v24 =	vld [tilespmem:$0x1F2E0];
	v23 =	vbroadcast v1, $0x7;
	[tilespmem:$0x1F270] =	vst v2;
	v2 =	vmul.f32 v17, v18  }
0x2c7: {  	v25 =	vld [tilespmem:$0x1F2F0];
	[tilespmem:$0x1F280] =	vst v3;
	v3 =	vmul.f32 v19, v18  }
0x2c8: {  	v26 =	vld [tilespmem:$0x1F300];
	[tilespmem:$0x1F290] =	vst v2;
	v2 =	vmul.f32 v20, v23  }
0x2c9: {  	v27 =	vld [tilespmem:$0x1F310];
	[tilespmem:$0x1F2A0] =	vst v3;
	v3 =	vmul.f32 v21, v23  }
0x2ca: {  	v29 =	vld [tilespmem:$0x1F320];
	v28 =	vbroadcast v1, $0x8;
	[tilespmem:$0x1F2B0] =	vst v2;
	v2 =	vmul.f32 v22, v23  }
0x2cb: {  	v30 =	vld [tilespmem:$0x1F330];
	[tilespmem:$0x1F2C0] =	vst v3;
	v3 =	vmul.f32 v24, v23  }
0x2cc: {  	v31 =	vld [tilespmem:$0x1F340];
	[tilespmem:$0x1F2D0] =	vst v2;
	v2 =	vmul.f32 v25, v28  }
0x2cd: {  	v32 =	vld [tilespmem:$0x1F350];
	[tilespmem:$0x1F2E0] =	vst v3;
	v3 =	vmul.f32 v26, v28  }
0x2ce: {  	v34 =	vld [tilespmem:$0x1F360];
	v33 =	vbroadcast v1, $0x9;
	[tilespmem:$0x1F2F0] =	vst v2;
	v2 =	vmul.f32 v27, v28  }
0x2cf: {  	v35 =	vld [tilespmem:$0x1F370];
	[tilespmem:$0x1F300] =	vst v3;
	v3 =	vmul.f32 v29, v28  }
0x2d0: {  	v36 =	vld [tilespmem:$0x1F380];
	[tilespmem:$0x1F310] =	vst v2;
	v2 =	vmul.f32 v30, v33  }
0x2d1: {  	v37 =	vld [tilespmem:$0x1F390];
	[tilespmem:$0x1F320] =	vst v3;
	v3 =	vmul.f32 v31, v33  }
0x2d2: {  	v39 =	vld [tilespmem:$0x1F3A0];
	v38 =	vbroadcast v1, $0xA;
	[tilespmem:$0x1F330] =	vst v2;
	v2 =	vmul.f32 v32, v33  }
0x2d3: {  	v40 =	vld [tilespmem:$0x1F3B0];
	[tilespmem:$0x1F340] =	vst v3;
	v3 =	vmul.f32 v34, v33  }
0x2d4: {  	v41 =	vld [tilespmem:$0x1F3C0];
	[tilespmem:$0x1F350] =	vst v2;
	v2 =	vmul.f32 v35, v38  }
0x2d5: {  	v42 =	vld [tilespmem:$0x1F3D0];
	[tilespmem:$0x1F360] =	vst v3;
	v3 =	vmul.f32 v36, v38  }
0x2d6: {  	v44 =	vld [tilespmem:$0x1F3E0];
	v43 =	vbroadcast v1, $0xB;
	[tilespmem:$0x1F370] =	vst v2;
	v2 =	vmul.f32 v37, v38  }
0x2d7: {  	v45 =	vld [tilespmem:$0x1F3F0];
	[tilespmem:$0x1F380] =	vst v3;
	v3 =	vmul.f32 v39, v38  }
0x2d8: {  	v46 =	vld [tilespmem:$0x1F400];
	[tilespmem:$0x1F390] =	vst v2;
	v2 =	vmul.f32 v40, v43  }
0x2d9: {  	v47 =	vld [tilespmem:$0x1F410];
	[tilespmem:$0x1F3A0] =	vst v3;
	v3 =	vmul.f32 v41, v43  }
0x2da: {  	v48 =	vbroadcast v1, $0xC;
	v49 =	vld [tilespmem:$0x1F420];
	[tilespmem:$0x1F3B0] =	vst v2;
	v2 =	vmul.f32 v42, v43  }
0x2db: {  	v50 =	vld [tilespmem:$0x1F430];
	[tilespmem:$0x1F3C0] =	vst v3;
	v3 =	vmul.f32 v44, v43  }
0x2dc: {  	v51 =	vld [tilespmem:$0x1F440];
	[tilespmem:$0x1F3D0] =	vst v2;
	v2 =	vmul.f32 v45, v48  }
0x2dd: {  	v52 =	vld [tilespmem:$0x1F450];
	[tilespmem:$0x1F3E0] =	vst v3;
	v3 =	vmul.f32 v46, v48  }
0x2de: {  	v53 =	vbroadcast v1, $0xD;
	v54 =	vld [tilespmem:$0x1F460];
	[tilespmem:$0x1F3F0] =	vst v2;
	v2 =	vmul.f32 v47, v48  }
0x2df: {  	v55 =	vld [tilespmem:$0x1F470];
	[tilespmem:$0x1F400] =	vst v3;
	v3 =	vmul.f32 v49, v48  }
0x2e0: {  	v56 =	vld [tilespmem:$0x1F480];
	[tilespmem:$0x1F410] =	vst v2;
	v2 =	vmul.f32 v50, v53  }
0x2e1: {  	v57 =	vld [tilespmem:$0x1F490];
	[tilespmem:$0x1F420] =	vst v3;
	v3 =	vmul.f32 v51, v53  }
0x2e2: {  	v58 =	vbroadcast v1, $0xE;
	v59 =	vld [tilespmem:$0x1F4A0];
	[tilespmem:$0x1F430] =	vst v2;
	v2 =	vmul.f32 v52, v53  }
0x2e3: {  	v60 =	vld [tilespmem:$0x1F4B0];
	[tilespmem:$0x1F440] =	vst v3;
	v3 =	vmul.f32 v54, v53  }
0x2e4: {  	v61 =	vld [tilespmem:$0x1F4C0];
	[tilespmem:$0x1F450] =	vst v2;
	v2 =	vmul.f32 v55, v58  }
0x2e5: {  	v62 =	vld [tilespmem:$0x1F4D0];
	[tilespmem:$0x1F460] =	vst v3;
	v3 =	vmul.f32 v56, v58  }
0x2e6: {  	v1 =	vbroadcast v1, $0xF;
	v63 =	vld [tilespmem:$0x1F4E0];
	[tilespmem:$0x1F470] =	vst v2;
	v2 =	vmul.f32 v57, v58  }
0x2e7: {  	[tilespmem:$0x1F480] =	vst v3;
	v3 =	vmul.f32 v59, v58  }
0x2e8: {  	s30 =	sadd.s32 $0x1, s30;
	[tilespmem:$0x1F490] =	vst v2;
	v2 =	vmul.f32 v60, v1  }
0x2e9: {  	p0 =	sne.s32 s30, $0x19;
	[tilespmem:$0x1F4A0] =	vst v3;
	v3 =	vmul.f32 v61, v1  }
.Ltmp4:
0x2ea: {  	[tilespmem:$0x1F4B0] =	vst v2;
	v2 =	vmul.f32 v62, v1;
	(pc) =	sbr.rel @p0 .LBB2_7-.Ltmp4, $4  }
0x2eb: {  	[tilespmem:$0x1F4C0] =	vst v3;
	v1 =	vmul.f32 v63, v1  }
0x2ec: {  	[tilespmem:$0x1F4D0] =	vst v2  }
0x2ed: {  	[tilespmem:$0x1F4E0] =	vst v1  }
0x2ee: {  	[spmem:s2] =	stream.indirect.scatter.add.f32 [tilespmem:s21], [sflag:$0x4], $0x40, s0, s16, $0xb8;
	[tilespmem:$0x1FB80] =	vst v63  }
0x2ef: {  	s29 =	sadd.s32 $0x1, s29  }
0x2f0: {  	p0 =	sne.s32 s29, $0x5  }
.Ltmp5:
0x2f1: {  	_ = 	snop;
	(pc) =	sbr.rel @p0 .LBB2_6-.Ltmp5, $4  }
0x2f2: {  	_ = 	snop  }
0x2f3: {  	_ =	swait.ge [sflag:s24], $0x1400  }
0x2f4: {  	[sflag:s24] =	ssyncset.done $0x0  }
0x2f5: {  	[sflag:s24] =	ssyncadd.s32 $0xFFFFEC00  }
0x2f6: {  	[bflag:$0x0] =	sbarrier.arrive $0xFFFF  }
0x2f7: {  	s0 =	sshrl.u32 s4, $0x3;
	s1 =	rddreg [dreg:$0x1f]  }
0x2f8: {  	[hbm:s1], [sflag:s28] =	dma.local [spmem:s0], $0x1388  }
0x2f9: {  	_ =	swait.ge [sflag:s11], $0x1388  }
0x2fa: {  	s30 =	sld [smem:$0x7FB]  }
0x2fb: {  	[sflag:s11] =	ssyncset.done $0x0  }
0x2fc: {  	s29 =	simm.s32 $0x0;
	[sflag:s11] =	ssyncadd.s32 $0xFFFFEC78  }
0x2fd: {  	[hbm4b:s30+s29] =	stream.linear.scatter [tilespmem:s18], [sflag:$0x5], $0x2710, $0x38;
	[tilespmem:$0x1FB80] =	vst v63  }
0x2fe: {  	_ =	swait.ge [sflag:s11], $0x2710  }
0x2ff: {  	s31 =	sld [smem:$0x7FC];
	_ =	sdelay $0x1  }
0x300: {  	s25 =	sadd.s32 $0x1, s25  }
0x301: {  	p0 =	sne.s32 s25, s31  }
.Ltmp6:
0x302: {  	_ = 	snop;
	(pc) =	sbr.rel @p0 .LBB2_1-.Ltmp6, $3  }
0x303: {  	_ =	sdelay $0x1  }
0x304: {  	[sflag:s11] =	ssyncset.done $0x0  }
0x305: {  	[sflag:s11] =	ssyncadd.s32 $0xFFFFD8F0  }
0x306: {  	_ =	sfence.sel $0x180000  }
0x307: {  	[bflag:$0x0] =	sbarrier.arrive $0xFFFF  }
0x308: {  	_ =	strace $0x90000047  }
0x309: {  	s0 =	stileid.u32;
	[bflag:$0x2] =	sbarrier.arrive $0xFFFF  }
0x30a: {  	p0 =	sne.s32 s0, $0x0;
	s0 =	rddreg [dreg:$0x3]  }
0x30b: {  	s0 =	sadd.s32 @!p0 $0x100000, s0  }
0x30c: {  	[sflag:s0] =	ssyncadd.tile.s32 @!p0 $0x1;
	_ =	shalt  }
.Lfunc_end2:
_tile_overlayer_lowered:
.L_overlay_start_2:
0x30d: {  	(tag) =	ssettag $0x2  }
0x30e: {  	s0 =	rddreg [dreg:$0x0];
	s2 =	stileid.u32  }
0x30f: {  	s1 =	rddreg [dreg:$0x1];
	p0 =	sne.s32 s2, $0x0  }
0x310: {  	s3 =	rddreg [dreg:$0x2];
	[bflag:$0x3] =	sbarrier.arrive $0xFFFF;
	s2 =	simm.s32 @!p0 $0x1C05  }
0x311: {  	[timem:s3], [sflag:s2] =	dma.local @!p0 [hbm:s0], s1  }
0x312: {  	s0 =	simm.s32 @!p0 $0x5  }
0x313: {  	_ =	swait.ge @!p0 [sflag:s0], s1  }
0x314: {  	s1 =	ssub.s32 @!p0 $0x0, s1;
	[sflag:s0] =	ssyncset.done @!p0 $0x0  }
0x315: {  	[sflag:s0] =	ssyncadd.s32 @!p0 s1  }
0x316: {  	[bflag:$0x3] =	sbarrier.arrive $0xFFFF  }
0x317: {  	_ =	shalt  }

</sc_bundles>
